<compile_context>
chip_gen: v7x
topology: tpu7x:2x2x1
jax: 0.10.2.dev20260603
libtpu: 0.0.44.dev20260713+nightly
codegen_flags: <defaults>
</compile_context>

<pallas_src>
import functools

import jax
import jax.numpy as jnp
from jax import lax
from jax.experimental import pallas as pl
from jax.experimental.pallas import tpu as pltpu
from jax.experimental.pallas import tpu_sc as plsc

N = 10000
NE = 8000
NSUB = 2000
D = 128
E = 320000
NNET = 2

NCORE = 2
NSC = 16
NW = NCORE * NSC

KB = 128
EP = 327680
ROWS = EP // KB
RPW = ROWS // NW
RPW1 = ROWS // NSC

HIST = 10240
ZCH = HIST // NSC
SUBP = 2048
UNIP = 8192

_MESH = plsc.VectorSubcoreMesh(core_axis_name="c", subcore_axis_name="s")


def _deg_body(u2s_r, s2u_r, zeros_in, ones_in, deg1, deg2,
              dbuf, ones_v, hist1, hist2, sg):
    c = lax.axis_index("c")
    s = lax.axis_index("s")
    wid = c * NSC + s
    pltpu.sync_copy(ones_in, ones_v)
    pltpu.sync_copy(zeros_in, hist1.at[pl.ds(s * ZCH, ZCH)])
    pltpu.sync_copy(zeros_in, hist2.at[pl.ds(s * ZCH, ZCH)])
    plsc.subcore_barrier()
    r0 = wid * RPW
    pltpu.sync_copy(u2s_r.at[1, pl.ds(r0, RPW), :], dbuf)

    def ch1(i, carry):
        pltpu.async_copy(ones_v, hist1.at[dbuf.at[i]], sg, add=True)
        return carry

    lax.fori_loop(0, RPW, ch1, 0)
    pltpu.make_async_copy(u2s_r.at[1, pl.ds(r0, RPW), :], dbuf, sg).wait()
    pltpu.sync_copy(s2u_r.at[1, pl.ds(r0, RPW), :], dbuf)

    def ch2(i, carry):
        pltpu.async_copy(ones_v, hist2.at[dbuf.at[i]], sg, add=True)
        return carry

    lax.fori_loop(0, RPW, ch2, 0)
    pltpu.make_async_copy(s2u_r.at[1, pl.ds(r0, RPW), :], dbuf, sg).wait()
    plsc.subcore_barrier()
    pltpu.sync_copy(hist1.at[pl.ds(s * ZCH, ZCH)],
                    deg1.at[pl.ds(c * HIST + s * ZCH, ZCH)])
    pltpu.sync_copy(hist2.at[pl.ds(s * ZCH, ZCH)],
                    deg2.at[pl.ds(c * HIST + s * ZCH, ZCH)])


_deg_call = functools.partial(
    pl.kernel,
    out_type=(jax.ShapeDtypeStruct((NCORE * HIST,), jnp.float32),
              jax.ShapeDtypeStruct((NCORE * HIST,), jnp.float32)),
    mesh=_MESH,
    scratch_types=[
        pltpu.VMEM((RPW, KB), jnp.int32),
        pltpu.VMEM((KB,), jnp.float32),
        pltpu.VMEM_SHARED((HIST,), jnp.float32),
        pltpu.VMEM_SHARED((HIST,), jnp.float32),
        pltpu.SemaphoreType.DMA,
    ],
)(_deg_body)


def _prep_body(deg1_ref, deg2_ref, x_ref, y1_ref, y2_ref, dis1_ref, dis2_ref):
    deg1 = deg1_ref[...]
    deg2 = deg2_ref[...]
    dis1 = lax.rsqrt(deg1[:HIST] + deg1[HIST:] + 1.0)
    dis2 = lax.rsqrt(deg2[:HIST] + deg2[HIST:] + 1.0)
    dis1_ref[...] = dis1
    dis2_ref[...] = dis2
    x = x_ref[...]
    y1_ref[...] = dis1[:N].reshape(N, 1) * x
    y2_ref[...] = dis2[:N].reshape(N, 1) * x


_prep_call = pl.pallas_call(
    _prep_body,
    out_shape=(jax.ShapeDtypeStruct((N, D), jnp.float32),
               jax.ShapeDtypeStruct((N, D), jnp.float32),
               jax.ShapeDtypeStruct((HIST,), jnp.float32),
               jax.ShapeDtypeStruct((HIST,), jnp.float32)),
)


def _make_scatter(accrows, passes):
    per = accrows // NSC
    tail = per % 128

    def body(y, edges_r, zrow_in, acc_out, sbuf, dbuf, dloc, csf, cdf,
             rb0, rb1, acc, sg0, sg1):
        c = lax.axis_index("c")
        s = lax.axis_index("s")
        wid = c * NSC + s
        r0 = wid * RPW
        lanes = jnp.arange(16, dtype=jnp.int32)
        pltpu.sync_copy(edges_r.at[0, pl.ds(r0, RPW), :], sbuf)
        pltpu.sync_copy(edges_r.at[1, pl.ds(r0, RPW), :], dbuf)

        for h, (in_lo, in_n, dump_base, dump_mask) in enumerate(passes):
            for k in range(per // 128):
                pltpu.sync_copy(zrow_in,
                                acc.at[pl.ds(s * per + k * 128, 128), :])
            if tail:
                pltpu.sync_copy(
                    zrow_in.at[pl.ds(0, tail), :],
                    acc.at[pl.ds(s * per + (per // 128) * 128, tail), :])
            plsc.subcore_barrier()

            def comp(i, ofs):
                def compj(j, ofs2):
                    sv = sbuf[i, pl.ds(j * 16, 16)]
                    d = dbuf[i, pl.ds(j * 16, 16)]
                    m = jnp.logical_and(d >= in_lo, d < in_lo + in_n)
                    plsc.store_compressed(csf.at[pl.ds(ofs2, 16)], sv, mask=m)
                    plsc.store_compressed(cdf.at[pl.ds(ofs2, 16)], d - in_lo,
                                          mask=m)
                    return ofs2 + jnp.max(plsc.all_reduce_population_count(m))

                return lax.fori_loop(0, KB // 16, compj, ofs)

            n = lax.fori_loop(0, RPW, comp, jnp.int32(0))
            full = lanes < 16
            for t in range(KB // 16):
                plsc.store_compressed(csf.at[pl.ds(n + t * 16, 16)],
                                      lanes, mask=full)
                plsc.store_compressed(
                    cdf.at[pl.ds(n + t * 16, 16)],
                    dump_base + ((lanes + t * 16) & dump_mask), mask=full)
            nch = (n + KB - 1) // KB

            def rep(k, carry):
                def repj(j, carry2):
                    dloc[k, pl.ds(j * 16, 16)] = cdf[
                        pl.ds(k * KB + j * 16, 16)]
                    return carry2

                return lax.fori_loop(0, KB // 16, repj, carry)

            lax.fori_loop(0, nch, rep, 0)

            @pl.when(nch > 0)
            def _():
                pltpu.async_copy(y.at[csf.at[pl.ds(0, KB)]], rb0, sg0)

            def ch(kk, carry):
                k0 = 2 * kk
                k1 = 2 * kk + 1
                pltpu.make_async_copy(y.at[csf.at[pl.ds(k0 * KB, KB)]],
                                      rb0, sg0).wait()

                @pl.when(k1 < nch)
                def _():
                    pltpu.async_copy(y.at[csf.at[pl.ds(k1 * KB, KB)]],
                                     rb1, sg1)

                pltpu.sync_copy(rb0, acc.at[dloc.at[k0]], add=True)

                @pl.when(k1 < nch)
                def _():
                    pltpu.make_async_copy(y.at[csf.at[pl.ds(k1 * KB, KB)]],
                                          rb1, sg1).wait()

                    @pl.when(k1 + 1 < nch)
                    def _():
                        pltpu.async_copy(
                            y.at[csf.at[pl.ds((k1 + 1) * KB, KB)]], rb0, sg0)

                    pltpu.sync_copy(rb1, acc.at[dloc.at[k1]], add=True)

                return carry

            lax.fori_loop(0, (nch + 1) // 2, ch, 0)
            plsc.subcore_barrier()
            for k in range(per // 128):
                o = s * per + k * 128
                pltpu.sync_copy(acc.at[pl.ds(o, 128), :],
                                acc_out.at[c, h, pl.ds(o, 128), :])
            if tail:
                o = s * per + (per // 128) * 128
                pltpu.sync_copy(acc.at[pl.ds(o, tail), :],
                                acc_out.at[c, h, pl.ds(o, tail), :])

    return functools.partial(
        pl.kernel,
        out_type=jax.ShapeDtypeStruct((NCORE, len(passes), accrows, D),
                                      jnp.float32),
        mesh=_MESH,
        scratch_types=[
            pltpu.VMEM((RPW, KB), jnp.int32),
            pltpu.VMEM((RPW, KB), jnp.int32),
            pltpu.VMEM((RPW, KB), jnp.int32),
            pltpu.VMEM((RPW * KB + KB,), jnp.int32),
            pltpu.VMEM((RPW * KB + KB,), jnp.int32),
            pltpu.VMEM((KB, D), jnp.float32),
            pltpu.VMEM((KB, D), jnp.float32),
            pltpu.VMEM_SHARED((accrows, D), jnp.float32),
            pltpu.SemaphoreType.DMA,
            pltpu.SemaphoreType.DMA,
        ],
        compiler_params=pltpu.CompilerParams(needs_layout_passes=False),
    )(body)


UNIH = NE // 2
UNIPC = 4224
_scatter_sub_call = _make_scatter(SUBP, [(NE, NSUB, NSUB, 31)])
_scatter_uni_call = _make_scatter(
    UNIPC, [(0, UNIH, UNIH, 127), (UNIH, UNIH, UNIH, 127)])


def _dense_body(accS_ref, accU_ref, x_ref, dis1_ref, dis2_ref,
                Ws0_ref, bs0_ref, Wu0_ref, bu0_ref, Ws1_ref,
                t0_ref, t1_ref):
    accS = accS_ref[...]
    accU = accU_ref[...]
    x = x_ref[...]
    dis1 = dis1_ref[...]
    dis2 = dis2_ref[...]
    sumS = accS[0, 0, :NSUB] + accS[1, 0, :NSUB]
    sumU = jnp.concatenate(
        [accU[0, 0, :UNIH] + accU[1, 0, :UNIH],
         accU[0, 1, :UNIH] + accU[1, 1, :UNIH]], axis=0)
    dS = dis1[NE:N].reshape(NSUB, 1)
    aggS = dS * sumS + (dS * dS) * x[NE:]
    dU = dis2[:NE].reshape(NE, 1)
    aggU = dU * sumU + (dU * dU) * x[:NE]
    d1 = dis1[:N]
    t_refs = (t0_ref, t1_ref)
    for i in range(NNET):
        S = jnp.dot(aggS, Ws0_ref[i].T, preferred_element_type=jnp.float32) + bs0_ref[i]
        U = jnp.dot(aggU, Wu0_ref[i].T, preferred_element_type=jnp.float32) + bu0_ref[i]
        f = jnp.concatenate([U, S], axis=0)
        f = 1.0 / (1.0 + jnp.exp(-f))
        z = jnp.dot(f, Ws1_ref[i].reshape(D, 1), preferred_element_type=jnp.float32)
        t = z[:, 0] * d1
        t_refs[i][...] = jnp.concatenate([t, jnp.zeros((HIST - N,), jnp.float32)])


_dense_call = pl.pallas_call(
    _dense_body,
    out_shape=(jax.ShapeDtypeStruct((HIST,), jnp.float32),
               jax.ShapeDtypeStruct((HIST,), jnp.float32)),
)


def _lay1_body(u2s_r, t0_h, t1_h, dis1_h, b1t, z128_in, o0, o1,
               sbuf, dbuf, dloc, csf, cdf, val0, val1, t0v, t1v,
               a0, a1, dv, ob0, ob1, bv, acc0, acc1):
    c = lax.axis_index("c")
    s = lax.axis_index("s")

    @pl.when(c == 0)
    def _():
        pltpu.sync_copy(z128_in, acc0.at[pl.ds(s * 128, 128)])
        pltpu.sync_copy(z128_in, acc1.at[pl.ds(s * 128, 128)])
        pltpu.sync_copy(t0_h, t0v)
        pltpu.sync_copy(t1_h, t1v)
        plsc.subcore_barrier()
        lanes = jnp.arange(16, dtype=jnp.int32)

        def comp_half(h, ofs_init):
            r0 = s * RPW1 + h * (RPW1 // 2)
            pltpu.sync_copy(u2s_r.at[0, pl.ds(r0, RPW1 // 2), :], sbuf)
            pltpu.sync_copy(u2s_r.at[1, pl.ds(r0, RPW1 // 2), :], dbuf)

            def comp(i, ofs):
                def compj(j, ofs2):
                    sv = sbuf[i, pl.ds(j * 16, 16)]
                    d = dbuf[i, pl.ds(j * 16, 16)]
                    m = jnp.logical_and(d >= NE, d < N)
                    plsc.store_compressed(csf.at[pl.ds(ofs2, 16)], sv, mask=m)
                    plsc.store_compressed(cdf.at[pl.ds(ofs2, 16)], d - NE,
                                          mask=m)
                    return ofs2 + jnp.max(plsc.all_reduce_population_count(m))

                return lax.fori_loop(0, KB // 16, compj, ofs)

            return lax.fori_loop(0, RPW1 // 2, comp, ofs_init)

        n = comp_half(0, jnp.int32(0))
        n = comp_half(1, n)
        full = lanes < 16
        for t in range(KB // 16):
            plsc.store_compressed(csf.at[pl.ds(n + t * 16, 16)],
                                  lanes, mask=full)
            plsc.store_compressed(cdf.at[pl.ds(n + t * 16, 16)],
                                  NSUB + ((lanes + t * 16) & 31), mask=full)
        nch = (n + KB - 1) // KB

        def rep(k, carry):
            def repj(j, carry2):
                dloc[k, pl.ds(j * 16, 16)] = cdf[pl.ds(k * KB + j * 16, 16)]
                return carry2

            return lax.fori_loop(0, KB // 16, repj, carry)

        lax.fori_loop(0, nch, rep, 0)

        def ch(k, carry):
            def gat(j, carry2):
                sv = csf[pl.ds(k * KB + j * 16, 16)]
                val0[pl.ds(j * 16, 16)] = plsc.load_gather(t0v, [sv])
                val1[pl.ds(j * 16, 16)] = plsc.load_gather(t1v, [sv])
                return carry2

            lax.fori_loop(0, KB // 16, gat, 0)
            pltpu.sync_copy(val0, acc0.at[dloc.at[k]], add=True)
            pltpu.sync_copy(val1, acc1.at[dloc.at[k]], add=True)
            return carry

        lax.fori_loop(0, nch, ch, 0)
        plsc.subcore_barrier()
        pltpu.sync_copy(acc0.at[pl.ds(s * 128, 128)], a0)
        pltpu.sync_copy(acc1.at[pl.ds(s * 128, 128)], a1)
        pltpu.sync_copy(dis1_h.at[pl.ds(NE + s * 128, 128)], dv)
        pltpu.sync_copy(b1t, bv)

        def fin(j, carry):
            dd = dv[pl.ds(j * 16, 16)]
            tt0 = t0v[pl.ds(NE + s * 128 + j * 16, 16)]
            tt1 = t1v[pl.ds(NE + s * 128 + j * 16, 16)]
            u0 = bv[pl.ds(0, 16)] + dd * (tt0 + a0[pl.ds(j * 16, 16)])
            u1 = bv[pl.ds(16, 16)] + dd * (tt1 + a1[pl.ds(j * 16, 16)])
            ob0[pl.ds(j * 16, 16)] = 1.0 / (1.0 + jnp.exp(-u0))
            ob1[pl.ds(j * 16, 16)] = 1.0 / (1.0 + jnp.exp(-u1))
            return carry

        lax.fori_loop(0, 8, fin, 0)
        pltpu.sync_copy(ob0, o0.at[pl.ds(s * 128, 128)])
        pltpu.sync_copy(ob1, o1.at[pl.ds(s * 128, 128)])


_lay1_call = functools.partial(
    pl.kernel,
    out_type=(jax.ShapeDtypeStruct((SUBP,), jnp.float32),
              jax.ShapeDtypeStruct((SUBP,), jnp.float32)),
    mesh=_MESH,
    scratch_types=[
        pltpu.VMEM((RPW1 // 2, KB), jnp.int32),
        pltpu.VMEM((RPW1 // 2, KB), jnp.int32),
        pltpu.VMEM((RPW1, KB), jnp.int32),
        pltpu.VMEM((RPW1 * KB + KB,), jnp.int32),
        pltpu.VMEM((RPW1 * KB + KB,), jnp.int32),
        pltpu.VMEM((KB,), jnp.float32),
        pltpu.VMEM((KB,), jnp.float32),
        pltpu.VMEM((HIST,), jnp.float32),
        pltpu.VMEM((HIST,), jnp.float32),
        pltpu.VMEM((128,), jnp.float32),
        pltpu.VMEM((128,), jnp.float32),
        pltpu.VMEM((128,), jnp.float32),
        pltpu.VMEM((128,), jnp.float32),
        pltpu.VMEM((128,), jnp.float32),
        pltpu.VMEM((2 * 16,), jnp.float32),
        pltpu.VMEM_SHARED((SUBP,), jnp.float32),
        pltpu.VMEM_SHARED((SUBP,), jnp.float32),
    ],
    compiler_params=pltpu.CompilerParams(needs_layout_passes=False),
)(_lay1_body)


def kernel(features, uni_to_sub, sub_to_uni, num_elements, num_subsets,
           W_sub0, b_sub0, W_uni0, b_uni0, W_sub1, b_sub1, W_uni1, b_uni1):
    del num_elements, num_subsets, W_uni1, b_uni1
    npad = EP - E
    pad_src = (jnp.arange(npad, dtype=jnp.int32) * 97) % N
    pad_dst = N + (jnp.arange(npad, dtype=jnp.int32) % (HIST - N))
    pad = jnp.stack([pad_src, pad_dst], axis=0)
    u2s_r = jnp.concatenate([uni_to_sub, pad], axis=1).reshape(2, ROWS, KB)
    s2u_r = jnp.concatenate([sub_to_uni, pad], axis=1).reshape(2, ROWS, KB)
    zeros_z = jnp.zeros((ZCH,), jnp.float32)
    ones_k = jnp.ones((KB,), jnp.float32)
    zrow = jnp.zeros((128, D), jnp.float32)
    z128 = jnp.zeros((128,), jnp.float32)
    b1t = jnp.repeat(b_sub1.reshape(NNET), 16)

    deg1, deg2 = _deg_call(u2s_r, s2u_r, zeros_z, ones_k)
    y1, y2, dis1, dis2 = _prep_call(deg1, deg2, features)
    accS = _scatter_sub_call(y1, u2s_r, zrow)
    accU = _scatter_uni_call(y2, s2u_r, zrow)
    t0, t1 = _dense_call(accS, accU, features, dis1, dis2,
                         W_sub0, b_sub0, W_uni0, b_uni0, W_sub1)
    o0, o1 = _lay1_call(u2s_r, t0, t1, dis1, b1t, z128)
    return jnp.stack([o0[:NSUB], o1[:NSUB]], axis=1)

# --- scband reference (transcript-rebuilt; emitter-appended) ---
"""Pipeline reference for scband-multi-ranking-network-24008867184949 (READ-ONLY COPY).

The authoritative reference and input builder live on the scoring server;
editing this copy changes nothing except your own understanding.
"""

import jax, jax.numpy as jnp
import numpy as np

NUM_NODES = 10000
NUM_ELEMENTS = 8000
NUM_SUBSETS = 2000
D = 128
E = 320000
N_NET = 2


def setup_inputs(seed: int = 0) -> dict:
    key = jax.random.key(seed)
    ks = jax.random.split(key, 16)
    scale = 1.0 / np.sqrt(D)
    inp = {
        "features": jax.random.normal(ks[0], (NUM_NODES, D), dtype=jnp.float32),
        "uni_to_sub": jax.random.randint(ks[1], (2, E), 0, NUM_NODES, dtype=jnp.int32),
        "sub_to_uni": jax.random.randint(ks[2], (2, E), 0, NUM_NODES, dtype=jnp.int32),
        "num_elements": NUM_ELEMENTS,
        "num_subsets": NUM_SUBSETS,
        # GCN layer 0 (out = D) and layer 1 (out = 1), for subset/universe branches,
        # stacked across the N_NET independent BipartiteNetworks.
        "W_sub0": jax.random.normal(ks[3], (N_NET, D, D), dtype=jnp.float32) * scale,
        "b_sub0": jnp.zeros((N_NET, D), dtype=jnp.float32),
        "W_uni0": jax.random.normal(ks[4], (N_NET, D, D), dtype=jnp.float32) * scale,
        "b_uni0": jnp.zeros((N_NET, D), dtype=jnp.float32),
        "W_sub1": jax.random.normal(ks[5], (N_NET, 1, D), dtype=jnp.float32) * scale,
        "b_sub1": jnp.zeros((N_NET, 1), dtype=jnp.float32),
        "W_uni1": jax.random.normal(ks[6], (N_NET, 1, D), dtype=jnp.float32) * scale,
        "b_uni1": jnp.zeros((N_NET, 1), dtype=jnp.float32),
    }
    return inp


def _gcn_conv(x, src, dst, W, b, n):
    # PyG GCNConv with normalize=True, add_self_loops=True, bias
    h = x @ W.T
    loop = jnp.arange(n, dtype=src.dtype)
    s = jnp.concatenate([src, loop])
    d = jnp.concatenate([dst, loop])
    deg = jnp.zeros((n,), dtype=x.dtype).at[d].add(1.0)
    dis = jnp.where(deg > 0, jax.lax.rsqrt(jnp.where(deg > 0, deg, 1.0)), 0.0)
    norm = dis[s] * dis[d]
    out = jnp.zeros((n, h.shape[1]), dtype=x.dtype).at[d].add(h[s] * norm[:, None])
    return out + b


def _bipartite(features, u2s, s2u, ne,
               Ws0, bs0, Wu0, bu0, Ws1, bs1, Wu1, bu1):
    n = features.shape[0]
    n_sub = n - NUM_ELEMENTS
    # layer 0 (out = D)
    sub = jax.lax.dynamic_slice_in_dim(
        _gcn_conv(features, u2s[0], u2s[1], Ws0, bs0, n), ne, n_sub, axis=0)
    uni = jax.lax.dynamic_slice_in_dim(
        _gcn_conv(features, s2u[0], s2u[1], Wu0, bu0, n), 0, NUM_ELEMENTS, axis=0)
    feats = jax.nn.sigmoid(jnp.concatenate([uni, sub], axis=0))
    # layer 1 (out = 1)
    sub = jax.lax.dynamic_slice_in_dim(
        _gcn_conv(feats, u2s[0], u2s[1], Ws1, bs1, n), ne, n_sub, axis=0)
    uni = jax.lax.dynamic_slice_in_dim(
        _gcn_conv(feats, s2u[0], s2u[1], Wu1, bu1, n), 0, NUM_ELEMENTS, axis=0)
    feats = jax.nn.sigmoid(jnp.concatenate([uni, sub], axis=0))
    return jax.lax.dynamic_slice_in_dim(feats, ne, n_sub, axis=0)  # [num_subsets, 1]


def reference(features, uni_to_sub, sub_to_uni, num_elements, num_subsets,
              W_sub0, b_sub0, W_uni0, b_uni0, W_sub1, b_sub1, W_uni1, b_uni1):
    cols = []
    for i in range(N_NET):
        out = _bipartite(features, uni_to_sub, sub_to_uni, num_elements,
                         W_sub0[i], b_sub0[i], W_uni0[i], b_uni0[i],
                         W_sub1[i], b_sub1[i], W_uni1[i], b_uni1[i])
        cols.append(out.reshape(-1))
    return jnp.stack(cols, axis=1)  # [num_subsets, N_NET]

if __name__ == "__main__":
    import jax
    _d = setup_inputs()
    print(jax.jit(kernel)(*tuple(_d.values())))

</pallas_src>

<mosaic_0001>
#map = affine_map<(d0, d1) -> (0, 0)>
#map1 = affine_map<(d0, d1) -> (0, 0, 0)>
#map2 = affine_map<(d0, d1) -> (0, 0, 0, 0)>
module attributes {stable_mosaic.version = 14 : i64} {
  func.func @body(%arg0: i32, %arg1: i32, %arg2: memref<10000x128xf32, #tpu.memory_space<hbm>>, %arg3: memref<2x2560x128xi32, #tpu.memory_space<hbm>>, %arg4: memref<128x128xf32, #tpu.memory_space<hbm>>, %arg5: memref<2x1x2048x128xf32, #tpu.memory_space<hbm>>, %arg6: memref<80x128xi32, #tpu.memory_space<vmem>>, %arg7: memref<80x128xi32, #tpu.memory_space<vmem>>, %arg8: memref<80x128xi32, #tpu.memory_space<vmem>>, %arg9: memref<10368xi32, #tpu.memory_space<vmem>>, %arg10: memref<10368xi32, #tpu.memory_space<vmem>>, %arg11: memref<128x128xf32, #tpu.memory_space<vmem>>, %arg12: memref<128x128xf32, #tpu.memory_space<vmem>>, %arg13: memref<2048x128xf32, #tpu.memory_space<vmem_shared>>, %arg14: memref<!tpu.dma_semaphore, #tpu.memory_space<semaphore_mem>>, %arg15: memref<!tpu.dma_semaphore, #tpu.memory_space<semaphore_mem>>) attributes {dimension_semantics = [#tpu.dimension_semantics<core_parallel>, #tpu.dimension_semantics<subcore_parallel>], iteration_bounds = array<i64: 2, 16>, scalar_prefetch = 0 : i64, scratch_operands = 10 : i64, tpu.core_type = #tpu.core_type<sc_vector_subcore>, window_params = [{transform_indices = #map}, {transform_indices = #map1}, {transform_indices = #map}, {transform_indices = #map2}]} {
    %mul3A = arith.constant 16 : i32
    %mul3A_0 = arith.muli %arg0, %mul3A : i32
    %add3A = arith.addi %mul3A_0, %arg1 : i32
    %mul3A_1 = arith.constant 80 : i32
    %mul3A_2 = arith.muli %add3A, %mul3A_1 : i32
    %iota3A = tpu.iota {dimensions = array<i32: 0>} : vector<16xi32>
    %run_scoped3A = arith.constant 0 : i32
    "tpu.region"() ({
      %run_scoped3A_224 = tpu.sem_alloc : memref<!tpu.dma_semaphore, #tpu.memory_space<semaphore_mem>>
      %dma_start3A = arith.constant 0 : i32
      %dma_start3A_225 = tpu.memref_slice %arg3[%run_scoped3A, %mul3A_2, %dma_start3A] : memref<2x2560x128xi32, #tpu.memory_space<hbm>> -> memref<1x80x128xi32, #tpu.memory_space<hbm>>
      %dma_start3A_226 = tpu.memref_squeeze %dma_start3A_225 : memref<1x80x128xi32, #tpu.memory_space<hbm>> -> memref<80x128xi32, #tpu.memory_space<hbm>>
      %dma_start3A_227 = arith.constant 0 : i32
      %dma_start3A_228 = tpu.memref_slice %arg3[%run_scoped3A, %mul3A_2, %dma_start3A_227] : memref<2x2560x128xi32, #tpu.memory_space<hbm>> -> memref<1x80x128xi32, #tpu.memory_space<hbm>>
      %dma_start3A_229 = tpu.memref_squeeze %dma_start3A_228 : memref<1x80x128xi32, #tpu.memory_space<hbm>> -> memref<80x128xi32, #tpu.memory_space<hbm>>
      tpu.enqueue_dma source(%dma_start3A_229 : memref<80x128xi32, #tpu.memory_space<hbm>>) target(%arg6 : memref<80x128xi32, #tpu.memory_space<vmem>>) target_semaphore(%run_scoped3A_224 : memref<!tpu.dma_semaphore, #tpu.memory_space<semaphore_mem>>)
      %dma_wait3A = arith.constant 0 : i32
      %dma_wait3A_230 = tpu.memref_slice %arg3[%run_scoped3A, %mul3A_2, %dma_wait3A] : memref<2x2560x128xi32, #tpu.memory_space<hbm>> -> memref<1x80x128xi32, #tpu.memory_space<hbm>>
      %dma_wait3A_231 = tpu.memref_squeeze %dma_wait3A_230 : memref<1x80x128xi32, #tpu.memory_space<hbm>> -> memref<80x128xi32, #tpu.memory_space<hbm>>
      %dma_wait3A_232 = arith.constant 0 : i32
      %dma_wait3A_233 = tpu.memref_slice %arg3[%run_scoped3A, %mul3A_2, %dma_wait3A_232] : memref<2x2560x128xi32, #tpu.memory_space<hbm>> -> memref<1x80x128xi32, #tpu.memory_space<hbm>>
      %dma_wait3A_234 = tpu.memref_squeeze %dma_wait3A_233 : memref<1x80x128xi32, #tpu.memory_space<hbm>> -> memref<80x128xi32, #tpu.memory_space<hbm>>
      tpu.wait_dma2 semaphore(%run_scoped3A_224 : memref<!tpu.dma_semaphore, #tpu.memory_space<semaphore_mem>>) src(%dma_wait3A_234 : memref<80x128xi32, #tpu.memory_space<hbm>>) dst(%arg6 : memref<80x128xi32, #tpu.memory_space<vmem>>)
      tpu.yield
    }) : () -> ()
    %run_scoped3A_3 = arith.constant 1 : i32
    "tpu.region"() ({
      %run_scoped3A_224 = tpu.sem_alloc : memref<!tpu.dma_semaphore, #tpu.memory_space<semaphore_mem>>
      %dma_start3A = arith.constant 0 : i32
      %dma_start3A_225 = tpu.memref_slice %arg3[%run_scoped3A_3, %mul3A_2, %dma_start3A] : memref<2x2560x128xi32, #tpu.memory_space<hbm>> -> memref<1x80x128xi32, #tpu.memory_space<hbm>>
      %dma_start3A_226 = tpu.memref_squeeze %dma_start3A_225 : memref<1x80x128xi32, #tpu.memory_space<hbm>> -> memref<80x128xi32, #tpu.memory_space<hbm>>
      %dma_start3A_227 = arith.constant 0 : i32
      %dma_start3A_228 = tpu.memref_slice %arg3[%run_scoped3A_3, %mul3A_2, %dma_start3A_227] : memref<2x2560x128xi32, #tpu.memory_space<hbm>> -> memref<1x80x128xi32, #tpu.memory_space<hbm>>
      %dma_start3A_229 = tpu.memref_squeeze %dma_start3A_228 : memref<1x80x128xi32, #tpu.memory_space<hbm>> -> memref<80x128xi32, #tpu.memory_space<hbm>>
      tpu.enqueue_dma source(%dma_start3A_229 : memref<80x128xi32, #tpu.memory_space<hbm>>) target(%arg7 : memref<80x128xi32, #tpu.memory_space<vmem>>) target_semaphore(%run_scoped3A_224 : memref<!tpu.dma_semaphore, #tpu.memory_space<semaphore_mem>>)
      %dma_wait3A = arith.constant 0 : i32
      %dma_wait3A_230 = tpu.memref_slice %arg3[%run_scoped3A_3, %mul3A_2, %dma_wait3A] : memref<2x2560x128xi32, #tpu.memory_space<hbm>> -> memref<1x80x128xi32, #tpu.memory_space<hbm>>
      %dma_wait3A_231 = tpu.memref_squeeze %dma_wait3A_230 : memref<1x80x128xi32, #tpu.memory_space<hbm>> -> memref<80x128xi32, #tpu.memory_space<hbm>>
      %dma_wait3A_232 = arith.constant 0 : i32
      %dma_wait3A_233 = tpu.memref_slice %arg3[%run_scoped3A_3, %mul3A_2, %dma_wait3A_232] : memref<2x2560x128xi32, #tpu.memory_space<hbm>> -> memref<1x80x128xi32, #tpu.memory_space<hbm>>
      %dma_wait3A_234 = tpu.memref_squeeze %dma_wait3A_233 : memref<1x80x128xi32, #tpu.memory_space<hbm>> -> memref<80x128xi32, #tpu.memory_space<hbm>>
      tpu.wait_dma2 semaphore(%run_scoped3A_224 : memref<!tpu.dma_semaphore, #tpu.memory_space<semaphore_mem>>) src(%dma_wait3A_234 : memref<80x128xi32, #tpu.memory_space<hbm>>) dst(%arg7 : memref<80x128xi32, #tpu.memory_space<vmem>>)
      tpu.yield
    }) : () -> ()
    %mul3A_4 = arith.constant 128 : i32
    %mul3A_5 = arith.muli %arg1, %mul3A_4 : i32
    %add3A_6 = arith.constant 0 : i32
    %add3A_7 = arith.addi %mul3A_5, %add3A_6 : i32
    "tpu.region"() ({
      %run_scoped3A_224 = tpu.sem_alloc : memref<!tpu.dma_semaphore, #tpu.memory_space<semaphore_mem>>
      %dma_start3A = arith.constant 0 : i32
      %dma_start3A_225 = tpu.memref_slice %arg13[%add3A_7, %dma_start3A] : memref<2048x128xf32, #tpu.memory_space<vmem_shared>> -> memref<128x128xf32, #tpu.memory_space<vmem_shared>>
      tpu.enqueue_dma source(%arg4 : memref<128x128xf32, #tpu.memory_space<hbm>>) target(%dma_start3A_225 : memref<128x128xf32, #tpu.memory_space<vmem_shared>>) target_semaphore(%run_scoped3A_224 : memref<!tpu.dma_semaphore, #tpu.memory_space<semaphore_mem>>)
      %dma_wait3A = arith.constant 0 : i32
      %dma_wait3A_226 = tpu.memref_slice %arg13[%add3A_7, %dma_wait3A] : memref<2048x128xf32, #tpu.memory_space<vmem_shared>> -> memref<128x128xf32, #tpu.memory_space<vmem_shared>>
      tpu.wait_dma2 semaphore(%run_scoped3A_224 : memref<!tpu.dma_semaphore, #tpu.memory_space<semaphore_mem>>) src(%arg4 : memref<128x128xf32, #tpu.memory_space<hbm>>) dst(%dma_wait3A_226 : memref<128x128xf32, #tpu.memory_space<vmem_shared>>)
      tpu.yield
    }) : () -> ()
    %barrier3A = arith.constant 0 : index
    tpu.barrier barrier_id(%barrier3A)
    %scan3A = arith.constant 0 : i32
    %scan3A_8 = arith.constant 0 : i32
    %scan3A_9 = arith.constant 80 : i32
    %scan3A_10 = arith.addi %scan3A_8, %scan3A_9 : i32
    %scan3A_11 = arith.constant 1 : i32
    %scan3A_12 = scf.for %scan3A_224 = %scan3A_8 to %scan3A_10 step %scan3A_11 iter_args(%scan3A_225 = %scan3A) -> (i32)  : i32 {
      %scan3A_226 = arith.constant 0 : i32
      %scan3A_227 = arith.constant 8 : i32
      %scan3A_228 = arith.addi %scan3A_226, %scan3A_227 : i32
      %scan3A_229 = arith.constant 1 : i32
      %scan3A_230 = scf.for %scan3A_232 = %scan3A_226 to %scan3A_228 step %scan3A_229 iter_args(%scan3A_233 = %scan3A_225) -> (i32)  : i32 {
        %mul3A_234 = arith.constant 16 : i32
        %mul3A_235 = arith.muli %scan3A_232, %mul3A_234 : i32
        %get3A = arith.index_cast %scan3A_224 : i32 to index
        %get3A_236 = arith.index_cast %mul3A_235 : i32 to index
        %get3A_237 = tpu.vector_load %arg6[%get3A, %get3A_236] {strides = array<i32>} : memref<80x128xi32, #tpu.memory_space<vmem>>, vector<16xi32>,
        %mul3A_238 = arith.constant 16 : i32
        %mul3A_239 = arith.muli %scan3A_232, %mul3A_238 : i32
        %get3A_240 = arith.index_cast %scan3A_224 : i32 to index
        %get3A_241 = arith.index_cast %mul3A_239 : i32 to index
        %get3A_242 = tpu.vector_load %arg7[%get3A_240, %get3A_241] {strides = array<i32>} : memref<80x128xi32, #tpu.memory_space<vmem>>, vector<16xi32>,
        %ge3A = arith.constant 8000 : i32
        %ge3A_243 = vector.broadcast %ge3A : i32 to vector<16xi32>
        %ge3A_244 = arith.cmpi sge, %get3A_242, %ge3A_243 : vector<16xi32>
        %lt3A_245 = arith.constant 10000 : i32
        %lt3A_246 = vector.broadcast %lt3A_245 : i32 to vector<16xi32>
        %lt3A_247 = arith.cmpi slt, %get3A_242, %lt3A_246 : vector<16xi32>
        %and3A_248 = arith.andi %ge3A_244, %lt3A_247 : vector<16xi1>
        %swap3A_249 = arith.index_cast %scan3A_233 : i32 to index
        %swap3A_250 = tpu.vector_load %arg9[%swap3A_249] masked %and3A_248 {strides = array<i32>} : memref<10368xi32, #tpu.memory_space<vmem>>, vector<16xi32>, vector<16xi1>
        tpu.vector_store %arg9[%swap3A_249], %get3A_237 masked %and3A_248 {strides = array<i32>} : memref<10368xi32, #tpu.memory_space<vmem>>, vector<16xi32>, vector<16xi1>
        %sub3A_251 = arith.constant 8000 : i32
        %sub3A_252 = vector.broadcast %sub3A_251 : i32 to vector<16xi32>
        %sub3A_253 = arith.subi %get3A_242, %sub3A_252 : vector<16xi32>
        %swap3A_254 = arith.index_cast %scan3A_233 : i32 to index
        %swap3A_255 = tpu.vector_load %arg10[%swap3A_254] masked %and3A_248 {strides = array<i32>} : memref<10368xi32, #tpu.memory_space<vmem>>, vector<16xi32>, vector<16xi1>
        tpu.vector_store %arg10[%swap3A_254], %sub3A_253 masked %and3A_248 {strides = array<i32>} : memref<10368xi32, #tpu.memory_space<vmem>>, vector<16xi32>, vector<16xi1>
        %all_reduce_population_count3A = tpu.all_reduce %and3A_248 {dim = 0 : i64, kind = #tpu.reduction_kind<sum>} : vector<16xi1> -> vector<16xi32>
        %reduce_max3A = arith.constant true
        %reduce_max3A_256 = vector.broadcast %reduce_max3A : i1 to vector<16xi1>
        %reduce_max3A_257 = arith.constant -2147483648 : i32
        %reduce_max3A_258 = vector.broadcast %reduce_max3A_257 : i32 to vector<16xi32>
        %reduce_max3A_259 = arith.xori %all_reduce_population_count3A, %reduce_max3A_258 : vector<16xi32>
        %reduce_max3A_260 = tpu.scan <max>, %reduce_max3A_259 masked %reduce_max3A_256 : vector<16xi32>, vector<16xi1> -> vector<16xi32>
        %reduce_max3A_261 = arith.xori %reduce_max3A_260, %reduce_max3A_258 : vector<16xi32>
        %reduce_max3A_262 = vector.extract %reduce_max3A_261[15] : i32 from vector<16xi32>
        %add3A_263 = arith.addi %scan3A_233, %reduce_max3A_262 : i32
        scf.yield %add3A_263 : i32
      }
      %scan3A_231 = arith.constant 8 : i32
      scf.yield %scan3A_230 : i32
    }
    %scan3A_13 = arith.constant 80 : i32
    %lt3A = arith.constant 16 : i32
    %lt3A_14 = vector.broadcast %lt3A : i32 to vector<16xi32>
    %lt3A_15 = arith.cmpi slt, %iota3A, %lt3A_14 : vector<16xi32>
    %add3A_16 = arith.constant 0 : i32
    %add3A_17 = arith.addi %scan3A_12, %add3A_16 : i32
    %swap3A = arith.index_cast %add3A_17 : i32 to index
    %swap3A_18 = tpu.vector_load %arg9[%swap3A] masked %lt3A_15 {strides = array<i32>} : memref<10368xi32, #tpu.memory_space<vmem>>, vector<16xi32>, vector<16xi1>
    tpu.vector_store %arg9[%swap3A], %iota3A masked %lt3A_15 {strides = array<i32>} : memref<10368xi32, #tpu.memory_space<vmem>>, vector<16xi32>, vector<16xi1>
    %add3A_19 = arith.constant 0 : i32
    %add3A_20 = arith.addi %scan3A_12, %add3A_19 : i32
    %add3A_21 = arith.constant 0 : i32
    %add3A_22 = vector.broadcast %add3A_21 : i32 to vector<16xi32>
    %add3A_23 = arith.addi %iota3A, %add3A_22 : vector<16xi32>
    %and3A = arith.constant 31 : i32
    %and3A_24 = vector.broadcast %and3A : i32 to vector<16xi32>
    %and3A_25 = arith.andi %add3A_23, %and3A_24 : vector<16xi32>
    %add3A_26 = arith.constant 2000 : i32
    %add3A_27 = vector.broadcast %add3A_26 : i32 to vector<16xi32>
    %add3A_28 = arith.addi %add3A_27, %and3A_25 : vector<16xi32>
    %swap3A_29 = arith.index_cast %add3A_20 : i32 to index
    %swap3A_30 = tpu.vector_load %arg10[%swap3A_29] masked %lt3A_15 {strides = array<i32>} : memref<10368xi32, #tpu.memory_space<vmem>>, vector<16xi32>, vector<16xi1>
    tpu.vector_store %arg10[%swap3A_29], %add3A_28 masked %lt3A_15 {strides = array<i32>} : memref<10368xi32, #tpu.memory_space<vmem>>, vector<16xi32>, vector<16xi1>
    %add3A_31 = arith.constant 16 : i32
    %add3A_32 = arith.addi %scan3A_12, %add3A_31 : i32
    %swap3A_33 = arith.index_cast %add3A_32 : i32 to index
    %swap3A_34 = tpu.vector_load %arg9[%swap3A_33] masked %lt3A_15 {strides = array<i32>} : memref<10368xi32, #tpu.memory_space<vmem>>, vector<16xi32>, vector<16xi1>
    tpu.vector_store %arg9[%swap3A_33], %iota3A masked %lt3A_15 {strides = array<i32>} : memref<10368xi32, #tpu.memory_space<vmem>>, vector<16xi32>, vector<16xi1>
    %add3A_35 = arith.constant 16 : i32
    %add3A_36 = arith.addi %scan3A_12, %add3A_35 : i32
    %add3A_37 = arith.constant 16 : i32
    %add3A_38 = vector.broadcast %add3A_37 : i32 to vector<16xi32>
    %add3A_39 = arith.addi %iota3A, %add3A_38 : vector<16xi32>
    %and3A_40 = arith.constant 31 : i32
    %and3A_41 = vector.broadcast %and3A_40 : i32 to vector<16xi32>
    %and3A_42 = arith.andi %add3A_39, %and3A_41 : vector<16xi32>
    %add3A_43 = arith.constant 2000 : i32
    %add3A_44 = vector.broadcast %add3A_43 : i32 to vector<16xi32>
    %add3A_45 = arith.addi %add3A_44, %and3A_42 : vector<16xi32>
    %swap3A_46 = arith.index_cast %add3A_36 : i32 to index
    %swap3A_47 = tpu.vector_load %arg10[%swap3A_46] masked %lt3A_15 {strides = array<i32>} : memref<10368xi32, #tpu.memory_space<vmem>>, vector<16xi32>, vector<16xi1>
    tpu.vector_store %arg10[%swap3A_46], %add3A_45 masked %lt3A_15 {strides = array<i32>} : memref<10368xi32, #tpu.memory_space<vmem>>, vector<16xi32>, vector<16xi1>
    %add3A_48 = arith.constant 32 : i32
    %add3A_49 = arith.addi %scan3A_12, %add3A_48 : i32
    %swap3A_50 = arith.index_cast %add3A_49 : i32 to index
    %swap3A_51 = tpu.vector_load %arg9[%swap3A_50] masked %lt3A_15 {strides = array<i32>} : memref<10368xi32, #tpu.memory_space<vmem>>, vector<16xi32>, vector<16xi1>
    tpu.vector_store %arg9[%swap3A_50], %iota3A masked %lt3A_15 {strides = array<i32>} : memref<10368xi32, #tpu.memory_space<vmem>>, vector<16xi32>, vector<16xi1>
    %add3A_52 = arith.constant 32 : i32
    %add3A_53 = arith.addi %scan3A_12, %add3A_52 : i32
    %add3A_54 = arith.constant 32 : i32
    %add3A_55 = vector.broadcast %add3A_54 : i32 to vector<16xi32>
    %add3A_56 = arith.addi %iota3A, %add3A_55 : vector<16xi32>
    %and3A_57 = arith.constant 31 : i32
    %and3A_58 = vector.broadcast %and3A_57 : i32 to vector<16xi32>
    %and3A_59 = arith.andi %add3A_56, %and3A_58 : vector<16xi32>
    %add3A_60 = arith.constant 2000 : i32
    %add3A_61 = vector.broadcast %add3A_60 : i32 to vector<16xi32>
    %add3A_62 = arith.addi %add3A_61, %and3A_59 : vector<16xi32>
    %swap3A_63 = arith.index_cast %add3A_53 : i32 to index
    %swap3A_64 = tpu.vector_load %arg10[%swap3A_63] masked %lt3A_15 {strides = array<i32>} : memref<10368xi32, #tpu.memory_space<vmem>>, vector<16xi32>, vector<16xi1>
    tpu.vector_store %arg10[%swap3A_63], %add3A_62 masked %lt3A_15 {strides = array<i32>} : memref<10368xi32, #tpu.memory_space<vmem>>, vector<16xi32>, vector<16xi1>
    %add3A_65 = arith.constant 48 : i32
    %add3A_66 = arith.addi %scan3A_12, %add3A_65 : i32
    %swap3A_67 = arith.index_cast %add3A_66 : i32 to index
    %swap3A_68 = tpu.vector_load %arg9[%swap3A_67] masked %lt3A_15 {strides = array<i32>} : memref<10368xi32, #tpu.memory_space<vmem>>, vector<16xi32>, vector<16xi1>
    tpu.vector_store %arg9[%swap3A_67], %iota3A masked %lt3A_15 {strides = array<i32>} : memref<10368xi32, #tpu.memory_space<vmem>>, vector<16xi32>, vector<16xi1>
    %add3A_69 = arith.constant 48 : i32
    %add3A_70 = arith.addi %scan3A_12, %add3A_69 : i32
    %add3A_71 = arith.constant 48 : i32
    %add3A_72 = vector.broadcast %add3A_71 : i32 to vector<16xi32>
    %add3A_73 = arith.addi %iota3A, %add3A_72 : vector<16xi32>
    %and3A_74 = arith.constant 31 : i32
    %and3A_75 = vector.broadcast %and3A_74 : i32 to vector<16xi32>
    %and3A_76 = arith.andi %add3A_73, %and3A_75 : vector<16xi32>
    %add3A_77 = arith.constant 2000 : i32
    %add3A_78 = vector.broadcast %add3A_77 : i32 to vector<16xi32>
    %add3A_79 = arith.addi %add3A_78, %and3A_76 : vector<16xi32>
    %swap3A_80 = arith.index_cast %add3A_70 : i32 to index
    %swap3A_81 = tpu.vector_load %arg10[%swap3A_80] masked %lt3A_15 {strides = array<i32>} : memref<10368xi32, #tpu.memory_space<vmem>>, vector<16xi32>, vector<16xi1>
    tpu.vector_store %arg10[%swap3A_80], %add3A_79 masked %lt3A_15 {strides = array<i32>} : memref<10368xi32, #tpu.memory_space<vmem>>, vector<16xi32>, vector<16xi1>
    %add3A_82 = arith.constant 64 : i32
    %add3A_83 = arith.addi %scan3A_12, %add3A_82 : i32
    %swap3A_84 = arith.index_cast %add3A_83 : i32 to index
    %swap3A_85 = tpu.vector_load %arg9[%swap3A_84] masked %lt3A_15 {strides = array<i32>} : memref<10368xi32, #tpu.memory_space<vmem>>, vector<16xi32>, vector<16xi1>
    tpu.vector_store %arg9[%swap3A_84], %iota3A masked %lt3A_15 {strides = array<i32>} : memref<10368xi32, #tpu.memory_space<vmem>>, vector<16xi32>, vector<16xi1>
    %add3A_86 = arith.constant 64 : i32
    %add3A_87 = arith.addi %scan3A_12, %add3A_86 : i32
    %add3A_88 = arith.constant 64 : i32
    %add3A_89 = vector.broadcast %add3A_88 : i32 to vector<16xi32>
    %add3A_90 = arith.addi %iota3A, %add3A_89 : vector<16xi32>
    %and3A_91 = arith.constant 31 : i32
    %and3A_92 = vector.broadcast %and3A_91 : i32 to vector<16xi32>
    %and3A_93 = arith.andi %add3A_90, %and3A_92 : vector<16xi32>
    %add3A_94 = arith.constant 2000 : i32
    %add3A_95 = vector.broadcast %add3A_94 : i32 to vector<16xi32>
    %add3A_96 = arith.addi %add3A_95, %and3A_93 : vector<16xi32>
    %swap3A_97 = arith.index_cast %add3A_87 : i32 to index
    %swap3A_98 = tpu.vector_load %arg10[%swap3A_97] masked %lt3A_15 {strides = array<i32>} : memref<10368xi32, #tpu.memory_space<vmem>>, vector<16xi32>, vector<16xi1>
    tpu.vector_store %arg10[%swap3A_97], %add3A_96 masked %lt3A_15 {strides = array<i32>} : memref<10368xi32, #tpu.memory_space<vmem>>, vector<16xi32>, vector<16xi1>
    %add3A_99 = arith.constant 80 : i32
    %add3A_100 = arith.addi %scan3A_12, %add3A_99 : i32
    %swap3A_101 = arith.index_cast %add3A_100 : i32 to index
    %swap3A_102 = tpu.vector_load %arg9[%swap3A_101] masked %lt3A_15 {strides = array<i32>} : memref<10368xi32, #tpu.memory_space<vmem>>, vector<16xi32>, vector<16xi1>
    tpu.vector_store %arg9[%swap3A_101], %iota3A masked %lt3A_15 {strides = array<i32>} : memref<10368xi32, #tpu.memory_space<vmem>>, vector<16xi32>, vector<16xi1>
    %add3A_103 = arith.constant 80 : i32
    %add3A_104 = arith.addi %scan3A_12, %add3A_103 : i32
    %add3A_105 = arith.constant 80 : i32
    %add3A_106 = vector.broadcast %add3A_105 : i32 to vector<16xi32>
    %add3A_107 = arith.addi %iota3A, %add3A_106 : vector<16xi32>
    %and3A_108 = arith.constant 31 : i32
    %and3A_109 = vector.broadcast %and3A_108 : i32 to vector<16xi32>
    %and3A_110 = arith.andi %add3A_107, %and3A_109 : vector<16xi32>
    %add3A_111 = arith.constant 2000 : i32
    %add3A_112 = vector.broadcast %add3A_111 : i32 to vector<16xi32>
    %add3A_113 = arith.addi %add3A_112, %and3A_110 : vector<16xi32>
    %swap3A_114 = arith.index_cast %add3A_104 : i32 to index
    %swap3A_115 = tpu.vector_load %arg10[%swap3A_114] masked %lt3A_15 {strides = array<i32>} : memref<10368xi32, #tpu.memory_space<vmem>>, vector<16xi32>, vector<16xi1>
    tpu.vector_store %arg10[%swap3A_114], %add3A_113 masked %lt3A_15 {strides = array<i32>} : memref<10368xi32, #tpu.memory_space<vmem>>, vector<16xi32>, vector<16xi1>
    %add3A_116 = arith.constant 96 : i32
    %add3A_117 = arith.addi %scan3A_12, %add3A_116 : i32
    %swap3A_118 = arith.index_cast %add3A_117 : i32 to index
    %swap3A_119 = tpu.vector_load %arg9[%swap3A_118] masked %lt3A_15 {strides = array<i32>} : memref<10368xi32, #tpu.memory_space<vmem>>, vector<16xi32>, vector<16xi1>
    tpu.vector_store %arg9[%swap3A_118], %iota3A masked %lt3A_15 {strides = array<i32>} : memref<10368xi32, #tpu.memory_space<vmem>>, vector<16xi32>, vector<16xi1>
    %add3A_120 = arith.constant 96 : i32
    %add3A_121 = arith.addi %scan3A_12, %add3A_120 : i32
    %add3A_122 = arith.constant 96 : i32
    %add3A_123 = vector.broadcast %add3A_122 : i32 to vector<16xi32>
    %add3A_124 = arith.addi %iota3A, %add3A_123 : vector<16xi32>
    %and3A_125 = arith.constant 31 : i32
    %and3A_126 = vector.broadcast %and3A_125 : i32 to vector<16xi32>
    %and3A_127 = arith.andi %add3A_124, %and3A_126 : vector<16xi32>
    %add3A_128 = arith.constant 2000 : i32
    %add3A_129 = vector.broadcast %add3A_128 : i32 to vector<16xi32>
    %add3A_130 = arith.addi %add3A_129, %and3A_127 : vector<16xi32>
    %swap3A_131 = arith.index_cast %add3A_121 : i32 to index
    %swap3A_132 = tpu.vector_load %arg10[%swap3A_131] masked %lt3A_15 {strides = array<i32>} : memref<10368xi32, #tpu.memory_space<vmem>>, vector<16xi32>, vector<16xi1>
    tpu.vector_store %arg10[%swap3A_131], %add3A_130 masked %lt3A_15 {strides = array<i32>} : memref<10368xi32, #tpu.memory_space<vmem>>, vector<16xi32>, vector<16xi1>
    %add3A_133 = arith.constant 112 : i32
    %add3A_134 = arith.addi %scan3A_12, %add3A_133 : i32
    %swap3A_135 = arith.index_cast %add3A_134 : i32 to index
    %swap3A_136 = tpu.vector_load %arg9[%swap3A_135] masked %lt3A_15 {strides = array<i32>} : memref<10368xi32, #tpu.memory_space<vmem>>, vector<16xi32>, vector<16xi1>
    tpu.vector_store %arg9[%swap3A_135], %iota3A masked %lt3A_15 {strides = array<i32>} : memref<10368xi32, #tpu.memory_space<vmem>>, vector<16xi32>, vector<16xi1>
    %add3A_137 = arith.constant 112 : i32
    %add3A_138 = arith.addi %scan3A_12, %add3A_137 : i32
    %add3A_139 = arith.constant 112 : i32
    %add3A_140 = vector.broadcast %add3A_139 : i32 to vector<16xi32>
    %add3A_141 = arith.addi %iota3A, %add3A_140 : vector<16xi32>
    %and3A_142 = arith.constant 31 : i32
    %and3A_143 = vector.broadcast %and3A_142 : i32 to vector<16xi32>
    %and3A_144 = arith.andi %add3A_141, %and3A_143 : vector<16xi32>
    %add3A_145 = arith.constant 2000 : i32
    %add3A_146 = vector.broadcast %add3A_145 : i32 to vector<16xi32>
    %add3A_147 = arith.addi %add3A_146, %and3A_144 : vector<16xi32>
    %swap3A_148 = arith.index_cast %add3A_138 : i32 to index
    %swap3A_149 = tpu.vector_load %arg10[%swap3A_148] masked %lt3A_15 {strides = array<i32>} : memref<10368xi32, #tpu.memory_space<vmem>>, vector<16xi32>, vector<16xi1>
    tpu.vector_store %arg10[%swap3A_148], %add3A_147 masked %lt3A_15 {strides = array<i32>} : memref<10368xi32, #tpu.memory_space<vmem>>, vector<16xi32>, vector<16xi1>
    %add3A_150 = arith.constant 128 : i32
    %add3A_151 = arith.addi %scan3A_12, %add3A_150 : i32
    %sub3A = arith.constant 1 : i32
    %sub3A_152 = arith.subi %add3A_151, %sub3A : i32
    %jit3A = arith.constant 128 : i32
    %div3A = arith.divsi %sub3A_152, %jit3A : i32
    %sign3A = arith.constant 0 : i32
    %sign3A_153 = arith.cmpi sgt, %sub3A_152, %sign3A : i32
    %sign3A_154 = arith.extui %sign3A_153 : i1 to i32
    %sign3A_155 = arith.constant 0 : i32
    %sign3A_156 = arith.cmpi slt, %sub3A_152, %sign3A_155 : i32
    %sign3A_157 = arith.extui %sign3A_156 : i1 to i32
    %sign3A_158 = arith.subi %sign3A_154, %sign3A_157 : i32
    %sign3A_159 = arith.constant 0 : i32
    %sign3A_160 = arith.cmpi sgt, %jit3A, %sign3A_159 : i32
    %sign3A_161 = arith.extui %sign3A_160 : i1 to i32
    %sign3A_162 = arith.constant 0 : i32
    %sign3A_163 = arith.cmpi slt, %jit3A, %sign3A_162 : i32
    %sign3A_164 = arith.extui %sign3A_163 : i1 to i32
    %sign3A_165 = arith.subi %sign3A_161, %sign3A_164 : i32
    %ne3A = arith.cmpi ne, %sign3A_158, %sign3A_165 : i32
    %rem3A = arith.remsi %sub3A_152, %jit3A : i32
    %ne3A_166 = arith.constant 0 : i32
    %ne3A_167 = arith.cmpi ne, %rem3A, %ne3A_166 : i32
    %and3A_168 = arith.andi %ne3A, %ne3A_167 : i1
    %sub3A_169 = arith.constant 1 : i32
    %sub3A_170 = arith.subi %div3A, %sub3A_169 : i32
    %select_n3A = arith.select %and3A_168, %sub3A_170, %div3A : i32
    %while3A = arith.constant 0 : i32
    %while3A_171 = arith.constant 0 : i32
    %while3A_172 = arith.subi %select_n3A, %while3A_171 : i32
    %while3A_173 = arith.addi %while3A_171, %while3A_172 : i32
    %while3A_174 = arith.constant 1 : i32
    %while3A_175 = arith.divsi %while3A_172, %while3A_174 : i32
    %while3A_176 = arith.muli %while3A_175, %while3A_174 : i32
    %while3A_177 = arith.addi %while3A_171, %while3A_176 : i32
    %while3A_178 = arith.constant 1 : i32
    scf.for %while3A_224 = %while3A_171 to %while3A_177 step %while3A_178  : i32 {
      %scan3A_225 = arith.constant 0 : i32
      %scan3A_226 = arith.constant 8 : i32
      %scan3A_227 = arith.addi %scan3A_225, %scan3A_226 : i32
      %scan3A_228 = arith.constant 1 : i32
      scf.for %scan3A_230 = %scan3A_225 to %scan3A_227 step %scan3A_228  : i32 {
        %mul3A_231 = arith.constant 128 : i32
        %mul3A_232 = arith.muli %while3A_224, %mul3A_231 : i32
        %mul3A_233 = arith.constant 16 : i32
        %mul3A_234 = arith.muli %scan3A_230, %mul3A_233 : i32
        %add3A_235 = arith.addi %mul3A_232, %mul3A_234 : i32
        %get3A = arith.index_cast %add3A_235 : i32 to index
        %get3A_236 = tpu.vector_load %arg10[%get3A] {strides = array<i32>} : memref<10368xi32, #tpu.memory_space<vmem>>, vector<16xi32>,
        %mul3A_237 = arith.constant 16 : i32
        %mul3A_238 = arith.muli %scan3A_230, %mul3A_237 : i32
        %swap3A_239 = arith.index_cast %while3A_224 : i32 to index
        %swap3A_240 = arith.index_cast %mul3A_238 : i32 to index
        %swap3A_241 = tpu.vector_load %arg8[%swap3A_239, %swap3A_240] {strides = array<i32>} : memref<80x128xi32, #tpu.memory_space<vmem>>, vector<16xi32>,
        tpu.vector_store %arg8[%swap3A_239, %swap3A_240], %get3A_236 {strides = array<i32>} : memref<80x128xi32, #tpu.memory_space<vmem>>, vector<16xi32>,
      }
      %scan3A_229 = arith.constant 8 : i32
    }
    %while3A_179 = arith.constant 1 : i32
    scf.for %while3A_224 = %while3A_177 to %while3A_173 step %while3A_179  : i32 {
      %scan3A_225 = arith.constant 0 : i32
      %scan3A_226 = arith.constant 8 : i32
      %scan3A_227 = arith.addi %scan3A_225, %scan3A_226 : i32
      %scan3A_228 = arith.constant 1 : i32
      scf.for %scan3A_230 = %scan3A_225 to %scan3A_227 step %scan3A_228  : i32 {
        %mul3A_231 = arith.constant 128 : i32
        %mul3A_232 = arith.muli %while3A_224, %mul3A_231 : i32
        %mul3A_233 = arith.constant 16 : i32
        %mul3A_234 = arith.muli %scan3A_230, %mul3A_233 : i32
        %add3A_235 = arith.addi %mul3A_232, %mul3A_234 : i32
        %get3A = arith.index_cast %add3A_235 : i32 to index
        %get3A_236 = tpu.vector_load %arg10[%get3A] {strides = array<i32>} : memref<10368xi32, #tpu.memory_space<vmem>>, vector<16xi32>,
        %mul3A_237 = arith.constant 16 : i32
        %mul3A_238 = arith.muli %scan3A_230, %mul3A_237 : i32
        %swap3A_239 = arith.index_cast %while3A_224 : i32 to index
        %swap3A_240 = arith.index_cast %mul3A_238 : i32 to index
        %swap3A_241 = tpu.vector_load %arg8[%swap3A_239, %swap3A_240] {strides = array<i32>} : memref<80x128xi32, #tpu.memory_space<vmem>>, vector<16xi32>,
        tpu.vector_store %arg8[%swap3A_239, %swap3A_240], %get3A_236 {strides = array<i32>} : memref<80x128xi32, #tpu.memory_space<vmem>>, vector<16xi32>,
      }
      %scan3A_229 = arith.constant 8 : i32
    }
    %gt3A = arith.constant 0 : i32
    %gt3A_180 = arith.cmpi sgt, %select_n3A, %gt3A : i32
    %convert_element_type3A = arith.extui %gt3A_180 : i1 to i32
    %cond3A = arith.constant 0 : i32
    %cond3A_181 = arith.cmpi ne, %convert_element_type3A, %cond3A : i32
    scf.if %cond3A_181 {
      %dma_start3A = arith.constant 0 : i32
      %dma_start3A_224 = tpu.memref_slice %arg9[%dma_start3A] : memref<10368xi32, #tpu.memory_space<vmem>> -> memref<128xi32, #tpu.memory_space<vmem>>
      %dma_start3A_225 = arith.constant 0 : i32
      %dma_start3A_226 = arith.constant 0 : i32
      %dma_start3A_227 = tpu.memref_slice %arg2[%dma_start3A_225, %dma_start3A_226] : memref<10000x128xf32, #tpu.memory_space<hbm>> -> memref<10000x128xf32, #tpu.memory_space<hbm>>
      tpu.enqueue_indirect_dma source(%dma_start3A_227 : memref<10000x128xf32, #tpu.memory_space<hbm>>) target(%arg11 : memref<128x128xf32, #tpu.memory_space<vmem>>) offsets(%dma_start3A_224 : memref<128xi32, #tpu.memory_space<vmem>>) semaphore(%arg14 : memref<!tpu.dma_semaphore, #tpu.memory_space<semaphore_mem>>)
    } else {
    }
    %add3A_182 = arith.constant 1 : i32
    %add3A_183 = arith.addi %select_n3A, %add3A_182 : i32
    %jit3A_184 = arith.constant 2 : i32
    %div3A_185 = arith.divsi %add3A_183, %jit3A_184 : i32
    %sign3A_186 = arith.constant 0 : i32
    %sign3A_187 = arith.cmpi sgt, %add3A_183, %sign3A_186 : i32
    %sign3A_188 = arith.extui %sign3A_187 : i1 to i32
    %sign3A_189 = arith.constant 0 : i32
    %sign3A_190 = arith.cmpi slt, %add3A_183, %sign3A_189 : i32
    %sign3A_191 = arith.extui %sign3A_190 : i1 to i32
    %sign3A_192 = arith.subi %sign3A_188, %sign3A_191 : i32
    %sign3A_193 = arith.constant 0 : i32
    %sign3A_194 = arith.cmpi sgt, %jit3A_184, %sign3A_193 : i32
    %sign3A_195 = arith.extui %sign3A_194 : i1 to i32
    %sign3A_196 = arith.constant 0 : i32
    %sign3A_197 = arith.cmpi slt, %jit3A_184, %sign3A_196 : i32
    %sign3A_198 = arith.extui %sign3A_197 : i1 to i32
    %sign3A_199 = arith.subi %sign3A_195, %sign3A_198 : i32
    %ne3A_200 = arith.cmpi ne, %sign3A_192, %sign3A_199 : i32
    %rem3A_201 = arith.remsi %add3A_183, %jit3A_184 : i32
    %ne3A_202 = arith.constant 0 : i32
    %ne3A_203 = arith.cmpi ne, %rem3A_201, %ne3A_202 : i32
    %and3A_204 = arith.andi %ne3A_200, %ne3A_203 : i1
    %sub3A_205 = arith.constant 1 : i32
    %sub3A_206 = arith.subi %div3A_185, %sub3A_205 : i32
    %select_n3A_207 = arith.select %and3A_204, %sub3A_206, %div3A_185 : i32
    %while3A_208 = arith.constant 0 : i32
    %while3A_209 = arith.constant 0 : i32
    %while3A_210 = arith.subi %select_n3A_207, %while3A_209 : i32
    %while3A_211 = arith.addi %while3A_209, %while3A_210 : i32
    %while3A_212 = arith.constant 1 : i32
    %while3A_213 = arith.divsi %while3A_210, %while3A_212 : i32
    %while3A_214 = arith.muli %while3A_213, %while3A_212 : i32
    %while3A_215 = arith.addi %while3A_209, %while3A_214 : i32
    %while3A_216 = arith.constant 1 : i32
    scf.for %while3A_224 = %while3A_209 to %while3A_215 step %while3A_216  : i32 {
      %mul3A_225 = arith.constant 2 : i32
      %mul3A_226 = arith.muli %mul3A_225, %while3A_224 : i32
      %mul3A_227 = arith.constant 2 : i32
      %mul3A_228 = arith.muli %mul3A_227, %while3A_224 : i32
      %add3A_229 = arith.constant 1 : i32
      %add3A_230 = arith.addi %mul3A_228, %add3A_229 : i32
      %mul3A_231 = arith.constant 128 : i32
      %mul3A_232 = arith.muli %mul3A_226, %mul3A_231 : i32
      %dma_wait3A = tpu.memref_slice %arg9[%mul3A_232] : memref<10368xi32, #tpu.memory_space<vmem>> -> memref<128xi32, #tpu.memory_space<vmem>>
      %dma_wait3A_233 = arith.constant 0 : i32
      %dma_wait3A_234 = arith.constant 0 : i32
      %dma_wait3A_235 = tpu.memref_slice %arg2[%dma_wait3A_233, %dma_wait3A_234] : memref<10000x128xf32, #tpu.memory_space<hbm>> -> memref<10000x128xf32, #tpu.memory_space<hbm>>
      tpu.wait_indirect_dma semaphore(%arg14 : memref<!tpu.dma_semaphore, #tpu.memory_space<semaphore_mem>>) src(%dma_wait3A_235 : memref<10000x128xf32, #tpu.memory_space<hbm>>) dst(%arg11 : memref<128x128xf32, #tpu.memory_space<vmem>>)
      %lt3A_236 = arith.cmpi slt, %add3A_230, %select_n3A : i32
      %convert_element_type3A_237 = arith.extui %lt3A_236 : i1 to i32
      %cond3A_238 = arith.constant 0 : i32
      %cond3A_239 = arith.cmpi ne, %convert_element_type3A_237, %cond3A_238 : i32
      scf.if %cond3A_239 {
        %mul3A_244 = arith.constant 128 : i32
        %mul3A_245 = arith.muli %add3A_230, %mul3A_244 : i32
        %dma_start3A = tpu.memref_slice %arg9[%mul3A_245] : memref<10368xi32, #tpu.memory_space<vmem>> -> memref<128xi32, #tpu.memory_space<vmem>>
        %dma_start3A_246 = arith.constant 0 : i32
        %dma_start3A_247 = arith.constant 0 : i32
        %dma_start3A_248 = tpu.memref_slice %arg2[%dma_start3A_246, %dma_start3A_247] : memref<10000x128xf32, #tpu.memory_space<hbm>> -> memref<10000x128xf32, #tpu.memory_space<hbm>>
        tpu.enqueue_indirect_dma source(%dma_start3A_248 : memref<10000x128xf32, #tpu.memory_space<hbm>>) target(%arg12 : memref<128x128xf32, #tpu.memory_space<vmem>>) offsets(%dma_start3A : memref<128xi32, #tpu.memory_space<vmem>>) semaphore(%arg15 : memref<!tpu.dma_semaphore, #tpu.memory_space<semaphore_mem>>)
      } else {
      }
      "tpu.region"() ({
        %run_scoped3A_244 = tpu.sem_alloc : memref<!tpu.dma_semaphore, #tpu.memory_space<semaphore_mem>>
        %dma_start3A = arith.constant 0 : i32
        %dma_start3A_245 = tpu.memref_slice %arg8[%mul3A_226, %dma_start3A] : memref<80x128xi32, #tpu.memory_space<vmem>> -> memref<1x128xi32, #tpu.memory_space<vmem>>
        %dma_start3A_246 = tpu.memref_squeeze %dma_start3A_245 : memref<1x128xi32, #tpu.memory_space<vmem>> -> memref<128xi32, #tpu.memory_space<vmem>>
        %dma_start3A_247 = arith.constant 0 : i32
        %dma_start3A_248 = arith.constant 0 : i32
        %dma_start3A_249 = tpu.memref_slice %arg13[%dma_start3A_247, %dma_start3A_248] : memref<2048x128xf32, #tpu.memory_space<vmem_shared>> -> memref<2048x128xf32, #tpu.memory_space<vmem_shared>>
        tpu.enqueue_indirect_dma source(%arg11 : memref<128x128xf32, #tpu.memory_space<vmem>>) target(%dma_start3A_249 : memref<2048x128xf32, #tpu.memory_space<vmem_shared>>) offsets(%dma_start3A_246 : memref<128xi32, #tpu.memory_space<vmem>>) semaphore(%run_scoped3A_244 : memref<!tpu.dma_semaphore, #tpu.memory_space<semaphore_mem>>) {add = true}
        %dma_wait3A_250 = arith.constant 0 : i32
        %dma_wait3A_251 = tpu.memref_slice %arg8[%mul3A_226, %dma_wait3A_250] : memref<80x128xi32, #tpu.memory_space<vmem>> -> memref<1x128xi32, #tpu.memory_space<vmem>>
        %dma_wait3A_252 = tpu.memref_squeeze %dma_wait3A_251 : memref<1x128xi32, #tpu.memory_space<vmem>> -> memref<128xi32, #tpu.memory_space<vmem>>
        %dma_wait3A_253 = arith.constant 0 : i32
        %dma_wait3A_254 = arith.constant 0 : i32
        %dma_wait3A_255 = tpu.memref_slice %arg13[%dma_wait3A_253, %dma_wait3A_254] : memref<2048x128xf32, #tpu.memory_space<vmem_shared>> -> memref<2048x128xf32, #tpu.memory_space<vmem_shared>>
        tpu.wait_indirect_dma semaphore(%run_scoped3A_244 : memref<!tpu.dma_semaphore, #tpu.memory_space<semaphore_mem>>) src(%arg11 : memref<128x128xf32, #tpu.memory_space<vmem>>) dst(%dma_wait3A_255 : memref<2048x128xf32, #tpu.memory_space<vmem_shared>>)
        tpu.yield
      }) : () -> ()
      %lt3A_240 = arith.cmpi slt, %add3A_230, %select_n3A : i32
      %convert_element_type3A_241 = arith.extui %lt3A_240 : i1 to i32
      %cond3A_242 = arith.constant 0 : i32
      %cond3A_243 = arith.cmpi ne, %convert_element_type3A_241, %cond3A_242 : i32
      scf.if %cond3A_243 {
        %mul3A_244 = arith.constant 128 : i32
        %mul3A_245 = arith.muli %add3A_230, %mul3A_244 : i32
        %dma_wait3A_246 = tpu.memref_slice %arg9[%mul3A_245] : memref<10368xi32, #tpu.memory_space<vmem>> -> memref<128xi32, #tpu.memory_space<vmem>>
        %dma_wait3A_247 = arith.constant 0 : i32
        %dma_wait3A_248 = arith.constant 0 : i32
        %dma_wait3A_249 = tpu.memref_slice %arg2[%dma_wait3A_247, %dma_wait3A_248] : memref<10000x128xf32, #tpu.memory_space<hbm>> -> memref<10000x128xf32, #tpu.memory_space<hbm>>
        tpu.wait_indirect_dma semaphore(%arg15 : memref<!tpu.dma_semaphore, #tpu.memory_space<semaphore_mem>>) src(%dma_wait3A_249 : memref<10000x128xf32, #tpu.memory_space<hbm>>) dst(%arg12 : memref<128x128xf32, #tpu.memory_space<vmem>>)
        %add3A_250 = arith.constant 1 : i32
        %add3A_251 = arith.addi %add3A_230, %add3A_250 : i32
        %lt3A_252 = arith.cmpi slt, %add3A_251, %select_n3A : i32
        %convert_element_type3A_253 = arith.extui %lt3A_252 : i1 to i32
        %cond3A_254 = arith.constant 0 : i32
        %cond3A_255 = arith.cmpi ne, %convert_element_type3A_253, %cond3A_254 : i32
        scf.if %cond3A_255 {
          %add3A_256 = arith.constant 1 : i32
          %add3A_257 = arith.addi %add3A_230, %add3A_256 : i32
          %mul3A_258 = arith.constant 128 : i32
          %mul3A_259 = arith.muli %add3A_257, %mul3A_258 : i32
          %dma_start3A = tpu.memref_slice %arg9[%mul3A_259] : memref<10368xi32, #tpu.memory_space<vmem>> -> memref<128xi32, #tpu.memory_space<vmem>>
          %dma_start3A_260 = arith.constant 0 : i32
          %dma_start3A_261 = arith.constant 0 : i32
          %dma_start3A_262 = tpu.memref_slice %arg2[%dma_start3A_260, %dma_start3A_261] : memref<10000x128xf32, #tpu.memory_space<hbm>> -> memref<10000x128xf32, #tpu.memory_space<hbm>>
          tpu.enqueue_indirect_dma source(%dma_start3A_262 : memref<10000x128xf32, #tpu.memory_space<hbm>>) target(%arg11 : memref<128x128xf32, #tpu.memory_space<vmem>>) offsets(%dma_start3A : memref<128xi32, #tpu.memory_space<vmem>>) semaphore(%arg14 : memref<!tpu.dma_semaphore, #tpu.memory_space<semaphore_mem>>)
        } else {
        }
        "tpu.region"() ({
          %run_scoped3A_256 = tpu.sem_alloc : memref<!tpu.dma_semaphore, #tpu.memory_space<semaphore_mem>>
          %dma_start3A = arith.constant 0 : i32
          %dma_start3A_257 = tpu.memref_slice %arg8[%add3A_230, %dma_start3A] : memref<80x128xi32, #tpu.memory_space<vmem>> -> memref<1x128xi32, #tpu.memory_space<vmem>>
          %dma_start3A_258 = tpu.memref_squeeze %dma_start3A_257 : memref<1x128xi32, #tpu.memory_space<vmem>> -> memref<128xi32, #tpu.memory_space<vmem>>
          %dma_start3A_259 = arith.constant 0 : i32
          %dma_start3A_260 = arith.constant 0 : i32
          %dma_start3A_261 = tpu.memref_slice %arg13[%dma_start3A_259, %dma_start3A_260] : memref<2048x128xf32, #tpu.memory_space<vmem_shared>> -> memref<2048x128xf32, #tpu.memory_space<vmem_shared>>
          tpu.enqueue_indirect_dma source(%arg12 : memref<128x128xf32, #tpu.memory_space<vmem>>) target(%dma_start3A_261 : memref<2048x128xf32, #tpu.memory_space<vmem_shared>>) offsets(%dma_start3A_258 : memref<128xi32, #tpu.memory_space<vmem>>) semaphore(%run_scoped3A_256 : memref<!tpu.dma_semaphore, #tpu.memory_space<semaphore_mem>>) {add = true}
          %dma_wait3A_262 = arith.constant 0 : i32
          %dma_wait3A_263 = tpu.memref_slice %arg8[%add3A_230, %dma_wait3A_262] : memref<80x128xi32, #tpu.memory_space<vmem>> -> memref<1x128xi32, #tpu.memory_space<vmem>>
          %dma_wait3A_264 = tpu.memref_squeeze %dma_wait3A_263 : memref<1x128xi32, #tpu.memory_space<vmem>> -> memref<128xi32, #tpu.memory_space<vmem>>
          %dma_wait3A_265 = arith.constant 0 : i32
          %dma_wait3A_266 = arith.constant 0 : i32
          %dma_wait3A_267 = tpu.memref_slice %arg13[%dma_wait3A_265, %dma_wait3A_266] : memref<2048x128xf32, #tpu.memory_space<vmem_shared>> -> memref<2048x128xf32, #tpu.memory_space<vmem_shared>>
          tpu.wait_indirect_dma semaphore(%run_scoped3A_256 : memref<!tpu.dma_semaphore, #tpu.memory_space<semaphore_mem>>) src(%arg12 : memref<128x128xf32, #tpu.memory_space<vmem>>) dst(%dma_wait3A_267 : memref<2048x128xf32, #tpu.memory_space<vmem_shared>>)
          tpu.yield
        }) : () -> ()
      } else {
      }
    }
    %while3A_217 = arith.constant 1 : i32
    scf.for %while3A_224 = %while3A_215 to %while3A_211 step %while3A_217  : i32 {
      %mul3A_225 = arith.constant 2 : i32
      %mul3A_226 = arith.muli %mul3A_225, %while3A_224 : i32
      %mul3A_227 = arith.constant 2 : i32
      %mul3A_228 = arith.muli %mul3A_227, %while3A_224 : i32
      %add3A_229 = arith.constant 1 : i32
      %add3A_230 = arith.addi %mul3A_228, %add3A_229 : i32
      %mul3A_231 = arith.constant 128 : i32
      %mul3A_232 = arith.muli %mul3A_226, %mul3A_231 : i32
      %dma_wait3A = tpu.memref_slice %arg9[%mul3A_232] : memref<10368xi32, #tpu.memory_space<vmem>> -> memref<128xi32, #tpu.memory_space<vmem>>
      %dma_wait3A_233 = arith.constant 0 : i32
      %dma_wait3A_234 = arith.constant 0 : i32
      %dma_wait3A_235 = tpu.memref_slice %arg2[%dma_wait3A_233, %dma_wait3A_234] : memref<10000x128xf32, #tpu.memory_space<hbm>> -> memref<10000x128xf32, #tpu.memory_space<hbm>>
      tpu.wait_indirect_dma semaphore(%arg14 : memref<!tpu.dma_semaphore, #tpu.memory_space<semaphore_mem>>) src(%dma_wait3A_235 : memref<10000x128xf32, #tpu.memory_space<hbm>>) dst(%arg11 : memref<128x128xf32, #tpu.memory_space<vmem>>)
      %lt3A_236 = arith.cmpi slt, %add3A_230, %select_n3A : i32
      %convert_element_type3A_237 = arith.extui %lt3A_236 : i1 to i32
      %cond3A_238 = arith.constant 0 : i32
      %cond3A_239 = arith.cmpi ne, %convert_element_type3A_237, %cond3A_238 : i32
      scf.if %cond3A_239 {
        %mul3A_244 = arith.constant 128 : i32
        %mul3A_245 = arith.muli %add3A_230, %mul3A_244 : i32
        %dma_start3A = tpu.memref_slice %arg9[%mul3A_245] : memref<10368xi32, #tpu.memory_space<vmem>> -> memref<128xi32, #tpu.memory_space<vmem>>
        %dma_start3A_246 = arith.constant 0 : i32
        %dma_start3A_247 = arith.constant 0 : i32
        %dma_start3A_248 = tpu.memref_slice %arg2[%dma_start3A_246, %dma_start3A_247] : memref<10000x128xf32, #tpu.memory_space<hbm>> -> memref<10000x128xf32, #tpu.memory_space<hbm>>
        tpu.enqueue_indirect_dma source(%dma_start3A_248 : memref<10000x128xf32, #tpu.memory_space<hbm>>) target(%arg12 : memref<128x128xf32, #tpu.memory_space<vmem>>) offsets(%dma_start3A : memref<128xi32, #tpu.memory_space<vmem>>) semaphore(%arg15 : memref<!tpu.dma_semaphore, #tpu.memory_space<semaphore_mem>>)
      } else {
      }
      "tpu.region"() ({
        %run_scoped3A_244 = tpu.sem_alloc : memref<!tpu.dma_semaphore, #tpu.memory_space<semaphore_mem>>
        %dma_start3A = arith.constant 0 : i32
        %dma_start3A_245 = tpu.memref_slice %arg8[%mul3A_226, %dma_start3A] : memref<80x128xi32, #tpu.memory_space<vmem>> -> memref<1x128xi32, #tpu.memory_space<vmem>>
        %dma_start3A_246 = tpu.memref_squeeze %dma_start3A_245 : memref<1x128xi32, #tpu.memory_space<vmem>> -> memref<128xi32, #tpu.memory_space<vmem>>
        %dma_start3A_247 = arith.constant 0 : i32
        %dma_start3A_248 = arith.constant 0 : i32
        %dma_start3A_249 = tpu.memref_slice %arg13[%dma_start3A_247, %dma_start3A_248] : memref<2048x128xf32, #tpu.memory_space<vmem_shared>> -> memref<2048x128xf32, #tpu.memory_space<vmem_shared>>
        tpu.enqueue_indirect_dma source(%arg11 : memref<128x128xf32, #tpu.memory_space<vmem>>) target(%dma_start3A_249 : memref<2048x128xf32, #tpu.memory_space<vmem_shared>>) offsets(%dma_start3A_246 : memref<128xi32, #tpu.memory_space<vmem>>) semaphore(%run_scoped3A_244 : memref<!tpu.dma_semaphore, #tpu.memory_space<semaphore_mem>>) {add = true}
        %dma_wait3A_250 = arith.constant 0 : i32
        %dma_wait3A_251 = tpu.memref_slice %arg8[%mul3A_226, %dma_wait3A_250] : memref<80x128xi32, #tpu.memory_space<vmem>> -> memref<1x128xi32, #tpu.memory_space<vmem>>
        %dma_wait3A_252 = tpu.memref_squeeze %dma_wait3A_251 : memref<1x128xi32, #tpu.memory_space<vmem>> -> memref<128xi32, #tpu.memory_space<vmem>>
        %dma_wait3A_253 = arith.constant 0 : i32
        %dma_wait3A_254 = arith.constant 0 : i32
        %dma_wait3A_255 = tpu.memref_slice %arg13[%dma_wait3A_253, %dma_wait3A_254] : memref<2048x128xf32, #tpu.memory_space<vmem_shared>> -> memref<2048x128xf32, #tpu.memory_space<vmem_shared>>
        tpu.wait_indirect_dma semaphore(%run_scoped3A_244 : memref<!tpu.dma_semaphore, #tpu.memory_space<semaphore_mem>>) src(%arg11 : memref<128x128xf32, #tpu.memory_space<vmem>>) dst(%dma_wait3A_255 : memref<2048x128xf32, #tpu.memory_space<vmem_shared>>)
        tpu.yield
      }) : () -> ()
      %lt3A_240 = arith.cmpi slt, %add3A_230, %select_n3A : i32
      %convert_element_type3A_241 = arith.extui %lt3A_240 : i1 to i32
      %cond3A_242 = arith.constant 0 : i32
      %cond3A_243 = arith.cmpi ne, %convert_element_type3A_241, %cond3A_242 : i32
      scf.if %cond3A_243 {
        %mul3A_244 = arith.constant 128 : i32
        %mul3A_245 = arith.muli %add3A_230, %mul3A_244 : i32
        %dma_wait3A_246 = tpu.memref_slice %arg9[%mul3A_245] : memref<10368xi32, #tpu.memory_space<vmem>> -> memref<128xi32, #tpu.memory_space<vmem>>
        %dma_wait3A_247 = arith.constant 0 : i32
        %dma_wait3A_248 = arith.constant 0 : i32
        %dma_wait3A_249 = tpu.memref_slice %arg2[%dma_wait3A_247, %dma_wait3A_248] : memref<10000x128xf32, #tpu.memory_space<hbm>> -> memref<10000x128xf32, #tpu.memory_space<hbm>>
        tpu.wait_indirect_dma semaphore(%arg15 : memref<!tpu.dma_semaphore, #tpu.memory_space<semaphore_mem>>) src(%dma_wait3A_249 : memref<10000x128xf32, #tpu.memory_space<hbm>>) dst(%arg12 : memref<128x128xf32, #tpu.memory_space<vmem>>)
        %add3A_250 = arith.constant 1 : i32
        %add3A_251 = arith.addi %add3A_230, %add3A_250 : i32
        %lt3A_252 = arith.cmpi slt, %add3A_251, %select_n3A : i32
        %convert_element_type3A_253 = arith.extui %lt3A_252 : i1 to i32
        %cond3A_254 = arith.constant 0 : i32
        %cond3A_255 = arith.cmpi ne, %convert_element_type3A_253, %cond3A_254 : i32
        scf.if %cond3A_255 {
          %add3A_256 = arith.constant 1 : i32
          %add3A_257 = arith.addi %add3A_230, %add3A_256 : i32
          %mul3A_258 = arith.constant 128 : i32
          %mul3A_259 = arith.muli %add3A_257, %mul3A_258 : i32
          %dma_start3A = tpu.memref_slice %arg9[%mul3A_259] : memref<10368xi32, #tpu.memory_space<vmem>> -> memref<128xi32, #tpu.memory_space<vmem>>
          %dma_start3A_260 = arith.constant 0 : i32
          %dma_start3A_261 = arith.constant 0 : i32
          %dma_start3A_262 = tpu.memref_slice %arg2[%dma_start3A_260, %dma_start3A_261] : memref<10000x128xf32, #tpu.memory_space<hbm>> -> memref<10000x128xf32, #tpu.memory_space<hbm>>
          tpu.enqueue_indirect_dma source(%dma_start3A_262 : memref<10000x128xf32, #tpu.memory_space<hbm>>) target(%arg11 : memref<128x128xf32, #tpu.memory_space<vmem>>) offsets(%dma_start3A : memref<128xi32, #tpu.memory_space<vmem>>) semaphore(%arg14 : memref<!tpu.dma_semaphore, #tpu.memory_space<semaphore_mem>>)
        } else {
        }
        "tpu.region"() ({
          %run_scoped3A_256 = tpu.sem_alloc : memref<!tpu.dma_semaphore, #tpu.memory_space<semaphore_mem>>
          %dma_start3A = arith.constant 0 : i32
          %dma_start3A_257 = tpu.memref_slice %arg8[%add3A_230, %dma_start3A] : memref<80x128xi32, #tpu.memory_space<vmem>> -> memref<1x128xi32, #tpu.memory_space<vmem>>
          %dma_start3A_258 = tpu.memref_squeeze %dma_start3A_257 : memref<1x128xi32, #tpu.memory_space<vmem>> -> memref<128xi32, #tpu.memory_space<vmem>>
          %dma_start3A_259 = arith.constant 0 : i32
          %dma_start3A_260 = arith.constant 0 : i32
          %dma_start3A_261 = tpu.memref_slice %arg13[%dma_start3A_259, %dma_start3A_260] : memref<2048x128xf32, #tpu.memory_space<vmem_shared>> -> memref<2048x128xf32, #tpu.memory_space<vmem_shared>>
          tpu.enqueue_indirect_dma source(%arg12 : memref<128x128xf32, #tpu.memory_space<vmem>>) target(%dma_start3A_261 : memref<2048x128xf32, #tpu.memory_space<vmem_shared>>) offsets(%dma_start3A_258 : memref<128xi32, #tpu.memory_space<vmem>>) semaphore(%run_scoped3A_256 : memref<!tpu.dma_semaphore, #tpu.memory_space<semaphore_mem>>) {add = true}
          %dma_wait3A_262 = arith.constant 0 : i32
          %dma_wait3A_263 = tpu.memref_slice %arg8[%add3A_230, %dma_wait3A_262] : memref<80x128xi32, #tpu.memory_space<vmem>> -> memref<1x128xi32, #tpu.memory_space<vmem>>
          %dma_wait3A_264 = tpu.memref_squeeze %dma_wait3A_263 : memref<1x128xi32, #tpu.memory_space<vmem>> -> memref<128xi32, #tpu.memory_space<vmem>>
          %dma_wait3A_265 = arith.constant 0 : i32
          %dma_wait3A_266 = arith.constant 0 : i32
          %dma_wait3A_267 = tpu.memref_slice %arg13[%dma_wait3A_265, %dma_wait3A_266] : memref<2048x128xf32, #tpu.memory_space<vmem_shared>> -> memref<2048x128xf32, #tpu.memory_space<vmem_shared>>
          tpu.wait_indirect_dma semaphore(%run_scoped3A_256 : memref<!tpu.dma_semaphore, #tpu.memory_space<semaphore_mem>>) src(%arg12 : memref<128x128xf32, #tpu.memory_space<vmem>>) dst(%dma_wait3A_267 : memref<2048x128xf32, #tpu.memory_space<vmem_shared>>)
          tpu.yield
        }) : () -> ()
      } else {
      }
    }
    %barrier3A_218 = arith.constant 0 : index
    tpu.barrier barrier_id(%barrier3A_218)
    %mul3A_219 = arith.constant 128 : i32
    %mul3A_220 = arith.muli %arg1, %mul3A_219 : i32
    %add3A_221 = arith.constant 0 : i32
    %add3A_222 = arith.addi %mul3A_220, %add3A_221 : i32
    %run_scoped3A_223 = arith.constant 0 : i32
    "tpu.region"() ({
      %run_scoped3A_224 = tpu.sem_alloc : memref<!tpu.dma_semaphore, #tpu.memory_space<semaphore_mem>>
      %dma_start3A = arith.constant 0 : i32
      %dma_start3A_225 = tpu.memref_slice %arg5[%arg0, %run_scoped3A_223, %add3A_222, %dma_start3A] : memref<2x1x2048x128xf32, #tpu.memory_space<hbm>> -> memref<1x1x128x128xf32, #tpu.memory_space<hbm>>
      %dma_start3A_226 = tpu.memref_squeeze %dma_start3A_225 : memref<1x1x128x128xf32, #tpu.memory_space<hbm>> -> memref<128x128xf32, #tpu.memory_space<hbm>>
      %dma_start3A_227 = arith.constant 0 : i32
      %dma_start3A_228 = tpu.memref_slice %arg13[%add3A_222, %dma_start3A_227] : memref<2048x128xf32, #tpu.memory_space<vmem_shared>> -> memref<128x128xf32, #tpu.memory_space<vmem_shared>>
      tpu.enqueue_dma source(%dma_start3A_228 : memref<128x128xf32, #tpu.memory_space<vmem_shared>>) target(%dma_start3A_226 : memref<128x128xf32, #tpu.memory_space<hbm>>) target_semaphore(%run_scoped3A_224 : memref<!tpu.dma_semaphore, #tpu.memory_space<semaphore_mem>>)
      %dma_wait3A = arith.constant 0 : i32
      %dma_wait3A_229 = tpu.memref_slice %arg5[%arg0, %run_scoped3A_223, %add3A_222, %dma_wait3A] : memref<2x1x2048x128xf32, #tpu.memory_space<hbm>> -> memref<1x1x128x128xf32, #tpu.memory_space<hbm>>
      %dma_wait3A_230 = tpu.memref_squeeze %dma_wait3A_229 : memref<1x1x128x128xf32, #tpu.memory_space<hbm>> -> memref<128x128xf32, #tpu.memory_space<hbm>>
      %dma_wait3A_231 = arith.constant 0 : i32
      %dma_wait3A_232 = tpu.memref_slice %arg13[%add3A_222, %dma_wait3A_231] : memref<2048x128xf32, #tpu.memory_space<vmem_shared>> -> memref<128x128xf32, #tpu.memory_space<vmem_shared>>
      tpu.wait_dma2 semaphore(%run_scoped3A_224 : memref<!tpu.dma_semaphore, #tpu.memory_space<semaphore_mem>>) src(%dma_wait3A_232 : memref<128x128xf32, #tpu.memory_space<vmem_shared>>) dst(%dma_wait3A_230 : memref<128x128xf32, #tpu.memory_space<hbm>>)
      tpu.yield
    }) : () -> ()
    return
  }
}

#map = affine_map<(d0, d1) -> (0, 0, 0)>
#map1 = affine_map<(d0, d1) -> (0)>
module attributes {stable_mosaic.version = 14 : i64} {
  func.func @_deg_body(%arg0: i32, %arg1: i32, %arg2: memref<2x2560x128xi32, #tpu.memory_space<hbm>>, %arg3: memref<2x2560x128xi32, #tpu.memory_space<hbm>>, %arg4: memref<640xf32, #tpu.memory_space<hbm>>, %arg5: memref<128xf32, #tpu.memory_space<hbm>>, %arg6: memref<20480xf32, #tpu.memory_space<hbm>>, %arg7: memref<20480xf32, #tpu.memory_space<hbm>>, %arg8: memref<80x128xi32, #tpu.memory_space<vmem>>, %arg9: memref<128xf32, #tpu.memory_space<vmem>>, %arg10: memref<10240xf32, #tpu.memory_space<vmem_shared>>, %arg11: memref<10240xf32, #tpu.memory_space<vmem_shared>>, %arg12: memref<!tpu.dma_semaphore, #tpu.memory_space<semaphore_mem>>) attributes {dimension_semantics = [#tpu.dimension_semantics<core_parallel>, #tpu.dimension_semantics<subcore_parallel>], iteration_bounds = array<i64: 2, 16>, scalar_prefetch = 0 : i64, scratch_operands = 5 : i64, tpu.core_type = #tpu.core_type<sc_vector_subcore>, window_params = [{transform_indices = #map}, {transform_indices = #map}, {transform_indices = #map1}, {transform_indices = #map1}, {transform_indices = #map1}, {transform_indices = #map1}]} {
    %mul3A = arith.constant 16 : i32
    %mul3A_0 = arith.muli %arg0, %mul3A : i32
    %add3A = arith.addi %mul3A_0, %arg1 : i32
    "tpu.region"() ({
      %run_scoped3A_47 = tpu.sem_alloc : memref<!tpu.dma_semaphore, #tpu.memory_space<semaphore_mem>>
      tpu.enqueue_dma source(%arg5 : memref<128xf32, #tpu.memory_space<hbm>>) target(%arg9 : memref<128xf32, #tpu.memory_space<vmem>>) target_semaphore(%run_scoped3A_47 : memref<!tpu.dma_semaphore, #tpu.memory_space<semaphore_mem>>)
      tpu.wait_dma2 semaphore(%run_scoped3A_47 : memref<!tpu.dma_semaphore, #tpu.memory_space<semaphore_mem>>) src(%arg5 : memref<128xf32, #tpu.memory_space<hbm>>) dst(%arg9 : memref<128xf32, #tpu.memory_space<vmem>>)
      tpu.yield
    }) : () -> ()
    %mul3A_1 = arith.constant 640 : i32
    %mul3A_2 = arith.muli %arg1, %mul3A_1 : i32
    "tpu.region"() ({
      %run_scoped3A_47 = tpu.sem_alloc : memref<!tpu.dma_semaphore, #tpu.memory_space<semaphore_mem>>
      %dma_start3A = tpu.memref_slice %arg10[%mul3A_2] : memref<10240xf32, #tpu.memory_space<vmem_shared>> -> memref<640xf32, #tpu.memory_space<vmem_shared>>
      tpu.enqueue_dma source(%arg4 : memref<640xf32, #tpu.memory_space<hbm>>) target(%dma_start3A : memref<640xf32, #tpu.memory_space<vmem_shared>>) target_semaphore(%run_scoped3A_47 : memref<!tpu.dma_semaphore, #tpu.memory_space<semaphore_mem>>)
      %dma_wait3A_48 = tpu.memref_slice %arg10[%mul3A_2] : memref<10240xf32, #tpu.memory_space<vmem_shared>> -> memref<640xf32, #tpu.memory_space<vmem_shared>>
      tpu.wait_dma2 semaphore(%run_scoped3A_47 : memref<!tpu.dma_semaphore, #tpu.memory_space<semaphore_mem>>) src(%arg4 : memref<640xf32, #tpu.memory_space<hbm>>) dst(%dma_wait3A_48 : memref<640xf32, #tpu.memory_space<vmem_shared>>)
      tpu.yield
    }) : () -> ()
    %mul3A_3 = arith.constant 640 : i32
    %mul3A_4 = arith.muli %arg1, %mul3A_3 : i32
    "tpu.region"() ({
      %run_scoped3A_47 = tpu.sem_alloc : memref<!tpu.dma_semaphore, #tpu.memory_space<semaphore_mem>>
      %dma_start3A = tpu.memref_slice %arg11[%mul3A_4] : memref<10240xf32, #tpu.memory_space<vmem_shared>> -> memref<640xf32, #tpu.memory_space<vmem_shared>>
      tpu.enqueue_dma source(%arg4 : memref<640xf32, #tpu.memory_space<hbm>>) target(%dma_start3A : memref<640xf32, #tpu.memory_space<vmem_shared>>) target_semaphore(%run_scoped3A_47 : memref<!tpu.dma_semaphore, #tpu.memory_space<semaphore_mem>>)
      %dma_wait3A_48 = tpu.memref_slice %arg11[%mul3A_4] : memref<10240xf32, #tpu.memory_space<vmem_shared>> -> memref<640xf32, #tpu.memory_space<vmem_shared>>
      tpu.wait_dma2 semaphore(%run_scoped3A_47 : memref<!tpu.dma_semaphore, #tpu.memory_space<semaphore_mem>>) src(%arg4 : memref<640xf32, #tpu.memory_space<hbm>>) dst(%dma_wait3A_48 : memref<640xf32, #tpu.memory_space<vmem_shared>>)
      tpu.yield
    }) : () -> ()
    %barrier3A = arith.constant 0 : index
    tpu.barrier barrier_id(%barrier3A)
    %mul3A_5 = arith.constant 80 : i32
    %mul3A_6 = arith.muli %add3A, %mul3A_5 : i32
    %run_scoped3A = arith.constant 1 : i32
    "tpu.region"() ({
      %run_scoped3A_47 = tpu.sem_alloc : memref<!tpu.dma_semaphore, #tpu.memory_space<semaphore_mem>>
      %dma_start3A = arith.constant 0 : i32
      %dma_start3A_48 = tpu.memref_slice %arg2[%run_scoped3A, %mul3A_6, %dma_start3A] : memref<2x2560x128xi32, #tpu.memory_space<hbm>> -> memref<1x80x128xi32, #tpu.memory_space<hbm>>
      %dma_start3A_49 = tpu.memref_squeeze %dma_start3A_48 : memref<1x80x128xi32, #tpu.memory_space<hbm>> -> memref<80x128xi32, #tpu.memory_space<hbm>>
      %dma_start3A_50 = arith.constant 0 : i32
      %dma_start3A_51 = tpu.memref_slice %arg2[%run_scoped3A, %mul3A_6, %dma_start3A_50] : memref<2x2560x128xi32, #tpu.memory_space<hbm>> -> memref<1x80x128xi32, #tpu.memory_space<hbm>>
      %dma_start3A_52 = tpu.memref_squeeze %dma_start3A_51 : memref<1x80x128xi32, #tpu.memory_space<hbm>> -> memref<80x128xi32, #tpu.memory_space<hbm>>
      tpu.enqueue_dma source(%dma_start3A_52 : memref<80x128xi32, #tpu.memory_space<hbm>>) target(%arg8 : memref<80x128xi32, #tpu.memory_space<vmem>>) target_semaphore(%run_scoped3A_47 : memref<!tpu.dma_semaphore, #tpu.memory_space<semaphore_mem>>)
      %dma_wait3A_53 = arith.constant 0 : i32
      %dma_wait3A_54 = tpu.memref_slice %arg2[%run_scoped3A, %mul3A_6, %dma_wait3A_53] : memref<2x2560x128xi32, #tpu.memory_space<hbm>> -> memref<1x80x128xi32, #tpu.memory_space<hbm>>
      %dma_wait3A_55 = tpu.memref_squeeze %dma_wait3A_54 : memref<1x80x128xi32, #tpu.memory_space<hbm>> -> memref<80x128xi32, #tpu.memory_space<hbm>>
      %dma_wait3A_56 = arith.constant 0 : i32
      %dma_wait3A_57 = tpu.memref_slice %arg2[%run_scoped3A, %mul3A_6, %dma_wait3A_56] : memref<2x2560x128xi32, #tpu.memory_space<hbm>> -> memref<1x80x128xi32, #tpu.memory_space<hbm>>
      %dma_wait3A_58 = tpu.memref_squeeze %dma_wait3A_57 : memref<1x80x128xi32, #tpu.memory_space<hbm>> -> memref<80x128xi32, #tpu.memory_space<hbm>>
      tpu.wait_dma2 semaphore(%run_scoped3A_47 : memref<!tpu.dma_semaphore, #tpu.memory_space<semaphore_mem>>) src(%dma_wait3A_58 : memref<80x128xi32, #tpu.memory_space<hbm>>) dst(%arg8 : memref<80x128xi32, #tpu.memory_space<vmem>>)
      tpu.yield
    }) : () -> ()
    %scan3A = arith.constant 0 : i32
    %scan3A_7 = arith.constant 0 : i32
    %scan3A_8 = arith.constant 80 : i32
    %scan3A_9 = arith.addi %scan3A_7, %scan3A_8 : i32
    %scan3A_10 = arith.constant 1 : i32
    scf.for %scan3A_47 = %scan3A_7 to %scan3A_9 step %scan3A_10  : i32 {
      %dma_start3A = arith.constant 0 : i32
      %dma_start3A_48 = tpu.memref_slice %arg8[%scan3A_47, %dma_start3A] : memref<80x128xi32, #tpu.memory_space<vmem>> -> memref<1x128xi32, #tpu.memory_space<vmem>>
      %dma_start3A_49 = tpu.memref_squeeze %dma_start3A_48 : memref<1x128xi32, #tpu.memory_space<vmem>> -> memref<128xi32, #tpu.memory_space<vmem>>
      %dma_start3A_50 = arith.constant 0 : i32
      %dma_start3A_51 = tpu.memref_slice %arg10[%dma_start3A_50] : memref<10240xf32, #tpu.memory_space<vmem_shared>> -> memref<10240xf32, #tpu.memory_space<vmem_shared>>
      tpu.enqueue_indirect_dma source(%arg9 : memref<128xf32, #tpu.memory_space<vmem>>) target(%dma_start3A_51 : memref<10240xf32, #tpu.memory_space<vmem_shared>>) offsets(%dma_start3A_49 : memref<128xi32, #tpu.memory_space<vmem>>) semaphore(%arg12 : memref<!tpu.dma_semaphore, #tpu.memory_space<semaphore_mem>>) {add = true}
    }
    %scan3A_11 = arith.constant 80 : i32
    %dma_wait3A = arith.constant 1 : i32
    %dma_wait3A_12 = arith.constant 0 : i32
    %dma_wait3A_13 = tpu.memref_slice %arg2[%dma_wait3A, %mul3A_6, %dma_wait3A_12] : memref<2x2560x128xi32, #tpu.memory_space<hbm>> -> memref<1x80x128xi32, #tpu.memory_space<hbm>>
    %dma_wait3A_14 = tpu.memref_squeeze %dma_wait3A_13 : memref<1x80x128xi32, #tpu.memory_space<hbm>> -> memref<80x128xi32, #tpu.memory_space<hbm>>
    %dma_wait3A_15 = arith.constant 0 : i32
    %dma_wait3A_16 = tpu.memref_slice %arg2[%dma_wait3A, %mul3A_6, %dma_wait3A_15] : memref<2x2560x128xi32, #tpu.memory_space<hbm>> -> memref<1x80x128xi32, #tpu.memory_space<hbm>>
    %dma_wait3A_17 = tpu.memref_squeeze %dma_wait3A_16 : memref<1x80x128xi32, #tpu.memory_space<hbm>> -> memref<80x128xi32, #tpu.memory_space<hbm>>
    tpu.wait_dma2 semaphore(%arg12 : memref<!tpu.dma_semaphore, #tpu.memory_space<semaphore_mem>>) src(%dma_wait3A_17 : memref<80x128xi32, #tpu.memory_space<hbm>>) dst(%arg8 : memref<80x128xi32, #tpu.memory_space<vmem>>)
    %run_scoped3A_18 = arith.constant 1 : i32
    "tpu.region"() ({
      %run_scoped3A_47 = tpu.sem_alloc : memref<!tpu.dma_semaphore, #tpu.memory_space<semaphore_mem>>
      %dma_start3A = arith.constant 0 : i32
      %dma_start3A_48 = tpu.memref_slice %arg3[%run_scoped3A_18, %mul3A_6, %dma_start3A] : memref<2x2560x128xi32, #tpu.memory_space<hbm>> -> memref<1x80x128xi32, #tpu.memory_space<hbm>>
      %dma_start3A_49 = tpu.memref_squeeze %dma_start3A_48 : memref<1x80x128xi32, #tpu.memory_space<hbm>> -> memref<80x128xi32, #tpu.memory_space<hbm>>
      %dma_start3A_50 = arith.constant 0 : i32
      %dma_start3A_51 = tpu.memref_slice %arg3[%run_scoped3A_18, %mul3A_6, %dma_start3A_50] : memref<2x2560x128xi32, #tpu.memory_space<hbm>> -> memref<1x80x128xi32, #tpu.memory_space<hbm>>
      %dma_start3A_52 = tpu.memref_squeeze %dma_start3A_51 : memref<1x80x128xi32, #tpu.memory_space<hbm>> -> memref<80x128xi32, #tpu.memory_space<hbm>>
      tpu.enqueue_dma source(%dma_start3A_52 : memref<80x128xi32, #tpu.memory_space<hbm>>) target(%arg8 : memref<80x128xi32, #tpu.memory_space<vmem>>) target_semaphore(%run_scoped3A_47 : memref<!tpu.dma_semaphore, #tpu.memory_space<semaphore_mem>>)
      %dma_wait3A_53 = arith.constant 0 : i32
      %dma_wait3A_54 = tpu.memref_slice %arg3[%run_scoped3A_18, %mul3A_6, %dma_wait3A_53] : memref<2x2560x128xi32, #tpu.memory_space<hbm>> -> memref<1x80x128xi32, #tpu.memory_space<hbm>>
      %dma_wait3A_55 = tpu.memref_squeeze %dma_wait3A_54 : memref<1x80x128xi32, #tpu.memory_space<hbm>> -> memref<80x128xi32, #tpu.memory_space<hbm>>
      %dma_wait3A_56 = arith.constant 0 : i32
      %dma_wait3A_57 = tpu.memref_slice %arg3[%run_scoped3A_18, %mul3A_6, %dma_wait3A_56] : memref<2x2560x128xi32, #tpu.memory_space<hbm>> -> memref<1x80x128xi32, #tpu.memory_space<hbm>>
      %dma_wait3A_58 = tpu.memref_squeeze %dma_wait3A_57 : memref<1x80x128xi32, #tpu.memory_space<hbm>> -> memref<80x128xi32, #tpu.memory_space<hbm>>
      tpu.wait_dma2 semaphore(%run_scoped3A_47 : memref<!tpu.dma_semaphore, #tpu.memory_space<semaphore_mem>>) src(%dma_wait3A_58 : memref<80x128xi32, #tpu.memory_space<hbm>>) dst(%arg8 : memref<80x128xi32, #tpu.memory_space<vmem>>)
      tpu.yield
    }) : () -> ()
    %scan3A_19 = arith.constant 0 : i32
    %scan3A_20 = arith.constant 0 : i32
    %scan3A_21 = arith.constant 80 : i32
    %scan3A_22 = arith.addi %scan3A_20, %scan3A_21 : i32
    %scan3A_23 = arith.constant 1 : i32
    scf.for %scan3A_47 = %scan3A_20 to %scan3A_22 step %scan3A_23  : i32 {
      %dma_start3A = arith.constant 0 : i32
      %dma_start3A_48 = tpu.memref_slice %arg8[%scan3A_47, %dma_start3A] : memref<80x128xi32, #tpu.memory_space<vmem>> -> memref<1x128xi32, #tpu.memory_space<vmem>>
      %dma_start3A_49 = tpu.memref_squeeze %dma_start3A_48 : memref<1x128xi32, #tpu.memory_space<vmem>> -> memref<128xi32, #tpu.memory_space<vmem>>
      %dma_start3A_50 = arith.constant 0 : i32
      %dma_start3A_51 = tpu.memref_slice %arg11[%dma_start3A_50] : memref<10240xf32, #tpu.memory_space<vmem_shared>> -> memref<10240xf32, #tpu.memory_space<vmem_shared>>
      tpu.enqueue_indirect_dma source(%arg9 : memref<128xf32, #tpu.memory_space<vmem>>) target(%dma_start3A_51 : memref<10240xf32, #tpu.memory_space<vmem_shared>>) offsets(%dma_start3A_49 : memref<128xi32, #tpu.memory_space<vmem>>) semaphore(%arg12 : memref<!tpu.dma_semaphore, #tpu.memory_space<semaphore_mem>>) {add = true}
    }
    %scan3A_24 = arith.constant 80 : i32
    %dma_wait3A_25 = arith.constant 1 : i32
    %dma_wait3A_26 = arith.constant 0 : i32
    %dma_wait3A_27 = tpu.memref_slice %arg3[%dma_wait3A_25, %mul3A_6, %dma_wait3A_26] : memref<2x2560x128xi32, #tpu.memory_space<hbm>> -> memref<1x80x128xi32, #tpu.memory_space<hbm>>
    %dma_wait3A_28 = tpu.memref_squeeze %dma_wait3A_27 : memref<1x80x128xi32, #tpu.memory_space<hbm>> -> memref<80x128xi32, #tpu.memory_space<hbm>>
    %dma_wait3A_29 = arith.constant 0 : i32
    %dma_wait3A_30 = tpu.memref_slice %arg3[%dma_wait3A_25, %mul3A_6, %dma_wait3A_29] : memref<2x2560x128xi32, #tpu.memory_space<hbm>> -> memref<1x80x128xi32, #tpu.memory_space<hbm>>
    %dma_wait3A_31 = tpu.memref_squeeze %dma_wait3A_30 : memref<1x80x128xi32, #tpu.memory_space<hbm>> -> memref<80x128xi32, #tpu.memory_space<hbm>>
    tpu.wait_dma2 semaphore(%arg12 : memref<!tpu.dma_semaphore, #tpu.memory_space<semaphore_mem>>) src(%dma_wait3A_31 : memref<80x128xi32, #tpu.memory_space<hbm>>) dst(%arg8 : memref<80x128xi32, #tpu.memory_space<vmem>>)
    %barrier3A_32 = arith.constant 0 : index
    tpu.barrier barrier_id(%barrier3A_32)
    %mul3A_33 = arith.constant 640 : i32
    %mul3A_34 = arith.muli %arg1, %mul3A_33 : i32
    %mul3A_35 = arith.constant 10240 : i32
    %mul3A_36 = arith.muli %arg0, %mul3A_35 : i32
    %mul3A_37 = arith.constant 640 : i32
    %mul3A_38 = arith.muli %arg1, %mul3A_37 : i32
    %add3A_39 = arith.addi %mul3A_36, %mul3A_38 : i32
    "tpu.region"() ({
      %run_scoped3A_47 = tpu.sem_alloc : memref<!tpu.dma_semaphore, #tpu.memory_space<semaphore_mem>>
      %dma_start3A = tpu.memref_slice %arg6[%add3A_39] : memref<20480xf32, #tpu.memory_space<hbm>> -> memref<640xf32, #tpu.memory_space<hbm>>
      %dma_start3A_48 = tpu.memref_slice %arg10[%mul3A_34] : memref<10240xf32, #tpu.memory_space<vmem_shared>> -> memref<640xf32, #tpu.memory_space<vmem_shared>>
      tpu.enqueue_dma source(%dma_start3A_48 : memref<640xf32, #tpu.memory_space<vmem_shared>>) target(%dma_start3A : memref<640xf32, #tpu.memory_space<hbm>>) target_semaphore(%run_scoped3A_47 : memref<!tpu.dma_semaphore, #tpu.memory_space<semaphore_mem>>)
      %dma_wait3A_49 = tpu.memref_slice %arg6[%add3A_39] : memref<20480xf32, #tpu.memory_space<hbm>> -> memref<640xf32, #tpu.memory_space<hbm>>
      %dma_wait3A_50 = tpu.memref_slice %arg10[%mul3A_34] : memref<10240xf32, #tpu.memory_space<vmem_shared>> -> memref<640xf32, #tpu.memory_space<vmem_shared>>
      tpu.wait_dma2 semaphore(%run_scoped3A_47 : memref<!tpu.dma_semaphore, #tpu.memory_space<semaphore_mem>>) src(%dma_wait3A_50 : memref<640xf32, #tpu.memory_space<vmem_shared>>) dst(%dma_wait3A_49 : memref<640xf32, #tpu.memory_space<hbm>>)
      tpu.yield
    }) : () -> ()
    %mul3A_40 = arith.constant 640 : i32
    %mul3A_41 = arith.muli %arg1, %mul3A_40 : i32
    %mul3A_42 = arith.constant 10240 : i32
    %mul3A_43 = arith.muli %arg0, %mul3A_42 : i32
    %mul3A_44 = arith.constant 640 : i32
    %mul3A_45 = arith.muli %arg1, %mul3A_44 : i32
    %add3A_46 = arith.addi %mul3A_43, %mul3A_45 : i32
    "tpu.region"() ({
      %run_scoped3A_47 = tpu.sem_alloc : memref<!tpu.dma_semaphore, #tpu.memory_space<semaphore_mem>>
      %dma_start3A = tpu.memref_slice %arg7[%add3A_46] : memref<20480xf32, #tpu.memory_space<hbm>> -> memref<640xf32, #tpu.memory_space<hbm>>
      %dma_start3A_48 = tpu.memref_slice %arg11[%mul3A_41] : memref<10240xf32, #tpu.memory_space<vmem_shared>> -> memref<640xf32, #tpu.memory_space<vmem_shared>>
      tpu.enqueue_dma source(%dma_start3A_48 : memref<640xf32, #tpu.memory_space<vmem_shared>>) target(%dma_start3A : memref<640xf32, #tpu.memory_space<hbm>>) target_semaphore(%run_scoped3A_47 : memref<!tpu.dma_semaphore, #tpu.memory_space<semaphore_mem>>)
      %dma_wait3A_49 = tpu.memref_slice %arg7[%add3A_46] : memref<20480xf32, #tpu.memory_space<hbm>> -> memref<640xf32, #tpu.memory_space<hbm>>
      %dma_wait3A_50 = tpu.memref_slice %arg11[%mul3A_41] : memref<10240xf32, #tpu.memory_space<vmem_shared>> -> memref<640xf32, #tpu.memory_space<vmem_shared>>
      tpu.wait_dma2 semaphore(%run_scoped3A_47 : memref<!tpu.dma_semaphore, #tpu.memory_space<semaphore_mem>>) src(%dma_wait3A_50 : memref<640xf32, #tpu.memory_space<vmem_shared>>) dst(%dma_wait3A_49 : memref<640xf32, #tpu.memory_space<hbm>>)
      tpu.yield
    }) : () -> ()
    return
  }
}

#map = affine_map<(d0, d1) -> (0, 0, 0)>
#map1 = affine_map<(d0, d1) -> (0)>
module attributes {stable_mosaic.version = 14 : i64} {
  func.func @_lay1_body(%arg0: i32, %arg1: i32, %arg2: memref<2x2560x128xi32, #tpu.memory_space<hbm>>, %arg3: memref<10240xf32, #tpu.memory_space<hbm>>, %arg4: memref<10240xf32, #tpu.memory_space<hbm>>, %arg5: memref<10240xf32, #tpu.memory_space<hbm>>, %arg6: memref<32xf32, #tpu.memory_space<hbm>>, %arg7: memref<128xf32, #tpu.memory_space<hbm>>, %arg8: memref<2048xf32, #tpu.memory_space<hbm>>, %arg9: memref<2048xf32, #tpu.memory_space<hbm>>, %arg10: memref<80x128xi32, #tpu.memory_space<vmem>>, %arg11: memref<80x128xi32, #tpu.memory_space<vmem>>, %arg12: memref<160x128xi32, #tpu.memory_space<vmem>>, %arg13: memref<20608xi32, #tpu.memory_space<vmem>>, %arg14: memref<20608xi32, #tpu.memory_space<vmem>>, %arg15: memref<128xf32, #tpu.memory_space<vmem>>, %arg16: memref<128xf32, #tpu.memory_space<vmem>>, %arg17: memref<10240xf32, #tpu.memory_space<vmem>>, %arg18: memref<10240xf32, #tpu.memory_space<vmem>>, %arg19: memref<128xf32, #tpu.memory_space<vmem>>, %arg20: memref<128xf32, #tpu.memory_space<vmem>>, %arg21: memref<128xf32, #tpu.memory_space<vmem>>, %arg22: memref<128xf32, #tpu.memory_space<vmem>>, %arg23: memref<128xf32, #tpu.memory_space<vmem>>, %arg24: memref<32xf32, #tpu.memory_space<vmem>>, %arg25: memref<2048xf32, #tpu.memory_space<vmem_shared>>, %arg26: memref<2048xf32, #tpu.memory_space<vmem_shared>>) attributes {dimension_semantics = [#tpu.dimension_semantics<core_parallel>, #tpu.dimension_semantics<subcore_parallel>], iteration_bounds = array<i64: 2, 16>, scalar_prefetch = 0 : i64, scratch_operands = 17 : i64, tpu.core_type = #tpu.core_type<sc_vector_subcore>, window_params = [{transform_indices = #map}, {transform_indices = #map1}, {transform_indices = #map1}, {transform_indices = #map1}, {transform_indices = #map1}, {transform_indices = #map1}, {transform_indices = #map1}, {transform_indices = #map1}]} {
    %eq3A = arith.constant 0 : i32
    %eq3A_0 = arith.cmpi eq, %arg0, %eq3A : i32
    %convert_element_type3A = arith.extui %eq3A_0 : i1 to i32
    %cond3A = arith.constant 0 : i32
    %cond3A_1 = arith.cmpi ne, %convert_element_type3A, %cond3A : i32
    scf.if %cond3A_1 {
      %mul3A = arith.constant 128 : i32
      %mul3A_2 = arith.muli %arg1, %mul3A : i32
      "tpu.region"() ({
        %run_scoped3A_222 = tpu.sem_alloc : memref<!tpu.dma_semaphore, #tpu.memory_space<semaphore_mem>>
        %dma_start3A = tpu.memref_slice %arg25[%mul3A_2] : memref<2048xf32, #tpu.memory_space<vmem_shared>> -> memref<128xf32, #tpu.memory_space<vmem_shared>>
        tpu.enqueue_dma source(%arg7 : memref<128xf32, #tpu.memory_space<hbm>>) target(%dma_start3A : memref<128xf32, #tpu.memory_space<vmem_shared>>) target_semaphore(%run_scoped3A_222 : memref<!tpu.dma_semaphore, #tpu.memory_space<semaphore_mem>>)
        %dma_wait3A = tpu.memref_slice %arg25[%mul3A_2] : memref<2048xf32, #tpu.memory_space<vmem_shared>> -> memref<128xf32, #tpu.memory_space<vmem_shared>>
        tpu.wait_dma2 semaphore(%run_scoped3A_222 : memref<!tpu.dma_semaphore, #tpu.memory_space<semaphore_mem>>) src(%arg7 : memref<128xf32, #tpu.memory_space<hbm>>) dst(%dma_wait3A : memref<128xf32, #tpu.memory_space<vmem_shared>>)
        tpu.yield
      }) : () -> ()
      %mul3A_3 = arith.constant 128 : i32
      %mul3A_4 = arith.muli %arg1, %mul3A_3 : i32
      "tpu.region"() ({
        %run_scoped3A_222 = tpu.sem_alloc : memref<!tpu.dma_semaphore, #tpu.memory_space<semaphore_mem>>
        %dma_start3A = tpu.memref_slice %arg26[%mul3A_4] : memref<2048xf32, #tpu.memory_space<vmem_shared>> -> memref<128xf32, #tpu.memory_space<vmem_shared>>
        tpu.enqueue_dma source(%arg7 : memref<128xf32, #tpu.memory_space<hbm>>) target(%dma_start3A : memref<128xf32, #tpu.memory_space<vmem_shared>>) target_semaphore(%run_scoped3A_222 : memref<!tpu.dma_semaphore, #tpu.memory_space<semaphore_mem>>)
        %dma_wait3A = tpu.memref_slice %arg26[%mul3A_4] : memref<2048xf32, #tpu.memory_space<vmem_shared>> -> memref<128xf32, #tpu.memory_space<vmem_shared>>
        tpu.wait_dma2 semaphore(%run_scoped3A_222 : memref<!tpu.dma_semaphore, #tpu.memory_space<semaphore_mem>>) src(%arg7 : memref<128xf32, #tpu.memory_space<hbm>>) dst(%dma_wait3A : memref<128xf32, #tpu.memory_space<vmem_shared>>)
        tpu.yield
      }) : () -> ()
      "tpu.region"() ({
        %run_scoped3A_222 = tpu.sem_alloc : memref<!tpu.dma_semaphore, #tpu.memory_space<semaphore_mem>>
        tpu.enqueue_dma source(%arg3 : memref<10240xf32, #tpu.memory_space<hbm>>) target(%arg17 : memref<10240xf32, #tpu.memory_space<vmem>>) target_semaphore(%run_scoped3A_222 : memref<!tpu.dma_semaphore, #tpu.memory_space<semaphore_mem>>)
        tpu.wait_dma2 semaphore(%run_scoped3A_222 : memref<!tpu.dma_semaphore, #tpu.memory_space<semaphore_mem>>) src(%arg3 : memref<10240xf32, #tpu.memory_space<hbm>>) dst(%arg17 : memref<10240xf32, #tpu.memory_space<vmem>>)
        tpu.yield
      }) : () -> ()
      "tpu.region"() ({
        %run_scoped3A_222 = tpu.sem_alloc : memref<!tpu.dma_semaphore, #tpu.memory_space<semaphore_mem>>
        tpu.enqueue_dma source(%arg4 : memref<10240xf32, #tpu.memory_space<hbm>>) target(%arg18 : memref<10240xf32, #tpu.memory_space<vmem>>) target_semaphore(%run_scoped3A_222 : memref<!tpu.dma_semaphore, #tpu.memory_space<semaphore_mem>>)
        tpu.wait_dma2 semaphore(%run_scoped3A_222 : memref<!tpu.dma_semaphore, #tpu.memory_space<semaphore_mem>>) src(%arg4 : memref<10240xf32, #tpu.memory_space<hbm>>) dst(%arg18 : memref<10240xf32, #tpu.memory_space<vmem>>)
        tpu.yield
      }) : () -> ()
      %barrier3A = arith.constant 0 : index
      tpu.barrier barrier_id(%barrier3A)
      %iota3A = tpu.iota {dimensions = array<i32: 0>} : vector<16xi32>
      %mul3A_5 = arith.constant 160 : i32
      %mul3A_6 = arith.muli %arg1, %mul3A_5 : i32
      %add3A = arith.constant 0 : i32
      %add3A_7 = arith.addi %mul3A_6, %add3A : i32
      %run_scoped3A = arith.constant 0 : i32
      "tpu.region"() ({
        %run_scoped3A_222 = tpu.sem_alloc : memref<!tpu.dma_semaphore, #tpu.memory_space<semaphore_mem>>
        %dma_start3A = arith.constant 0 : i32
        %dma_start3A_223 = tpu.memref_slice %arg2[%run_scoped3A, %add3A_7, %dma_start3A] : memref<2x2560x128xi32, #tpu.memory_space<hbm>> -> memref<1x80x128xi32, #tpu.memory_space<hbm>>
        %dma_start3A_224 = tpu.memref_squeeze %dma_start3A_223 : memref<1x80x128xi32, #tpu.memory_space<hbm>> -> memref<80x128xi32, #tpu.memory_space<hbm>>
        %dma_start3A_225 = arith.constant 0 : i32
        %dma_start3A_226 = tpu.memref_slice %arg2[%run_scoped3A, %add3A_7, %dma_start3A_225] : memref<2x2560x128xi32, #tpu.memory_space<hbm>> -> memref<1x80x128xi32, #tpu.memory_space<hbm>>
        %dma_start3A_227 = tpu.memref_squeeze %dma_start3A_226 : memref<1x80x128xi32, #tpu.memory_space<hbm>> -> memref<80x128xi32, #tpu.memory_space<hbm>>
        tpu.enqueue_dma source(%dma_start3A_227 : memref<80x128xi32, #tpu.memory_space<hbm>>) target(%arg10 : memref<80x128xi32, #tpu.memory_space<vmem>>) target_semaphore(%run_scoped3A_222 : memref<!tpu.dma_semaphore, #tpu.memory_space<semaphore_mem>>)
        %dma_wait3A = arith.constant 0 : i32
        %dma_wait3A_228 = tpu.memref_slice %arg2[%run_scoped3A, %add3A_7, %dma_wait3A] : memref<2x2560x128xi32, #tpu.memory_space<hbm>> -> memref<1x80x128xi32, #tpu.memory_space<hbm>>
        %dma_wait3A_229 = tpu.memref_squeeze %dma_wait3A_228 : memref<1x80x128xi32, #tpu.memory_space<hbm>> -> memref<80x128xi32, #tpu.memory_space<hbm>>
        %dma_wait3A_230 = arith.constant 0 : i32
        %dma_wait3A_231 = tpu.memref_slice %arg2[%run_scoped3A, %add3A_7, %dma_wait3A_230] : memref<2x2560x128xi32, #tpu.memory_space<hbm>> -> memref<1x80x128xi32, #tpu.memory_space<hbm>>
        %dma_wait3A_232 = tpu.memref_squeeze %dma_wait3A_231 : memref<1x80x128xi32, #tpu.memory_space<hbm>> -> memref<80x128xi32, #tpu.memory_space<hbm>>
        tpu.wait_dma2 semaphore(%run_scoped3A_222 : memref<!tpu.dma_semaphore, #tpu.memory_space<semaphore_mem>>) src(%dma_wait3A_232 : memref<80x128xi32, #tpu.memory_space<hbm>>) dst(%arg10 : memref<80x128xi32, #tpu.memory_space<vmem>>)
        tpu.yield
      }) : () -> ()
      %run_scoped3A_8 = arith.constant 1 : i32
      "tpu.region"() ({
        %run_scoped3A_222 = tpu.sem_alloc : memref<!tpu.dma_semaphore, #tpu.memory_space<semaphore_mem>>
        %dma_start3A = arith.constant 0 : i32
        %dma_start3A_223 = tpu.memref_slice %arg2[%run_scoped3A_8, %add3A_7, %dma_start3A] : memref<2x2560x128xi32, #tpu.memory_space<hbm>> -> memref<1x80x128xi32, #tpu.memory_space<hbm>>
        %dma_start3A_224 = tpu.memref_squeeze %dma_start3A_223 : memref<1x80x128xi32, #tpu.memory_space<hbm>> -> memref<80x128xi32, #tpu.memory_space<hbm>>
        %dma_start3A_225 = arith.constant 0 : i32
        %dma_start3A_226 = tpu.memref_slice %arg2[%run_scoped3A_8, %add3A_7, %dma_start3A_225] : memref<2x2560x128xi32, #tpu.memory_space<hbm>> -> memref<1x80x128xi32, #tpu.memory_space<hbm>>
        %dma_start3A_227 = tpu.memref_squeeze %dma_start3A_226 : memref<1x80x128xi32, #tpu.memory_space<hbm>> -> memref<80x128xi32, #tpu.memory_space<hbm>>
        tpu.enqueue_dma source(%dma_start3A_227 : memref<80x128xi32, #tpu.memory_space<hbm>>) target(%arg11 : memref<80x128xi32, #tpu.memory_space<vmem>>) target_semaphore(%run_scoped3A_222 : memref<!tpu.dma_semaphore, #tpu.memory_space<semaphore_mem>>)
        %dma_wait3A = arith.constant 0 : i32
        %dma_wait3A_228 = tpu.memref_slice %arg2[%run_scoped3A_8, %add3A_7, %dma_wait3A] : memref<2x2560x128xi32, #tpu.memory_space<hbm>> -> memref<1x80x128xi32, #tpu.memory_space<hbm>>
        %dma_wait3A_229 = tpu.memref_squeeze %dma_wait3A_228 : memref<1x80x128xi32, #tpu.memory_space<hbm>> -> memref<80x128xi32, #tpu.memory_space<hbm>>
        %dma_wait3A_230 = arith.constant 0 : i32
        %dma_wait3A_231 = tpu.memref_slice %arg2[%run_scoped3A_8, %add3A_7, %dma_wait3A_230] : memref<2x2560x128xi32, #tpu.memory_space<hbm>> -> memref<1x80x128xi32, #tpu.memory_space<hbm>>
        %dma_wait3A_232 = tpu.memref_squeeze %dma_wait3A_231 : memref<1x80x128xi32, #tpu.memory_space<hbm>> -> memref<80x128xi32, #tpu.memory_space<hbm>>
        tpu.wait_dma2 semaphore(%run_scoped3A_222 : memref<!tpu.dma_semaphore, #tpu.memory_space<semaphore_mem>>) src(%dma_wait3A_232 : memref<80x128xi32, #tpu.memory_space<hbm>>) dst(%arg11 : memref<80x128xi32, #tpu.memory_space<vmem>>)
        tpu.yield
      }) : () -> ()
      %scan3A = arith.constant 0 : i32
      %scan3A_9 = arith.constant 0 : i32
      %scan3A_10 = arith.constant 80 : i32
      %scan3A_11 = arith.addi %scan3A_9, %scan3A_10 : i32
      %scan3A_12 = arith.constant 1 : i32
      %scan3A_13 = scf.for %scan3A_222 = %scan3A_9 to %scan3A_11 step %scan3A_12 iter_args(%scan3A_223 = %scan3A) -> (i32)  : i32 {
        %scan3A_224 = arith.constant 0 : i32
        %scan3A_225 = arith.constant 8 : i32
        %scan3A_226 = arith.addi %scan3A_224, %scan3A_225 : i32
        %scan3A_227 = arith.constant 1 : i32
        %scan3A_228 = scf.for %scan3A_230 = %scan3A_224 to %scan3A_226 step %scan3A_227 iter_args(%scan3A_231 = %scan3A_223) -> (i32)  : i32 {
          %mul3A_232 = arith.constant 16 : i32
          %mul3A_233 = arith.muli %scan3A_230, %mul3A_232 : i32
          %get3A = arith.index_cast %scan3A_222 : i32 to index
          %get3A_234 = arith.index_cast %mul3A_233 : i32 to index
          %get3A_235 = tpu.vector_load %arg10[%get3A, %get3A_234] {strides = array<i32>} : memref<80x128xi32, #tpu.memory_space<vmem>>, vector<16xi32>,
          %mul3A_236 = arith.constant 16 : i32
          %mul3A_237 = arith.muli %scan3A_230, %mul3A_236 : i32
          %get3A_238 = arith.index_cast %scan3A_222 : i32 to index
          %get3A_239 = arith.index_cast %mul3A_237 : i32 to index
          %get3A_240 = tpu.vector_load %arg11[%get3A_238, %get3A_239] {strides = array<i32>} : memref<80x128xi32, #tpu.memory_space<vmem>>, vector<16xi32>,
          %ge3A = arith.constant 8000 : i32
          %ge3A_241 = vector.broadcast %ge3A : i32 to vector<16xi32>
          %ge3A_242 = arith.cmpi sge, %get3A_240, %ge3A_241 : vector<16xi32>
          %lt3A_243 = arith.constant 10000 : i32
          %lt3A_244 = vector.broadcast %lt3A_243 : i32 to vector<16xi32>
          %lt3A_245 = arith.cmpi slt, %get3A_240, %lt3A_244 : vector<16xi32>
          %and3A_246 = arith.andi %ge3A_242, %lt3A_245 : vector<16xi1>
          %swap3A_247 = arith.index_cast %scan3A_231 : i32 to index
          %swap3A_248 = tpu.vector_load %arg13[%swap3A_247] masked %and3A_246 {strides = array<i32>} : memref<20608xi32, #tpu.memory_space<vmem>>, vector<16xi32>, vector<16xi1>
          tpu.vector_store %arg13[%swap3A_247], %get3A_235 masked %and3A_246 {strides = array<i32>} : memref<20608xi32, #tpu.memory_space<vmem>>, vector<16xi32>, vector<16xi1>
          %sub3A_249 = arith.constant 8000 : i32
          %sub3A_250 = vector.broadcast %sub3A_249 : i32 to vector<16xi32>
          %sub3A_251 = arith.subi %get3A_240, %sub3A_250 : vector<16xi32>
          %swap3A_252 = arith.index_cast %scan3A_231 : i32 to index
          %swap3A_253 = tpu.vector_load %arg14[%swap3A_252] masked %and3A_246 {strides = array<i32>} : memref<20608xi32, #tpu.memory_space<vmem>>, vector<16xi32>, vector<16xi1>
          tpu.vector_store %arg14[%swap3A_252], %sub3A_251 masked %and3A_246 {strides = array<i32>} : memref<20608xi32, #tpu.memory_space<vmem>>, vector<16xi32>, vector<16xi1>
          %all_reduce_population_count3A = tpu.all_reduce %and3A_246 {dim = 0 : i64, kind = #tpu.reduction_kind<sum>} : vector<16xi1> -> vector<16xi32>
          %reduce_max3A = arith.constant true
          %reduce_max3A_254 = vector.broadcast %reduce_max3A : i1 to vector<16xi1>
          %reduce_max3A_255 = arith.constant -2147483648 : i32
          %reduce_max3A_256 = vector.broadcast %reduce_max3A_255 : i32 to vector<16xi32>
          %reduce_max3A_257 = arith.xori %all_reduce_population_count3A, %reduce_max3A_256 : vector<16xi32>
          %reduce_max3A_258 = tpu.scan <max>, %reduce_max3A_257 masked %reduce_max3A_254 : vector<16xi32>, vector<16xi1> -> vector<16xi32>
          %reduce_max3A_259 = arith.xori %reduce_max3A_258, %reduce_max3A_256 : vector<16xi32>
          %reduce_max3A_260 = vector.extract %reduce_max3A_259[15] : i32 from vector<16xi32>
          %add3A_261 = arith.addi %scan3A_231, %reduce_max3A_260 : i32
          scf.yield %add3A_261 : i32
        }
        %scan3A_229 = arith.constant 8 : i32
        scf.yield %scan3A_228 : i32
      }
      %scan3A_14 = arith.constant 80 : i32
      %mul3A_15 = arith.constant 160 : i32
      %mul3A_16 = arith.muli %arg1, %mul3A_15 : i32
      %add3A_17 = arith.constant 80 : i32
      %add3A_18 = arith.addi %mul3A_16, %add3A_17 : i32
      %run_scoped3A_19 = arith.constant 0 : i32
      "tpu.region"() ({
        %run_scoped3A_222 = tpu.sem_alloc : memref<!tpu.dma_semaphore, #tpu.memory_space<semaphore_mem>>
        %dma_start3A = arith.constant 0 : i32
        %dma_start3A_223 = tpu.memref_slice %arg2[%run_scoped3A_19, %add3A_18, %dma_start3A] : memref<2x2560x128xi32, #tpu.memory_space<hbm>> -> memref<1x80x128xi32, #tpu.memory_space<hbm>>
        %dma_start3A_224 = tpu.memref_squeeze %dma_start3A_223 : memref<1x80x128xi32, #tpu.memory_space<hbm>> -> memref<80x128xi32, #tpu.memory_space<hbm>>
        %dma_start3A_225 = arith.constant 0 : i32
        %dma_start3A_226 = tpu.memref_slice %arg2[%run_scoped3A_19, %add3A_18, %dma_start3A_225] : memref<2x2560x128xi32, #tpu.memory_space<hbm>> -> memref<1x80x128xi32, #tpu.memory_space<hbm>>
        %dma_start3A_227 = tpu.memref_squeeze %dma_start3A_226 : memref<1x80x128xi32, #tpu.memory_space<hbm>> -> memref<80x128xi32, #tpu.memory_space<hbm>>
        tpu.enqueue_dma source(%dma_start3A_227 : memref<80x128xi32, #tpu.memory_space<hbm>>) target(%arg10 : memref<80x128xi32, #tpu.memory_space<vmem>>) target_semaphore(%run_scoped3A_222 : memref<!tpu.dma_semaphore, #tpu.memory_space<semaphore_mem>>)
        %dma_wait3A = arith.constant 0 : i32
        %dma_wait3A_228 = tpu.memref_slice %arg2[%run_scoped3A_19, %add3A_18, %dma_wait3A] : memref<2x2560x128xi32, #tpu.memory_space<hbm>> -> memref<1x80x128xi32, #tpu.memory_space<hbm>>
        %dma_wait3A_229 = tpu.memref_squeeze %dma_wait3A_228 : memref<1x80x128xi32, #tpu.memory_space<hbm>> -> memref<80x128xi32, #tpu.memory_space<hbm>>
        %dma_wait3A_230 = arith.constant 0 : i32
        %dma_wait3A_231 = tpu.memref_slice %arg2[%run_scoped3A_19, %add3A_18, %dma_wait3A_230] : memref<2x2560x128xi32, #tpu.memory_space<hbm>> -> memref<1x80x128xi32, #tpu.memory_space<hbm>>
        %dma_wait3A_232 = tpu.memref_squeeze %dma_wait3A_231 : memref<1x80x128xi32, #tpu.memory_space<hbm>> -> memref<80x128xi32, #tpu.memory_space<hbm>>
        tpu.wait_dma2 semaphore(%run_scoped3A_222 : memref<!tpu.dma_semaphore, #tpu.memory_space<semaphore_mem>>) src(%dma_wait3A_232 : memref<80x128xi32, #tpu.memory_space<hbm>>) dst(%arg10 : memref<80x128xi32, #tpu.memory_space<vmem>>)
        tpu.yield
      }) : () -> ()
      %run_scoped3A_20 = arith.constant 1 : i32
      "tpu.region"() ({
        %run_scoped3A_222 = tpu.sem_alloc : memref<!tpu.dma_semaphore, #tpu.memory_space<semaphore_mem>>
        %dma_start3A = arith.constant 0 : i32
        %dma_start3A_223 = tpu.memref_slice %arg2[%run_scoped3A_20, %add3A_18, %dma_start3A] : memref<2x2560x128xi32, #tpu.memory_space<hbm>> -> memref<1x80x128xi32, #tpu.memory_space<hbm>>
        %dma_start3A_224 = tpu.memref_squeeze %dma_start3A_223 : memref<1x80x128xi32, #tpu.memory_space<hbm>> -> memref<80x128xi32, #tpu.memory_space<hbm>>
        %dma_start3A_225 = arith.constant 0 : i32
        %dma_start3A_226 = tpu.memref_slice %arg2[%run_scoped3A_20, %add3A_18, %dma_start3A_225] : memref<2x2560x128xi32, #tpu.memory_space<hbm>> -> memref<1x80x128xi32, #tpu.memory_space<hbm>>
        %dma_start3A_227 = tpu.memref_squeeze %dma_start3A_226 : memref<1x80x128xi32, #tpu.memory_space<hbm>> -> memref<80x128xi32, #tpu.memory_space<hbm>>
        tpu.enqueue_dma source(%dma_start3A_227 : memref<80x128xi32, #tpu.memory_space<hbm>>) target(%arg11 : memref<80x128xi32, #tpu.memory_space<vmem>>) target_semaphore(%run_scoped3A_222 : memref<!tpu.dma_semaphore, #tpu.memory_space<semaphore_mem>>)
        %dma_wait3A = arith.constant 0 : i32
        %dma_wait3A_228 = tpu.memref_slice %arg2[%run_scoped3A_20, %add3A_18, %dma_wait3A] : memref<2x2560x128xi32, #tpu.memory_space<hbm>> -> memref<1x80x128xi32, #tpu.memory_space<hbm>>
        %dma_wait3A_229 = tpu.memref_squeeze %dma_wait3A_228 : memref<1x80x128xi32, #tpu.memory_space<hbm>> -> memref<80x128xi32, #tpu.memory_space<hbm>>
        %dma_wait3A_230 = arith.constant 0 : i32
        %dma_wait3A_231 = tpu.memref_slice %arg2[%run_scoped3A_20, %add3A_18, %dma_wait3A_230] : memref<2x2560x128xi32, #tpu.memory_space<hbm>> -> memref<1x80x128xi32, #tpu.memory_space<hbm>>
        %dma_wait3A_232 = tpu.memref_squeeze %dma_wait3A_231 : memref<1x80x128xi32, #tpu.memory_space<hbm>> -> memref<80x128xi32, #tpu.memory_space<hbm>>
        tpu.wait_dma2 semaphore(%run_scoped3A_222 : memref<!tpu.dma_semaphore, #tpu.memory_space<semaphore_mem>>) src(%dma_wait3A_232 : memref<80x128xi32, #tpu.memory_space<hbm>>) dst(%arg11 : memref<80x128xi32, #tpu.memory_space<vmem>>)
        tpu.yield
      }) : () -> ()
      %scan3A_21 = arith.constant 0 : i32
      %scan3A_22 = arith.constant 80 : i32
      %scan3A_23 = arith.addi %scan3A_21, %scan3A_22 : i32
      %scan3A_24 = arith.constant 1 : i32
      %scan3A_25 = scf.for %scan3A_222 = %scan3A_21 to %scan3A_23 step %scan3A_24 iter_args(%scan3A_223 = %scan3A_13) -> (i32)  : i32 {
        %scan3A_224 = arith.constant 0 : i32
        %scan3A_225 = arith.constant 8 : i32
        %scan3A_226 = arith.addi %scan3A_224, %scan3A_225 : i32
        %scan3A_227 = arith.constant 1 : i32
        %scan3A_228 = scf.for %scan3A_230 = %scan3A_224 to %scan3A_226 step %scan3A_227 iter_args(%scan3A_231 = %scan3A_223) -> (i32)  : i32 {
          %mul3A_232 = arith.constant 16 : i32
          %mul3A_233 = arith.muli %scan3A_230, %mul3A_232 : i32
          %get3A = arith.index_cast %scan3A_222 : i32 to index
          %get3A_234 = arith.index_cast %mul3A_233 : i32 to index
          %get3A_235 = tpu.vector_load %arg10[%get3A, %get3A_234] {strides = array<i32>} : memref<80x128xi32, #tpu.memory_space<vmem>>, vector<16xi32>,
          %mul3A_236 = arith.constant 16 : i32
          %mul3A_237 = arith.muli %scan3A_230, %mul3A_236 : i32
          %get3A_238 = arith.index_cast %scan3A_222 : i32 to index
          %get3A_239 = arith.index_cast %mul3A_237 : i32 to index
          %get3A_240 = tpu.vector_load %arg11[%get3A_238, %get3A_239] {strides = array<i32>} : memref<80x128xi32, #tpu.memory_space<vmem>>, vector<16xi32>,
          %ge3A = arith.constant 8000 : i32
          %ge3A_241 = vector.broadcast %ge3A : i32 to vector<16xi32>
          %ge3A_242 = arith.cmpi sge, %get3A_240, %ge3A_241 : vector<16xi32>
          %lt3A_243 = arith.constant 10000 : i32
          %lt3A_244 = vector.broadcast %lt3A_243 : i32 to vector<16xi32>
          %lt3A_245 = arith.cmpi slt, %get3A_240, %lt3A_244 : vector<16xi32>
          %and3A_246 = arith.andi %ge3A_242, %lt3A_245 : vector<16xi1>
          %swap3A_247 = arith.index_cast %scan3A_231 : i32 to index
          %swap3A_248 = tpu.vector_load %arg13[%swap3A_247] masked %and3A_246 {strides = array<i32>} : memref<20608xi32, #tpu.memory_space<vmem>>, vector<16xi32>, vector<16xi1>
          tpu.vector_store %arg13[%swap3A_247], %get3A_235 masked %and3A_246 {strides = array<i32>} : memref<20608xi32, #tpu.memory_space<vmem>>, vector<16xi32>, vector<16xi1>
          %sub3A_249 = arith.constant 8000 : i32
          %sub3A_250 = vector.broadcast %sub3A_249 : i32 to vector<16xi32>
          %sub3A_251 = arith.subi %get3A_240, %sub3A_250 : vector<16xi32>
          %swap3A_252 = arith.index_cast %scan3A_231 : i32 to index
          %swap3A_253 = tpu.vector_load %arg14[%swap3A_252] masked %and3A_246 {strides = array<i32>} : memref<20608xi32, #tpu.memory_space<vmem>>, vector<16xi32>, vector<16xi1>
          tpu.vector_store %arg14[%swap3A_252], %sub3A_251 masked %and3A_246 {strides = array<i32>} : memref<20608xi32, #tpu.memory_space<vmem>>, vector<16xi32>, vector<16xi1>
          %all_reduce_population_count3A = tpu.all_reduce %and3A_246 {dim = 0 : i64, kind = #tpu.reduction_kind<sum>} : vector<16xi1> -> vector<16xi32>
          %reduce_max3A = arith.constant true
          %reduce_max3A_254 = vector.broadcast %reduce_max3A : i1 to vector<16xi1>
          %reduce_max3A_255 = arith.constant -2147483648 : i32
          %reduce_max3A_256 = vector.broadcast %reduce_max3A_255 : i32 to vector<16xi32>
          %reduce_max3A_257 = arith.xori %all_reduce_population_count3A, %reduce_max3A_256 : vector<16xi32>
          %reduce_max3A_258 = tpu.scan <max>, %reduce_max3A_257 masked %reduce_max3A_254 : vector<16xi32>, vector<16xi1> -> vector<16xi32>
          %reduce_max3A_259 = arith.xori %reduce_max3A_258, %reduce_max3A_256 : vector<16xi32>
          %reduce_max3A_260 = vector.extract %reduce_max3A_259[15] : i32 from vector<16xi32>
          %add3A_261 = arith.addi %scan3A_231, %reduce_max3A_260 : i32
          scf.yield %add3A_261 : i32
        }
        %scan3A_229 = arith.constant 8 : i32
        scf.yield %scan3A_228 : i32
      }
      %scan3A_26 = arith.constant 80 : i32
      %lt3A = arith.constant 16 : i32
      %lt3A_27 = vector.broadcast %lt3A : i32 to vector<16xi32>
      %lt3A_28 = arith.cmpi slt, %iota3A, %lt3A_27 : vector<16xi32>
      %add3A_29 = arith.constant 0 : i32
      %add3A_30 = arith.addi %scan3A_25, %add3A_29 : i32
      %swap3A = arith.index_cast %add3A_30 : i32 to index
      %swap3A_31 = tpu.vector_load %arg13[%swap3A] masked %lt3A_28 {strides = array<i32>} : memref<20608xi32, #tpu.memory_space<vmem>>, vector<16xi32>, vector<16xi1>
      tpu.vector_store %arg13[%swap3A], %iota3A masked %lt3A_28 {strides = array<i32>} : memref<20608xi32, #tpu.memory_space<vmem>>, vector<16xi32>, vector<16xi1>
      %add3A_32 = arith.constant 0 : i32
      %add3A_33 = arith.addi %scan3A_25, %add3A_32 : i32
      %add3A_34 = arith.constant 0 : i32
      %add3A_35 = vector.broadcast %add3A_34 : i32 to vector<16xi32>
      %add3A_36 = arith.addi %iota3A, %add3A_35 : vector<16xi32>
      %and3A = arith.constant 31 : i32
      %and3A_37 = vector.broadcast %and3A : i32 to vector<16xi32>
      %and3A_38 = arith.andi %add3A_36, %and3A_37 : vector<16xi32>
      %add3A_39 = arith.constant 2000 : i32
      %add3A_40 = vector.broadcast %add3A_39 : i32 to vector<16xi32>
      %add3A_41 = arith.addi %add3A_40, %and3A_38 : vector<16xi32>
      %swap3A_42 = arith.index_cast %add3A_33 : i32 to index
      %swap3A_43 = tpu.vector_load %arg14[%swap3A_42] masked %lt3A_28 {strides = array<i32>} : memref<20608xi32, #tpu.memory_space<vmem>>, vector<16xi32>, vector<16xi1>
      tpu.vector_store %arg14[%swap3A_42], %add3A_41 masked %lt3A_28 {strides = array<i32>} : memref<20608xi32, #tpu.memory_space<vmem>>, vector<16xi32>, vector<16xi1>
      %add3A_44 = arith.constant 16 : i32
      %add3A_45 = arith.addi %scan3A_25, %add3A_44 : i32
      %swap3A_46 = arith.index_cast %add3A_45 : i32 to index
      %swap3A_47 = tpu.vector_load %arg13[%swap3A_46] masked %lt3A_28 {strides = array<i32>} : memref<20608xi32, #tpu.memory_space<vmem>>, vector<16xi32>, vector<16xi1>
      tpu.vector_store %arg13[%swap3A_46], %iota3A masked %lt3A_28 {strides = array<i32>} : memref<20608xi32, #tpu.memory_space<vmem>>, vector<16xi32>, vector<16xi1>
      %add3A_48 = arith.constant 16 : i32
      %add3A_49 = arith.addi %scan3A_25, %add3A_48 : i32
      %add3A_50 = arith.constant 16 : i32
      %add3A_51 = vector.broadcast %add3A_50 : i32 to vector<16xi32>
      %add3A_52 = arith.addi %iota3A, %add3A_51 : vector<16xi32>
      %and3A_53 = arith.constant 31 : i32
      %and3A_54 = vector.broadcast %and3A_53 : i32 to vector<16xi32>
      %and3A_55 = arith.andi %add3A_52, %and3A_54 : vector<16xi32>
      %add3A_56 = arith.constant 2000 : i32
      %add3A_57 = vector.broadcast %add3A_56 : i32 to vector<16xi32>
      %add3A_58 = arith.addi %add3A_57, %and3A_55 : vector<16xi32>
      %swap3A_59 = arith.index_cast %add3A_49 : i32 to index
      %swap3A_60 = tpu.vector_load %arg14[%swap3A_59] masked %lt3A_28 {strides = array<i32>} : memref<20608xi32, #tpu.memory_space<vmem>>, vector<16xi32>, vector<16xi1>
      tpu.vector_store %arg14[%swap3A_59], %add3A_58 masked %lt3A_28 {strides = array<i32>} : memref<20608xi32, #tpu.memory_space<vmem>>, vector<16xi32>, vector<16xi1>
      %add3A_61 = arith.constant 32 : i32
      %add3A_62 = arith.addi %scan3A_25, %add3A_61 : i32
      %swap3A_63 = arith.index_cast %add3A_62 : i32 to index
      %swap3A_64 = tpu.vector_load %arg13[%swap3A_63] masked %lt3A_28 {strides = array<i32>} : memref<20608xi32, #tpu.memory_space<vmem>>, vector<16xi32>, vector<16xi1>
      tpu.vector_store %arg13[%swap3A_63], %iota3A masked %lt3A_28 {strides = array<i32>} : memref<20608xi32, #tpu.memory_space<vmem>>, vector<16xi32>, vector<16xi1>
      %add3A_65 = arith.constant 32 : i32
      %add3A_66 = arith.addi %scan3A_25, %add3A_65 : i32
      %add3A_67 = arith.constant 32 : i32
      %add3A_68 = vector.broadcast %add3A_67 : i32 to vector<16xi32>
      %add3A_69 = arith.addi %iota3A, %add3A_68 : vector<16xi32>
      %and3A_70 = arith.constant 31 : i32
      %and3A_71 = vector.broadcast %and3A_70 : i32 to vector<16xi32>
      %and3A_72 = arith.andi %add3A_69, %and3A_71 : vector<16xi32>
      %add3A_73 = arith.constant 2000 : i32
      %add3A_74 = vector.broadcast %add3A_73 : i32 to vector<16xi32>
      %add3A_75 = arith.addi %add3A_74, %and3A_72 : vector<16xi32>
      %swap3A_76 = arith.index_cast %add3A_66 : i32 to index
      %swap3A_77 = tpu.vector_load %arg14[%swap3A_76] masked %lt3A_28 {strides = array<i32>} : memref<20608xi32, #tpu.memory_space<vmem>>, vector<16xi32>, vector<16xi1>
      tpu.vector_store %arg14[%swap3A_76], %add3A_75 masked %lt3A_28 {strides = array<i32>} : memref<20608xi32, #tpu.memory_space<vmem>>, vector<16xi32>, vector<16xi1>
      %add3A_78 = arith.constant 48 : i32
      %add3A_79 = arith.addi %scan3A_25, %add3A_78 : i32
      %swap3A_80 = arith.index_cast %add3A_79 : i32 to index
      %swap3A_81 = tpu.vector_load %arg13[%swap3A_80] masked %lt3A_28 {strides = array<i32>} : memref<20608xi32, #tpu.memory_space<vmem>>, vector<16xi32>, vector<16xi1>
      tpu.vector_store %arg13[%swap3A_80], %iota3A masked %lt3A_28 {strides = array<i32>} : memref<20608xi32, #tpu.memory_space<vmem>>, vector<16xi32>, vector<16xi1>
      %add3A_82 = arith.constant 48 : i32
      %add3A_83 = arith.addi %scan3A_25, %add3A_82 : i32
      %add3A_84 = arith.constant 48 : i32
      %add3A_85 = vector.broadcast %add3A_84 : i32 to vector<16xi32>
      %add3A_86 = arith.addi %iota3A, %add3A_85 : vector<16xi32>
      %and3A_87 = arith.constant 31 : i32
      %and3A_88 = vector.broadcast %and3A_87 : i32 to vector<16xi32>
      %and3A_89 = arith.andi %add3A_86, %and3A_88 : vector<16xi32>
      %add3A_90 = arith.constant 2000 : i32
      %add3A_91 = vector.broadcast %add3A_90 : i32 to vector<16xi32>
      %add3A_92 = arith.addi %add3A_91, %and3A_89 : vector<16xi32>
      %swap3A_93 = arith.index_cast %add3A_83 : i32 to index
      %swap3A_94 = tpu.vector_load %arg14[%swap3A_93] masked %lt3A_28 {strides = array<i32>} : memref<20608xi32, #tpu.memory_space<vmem>>, vector<16xi32>, vector<16xi1>
      tpu.vector_store %arg14[%swap3A_93], %add3A_92 masked %lt3A_28 {strides = array<i32>} : memref<20608xi32, #tpu.memory_space<vmem>>, vector<16xi32>, vector<16xi1>
      %add3A_95 = arith.constant 64 : i32
      %add3A_96 = arith.addi %scan3A_25, %add3A_95 : i32
      %swap3A_97 = arith.index_cast %add3A_96 : i32 to index
      %swap3A_98 = tpu.vector_load %arg13[%swap3A_97] masked %lt3A_28 {strides = array<i32>} : memref<20608xi32, #tpu.memory_space<vmem>>, vector<16xi32>, vector<16xi1>
      tpu.vector_store %arg13[%swap3A_97], %iota3A masked %lt3A_28 {strides = array<i32>} : memref<20608xi32, #tpu.memory_space<vmem>>, vector<16xi32>, vector<16xi1>
      %add3A_99 = arith.constant 64 : i32
      %add3A_100 = arith.addi %scan3A_25, %add3A_99 : i32
      %add3A_101 = arith.constant 64 : i32
      %add3A_102 = vector.broadcast %add3A_101 : i32 to vector<16xi32>
      %add3A_103 = arith.addi %iota3A, %add3A_102 : vector<16xi32>
      %and3A_104 = arith.constant 31 : i32
      %and3A_105 = vector.broadcast %and3A_104 : i32 to vector<16xi32>
      %and3A_106 = arith.andi %add3A_103, %and3A_105 : vector<16xi32>
      %add3A_107 = arith.constant 2000 : i32
      %add3A_108 = vector.broadcast %add3A_107 : i32 to vector<16xi32>
      %add3A_109 = arith.addi %add3A_108, %and3A_106 : vector<16xi32>
      %swap3A_110 = arith.index_cast %add3A_100 : i32 to index
      %swap3A_111 = tpu.vector_load %arg14[%swap3A_110] masked %lt3A_28 {strides = array<i32>} : memref<20608xi32, #tpu.memory_space<vmem>>, vector<16xi32>, vector<16xi1>
      tpu.vector_store %arg14[%swap3A_110], %add3A_109 masked %lt3A_28 {strides = array<i32>} : memref<20608xi32, #tpu.memory_space<vmem>>, vector<16xi32>, vector<16xi1>
      %add3A_112 = arith.constant 80 : i32
      %add3A_113 = arith.addi %scan3A_25, %add3A_112 : i32
      %swap3A_114 = arith.index_cast %add3A_113 : i32 to index
      %swap3A_115 = tpu.vector_load %arg13[%swap3A_114] masked %lt3A_28 {strides = array<i32>} : memref<20608xi32, #tpu.memory_space<vmem>>, vector<16xi32>, vector<16xi1>
      tpu.vector_store %arg13[%swap3A_114], %iota3A masked %lt3A_28 {strides = array<i32>} : memref<20608xi32, #tpu.memory_space<vmem>>, vector<16xi32>, vector<16xi1>
      %add3A_116 = arith.constant 80 : i32
      %add3A_117 = arith.addi %scan3A_25, %add3A_116 : i32
      %add3A_118 = arith.constant 80 : i32
      %add3A_119 = vector.broadcast %add3A_118 : i32 to vector<16xi32>
      %add3A_120 = arith.addi %iota3A, %add3A_119 : vector<16xi32>
      %and3A_121 = arith.constant 31 : i32
      %and3A_122 = vector.broadcast %and3A_121 : i32 to vector<16xi32>
      %and3A_123 = arith.andi %add3A_120, %and3A_122 : vector<16xi32>
      %add3A_124 = arith.constant 2000 : i32
      %add3A_125 = vector.broadcast %add3A_124 : i32 to vector<16xi32>
      %add3A_126 = arith.addi %add3A_125, %and3A_123 : vector<16xi32>
      %swap3A_127 = arith.index_cast %add3A_117 : i32 to index
      %swap3A_128 = tpu.vector_load %arg14[%swap3A_127] masked %lt3A_28 {strides = array<i32>} : memref<20608xi32, #tpu.memory_space<vmem>>, vector<16xi32>, vector<16xi1>
      tpu.vector_store %arg14[%swap3A_127], %add3A_126 masked %lt3A_28 {strides = array<i32>} : memref<20608xi32, #tpu.memory_space<vmem>>, vector<16xi32>, vector<16xi1>
      %add3A_129 = arith.constant 96 : i32
      %add3A_130 = arith.addi %scan3A_25, %add3A_129 : i32
      %swap3A_131 = arith.index_cast %add3A_130 : i32 to index
      %swap3A_132 = tpu.vector_load %arg13[%swap3A_131] masked %lt3A_28 {strides = array<i32>} : memref<20608xi32, #tpu.memory_space<vmem>>, vector<16xi32>, vector<16xi1>
      tpu.vector_store %arg13[%swap3A_131], %iota3A masked %lt3A_28 {strides = array<i32>} : memref<20608xi32, #tpu.memory_space<vmem>>, vector<16xi32>, vector<16xi1>
      %add3A_133 = arith.constant 96 : i32
      %add3A_134 = arith.addi %scan3A_25, %add3A_133 : i32
      %add3A_135 = arith.constant 96 : i32
      %add3A_136 = vector.broadcast %add3A_135 : i32 to vector<16xi32>
      %add3A_137 = arith.addi %iota3A, %add3A_136 : vector<16xi32>
      %and3A_138 = arith.constant 31 : i32
      %and3A_139 = vector.broadcast %and3A_138 : i32 to vector<16xi32>
      %and3A_140 = arith.andi %add3A_137, %and3A_139 : vector<16xi32>
      %add3A_141 = arith.constant 2000 : i32
      %add3A_142 = vector.broadcast %add3A_141 : i32 to vector<16xi32>
      %add3A_143 = arith.addi %add3A_142, %and3A_140 : vector<16xi32>
      %swap3A_144 = arith.index_cast %add3A_134 : i32 to index
      %swap3A_145 = tpu.vector_load %arg14[%swap3A_144] masked %lt3A_28 {strides = array<i32>} : memref<20608xi32, #tpu.memory_space<vmem>>, vector<16xi32>, vector<16xi1>
      tpu.vector_store %arg14[%swap3A_144], %add3A_143 masked %lt3A_28 {strides = array<i32>} : memref<20608xi32, #tpu.memory_space<vmem>>, vector<16xi32>, vector<16xi1>
      %add3A_146 = arith.constant 112 : i32
      %add3A_147 = arith.addi %scan3A_25, %add3A_146 : i32
      %swap3A_148 = arith.index_cast %add3A_147 : i32 to index
      %swap3A_149 = tpu.vector_load %arg13[%swap3A_148] masked %lt3A_28 {strides = array<i32>} : memref<20608xi32, #tpu.memory_space<vmem>>, vector<16xi32>, vector<16xi1>
      tpu.vector_store %arg13[%swap3A_148], %iota3A masked %lt3A_28 {strides = array<i32>} : memref<20608xi32, #tpu.memory_space<vmem>>, vector<16xi32>, vector<16xi1>
      %add3A_150 = arith.constant 112 : i32
      %add3A_151 = arith.addi %scan3A_25, %add3A_150 : i32
      %add3A_152 = arith.constant 112 : i32
      %add3A_153 = vector.broadcast %add3A_152 : i32 to vector<16xi32>
      %add3A_154 = arith.addi %iota3A, %add3A_153 : vector<16xi32>
      %and3A_155 = arith.constant 31 : i32
      %and3A_156 = vector.broadcast %and3A_155 : i32 to vector<16xi32>
      %and3A_157 = arith.andi %add3A_154, %and3A_156 : vector<16xi32>
      %add3A_158 = arith.constant 2000 : i32
      %add3A_159 = vector.broadcast %add3A_158 : i32 to vector<16xi32>
      %add3A_160 = arith.addi %add3A_159, %and3A_157 : vector<16xi32>
      %swap3A_161 = arith.index_cast %add3A_151 : i32 to index
      %swap3A_162 = tpu.vector_load %arg14[%swap3A_161] masked %lt3A_28 {strides = array<i32>} : memref<20608xi32, #tpu.memory_space<vmem>>, vector<16xi32>, vector<16xi1>
      tpu.vector_store %arg14[%swap3A_161], %add3A_160 masked %lt3A_28 {strides = array<i32>} : memref<20608xi32, #tpu.memory_space<vmem>>, vector<16xi32>, vector<16xi1>
      %add3A_163 = arith.constant 128 : i32
      %add3A_164 = arith.addi %scan3A_25, %add3A_163 : i32
      %sub3A = arith.constant 1 : i32
      %sub3A_165 = arith.subi %add3A_164, %sub3A : i32
      %jit3A = arith.constant 128 : i32
      %div3A = arith.divsi %sub3A_165, %jit3A : i32
      %sign3A = arith.constant 0 : i32
      %sign3A_166 = arith.cmpi sgt, %sub3A_165, %sign3A : i32
      %sign3A_167 = arith.extui %sign3A_166 : i1 to i32
      %sign3A_168 = arith.constant 0 : i32
      %sign3A_169 = arith.cmpi slt, %sub3A_165, %sign3A_168 : i32
      %sign3A_170 = arith.extui %sign3A_169 : i1 to i32
      %sign3A_171 = arith.subi %sign3A_167, %sign3A_170 : i32
      %sign3A_172 = arith.constant 0 : i32
      %sign3A_173 = arith.cmpi sgt, %jit3A, %sign3A_172 : i32
      %sign3A_174 = arith.extui %sign3A_173 : i1 to i32
      %sign3A_175 = arith.constant 0 : i32
      %sign3A_176 = arith.cmpi slt, %jit3A, %sign3A_175 : i32
      %sign3A_177 = arith.extui %sign3A_176 : i1 to i32
      %sign3A_178 = arith.subi %sign3A_174, %sign3A_177 : i32
      %ne3A = arith.cmpi ne, %sign3A_171, %sign3A_178 : i32
      %rem3A = arith.remsi %sub3A_165, %jit3A : i32
      %ne3A_179 = arith.constant 0 : i32
      %ne3A_180 = arith.cmpi ne, %rem3A, %ne3A_179 : i32
      %and3A_181 = arith.andi %ne3A, %ne3A_180 : i1
      %sub3A_182 = arith.constant 1 : i32
      %sub3A_183 = arith.subi %div3A, %sub3A_182 : i32
      %select_n3A = arith.select %and3A_181, %sub3A_183, %div3A : i32
      %while3A = arith.constant 0 : i32
      %while3A_184 = arith.constant 0 : i32
      %while3A_185 = arith.subi %select_n3A, %while3A_184 : i32
      %while3A_186 = arith.addi %while3A_184, %while3A_185 : i32
      %while3A_187 = arith.constant 1 : i32
      %while3A_188 = arith.divsi %while3A_185, %while3A_187 : i32
      %while3A_189 = arith.muli %while3A_188, %while3A_187 : i32
      %while3A_190 = arith.addi %while3A_184, %while3A_189 : i32
      %while3A_191 = arith.constant 1 : i32
      scf.for %while3A_222 = %while3A_184 to %while3A_190 step %while3A_191  : i32 {
        %scan3A_223 = arith.constant 0 : i32
        %scan3A_224 = arith.constant 8 : i32
        %scan3A_225 = arith.addi %scan3A_223, %scan3A_224 : i32
        %scan3A_226 = arith.constant 1 : i32
        scf.for %scan3A_228 = %scan3A_223 to %scan3A_225 step %scan3A_226  : i32 {
          %mul3A_229 = arith.constant 128 : i32
          %mul3A_230 = arith.muli %while3A_222, %mul3A_229 : i32
          %mul3A_231 = arith.constant 16 : i32
          %mul3A_232 = arith.muli %scan3A_228, %mul3A_231 : i32
          %add3A_233 = arith.addi %mul3A_230, %mul3A_232 : i32
          %get3A = arith.index_cast %add3A_233 : i32 to index
          %get3A_234 = tpu.vector_load %arg14[%get3A] {strides = array<i32>} : memref<20608xi32, #tpu.memory_space<vmem>>, vector<16xi32>,
          %mul3A_235 = arith.constant 16 : i32
          %mul3A_236 = arith.muli %scan3A_228, %mul3A_235 : i32
          %swap3A_237 = arith.index_cast %while3A_222 : i32 to index
          %swap3A_238 = arith.index_cast %mul3A_236 : i32 to index
          %swap3A_239 = tpu.vector_load %arg12[%swap3A_237, %swap3A_238] {strides = array<i32>} : memref<160x128xi32, #tpu.memory_space<vmem>>, vector<16xi32>,
          tpu.vector_store %arg12[%swap3A_237, %swap3A_238], %get3A_234 {strides = array<i32>} : memref<160x128xi32, #tpu.memory_space<vmem>>, vector<16xi32>,
        }
        %scan3A_227 = arith.constant 8 : i32
      }
      %while3A_192 = arith.constant 1 : i32
      scf.for %while3A_222 = %while3A_190 to %while3A_186 step %while3A_192  : i32 {
        %scan3A_223 = arith.constant 0 : i32
        %scan3A_224 = arith.constant 8 : i32
        %scan3A_225 = arith.addi %scan3A_223, %scan3A_224 : i32
        %scan3A_226 = arith.constant 1 : i32
        scf.for %scan3A_228 = %scan3A_223 to %scan3A_225 step %scan3A_226  : i32 {
          %mul3A_229 = arith.constant 128 : i32
          %mul3A_230 = arith.muli %while3A_222, %mul3A_229 : i32
          %mul3A_231 = arith.constant 16 : i32
          %mul3A_232 = arith.muli %scan3A_228, %mul3A_231 : i32
          %add3A_233 = arith.addi %mul3A_230, %mul3A_232 : i32
          %get3A = arith.index_cast %add3A_233 : i32 to index
          %get3A_234 = tpu.vector_load %arg14[%get3A] {strides = array<i32>} : memref<20608xi32, #tpu.memory_space<vmem>>, vector<16xi32>,
          %mul3A_235 = arith.constant 16 : i32
          %mul3A_236 = arith.muli %scan3A_228, %mul3A_235 : i32
          %swap3A_237 = arith.index_cast %while3A_222 : i32 to index
          %swap3A_238 = arith.index_cast %mul3A_236 : i32 to index
          %swap3A_239 = tpu.vector_load %arg12[%swap3A_237, %swap3A_238] {strides = array<i32>} : memref<160x128xi32, #tpu.memory_space<vmem>>, vector<16xi32>,
          tpu.vector_store %arg12[%swap3A_237, %swap3A_238], %get3A_234 {strides = array<i32>} : memref<160x128xi32, #tpu.memory_space<vmem>>, vector<16xi32>,
        }
        %scan3A_227 = arith.constant 8 : i32
      }
      %while3A_193 = arith.constant 0 : i32
      %while3A_194 = arith.constant 0 : i32
      %while3A_195 = arith.subi %select_n3A, %while3A_194 : i32
      %while3A_196 = arith.addi %while3A_194, %while3A_195 : i32
      %while3A_197 = arith.constant 1 : i32
      %while3A_198 = arith.divsi %while3A_195, %while3A_197 : i32
      %while3A_199 = arith.muli %while3A_198, %while3A_197 : i32
      %while3A_200 = arith.addi %while3A_194, %while3A_199 : i32
      %while3A_201 = arith.constant 1 : i32
      scf.for %while3A_222 = %while3A_194 to %while3A_200 step %while3A_201  : i32 {
        %scan3A_223 = arith.constant 0 : i32
        %scan3A_224 = arith.constant 0 : i32
        %scan3A_225 = arith.constant 8 : i32
        %scan3A_226 = arith.addi %scan3A_224, %scan3A_225 : i32
        %scan3A_227 = arith.constant 1 : i32
        scf.for %scan3A_229 = %scan3A_224 to %scan3A_226 step %scan3A_227  : i32 {
          %mul3A_230 = arith.constant 128 : i32
          %mul3A_231 = arith.muli %while3A_222, %mul3A_230 : i32
          %mul3A_232 = arith.constant 16 : i32
          %mul3A_233 = arith.muli %scan3A_229, %mul3A_232 : i32
          %add3A_234 = arith.addi %mul3A_231, %mul3A_233 : i32
          %get3A = arith.index_cast %add3A_234 : i32 to index
          %get3A_235 = tpu.vector_load %arg13[%get3A] {strides = array<i32>} : memref<20608xi32, #tpu.memory_space<vmem>>, vector<16xi32>,
          %gather3A = tpu.vector_load_idx %arg17[%get3A_235] : memref<10240xf32, #tpu.memory_space<vmem>>[vector<16xi32>], vector<16xf32>,
          %mul3A_236 = arith.constant 16 : i32
          %mul3A_237 = arith.muli %scan3A_229, %mul3A_236 : i32
          %swap3A_238 = arith.index_cast %mul3A_237 : i32 to index
          %swap3A_239 = tpu.vector_load %arg15[%swap3A_238] {strides = array<i32>} : memref<128xf32, #tpu.memory_space<vmem>>, vector<16xf32>,
          tpu.vector_store %arg15[%swap3A_238], %gather3A {strides = array<i32>} : memref<128xf32, #tpu.memory_space<vmem>>, vector<16xf32>,
          %gather3A_240 = tpu.vector_load_idx %arg18[%get3A_235] : memref<10240xf32, #tpu.memory_space<vmem>>[vector<16xi32>], vector<16xf32>,
          %mul3A_241 = arith.constant 16 : i32
          %mul3A_242 = arith.muli %scan3A_229, %mul3A_241 : i32
          %swap3A_243 = arith.index_cast %mul3A_242 : i32 to index
          %swap3A_244 = tpu.vector_load %arg16[%swap3A_243] {strides = array<i32>} : memref<128xf32, #tpu.memory_space<vmem>>, vector<16xf32>,
          tpu.vector_store %arg16[%swap3A_243], %gather3A_240 {strides = array<i32>} : memref<128xf32, #tpu.memory_space<vmem>>, vector<16xf32>,
        }
        %scan3A_228 = arith.constant 8 : i32
        "tpu.region"() ({
          %run_scoped3A_229 = tpu.sem_alloc : memref<!tpu.dma_semaphore, #tpu.memory_space<semaphore_mem>>
          %dma_start3A = arith.constant 0 : i32
          %dma_start3A_230 = tpu.memref_slice %arg12[%while3A_222, %dma_start3A] : memref<160x128xi32, #tpu.memory_space<vmem>> -> memref<1x128xi32, #tpu.memory_space<vmem>>
          %dma_start3A_231 = tpu.memref_squeeze %dma_start3A_230 : memref<1x128xi32, #tpu.memory_space<vmem>> -> memref<128xi32, #tpu.memory_space<vmem>>
          %dma_start3A_232 = arith.constant 0 : i32
          %dma_start3A_233 = tpu.memref_slice %arg25[%dma_start3A_232] : memref<2048xf32, #tpu.memory_space<vmem_shared>> -> memref<2048xf32, #tpu.memory_space<vmem_shared>>
          tpu.enqueue_indirect_dma source(%arg15 : memref<128xf32, #tpu.memory_space<vmem>>) target(%dma_start3A_233 : memref<2048xf32, #tpu.memory_space<vmem_shared>>) offsets(%dma_start3A_231 : memref<128xi32, #tpu.memory_space<vmem>>) semaphore(%run_scoped3A_229 : memref<!tpu.dma_semaphore, #tpu.memory_space<semaphore_mem>>) {add = true}
          %dma_wait3A = arith.constant 0 : i32
          %dma_wait3A_234 = tpu.memref_slice %arg12[%while3A_222, %dma_wait3A] : memref<160x128xi32, #tpu.memory_space<vmem>> -> memref<1x128xi32, #tpu.memory_space<vmem>>
          %dma_wait3A_235 = tpu.memref_squeeze %dma_wait3A_234 : memref<1x128xi32, #tpu.memory_space<vmem>> -> memref<128xi32, #tpu.memory_space<vmem>>
          %dma_wait3A_236 = arith.constant 0 : i32
          %dma_wait3A_237 = tpu.memref_slice %arg25[%dma_wait3A_236] : memref<2048xf32, #tpu.memory_space<vmem_shared>> -> memref<2048xf32, #tpu.memory_space<vmem_shared>>
          tpu.wait_indirect_dma semaphore(%run_scoped3A_229 : memref<!tpu.dma_semaphore, #tpu.memory_space<semaphore_mem>>) src(%arg15 : memref<128xf32, #tpu.memory_space<vmem>>) dst(%dma_wait3A_237 : memref<2048xf32, #tpu.memory_space<vmem_shared>>)
          tpu.yield
        }) : () -> ()
        "tpu.region"() ({
          %run_scoped3A_229 = tpu.sem_alloc : memref<!tpu.dma_semaphore, #tpu.memory_space<semaphore_mem>>
          %dma_start3A = arith.constant 0 : i32
          %dma_start3A_230 = tpu.memref_slice %arg12[%while3A_222, %dma_start3A] : memref<160x128xi32, #tpu.memory_space<vmem>> -> memref<1x128xi32, #tpu.memory_space<vmem>>
          %dma_start3A_231 = tpu.memref_squeeze %dma_start3A_230 : memref<1x128xi32, #tpu.memory_space<vmem>> -> memref<128xi32, #tpu.memory_space<vmem>>
          %dma_start3A_232 = arith.constant 0 : i32
          %dma_start3A_233 = tpu.memref_slice %arg26[%dma_start3A_232] : memref<2048xf32, #tpu.memory_space<vmem_shared>> -> memref<2048xf32, #tpu.memory_space<vmem_shared>>
          tpu.enqueue_indirect_dma source(%arg16 : memref<128xf32, #tpu.memory_space<vmem>>) target(%dma_start3A_233 : memref<2048xf32, #tpu.memory_space<vmem_shared>>) offsets(%dma_start3A_231 : memref<128xi32, #tpu.memory_space<vmem>>) semaphore(%run_scoped3A_229 : memref<!tpu.dma_semaphore, #tpu.memory_space<semaphore_mem>>) {add = true}
          %dma_wait3A = arith.constant 0 : i32
          %dma_wait3A_234 = tpu.memref_slice %arg12[%while3A_222, %dma_wait3A] : memref<160x128xi32, #tpu.memory_space<vmem>> -> memref<1x128xi32, #tpu.memory_space<vmem>>
          %dma_wait3A_235 = tpu.memref_squeeze %dma_wait3A_234 : memref<1x128xi32, #tpu.memory_space<vmem>> -> memref<128xi32, #tpu.memory_space<vmem>>
          %dma_wait3A_236 = arith.constant 0 : i32
          %dma_wait3A_237 = tpu.memref_slice %arg26[%dma_wait3A_236] : memref<2048xf32, #tpu.memory_space<vmem_shared>> -> memref<2048xf32, #tpu.memory_space<vmem_shared>>
          tpu.wait_indirect_dma semaphore(%run_scoped3A_229 : memref<!tpu.dma_semaphore, #tpu.memory_space<semaphore_mem>>) src(%arg16 : memref<128xf32, #tpu.memory_space<vmem>>) dst(%dma_wait3A_237 : memref<2048xf32, #tpu.memory_space<vmem_shared>>)
          tpu.yield
        }) : () -> ()
      }
      %while3A_202 = arith.constant 1 : i32
      scf.for %while3A_222 = %while3A_200 to %while3A_196 step %while3A_202  : i32 {
        %scan3A_223 = arith.constant 0 : i32
        %scan3A_224 = arith.constant 0 : i32
        %scan3A_225 = arith.constant 8 : i32
        %scan3A_226 = arith.addi %scan3A_224, %scan3A_225 : i32
        %scan3A_227 = arith.constant 1 : i32
        scf.for %scan3A_229 = %scan3A_224 to %scan3A_226 step %scan3A_227  : i32 {
          %mul3A_230 = arith.constant 128 : i32
          %mul3A_231 = arith.muli %while3A_222, %mul3A_230 : i32
          %mul3A_232 = arith.constant 16 : i32
          %mul3A_233 = arith.muli %scan3A_229, %mul3A_232 : i32
          %add3A_234 = arith.addi %mul3A_231, %mul3A_233 : i32
          %get3A = arith.index_cast %add3A_234 : i32 to index
          %get3A_235 = tpu.vector_load %arg13[%get3A] {strides = array<i32>} : memref<20608xi32, #tpu.memory_space<vmem>>, vector<16xi32>,
          %gather3A = tpu.vector_load_idx %arg17[%get3A_235] : memref<10240xf32, #tpu.memory_space<vmem>>[vector<16xi32>], vector<16xf32>,
          %mul3A_236 = arith.constant 16 : i32
          %mul3A_237 = arith.muli %scan3A_229, %mul3A_236 : i32
          %swap3A_238 = arith.index_cast %mul3A_237 : i32 to index
          %swap3A_239 = tpu.vector_load %arg15[%swap3A_238] {strides = array<i32>} : memref<128xf32, #tpu.memory_space<vmem>>, vector<16xf32>,
          tpu.vector_store %arg15[%swap3A_238], %gather3A {strides = array<i32>} : memref<128xf32, #tpu.memory_space<vmem>>, vector<16xf32>,
          %gather3A_240 = tpu.vector_load_idx %arg18[%get3A_235] : memref<10240xf32, #tpu.memory_space<vmem>>[vector<16xi32>], vector<16xf32>,
          %mul3A_241 = arith.constant 16 : i32
          %mul3A_242 = arith.muli %scan3A_229, %mul3A_241 : i32
          %swap3A_243 = arith.index_cast %mul3A_242 : i32 to index
          %swap3A_244 = tpu.vector_load %arg16[%swap3A_243] {strides = array<i32>} : memref<128xf32, #tpu.memory_space<vmem>>, vector<16xf32>,
          tpu.vector_store %arg16[%swap3A_243], %gather3A_240 {strides = array<i32>} : memref<128xf32, #tpu.memory_space<vmem>>, vector<16xf32>,
        }
        %scan3A_228 = arith.constant 8 : i32
        "tpu.region"() ({
          %run_scoped3A_229 = tpu.sem_alloc : memref<!tpu.dma_semaphore, #tpu.memory_space<semaphore_mem>>
          %dma_start3A = arith.constant 0 : i32
          %dma_start3A_230 = tpu.memref_slice %arg12[%while3A_222, %dma_start3A] : memref<160x128xi32, #tpu.memory_space<vmem>> -> memref<1x128xi32, #tpu.memory_space<vmem>>
          %dma_start3A_231 = tpu.memref_squeeze %dma_start3A_230 : memref<1x128xi32, #tpu.memory_space<vmem>> -> memref<128xi32, #tpu.memory_space<vmem>>
          %dma_start3A_232 = arith.constant 0 : i32
          %dma_start3A_233 = tpu.memref_slice %arg25[%dma_start3A_232] : memref<2048xf32, #tpu.memory_space<vmem_shared>> -> memref<2048xf32, #tpu.memory_space<vmem_shared>>
          tpu.enqueue_indirect_dma source(%arg15 : memref<128xf32, #tpu.memory_space<vmem>>) target(%dma_start3A_233 : memref<2048xf32, #tpu.memory_space<vmem_shared>>) offsets(%dma_start3A_231 : memref<128xi32, #tpu.memory_space<vmem>>) semaphore(%run_scoped3A_229 : memref<!tpu.dma_semaphore, #tpu.memory_space<semaphore_mem>>) {add = true}
          %dma_wait3A = arith.constant 0 : i32
          %dma_wait3A_234 = tpu.memref_slice %arg12[%while3A_222, %dma_wait3A] : memref<160x128xi32, #tpu.memory_space<vmem>> -> memref<1x128xi32, #tpu.memory_space<vmem>>
          %dma_wait3A_235 = tpu.memref_squeeze %dma_wait3A_234 : memref<1x128xi32, #tpu.memory_space<vmem>> -> memref<128xi32, #tpu.memory_space<vmem>>
          %dma_wait3A_236 = arith.constant 0 : i32
          %dma_wait3A_237 = tpu.memref_slice %arg25[%dma_wait3A_236] : memref<2048xf32, #tpu.memory_space<vmem_shared>> -> memref<2048xf32, #tpu.memory_space<vmem_shared>>
          tpu.wait_indirect_dma semaphore(%run_scoped3A_229 : memref<!tpu.dma_semaphore, #tpu.memory_space<semaphore_mem>>) src(%arg15 : memref<128xf32, #tpu.memory_space<vmem>>) dst(%dma_wait3A_237 : memref<2048xf32, #tpu.memory_space<vmem_shared>>)
          tpu.yield
        }) : () -> ()
        "tpu.region"() ({
          %run_scoped3A_229 = tpu.sem_alloc : memref<!tpu.dma_semaphore, #tpu.memory_space<semaphore_mem>>
          %dma_start3A = arith.constant 0 : i32
          %dma_start3A_230 = tpu.memref_slice %arg12[%while3A_222, %dma_start3A] : memref<160x128xi32, #tpu.memory_space<vmem>> -> memref<1x128xi32, #tpu.memory_space<vmem>>
          %dma_start3A_231 = tpu.memref_squeeze %dma_start3A_230 : memref<1x128xi32, #tpu.memory_space<vmem>> -> memref<128xi32, #tpu.memory_space<vmem>>
          %dma_start3A_232 = arith.constant 0 : i32
          %dma_start3A_233 = tpu.memref_slice %arg26[%dma_start3A_232] : memref<2048xf32, #tpu.memory_space<vmem_shared>> -> memref<2048xf32, #tpu.memory_space<vmem_shared>>
          tpu.enqueue_indirect_dma source(%arg16 : memref<128xf32, #tpu.memory_space<vmem>>) target(%dma_start3A_233 : memref<2048xf32, #tpu.memory_space<vmem_shared>>) offsets(%dma_start3A_231 : memref<128xi32, #tpu.memory_space<vmem>>) semaphore(%run_scoped3A_229 : memref<!tpu.dma_semaphore, #tpu.memory_space<semaphore_mem>>) {add = true}
          %dma_wait3A = arith.constant 0 : i32
          %dma_wait3A_234 = tpu.memref_slice %arg12[%while3A_222, %dma_wait3A] : memref<160x128xi32, #tpu.memory_space<vmem>> -> memref<1x128xi32, #tpu.memory_space<vmem>>
          %dma_wait3A_235 = tpu.memref_squeeze %dma_wait3A_234 : memref<1x128xi32, #tpu.memory_space<vmem>> -> memref<128xi32, #tpu.memory_space<vmem>>
          %dma_wait3A_236 = arith.constant 0 : i32
          %dma_wait3A_237 = tpu.memref_slice %arg26[%dma_wait3A_236] : memref<2048xf32, #tpu.memory_space<vmem_shared>> -> memref<2048xf32, #tpu.memory_space<vmem_shared>>
          tpu.wait_indirect_dma semaphore(%run_scoped3A_229 : memref<!tpu.dma_semaphore, #tpu.memory_space<semaphore_mem>>) src(%arg16 : memref<128xf32, #tpu.memory_space<vmem>>) dst(%dma_wait3A_237 : memref<2048xf32, #tpu.memory_space<vmem_shared>>)
          tpu.yield
        }) : () -> ()
      }
      %barrier3A_203 = arith.constant 0 : index
      tpu.barrier barrier_id(%barrier3A_203)
      %mul3A_204 = arith.constant 128 : i32
      %mul3A_205 = arith.muli %arg1, %mul3A_204 : i32
      "tpu.region"() ({
        %run_scoped3A_222 = tpu.sem_alloc : memref<!tpu.dma_semaphore, #tpu.memory_space<semaphore_mem>>
        %dma_start3A = tpu.memref_slice %arg25[%mul3A_205] : memref<2048xf32, #tpu.memory_space<vmem_shared>> -> memref<128xf32, #tpu.memory_space<vmem_shared>>
        %dma_start3A_223 = tpu.memref_slice %arg25[%mul3A_205] : memref<2048xf32, #tpu.memory_space<vmem_shared>> -> memref<128xf32, #tpu.memory_space<vmem_shared>>
        tpu.enqueue_dma source(%dma_start3A_223 : memref<128xf32, #tpu.memory_space<vmem_shared>>) target(%arg19 : memref<128xf32, #tpu.memory_space<vmem>>) target_semaphore(%run_scoped3A_222 : memref<!tpu.dma_semaphore, #tpu.memory_space<semaphore_mem>>)
        %dma_wait3A = tpu.memref_slice %arg25[%mul3A_205] : memref<2048xf32, #tpu.memory_space<vmem_shared>> -> memref<128xf32, #tpu.memory_space<vmem_shared>>
        %dma_wait3A_224 = tpu.memref_slice %arg25[%mul3A_205] : memref<2048xf32, #tpu.memory_space<vmem_shared>> -> memref<128xf32, #tpu.memory_space<vmem_shared>>
        tpu.wait_dma2 semaphore(%run_scoped3A_222 : memref<!tpu.dma_semaphore, #tpu.memory_space<semaphore_mem>>) src(%dma_wait3A_224 : memref<128xf32, #tpu.memory_space<vmem_shared>>) dst(%arg19 : memref<128xf32, #tpu.memory_space<vmem>>)
        tpu.yield
      }) : () -> ()
      %mul3A_206 = arith.constant 128 : i32
      %mul3A_207 = arith.muli %arg1, %mul3A_206 : i32
      "tpu.region"() ({
        %run_scoped3A_222 = tpu.sem_alloc : memref<!tpu.dma_semaphore, #tpu.memory_space<semaphore_mem>>
        %dma_start3A = tpu.memref_slice %arg26[%mul3A_207] : memref<2048xf32, #tpu.memory_space<vmem_shared>> -> memref<128xf32, #tpu.memory_space<vmem_shared>>
        %dma_start3A_223 = tpu.memref_slice %arg26[%mul3A_207] : memref<2048xf32, #tpu.memory_space<vmem_shared>> -> memref<128xf32, #tpu.memory_space<vmem_shared>>
        tpu.enqueue_dma source(%dma_start3A_223 : memref<128xf32, #tpu.memory_space<vmem_shared>>) target(%arg20 : memref<128xf32, #tpu.memory_space<vmem>>) target_semaphore(%run_scoped3A_222 : memref<!tpu.dma_semaphore, #tpu.memory_space<semaphore_mem>>)
        %dma_wait3A = tpu.memref_slice %arg26[%mul3A_207] : memref<2048xf32, #tpu.memory_space<vmem_shared>> -> memref<128xf32, #tpu.memory_space<vmem_shared>>
        %dma_wait3A_224 = tpu.memref_slice %arg26[%mul3A_207] : memref<2048xf32, #tpu.memory_space<vmem_shared>> -> memref<128xf32, #tpu.memory_space<vmem_shared>>
        tpu.wait_dma2 semaphore(%run_scoped3A_222 : memref<!tpu.dma_semaphore, #tpu.memory_space<semaphore_mem>>) src(%dma_wait3A_224 : memref<128xf32, #tpu.memory_space<vmem_shared>>) dst(%arg20 : memref<128xf32, #tpu.memory_space<vmem>>)
        tpu.yield
      }) : () -> ()
      %mul3A_208 = arith.constant 128 : i32
      %mul3A_209 = arith.muli %arg1, %mul3A_208 : i32
      %add3A_210 = arith.constant 8000 : i32
      %add3A_211 = arith.addi %add3A_210, %mul3A_209 : i32
      "tpu.region"() ({
        %run_scoped3A_222 = tpu.sem_alloc : memref<!tpu.dma_semaphore, #tpu.memory_space<semaphore_mem>>
        %dma_start3A = tpu.memref_slice %arg5[%add3A_211] : memref<10240xf32, #tpu.memory_space<hbm>> -> memref<128xf32, #tpu.memory_space<hbm>>
        %dma_start3A_223 = tpu.memref_slice %arg5[%add3A_211] : memref<10240xf32, #tpu.memory_space<hbm>> -> memref<128xf32, #tpu.memory_space<hbm>>
        tpu.enqueue_dma source(%dma_start3A_223 : memref<128xf32, #tpu.memory_space<hbm>>) target(%arg21 : memref<128xf32, #tpu.memory_space<vmem>>) target_semaphore(%run_scoped3A_222 : memref<!tpu.dma_semaphore, #tpu.memory_space<semaphore_mem>>)
        %dma_wait3A = tpu.memref_slice %arg5[%add3A_211] : memref<10240xf32, #tpu.memory_space<hbm>> -> memref<128xf32, #tpu.memory_space<hbm>>
        %dma_wait3A_224 = tpu.memref_slice %arg5[%add3A_211] : memref<10240xf32, #tpu.memory_space<hbm>> -> memref<128xf32, #tpu.memory_space<hbm>>
        tpu.wait_dma2 semaphore(%run_scoped3A_222 : memref<!tpu.dma_semaphore, #tpu.memory_space<semaphore_mem>>) src(%dma_wait3A_224 : memref<128xf32, #tpu.memory_space<hbm>>) dst(%arg21 : memref<128xf32, #tpu.memory_space<vmem>>)
        tpu.yield
      }) : () -> ()
      "tpu.region"() ({
        %run_scoped3A_222 = tpu.sem_alloc : memref<!tpu.dma_semaphore, #tpu.memory_space<semaphore_mem>>
        tpu.enqueue_dma source(%arg6 : memref<32xf32, #tpu.memory_space<hbm>>) target(%arg24 : memref<32xf32, #tpu.memory_space<vmem>>) target_semaphore(%run_scoped3A_222 : memref<!tpu.dma_semaphore, #tpu.memory_space<semaphore_mem>>)
        tpu.wait_dma2 semaphore(%run_scoped3A_222 : memref<!tpu.dma_semaphore, #tpu.memory_space<semaphore_mem>>) src(%arg6 : memref<32xf32, #tpu.memory_space<hbm>>) dst(%arg24 : memref<32xf32, #tpu.memory_space<vmem>>)
        tpu.yield
      }) : () -> ()
      %scan3A_212 = arith.constant 0 : i32
      %scan3A_213 = arith.constant 0 : i32
      %scan3A_214 = arith.constant 8 : i32
      %scan3A_215 = arith.addi %scan3A_213, %scan3A_214 : i32
      %scan3A_216 = arith.constant 1 : i32
      scf.for %scan3A_222 = %scan3A_213 to %scan3A_215 step %scan3A_216  : i32 {
        %mul3A_223 = arith.constant 16 : i32
        %mul3A_224 = arith.muli %scan3A_222, %mul3A_223 : i32
        %get3A = arith.index_cast %mul3A_224 : i32 to index
        %get3A_225 = tpu.vector_load %arg21[%get3A] {strides = array<i32>} : memref<128xf32, #tpu.memory_space<vmem>>, vector<16xf32>,
        %mul3A_226 = arith.constant 128 : i32
        %mul3A_227 = arith.muli %arg1, %mul3A_226 : i32
        %add3A_228 = arith.constant 8000 : i32
        %add3A_229 = arith.addi %add3A_228, %mul3A_227 : i32
        %mul3A_230 = arith.constant 16 : i32
        %mul3A_231 = arith.muli %scan3A_222, %mul3A_230 : i32
        %add3A_232 = arith.addi %add3A_229, %mul3A_231 : i32
        %get3A_233 = arith.index_cast %add3A_232 : i32 to index
        %get3A_234 = tpu.vector_load %arg17[%get3A_233] {strides = array<i32>} : memref<10240xf32, #tpu.memory_space<vmem>>, vector<16xf32>,
        %mul3A_235 = arith.constant 128 : i32
        %mul3A_236 = arith.muli %arg1, %mul3A_235 : i32
        %add3A_237 = arith.constant 8000 : i32
        %add3A_238 = arith.addi %add3A_237, %mul3A_236 : i32
        %mul3A_239 = arith.constant 16 : i32
        %mul3A_240 = arith.muli %scan3A_222, %mul3A_239 : i32
        %add3A_241 = arith.addi %add3A_238, %mul3A_240 : i32
        %get3A_242 = arith.index_cast %add3A_241 : i32 to index
        %get3A_243 = tpu.vector_load %arg18[%get3A_242] {strides = array<i32>} : memref<10240xf32, #tpu.memory_space<vmem>>, vector<16xf32>,
        %get3A_244 = arith.constant 0 : index
        %get3A_245 = tpu.vector_load %arg24[%get3A_244] {strides = array<i32>} : memref<32xf32, #tpu.memory_space<vmem>>, vector<16xf32>,
        %mul3A_246 = arith.constant 16 : i32
        %mul3A_247 = arith.muli %scan3A_222, %mul3A_246 : i32
        %get3A_248 = arith.index_cast %mul3A_247 : i32 to index
        %get3A_249 = tpu.vector_load %arg19[%get3A_248] {strides = array<i32>} : memref<128xf32, #tpu.memory_space<vmem>>, vector<16xf32>,
        %add3A_250 = arith.addf %get3A_234, %get3A_249 : vector<16xf32>
        %mul3A_251 = arith.mulf %get3A_225, %add3A_250 : vector<16xf32>
        %add3A_252 = arith.addf %get3A_245, %mul3A_251 : vector<16xf32>
        %get3A_253 = arith.constant 16 : index
        %get3A_254 = tpu.vector_load %arg24[%get3A_253] {strides = array<i32>} : memref<32xf32, #tpu.memory_space<vmem>>, vector<16xf32>,
        %mul3A_255 = arith.constant 16 : i32
        %mul3A_256 = arith.muli %scan3A_222, %mul3A_255 : i32
        %get3A_257 = arith.index_cast %mul3A_256 : i32 to index
        %get3A_258 = tpu.vector_load %arg20[%get3A_257] {strides = array<i32>} : memref<128xf32, #tpu.memory_space<vmem>>, vector<16xf32>,
        %add3A_259 = arith.addf %get3A_243, %get3A_258 : vector<16xf32>
        %mul3A_260 = arith.mulf %get3A_225, %add3A_259 : vector<16xf32>
        %add3A_261 = arith.addf %get3A_254, %mul3A_260 : vector<16xf32>
        %neg3A = arith.constant 0.000000e+00 : f32
        %neg3A_262 = vector.broadcast %neg3A : f32 to vector<16xf32>
        %neg3A_263 = arith.subf %neg3A_262, %add3A_252 : vector<16xf32>
        %exp3A = math.exp %neg3A_263 : vector<16xf32>
        %add3A_264 = arith.constant 1.000000e+00 : f32
        %add3A_265 = vector.broadcast %add3A_264 : f32 to vector<16xf32>
        %add3A_266 = arith.addf %add3A_265, %exp3A : vector<16xf32>
        %div3A_267 = arith.constant 1.000000e+00 : f32
        %div3A_268 = vector.broadcast %div3A_267 : f32 to vector<16xf32>
        %div3A_269 = arith.divf %div3A_268, %add3A_266 : vector<16xf32>
        %mul3A_270 = arith.constant 16 : i32
        %mul3A_271 = arith.muli %scan3A_222, %mul3A_270 : i32
        %swap3A_272 = arith.index_cast %mul3A_271 : i32 to index
        %swap3A_273 = tpu.vector_load %arg22[%swap3A_272] {strides = array<i32>} : memref<128xf32, #tpu.memory_space<vmem>>, vector<16xf32>,
        tpu.vector_store %arg22[%swap3A_272], %div3A_269 {strides = array<i32>} : memref<128xf32, #tpu.memory_space<vmem>>, vector<16xf32>,
        %neg3A_274 = arith.constant 0.000000e+00 : f32
        %neg3A_275 = vector.broadcast %neg3A_274 : f32 to vector<16xf32>
        %neg3A_276 = arith.subf %neg3A_275, %add3A_261 : vector<16xf32>
        %exp3A_277 = math.exp %neg3A_276 : vector<16xf32>
        %add3A_278 = arith.constant 1.000000e+00 : f32
        %add3A_279 = vector.broadcast %add3A_278 : f32 to vector<16xf32>
        %add3A_280 = arith.addf %add3A_279, %exp3A_277 : vector<16xf32>
        %div3A_281 = arith.constant 1.000000e+00 : f32
        %div3A_282 = vector.broadcast %div3A_281 : f32 to vector<16xf32>
        %div3A_283 = arith.divf %div3A_282, %add3A_280 : vector<16xf32>
        %mul3A_284 = arith.constant 16 : i32
        %mul3A_285 = arith.muli %scan3A_222, %mul3A_284 : i32
        %swap3A_286 = arith.index_cast %mul3A_285 : i32 to index
        %swap3A_287 = tpu.vector_load %arg23[%swap3A_286] {strides = array<i32>} : memref<128xf32, #tpu.memory_space<vmem>>, vector<16xf32>,
        tpu.vector_store %arg23[%swap3A_286], %div3A_283 {strides = array<i32>} : memref<128xf32, #tpu.memory_space<vmem>>, vector<16xf32>,
      }
      %scan3A_217 = arith.constant 8 : i32
      %mul3A_218 = arith.constant 128 : i32
      %mul3A_219 = arith.muli %arg1, %mul3A_218 : i32
      "tpu.region"() ({
        %run_scoped3A_222 = tpu.sem_alloc : memref<!tpu.dma_semaphore, #tpu.memory_space<semaphore_mem>>
        %dma_start3A = tpu.memref_slice %arg8[%mul3A_219] : memref<2048xf32, #tpu.memory_space<hbm>> -> memref<128xf32, #tpu.memory_space<hbm>>
        %dma_start3A_223 = tpu.memref_slice %arg8[%mul3A_219] : memref<2048xf32, #tpu.memory_space<hbm>> -> memref<128xf32, #tpu.memory_space<hbm>>
        tpu.enqueue_dma source(%arg22 : memref<128xf32, #tpu.memory_space<vmem>>) target(%dma_start3A_223 : memref<128xf32, #tpu.memory_space<hbm>>) target_semaphore(%run_scoped3A_222 : memref<!tpu.dma_semaphore, #tpu.memory_space<semaphore_mem>>)
        %dma_wait3A = tpu.memref_slice %arg8[%mul3A_219] : memref<2048xf32, #tpu.memory_space<hbm>> -> memref<128xf32, #tpu.memory_space<hbm>>
        %dma_wait3A_224 = tpu.memref_slice %arg8[%mul3A_219] : memref<2048xf32, #tpu.memory_space<hbm>> -> memref<128xf32, #tpu.memory_space<hbm>>
        tpu.wait_dma2 semaphore(%run_scoped3A_222 : memref<!tpu.dma_semaphore, #tpu.memory_space<semaphore_mem>>) src(%arg22 : memref<128xf32, #tpu.memory_space<vmem>>) dst(%dma_wait3A_224 : memref<128xf32, #tpu.memory_space<hbm>>)
        tpu.yield
      }) : () -> ()
      %mul3A_220 = arith.constant 128 : i32
      %mul3A_221 = arith.muli %arg1, %mul3A_220 : i32
      "tpu.region"() ({
        %run_scoped3A_222 = tpu.sem_alloc : memref<!tpu.dma_semaphore, #tpu.memory_space<semaphore_mem>>
        %dma_start3A = tpu.memref_slice %arg9[%mul3A_221] : memref<2048xf32, #tpu.memory_space<hbm>> -> memref<128xf32, #tpu.memory_space<hbm>>
        %dma_start3A_223 = tpu.memref_slice %arg9[%mul3A_221] : memref<2048xf32, #tpu.memory_space<hbm>> -> memref<128xf32, #tpu.memory_space<hbm>>
        tpu.enqueue_dma source(%arg23 : memref<128xf32, #tpu.memory_space<vmem>>) target(%dma_start3A_223 : memref<128xf32, #tpu.memory_space<hbm>>) target_semaphore(%run_scoped3A_222 : memref<!tpu.dma_semaphore, #tpu.memory_space<semaphore_mem>>)
        %dma_wait3A = tpu.memref_slice %arg9[%mul3A_221] : memref<2048xf32, #tpu.memory_space<hbm>> -> memref<128xf32, #tpu.memory_space<hbm>>
        %dma_wait3A_224 = tpu.memref_slice %arg9[%mul3A_221] : memref<2048xf32, #tpu.memory_space<hbm>> -> memref<128xf32, #tpu.memory_space<hbm>>
        tpu.wait_dma2 semaphore(%run_scoped3A_222 : memref<!tpu.dma_semaphore, #tpu.memory_space<semaphore_mem>>) src(%arg23 : memref<128xf32, #tpu.memory_space<vmem>>) dst(%dma_wait3A_224 : memref<128xf32, #tpu.memory_space<hbm>>)
        tpu.yield
      }) : () -> ()
    } else {
    }
    return
  }
}

#map = affine_map<(d0, d1) -> (0, 0)>
#map1 = affine_map<(d0, d1) -> (0, 0, 0)>
#map2 = affine_map<(d0, d1) -> (0, 0, 0, 0)>
module attributes {stable_mosaic.version = 14 : i64} {
  func.func @body(%arg0: i32, %arg1: i32, %arg2: memref<10000x128xf32, #tpu.memory_space<hbm>>, %arg3: memref<2x2560x128xi32, #tpu.memory_space<hbm>>, %arg4: memref<128x128xf32, #tpu.memory_space<hbm>>, %arg5: memref<2x2x4224x128xf32, #tpu.memory_space<hbm>>, %arg6: memref<80x128xi32, #tpu.memory_space<vmem>>, %arg7: memref<80x128xi32, #tpu.memory_space<vmem>>, %arg8: memref<80x128xi32, #tpu.memory_space<vmem>>, %arg9: memref<10368xi32, #tpu.memory_space<vmem>>, %arg10: memref<10368xi32, #tpu.memory_space<vmem>>, %arg11: memref<128x128xf32, #tpu.memory_space<vmem>>, %arg12: memref<128x128xf32, #tpu.memory_space<vmem>>, %arg13: memref<4224x128xf32, #tpu.memory_space<vmem_shared>>, %arg14: memref<!tpu.dma_semaphore, #tpu.memory_space<semaphore_mem>>, %arg15: memref<!tpu.dma_semaphore, #tpu.memory_space<semaphore_mem>>) attributes {dimension_semantics = [#tpu.dimension_semantics<core_parallel>, #tpu.dimension_semantics<subcore_parallel>], iteration_bounds = array<i64: 2, 16>, scalar_prefetch = 0 : i64, scratch_operands = 10 : i64, tpu.core_type = #tpu.core_type<sc_vector_subcore>, window_params = [{transform_indices = #map}, {transform_indices = #map1}, {transform_indices = #map}, {transform_indices = #map2}]} {
    %mul3A = arith.constant 16 : i32
    %mul3A_0 = arith.muli %arg0, %mul3A : i32
    %add3A = arith.addi %mul3A_0, %arg1 : i32
    %mul3A_1 = arith.constant 80 : i32
    %mul3A_2 = arith.muli %add3A, %mul3A_1 : i32
    %iota3A = tpu.iota {dimensions = array<i32: 0>} : vector<16xi32>
    %run_scoped3A = arith.constant 0 : i32
    "tpu.region"() ({
      %run_scoped3A_496 = tpu.sem_alloc : memref<!tpu.dma_semaphore, #tpu.memory_space<semaphore_mem>>
      %dma_start3A = arith.constant 0 : i32
      %dma_start3A_497 = tpu.memref_slice %arg3[%run_scoped3A, %mul3A_2, %dma_start3A] : memref<2x2560x128xi32, #tpu.memory_space<hbm>> -> memref<1x80x128xi32, #tpu.memory_space<hbm>>
      %dma_start3A_498 = tpu.memref_squeeze %dma_start3A_497 : memref<1x80x128xi32, #tpu.memory_space<hbm>> -> memref<80x128xi32, #tpu.memory_space<hbm>>
      %dma_start3A_499 = arith.constant 0 : i32
      %dma_start3A_500 = tpu.memref_slice %arg3[%run_scoped3A, %mul3A_2, %dma_start3A_499] : memref<2x2560x128xi32, #tpu.memory_space<hbm>> -> memref<1x80x128xi32, #tpu.memory_space<hbm>>
      %dma_start3A_501 = tpu.memref_squeeze %dma_start3A_500 : memref<1x80x128xi32, #tpu.memory_space<hbm>> -> memref<80x128xi32, #tpu.memory_space<hbm>>
      tpu.enqueue_dma source(%dma_start3A_501 : memref<80x128xi32, #tpu.memory_space<hbm>>) target(%arg6 : memref<80x128xi32, #tpu.memory_space<vmem>>) target_semaphore(%run_scoped3A_496 : memref<!tpu.dma_semaphore, #tpu.memory_space<semaphore_mem>>)
      %dma_wait3A = arith.constant 0 : i32
      %dma_wait3A_502 = tpu.memref_slice %arg3[%run_scoped3A, %mul3A_2, %dma_wait3A] : memref<2x2560x128xi32, #tpu.memory_space<hbm>> -> memref<1x80x128xi32, #tpu.memory_space<hbm>>
      %dma_wait3A_503 = tpu.memref_squeeze %dma_wait3A_502 : memref<1x80x128xi32, #tpu.memory_space<hbm>> -> memref<80x128xi32, #tpu.memory_space<hbm>>
      %dma_wait3A_504 = arith.constant 0 : i32
      %dma_wait3A_505 = tpu.memref_slice %arg3[%run_scoped3A, %mul3A_2, %dma_wait3A_504] : memref<2x2560x128xi32, #tpu.memory_space<hbm>> -> memref<1x80x128xi32, #tpu.memory_space<hbm>>
      %dma_wait3A_506 = tpu.memref_squeeze %dma_wait3A_505 : memref<1x80x128xi32, #tpu.memory_space<hbm>> -> memref<80x128xi32, #tpu.memory_space<hbm>>
      tpu.wait_dma2 semaphore(%run_scoped3A_496 : memref<!tpu.dma_semaphore, #tpu.memory_space<semaphore_mem>>) src(%dma_wait3A_506 : memref<80x128xi32, #tpu.memory_space<hbm>>) dst(%arg6 : memref<80x128xi32, #tpu.memory_space<vmem>>)
      tpu.yield
    }) : () -> ()
    %run_scoped3A_3 = arith.constant 1 : i32
    "tpu.region"() ({
      %run_scoped3A_496 = tpu.sem_alloc : memref<!tpu.dma_semaphore, #tpu.memory_space<semaphore_mem>>
      %dma_start3A = arith.constant 0 : i32
      %dma_start3A_497 = tpu.memref_slice %arg3[%run_scoped3A_3, %mul3A_2, %dma_start3A] : memref<2x2560x128xi32, #tpu.memory_space<hbm>> -> memref<1x80x128xi32, #tpu.memory_space<hbm>>
      %dma_start3A_498 = tpu.memref_squeeze %dma_start3A_497 : memref<1x80x128xi32, #tpu.memory_space<hbm>> -> memref<80x128xi32, #tpu.memory_space<hbm>>
      %dma_start3A_499 = arith.constant 0 : i32
      %dma_start3A_500 = tpu.memref_slice %arg3[%run_scoped3A_3, %mul3A_2, %dma_start3A_499] : memref<2x2560x128xi32, #tpu.memory_space<hbm>> -> memref<1x80x128xi32, #tpu.memory_space<hbm>>
      %dma_start3A_501 = tpu.memref_squeeze %dma_start3A_500 : memref<1x80x128xi32, #tpu.memory_space<hbm>> -> memref<80x128xi32, #tpu.memory_space<hbm>>
      tpu.enqueue_dma source(%dma_start3A_501 : memref<80x128xi32, #tpu.memory_space<hbm>>) target(%arg7 : memref<80x128xi32, #tpu.memory_space<vmem>>) target_semaphore(%run_scoped3A_496 : memref<!tpu.dma_semaphore, #tpu.memory_space<semaphore_mem>>)
      %dma_wait3A = arith.constant 0 : i32
      %dma_wait3A_502 = tpu.memref_slice %arg3[%run_scoped3A_3, %mul3A_2, %dma_wait3A] : memref<2x2560x128xi32, #tpu.memory_space<hbm>> -> memref<1x80x128xi32, #tpu.memory_space<hbm>>
      %dma_wait3A_503 = tpu.memref_squeeze %dma_wait3A_502 : memref<1x80x128xi32, #tpu.memory_space<hbm>> -> memref<80x128xi32, #tpu.memory_space<hbm>>
      %dma_wait3A_504 = arith.constant 0 : i32
      %dma_wait3A_505 = tpu.memref_slice %arg3[%run_scoped3A_3, %mul3A_2, %dma_wait3A_504] : memref<2x2560x128xi32, #tpu.memory_space<hbm>> -> memref<1x80x128xi32, #tpu.memory_space<hbm>>
      %dma_wait3A_506 = tpu.memref_squeeze %dma_wait3A_505 : memref<1x80x128xi32, #tpu.memory_space<hbm>> -> memref<80x128xi32, #tpu.memory_space<hbm>>
      tpu.wait_dma2 semaphore(%run_scoped3A_496 : memref<!tpu.dma_semaphore, #tpu.memory_space<semaphore_mem>>) src(%dma_wait3A_506 : memref<80x128xi32, #tpu.memory_space<hbm>>) dst(%arg7 : memref<80x128xi32, #tpu.memory_space<vmem>>)
      tpu.yield
    }) : () -> ()
    %mul3A_4 = arith.constant 264 : i32
    %mul3A_5 = arith.muli %arg1, %mul3A_4 : i32
    %add3A_6 = arith.constant 0 : i32
    %add3A_7 = arith.addi %mul3A_5, %add3A_6 : i32
    "tpu.region"() ({
      %run_scoped3A_496 = tpu.sem_alloc : memref<!tpu.dma_semaphore, #tpu.memory_space<semaphore_mem>>
      %dma_start3A = arith.constant 0 : i32
      %dma_start3A_497 = tpu.memref_slice %arg13[%add3A_7, %dma_start3A] : memref<4224x128xf32, #tpu.memory_space<vmem_shared>> -> memref<128x128xf32, #tpu.memory_space<vmem_shared>>
      tpu.enqueue_dma source(%arg4 : memref<128x128xf32, #tpu.memory_space<hbm>>) target(%dma_start3A_497 : memref<128x128xf32, #tpu.memory_space<vmem_shared>>) target_semaphore(%run_scoped3A_496 : memref<!tpu.dma_semaphore, #tpu.memory_space<semaphore_mem>>)
      %dma_wait3A = arith.constant 0 : i32
      %dma_wait3A_498 = tpu.memref_slice %arg13[%add3A_7, %dma_wait3A] : memref<4224x128xf32, #tpu.memory_space<vmem_shared>> -> memref<128x128xf32, #tpu.memory_space<vmem_shared>>
      tpu.wait_dma2 semaphore(%run_scoped3A_496 : memref<!tpu.dma_semaphore, #tpu.memory_space<semaphore_mem>>) src(%arg4 : memref<128x128xf32, #tpu.memory_space<hbm>>) dst(%dma_wait3A_498 : memref<128x128xf32, #tpu.memory_space<vmem_shared>>)
      tpu.yield
    }) : () -> ()
    %mul3A_8 = arith.constant 264 : i32
    %mul3A_9 = arith.muli %arg1, %mul3A_8 : i32
    %add3A_10 = arith.constant 128 : i32
    %add3A_11 = arith.addi %mul3A_9, %add3A_10 : i32
    "tpu.region"() ({
      %run_scoped3A_496 = tpu.sem_alloc : memref<!tpu.dma_semaphore, #tpu.memory_space<semaphore_mem>>
      %dma_start3A = arith.constant 0 : i32
      %dma_start3A_497 = tpu.memref_slice %arg13[%add3A_11, %dma_start3A] : memref<4224x128xf32, #tpu.memory_space<vmem_shared>> -> memref<128x128xf32, #tpu.memory_space<vmem_shared>>
      tpu.enqueue_dma source(%arg4 : memref<128x128xf32, #tpu.memory_space<hbm>>) target(%dma_start3A_497 : memref<128x128xf32, #tpu.memory_space<vmem_shared>>) target_semaphore(%run_scoped3A_496 : memref<!tpu.dma_semaphore, #tpu.memory_space<semaphore_mem>>)
      %dma_wait3A = arith.constant 0 : i32
      %dma_wait3A_498 = tpu.memref_slice %arg13[%add3A_11, %dma_wait3A] : memref<4224x128xf32, #tpu.memory_space<vmem_shared>> -> memref<128x128xf32, #tpu.memory_space<vmem_shared>>
      tpu.wait_dma2 semaphore(%run_scoped3A_496 : memref<!tpu.dma_semaphore, #tpu.memory_space<semaphore_mem>>) src(%arg4 : memref<128x128xf32, #tpu.memory_space<hbm>>) dst(%dma_wait3A_498 : memref<128x128xf32, #tpu.memory_space<vmem_shared>>)
      tpu.yield
    }) : () -> ()
    %mul3A_12 = arith.constant 264 : i32
    %mul3A_13 = arith.muli %arg1, %mul3A_12 : i32
    %add3A_14 = arith.constant 256 : i32
    %add3A_15 = arith.addi %mul3A_13, %add3A_14 : i32
    "tpu.region"() ({
      %run_scoped3A_496 = tpu.sem_alloc : memref<!tpu.dma_semaphore, #tpu.memory_space<semaphore_mem>>
      %dma_start3A = arith.constant 0 : i32
      %dma_start3A_497 = tpu.memref_slice %arg13[%add3A_15, %dma_start3A] : memref<4224x128xf32, #tpu.memory_space<vmem_shared>> -> memref<8x128xf32, #tpu.memory_space<vmem_shared>>
      %dma_start3A_498 = arith.constant 0 : i32
      %dma_start3A_499 = arith.constant 0 : i32
      %dma_start3A_500 = tpu.memref_slice %arg4[%dma_start3A_498, %dma_start3A_499] : memref<128x128xf32, #tpu.memory_space<hbm>> -> memref<8x128xf32, #tpu.memory_space<hbm>>
      tpu.enqueue_dma source(%dma_start3A_500 : memref<8x128xf32, #tpu.memory_space<hbm>>) target(%dma_start3A_497 : memref<8x128xf32, #tpu.memory_space<vmem_shared>>) target_semaphore(%run_scoped3A_496 : memref<!tpu.dma_semaphore, #tpu.memory_space<semaphore_mem>>)
      %dma_wait3A = arith.constant 0 : i32
      %dma_wait3A_501 = tpu.memref_slice %arg13[%add3A_15, %dma_wait3A] : memref<4224x128xf32, #tpu.memory_space<vmem_shared>> -> memref<8x128xf32, #tpu.memory_space<vmem_shared>>
      %dma_wait3A_502 = arith.constant 0 : i32
      %dma_wait3A_503 = arith.constant 0 : i32
      %dma_wait3A_504 = tpu.memref_slice %arg4[%dma_wait3A_502, %dma_wait3A_503] : memref<128x128xf32, #tpu.memory_space<hbm>> -> memref<8x128xf32, #tpu.memory_space<hbm>>
      tpu.wait_dma2 semaphore(%run_scoped3A_496 : memref<!tpu.dma_semaphore, #tpu.memory_space<semaphore_mem>>) src(%dma_wait3A_504 : memref<8x128xf32, #tpu.memory_space<hbm>>) dst(%dma_wait3A_501 : memref<8x128xf32, #tpu.memory_space<vmem_shared>>)
      tpu.yield
    }) : () -> ()
    %barrier3A = arith.constant 0 : index
    tpu.barrier barrier_id(%barrier3A)
    %scan3A = arith.constant 0 : i32
    %scan3A_16 = arith.constant 0 : i32
    %scan3A_17 = arith.constant 80 : i32
    %scan3A_18 = arith.addi %scan3A_16, %scan3A_17 : i32
    %scan3A_19 = arith.constant 1 : i32
    %scan3A_20 = scf.for %scan3A_496 = %scan3A_16 to %scan3A_18 step %scan3A_19 iter_args(%scan3A_497 = %scan3A) -> (i32)  : i32 {
      %scan3A_498 = arith.constant 0 : i32
      %scan3A_499 = arith.constant 8 : i32
      %scan3A_500 = arith.addi %scan3A_498, %scan3A_499 : i32
      %scan3A_501 = arith.constant 1 : i32
      %scan3A_502 = scf.for %scan3A_504 = %scan3A_498 to %scan3A_500 step %scan3A_501 iter_args(%scan3A_505 = %scan3A_497) -> (i32)  : i32 {
        %mul3A_506 = arith.constant 16 : i32
        %mul3A_507 = arith.muli %scan3A_504, %mul3A_506 : i32
        %get3A = arith.index_cast %scan3A_496 : i32 to index
        %get3A_508 = arith.index_cast %mul3A_507 : i32 to index
        %get3A_509 = tpu.vector_load %arg6[%get3A, %get3A_508] {strides = array<i32>} : memref<80x128xi32, #tpu.memory_space<vmem>>, vector<16xi32>,
        %mul3A_510 = arith.constant 16 : i32
        %mul3A_511 = arith.muli %scan3A_504, %mul3A_510 : i32
        %get3A_512 = arith.index_cast %scan3A_496 : i32 to index
        %get3A_513 = arith.index_cast %mul3A_511 : i32 to index
        %get3A_514 = tpu.vector_load %arg7[%get3A_512, %get3A_513] {strides = array<i32>} : memref<80x128xi32, #tpu.memory_space<vmem>>, vector<16xi32>,
        %ge3A = arith.constant 0 : i32
        %ge3A_515 = vector.broadcast %ge3A : i32 to vector<16xi32>
        %ge3A_516 = arith.cmpi sge, %get3A_514, %ge3A_515 : vector<16xi32>
        %lt3A_517 = arith.constant 4000 : i32
        %lt3A_518 = vector.broadcast %lt3A_517 : i32 to vector<16xi32>
        %lt3A_519 = arith.cmpi slt, %get3A_514, %lt3A_518 : vector<16xi32>
        %and3A_520 = arith.andi %ge3A_516, %lt3A_519 : vector<16xi1>
        %swap3A_521 = arith.index_cast %scan3A_505 : i32 to index
        %swap3A_522 = tpu.vector_load %arg9[%swap3A_521] masked %and3A_520 {strides = array<i32>} : memref<10368xi32, #tpu.memory_space<vmem>>, vector<16xi32>, vector<16xi1>
        tpu.vector_store %arg9[%swap3A_521], %get3A_509 masked %and3A_520 {strides = array<i32>} : memref<10368xi32, #tpu.memory_space<vmem>>, vector<16xi32>, vector<16xi1>
        %sub3A_523 = arith.constant 0 : i32
        %sub3A_524 = vector.broadcast %sub3A_523 : i32 to vector<16xi32>
        %sub3A_525 = arith.subi %get3A_514, %sub3A_524 : vector<16xi32>
        %swap3A_526 = arith.index_cast %scan3A_505 : i32 to index
        %swap3A_527 = tpu.vector_load %arg10[%swap3A_526] masked %and3A_520 {strides = array<i32>} : memref<10368xi32, #tpu.memory_space<vmem>>, vector<16xi32>, vector<16xi1>
        tpu.vector_store %arg10[%swap3A_526], %sub3A_525 masked %and3A_520 {strides = array<i32>} : memref<10368xi32, #tpu.memory_space<vmem>>, vector<16xi32>, vector<16xi1>
        %all_reduce_population_count3A = tpu.all_reduce %and3A_520 {dim = 0 : i64, kind = #tpu.reduction_kind<sum>} : vector<16xi1> -> vector<16xi32>
        %reduce_max3A = arith.constant true
        %reduce_max3A_528 = vector.broadcast %reduce_max3A : i1 to vector<16xi1>
        %reduce_max3A_529 = arith.constant -2147483648 : i32
        %reduce_max3A_530 = vector.broadcast %reduce_max3A_529 : i32 to vector<16xi32>
        %reduce_max3A_531 = arith.xori %all_reduce_population_count3A, %reduce_max3A_530 : vector<16xi32>
        %reduce_max3A_532 = tpu.scan <max>, %reduce_max3A_531 masked %reduce_max3A_528 : vector<16xi32>, vector<16xi1> -> vector<16xi32>
        %reduce_max3A_533 = arith.xori %reduce_max3A_532, %reduce_max3A_530 : vector<16xi32>
        %reduce_max3A_534 = vector.extract %reduce_max3A_533[15] : i32 from vector<16xi32>
        %add3A_535 = arith.addi %scan3A_505, %reduce_max3A_534 : i32
        scf.yield %add3A_535 : i32
      }
      %scan3A_503 = arith.constant 8 : i32
      scf.yield %scan3A_502 : i32
    }
    %scan3A_21 = arith.constant 80 : i32
    %lt3A = arith.constant 16 : i32
    %lt3A_22 = vector.broadcast %lt3A : i32 to vector<16xi32>
    %lt3A_23 = arith.cmpi slt, %iota3A, %lt3A_22 : vector<16xi32>
    %add3A_24 = arith.constant 0 : i32
    %add3A_25 = arith.addi %scan3A_20, %add3A_24 : i32
    %swap3A = arith.index_cast %add3A_25 : i32 to index
    %swap3A_26 = tpu.vector_load %arg9[%swap3A] masked %lt3A_23 {strides = array<i32>} : memref<10368xi32, #tpu.memory_space<vmem>>, vector<16xi32>, vector<16xi1>
    tpu.vector_store %arg9[%swap3A], %iota3A masked %lt3A_23 {strides = array<i32>} : memref<10368xi32, #tpu.memory_space<vmem>>, vector<16xi32>, vector<16xi1>
    %add3A_27 = arith.constant 0 : i32
    %add3A_28 = arith.addi %scan3A_20, %add3A_27 : i32
    %add3A_29 = arith.constant 0 : i32
    %add3A_30 = vector.broadcast %add3A_29 : i32 to vector<16xi32>
    %add3A_31 = arith.addi %iota3A, %add3A_30 : vector<16xi32>
    %and3A = arith.constant 127 : i32
    %and3A_32 = vector.broadcast %and3A : i32 to vector<16xi32>
    %and3A_33 = arith.andi %add3A_31, %and3A_32 : vector<16xi32>
    %add3A_34 = arith.constant 4000 : i32
    %add3A_35 = vector.broadcast %add3A_34 : i32 to vector<16xi32>
    %add3A_36 = arith.addi %add3A_35, %and3A_33 : vector<16xi32>
    %swap3A_37 = arith.index_cast %add3A_28 : i32 to index
    %swap3A_38 = tpu.vector_load %arg10[%swap3A_37] masked %lt3A_23 {strides = array<i32>} : memref<10368xi32, #tpu.memory_space<vmem>>, vector<16xi32>, vector<16xi1>
    tpu.vector_store %arg10[%swap3A_37], %add3A_36 masked %lt3A_23 {strides = array<i32>} : memref<10368xi32, #tpu.memory_space<vmem>>, vector<16xi32>, vector<16xi1>
    %add3A_39 = arith.constant 16 : i32
    %add3A_40 = arith.addi %scan3A_20, %add3A_39 : i32
    %swap3A_41 = arith.index_cast %add3A_40 : i32 to index
    %swap3A_42 = tpu.vector_load %arg9[%swap3A_41] masked %lt3A_23 {strides = array<i32>} : memref<10368xi32, #tpu.memory_space<vmem>>, vector<16xi32>, vector<16xi1>
    tpu.vector_store %arg9[%swap3A_41], %iota3A masked %lt3A_23 {strides = array<i32>} : memref<10368xi32, #tpu.memory_space<vmem>>, vector<16xi32>, vector<16xi1>
    %add3A_43 = arith.constant 16 : i32
    %add3A_44 = arith.addi %scan3A_20, %add3A_43 : i32
    %add3A_45 = arith.constant 16 : i32
    %add3A_46 = vector.broadcast %add3A_45 : i32 to vector<16xi32>
    %add3A_47 = arith.addi %iota3A, %add3A_46 : vector<16xi32>
    %and3A_48 = arith.constant 127 : i32
    %and3A_49 = vector.broadcast %and3A_48 : i32 to vector<16xi32>
    %and3A_50 = arith.andi %add3A_47, %and3A_49 : vector<16xi32>
    %add3A_51 = arith.constant 4000 : i32
    %add3A_52 = vector.broadcast %add3A_51 : i32 to vector<16xi32>
    %add3A_53 = arith.addi %add3A_52, %and3A_50 : vector<16xi32>
    %swap3A_54 = arith.index_cast %add3A_44 : i32 to index
    %swap3A_55 = tpu.vector_load %arg10[%swap3A_54] masked %lt3A_23 {strides = array<i32>} : memref<10368xi32, #tpu.memory_space<vmem>>, vector<16xi32>, vector<16xi1>
    tpu.vector_store %arg10[%swap3A_54], %add3A_53 masked %lt3A_23 {strides = array<i32>} : memref<10368xi32, #tpu.memory_space<vmem>>, vector<16xi32>, vector<16xi1>
    %add3A_56 = arith.constant 32 : i32
    %add3A_57 = arith.addi %scan3A_20, %add3A_56 : i32
    %swap3A_58 = arith.index_cast %add3A_57 : i32 to index
    %swap3A_59 = tpu.vector_load %arg9[%swap3A_58] masked %lt3A_23 {strides = array<i32>} : memref<10368xi32, #tpu.memory_space<vmem>>, vector<16xi32>, vector<16xi1>
    tpu.vector_store %arg9[%swap3A_58], %iota3A masked %lt3A_23 {strides = array<i32>} : memref<10368xi32, #tpu.memory_space<vmem>>, vector<16xi32>, vector<16xi1>
    %add3A_60 = arith.constant 32 : i32
    %add3A_61 = arith.addi %scan3A_20, %add3A_60 : i32
    %add3A_62 = arith.constant 32 : i32
    %add3A_63 = vector.broadcast %add3A_62 : i32 to vector<16xi32>
    %add3A_64 = arith.addi %iota3A, %add3A_63 : vector<16xi32>
    %and3A_65 = arith.constant 127 : i32
    %and3A_66 = vector.broadcast %and3A_65 : i32 to vector<16xi32>
    %and3A_67 = arith.andi %add3A_64, %and3A_66 : vector<16xi32>
    %add3A_68 = arith.constant 4000 : i32
    %add3A_69 = vector.broadcast %add3A_68 : i32 to vector<16xi32>
    %add3A_70 = arith.addi %add3A_69, %and3A_67 : vector<16xi32>
    %swap3A_71 = arith.index_cast %add3A_61 : i32 to index
    %swap3A_72 = tpu.vector_load %arg10[%swap3A_71] masked %lt3A_23 {strides = array<i32>} : memref<10368xi32, #tpu.memory_space<vmem>>, vector<16xi32>, vector<16xi1>
    tpu.vector_store %arg10[%swap3A_71], %add3A_70 masked %lt3A_23 {strides = array<i32>} : memref<10368xi32, #tpu.memory_space<vmem>>, vector<16xi32>, vector<16xi1>
    %add3A_73 = arith.constant 48 : i32
    %add3A_74 = arith.addi %scan3A_20, %add3A_73 : i32
    %swap3A_75 = arith.index_cast %add3A_74 : i32 to index
    %swap3A_76 = tpu.vector_load %arg9[%swap3A_75] masked %lt3A_23 {strides = array<i32>} : memref<10368xi32, #tpu.memory_space<vmem>>, vector<16xi32>, vector<16xi1>
    tpu.vector_store %arg9[%swap3A_75], %iota3A masked %lt3A_23 {strides = array<i32>} : memref<10368xi32, #tpu.memory_space<vmem>>, vector<16xi32>, vector<16xi1>
    %add3A_77 = arith.constant 48 : i32
    %add3A_78 = arith.addi %scan3A_20, %add3A_77 : i32
    %add3A_79 = arith.constant 48 : i32
    %add3A_80 = vector.broadcast %add3A_79 : i32 to vector<16xi32>
    %add3A_81 = arith.addi %iota3A, %add3A_80 : vector<16xi32>
    %and3A_82 = arith.constant 127 : i32
    %and3A_83 = vector.broadcast %and3A_82 : i32 to vector<16xi32>
    %and3A_84 = arith.andi %add3A_81, %and3A_83 : vector<16xi32>
    %add3A_85 = arith.constant 4000 : i32
    %add3A_86 = vector.broadcast %add3A_85 : i32 to vector<16xi32>
    %add3A_87 = arith.addi %add3A_86, %and3A_84 : vector<16xi32>
    %swap3A_88 = arith.index_cast %add3A_78 : i32 to index
    %swap3A_89 = tpu.vector_load %arg10[%swap3A_88] masked %lt3A_23 {strides = array<i32>} : memref<10368xi32, #tpu.memory_space<vmem>>, vector<16xi32>, vector<16xi1>
    tpu.vector_store %arg10[%swap3A_88], %add3A_87 masked %lt3A_23 {strides = array<i32>} : memref<10368xi32, #tpu.memory_space<vmem>>, vector<16xi32>, vector<16xi1>
    %add3A_90 = arith.constant 64 : i32
    %add3A_91 = arith.addi %scan3A_20, %add3A_90 : i32
    %swap3A_92 = arith.index_cast %add3A_91 : i32 to index
    %swap3A_93 = tpu.vector_load %arg9[%swap3A_92] masked %lt3A_23 {strides = array<i32>} : memref<10368xi32, #tpu.memory_space<vmem>>, vector<16xi32>, vector<16xi1>
    tpu.vector_store %arg9[%swap3A_92], %iota3A masked %lt3A_23 {strides = array<i32>} : memref<10368xi32, #tpu.memory_space<vmem>>, vector<16xi32>, vector<16xi1>
    %add3A_94 = arith.constant 64 : i32
    %add3A_95 = arith.addi %scan3A_20, %add3A_94 : i32
    %add3A_96 = arith.constant 64 : i32
    %add3A_97 = vector.broadcast %add3A_96 : i32 to vector<16xi32>
    %add3A_98 = arith.addi %iota3A, %add3A_97 : vector<16xi32>
    %and3A_99 = arith.constant 127 : i32
    %and3A_100 = vector.broadcast %and3A_99 : i32 to vector<16xi32>
    %and3A_101 = arith.andi %add3A_98, %and3A_100 : vector<16xi32>
    %add3A_102 = arith.constant 4000 : i32
    %add3A_103 = vector.broadcast %add3A_102 : i32 to vector<16xi32>
    %add3A_104 = arith.addi %add3A_103, %and3A_101 : vector<16xi32>
    %swap3A_105 = arith.index_cast %add3A_95 : i32 to index
    %swap3A_106 = tpu.vector_load %arg10[%swap3A_105] masked %lt3A_23 {strides = array<i32>} : memref<10368xi32, #tpu.memory_space<vmem>>, vector<16xi32>, vector<16xi1>
    tpu.vector_store %arg10[%swap3A_105], %add3A_104 masked %lt3A_23 {strides = array<i32>} : memref<10368xi32, #tpu.memory_space<vmem>>, vector<16xi32>, vector<16xi1>
    %add3A_107 = arith.constant 80 : i32
    %add3A_108 = arith.addi %scan3A_20, %add3A_107 : i32
    %swap3A_109 = arith.index_cast %add3A_108 : i32 to index
    %swap3A_110 = tpu.vector_load %arg9[%swap3A_109] masked %lt3A_23 {strides = array<i32>} : memref<10368xi32, #tpu.memory_space<vmem>>, vector<16xi32>, vector<16xi1>
    tpu.vector_store %arg9[%swap3A_109], %iota3A masked %lt3A_23 {strides = array<i32>} : memref<10368xi32, #tpu.memory_space<vmem>>, vector<16xi32>, vector<16xi1>
    %add3A_111 = arith.constant 80 : i32
    %add3A_112 = arith.addi %scan3A_20, %add3A_111 : i32
    %add3A_113 = arith.constant 80 : i32
    %add3A_114 = vector.broadcast %add3A_113 : i32 to vector<16xi32>
    %add3A_115 = arith.addi %iota3A, %add3A_114 : vector<16xi32>
    %and3A_116 = arith.constant 127 : i32
    %and3A_117 = vector.broadcast %and3A_116 : i32 to vector<16xi32>
    %and3A_118 = arith.andi %add3A_115, %and3A_117 : vector<16xi32>
    %add3A_119 = arith.constant 4000 : i32
    %add3A_120 = vector.broadcast %add3A_119 : i32 to vector<16xi32>
    %add3A_121 = arith.addi %add3A_120, %and3A_118 : vector<16xi32>
    %swap3A_122 = arith.index_cast %add3A_112 : i32 to index
    %swap3A_123 = tpu.vector_load %arg10[%swap3A_122] masked %lt3A_23 {strides = array<i32>} : memref<10368xi32, #tpu.memory_space<vmem>>, vector<16xi32>, vector<16xi1>
    tpu.vector_store %arg10[%swap3A_122], %add3A_121 masked %lt3A_23 {strides = array<i32>} : memref<10368xi32, #tpu.memory_space<vmem>>, vector<16xi32>, vector<16xi1>
    %add3A_124 = arith.constant 96 : i32
    %add3A_125 = arith.addi %scan3A_20, %add3A_124 : i32
    %swap3A_126 = arith.index_cast %add3A_125 : i32 to index
    %swap3A_127 = tpu.vector_load %arg9[%swap3A_126] masked %lt3A_23 {strides = array<i32>} : memref<10368xi32, #tpu.memory_space<vmem>>, vector<16xi32>, vector<16xi1>
    tpu.vector_store %arg9[%swap3A_126], %iota3A masked %lt3A_23 {strides = array<i32>} : memref<10368xi32, #tpu.memory_space<vmem>>, vector<16xi32>, vector<16xi1>
    %add3A_128 = arith.constant 96 : i32
    %add3A_129 = arith.addi %scan3A_20, %add3A_128 : i32
    %add3A_130 = arith.constant 96 : i32
    %add3A_131 = vector.broadcast %add3A_130 : i32 to vector<16xi32>
    %add3A_132 = arith.addi %iota3A, %add3A_131 : vector<16xi32>
    %and3A_133 = arith.constant 127 : i32
    %and3A_134 = vector.broadcast %and3A_133 : i32 to vector<16xi32>
    %and3A_135 = arith.andi %add3A_132, %and3A_134 : vector<16xi32>
    %add3A_136 = arith.constant 4000 : i32
    %add3A_137 = vector.broadcast %add3A_136 : i32 to vector<16xi32>
    %add3A_138 = arith.addi %add3A_137, %and3A_135 : vector<16xi32>
    %swap3A_139 = arith.index_cast %add3A_129 : i32 to index
    %swap3A_140 = tpu.vector_load %arg10[%swap3A_139] masked %lt3A_23 {strides = array<i32>} : memref<10368xi32, #tpu.memory_space<vmem>>, vector<16xi32>, vector<16xi1>
    tpu.vector_store %arg10[%swap3A_139], %add3A_138 masked %lt3A_23 {strides = array<i32>} : memref<10368xi32, #tpu.memory_space<vmem>>, vector<16xi32>, vector<16xi1>
    %add3A_141 = arith.constant 112 : i32
    %add3A_142 = arith.addi %scan3A_20, %add3A_141 : i32
    %swap3A_143 = arith.index_cast %add3A_142 : i32 to index
    %swap3A_144 = tpu.vector_load %arg9[%swap3A_143] masked %lt3A_23 {strides = array<i32>} : memref<10368xi32, #tpu.memory_space<vmem>>, vector<16xi32>, vector<16xi1>
    tpu.vector_store %arg9[%swap3A_143], %iota3A masked %lt3A_23 {strides = array<i32>} : memref<10368xi32, #tpu.memory_space<vmem>>, vector<16xi32>, vector<16xi1>
    %add3A_145 = arith.constant 112 : i32
    %add3A_146 = arith.addi %scan3A_20, %add3A_145 : i32
    %add3A_147 = arith.constant 112 : i32
    %add3A_148 = vector.broadcast %add3A_147 : i32 to vector<16xi32>
    %add3A_149 = arith.addi %iota3A, %add3A_148 : vector<16xi32>
    %and3A_150 = arith.constant 127 : i32
    %and3A_151 = vector.broadcast %and3A_150 : i32 to vector<16xi32>
    %and3A_152 = arith.andi %add3A_149, %and3A_151 : vector<16xi32>
    %add3A_153 = arith.constant 4000 : i32
    %add3A_154 = vector.broadcast %add3A_153 : i32 to vector<16xi32>
    %add3A_155 = arith.addi %add3A_154, %and3A_152 : vector<16xi32>
    %swap3A_156 = arith.index_cast %add3A_146 : i32 to index
    %swap3A_157 = tpu.vector_load %arg10[%swap3A_156] masked %lt3A_23 {strides = array<i32>} : memref<10368xi32, #tpu.memory_space<vmem>>, vector<16xi32>, vector<16xi1>
    tpu.vector_store %arg10[%swap3A_156], %add3A_155 masked %lt3A_23 {strides = array<i32>} : memref<10368xi32, #tpu.memory_space<vmem>>, vector<16xi32>, vector<16xi1>
    %add3A_158 = arith.constant 128 : i32
    %add3A_159 = arith.addi %scan3A_20, %add3A_158 : i32
    %sub3A = arith.constant 1 : i32
    %sub3A_160 = arith.subi %add3A_159, %sub3A : i32
    %jit3A = arith.constant 128 : i32
    %div3A = arith.divsi %sub3A_160, %jit3A : i32
    %sign3A = arith.constant 0 : i32
    %sign3A_161 = arith.cmpi sgt, %sub3A_160, %sign3A : i32
    %sign3A_162 = arith.extui %sign3A_161 : i1 to i32
    %sign3A_163 = arith.constant 0 : i32
    %sign3A_164 = arith.cmpi slt, %sub3A_160, %sign3A_163 : i32
    %sign3A_165 = arith.extui %sign3A_164 : i1 to i32
    %sign3A_166 = arith.subi %sign3A_162, %sign3A_165 : i32
    %sign3A_167 = arith.constant 0 : i32
    %sign3A_168 = arith.cmpi sgt, %jit3A, %sign3A_167 : i32
    %sign3A_169 = arith.extui %sign3A_168 : i1 to i32
    %sign3A_170 = arith.constant 0 : i32
    %sign3A_171 = arith.cmpi slt, %jit3A, %sign3A_170 : i32
    %sign3A_172 = arith.extui %sign3A_171 : i1 to i32
    %sign3A_173 = arith.subi %sign3A_169, %sign3A_172 : i32
    %ne3A = arith.cmpi ne, %sign3A_166, %sign3A_173 : i32
    %rem3A = arith.remsi %sub3A_160, %jit3A : i32
    %ne3A_174 = arith.constant 0 : i32
    %ne3A_175 = arith.cmpi ne, %rem3A, %ne3A_174 : i32
    %and3A_176 = arith.andi %ne3A, %ne3A_175 : i1
    %sub3A_177 = arith.constant 1 : i32
    %sub3A_178 = arith.subi %div3A, %sub3A_177 : i32
    %select_n3A = arith.select %and3A_176, %sub3A_178, %div3A : i32
    %while3A = arith.constant 0 : i32
    %while3A_179 = arith.constant 0 : i32
    %while3A_180 = arith.subi %select_n3A, %while3A_179 : i32
    %while3A_181 = arith.addi %while3A_179, %while3A_180 : i32
    %while3A_182 = arith.constant 1 : i32
    %while3A_183 = arith.divsi %while3A_180, %while3A_182 : i32
    %while3A_184 = arith.muli %while3A_183, %while3A_182 : i32
    %while3A_185 = arith.addi %while3A_179, %while3A_184 : i32
    %while3A_186 = arith.constant 1 : i32
    scf.for %while3A_496 = %while3A_179 to %while3A_185 step %while3A_186  : i32 {
      %scan3A_497 = arith.constant 0 : i32
      %scan3A_498 = arith.constant 8 : i32
      %scan3A_499 = arith.addi %scan3A_497, %scan3A_498 : i32
      %scan3A_500 = arith.constant 1 : i32
      scf.for %scan3A_502 = %scan3A_497 to %scan3A_499 step %scan3A_500  : i32 {
        %mul3A_503 = arith.constant 128 : i32
        %mul3A_504 = arith.muli %while3A_496, %mul3A_503 : i32
        %mul3A_505 = arith.constant 16 : i32
        %mul3A_506 = arith.muli %scan3A_502, %mul3A_505 : i32
        %add3A_507 = arith.addi %mul3A_504, %mul3A_506 : i32
        %get3A = arith.index_cast %add3A_507 : i32 to index
        %get3A_508 = tpu.vector_load %arg10[%get3A] {strides = array<i32>} : memref<10368xi32, #tpu.memory_space<vmem>>, vector<16xi32>,
        %mul3A_509 = arith.constant 16 : i32
        %mul3A_510 = arith.muli %scan3A_502, %mul3A_509 : i32
        %swap3A_511 = arith.index_cast %while3A_496 : i32 to index
        %swap3A_512 = arith.index_cast %mul3A_510 : i32 to index
        %swap3A_513 = tpu.vector_load %arg8[%swap3A_511, %swap3A_512] {strides = array<i32>} : memref<80x128xi32, #tpu.memory_space<vmem>>, vector<16xi32>,
        tpu.vector_store %arg8[%swap3A_511, %swap3A_512], %get3A_508 {strides = array<i32>} : memref<80x128xi32, #tpu.memory_space<vmem>>, vector<16xi32>,
      }
      %scan3A_501 = arith.constant 8 : i32
    }
    %while3A_187 = arith.constant 1 : i32
    scf.for %while3A_496 = %while3A_185 to %while3A_181 step %while3A_187  : i32 {
      %scan3A_497 = arith.constant 0 : i32
      %scan3A_498 = arith.constant 8 : i32
      %scan3A_499 = arith.addi %scan3A_497, %scan3A_498 : i32
      %scan3A_500 = arith.constant 1 : i32
      scf.for %scan3A_502 = %scan3A_497 to %scan3A_499 step %scan3A_500  : i32 {
        %mul3A_503 = arith.constant 128 : i32
        %mul3A_504 = arith.muli %while3A_496, %mul3A_503 : i32
        %mul3A_505 = arith.constant 16 : i32
        %mul3A_506 = arith.muli %scan3A_502, %mul3A_505 : i32
        %add3A_507 = arith.addi %mul3A_504, %mul3A_506 : i32
        %get3A = arith.index_cast %add3A_507 : i32 to index
        %get3A_508 = tpu.vector_load %arg10[%get3A] {strides = array<i32>} : memref<10368xi32, #tpu.memory_space<vmem>>, vector<16xi32>,
        %mul3A_509 = arith.constant 16 : i32
        %mul3A_510 = arith.muli %scan3A_502, %mul3A_509 : i32
        %swap3A_511 = arith.index_cast %while3A_496 : i32 to index
        %swap3A_512 = arith.index_cast %mul3A_510 : i32 to index
        %swap3A_513 = tpu.vector_load %arg8[%swap3A_511, %swap3A_512] {strides = array<i32>} : memref<80x128xi32, #tpu.memory_space<vmem>>, vector<16xi32>,
        tpu.vector_store %arg8[%swap3A_511, %swap3A_512], %get3A_508 {strides = array<i32>} : memref<80x128xi32, #tpu.memory_space<vmem>>, vector<16xi32>,
      }
      %scan3A_501 = arith.constant 8 : i32
    }
    %gt3A = arith.constant 0 : i32
    %gt3A_188 = arith.cmpi sgt, %select_n3A, %gt3A : i32
    %convert_element_type3A = arith.extui %gt3A_188 : i1 to i32
    %cond3A = arith.constant 0 : i32
    %cond3A_189 = arith.cmpi ne, %convert_element_type3A, %cond3A : i32
    scf.if %cond3A_189 {
      %dma_start3A = arith.constant 0 : i32
      %dma_start3A_496 = tpu.memref_slice %arg9[%dma_start3A] : memref<10368xi32, #tpu.memory_space<vmem>> -> memref<128xi32, #tpu.memory_space<vmem>>
      %dma_start3A_497 = arith.constant 0 : i32
      %dma_start3A_498 = arith.constant 0 : i32
      %dma_start3A_499 = tpu.memref_slice %arg2[%dma_start3A_497, %dma_start3A_498] : memref<10000x128xf32, #tpu.memory_space<hbm>> -> memref<10000x128xf32, #tpu.memory_space<hbm>>
      tpu.enqueue_indirect_dma source(%dma_start3A_499 : memref<10000x128xf32, #tpu.memory_space<hbm>>) target(%arg11 : memref<128x128xf32, #tpu.memory_space<vmem>>) offsets(%dma_start3A_496 : memref<128xi32, #tpu.memory_space<vmem>>) semaphore(%arg14 : memref<!tpu.dma_semaphore, #tpu.memory_space<semaphore_mem>>)
    } else {
    }
    %add3A_190 = arith.constant 1 : i32
    %add3A_191 = arith.addi %select_n3A, %add3A_190 : i32
    %jit3A_192 = arith.constant 2 : i32
    %div3A_193 = arith.divsi %add3A_191, %jit3A_192 : i32
    %sign3A_194 = arith.constant 0 : i32
    %sign3A_195 = arith.cmpi sgt, %add3A_191, %sign3A_194 : i32
    %sign3A_196 = arith.extui %sign3A_195 : i1 to i32
    %sign3A_197 = arith.constant 0 : i32
    %sign3A_198 = arith.cmpi slt, %add3A_191, %sign3A_197 : i32
    %sign3A_199 = arith.extui %sign3A_198 : i1 to i32
    %sign3A_200 = arith.subi %sign3A_196, %sign3A_199 : i32
    %sign3A_201 = arith.constant 0 : i32
    %sign3A_202 = arith.cmpi sgt, %jit3A_192, %sign3A_201 : i32
    %sign3A_203 = arith.extui %sign3A_202 : i1 to i32
    %sign3A_204 = arith.constant 0 : i32
    %sign3A_205 = arith.cmpi slt, %jit3A_192, %sign3A_204 : i32
    %sign3A_206 = arith.extui %sign3A_205 : i1 to i32
    %sign3A_207 = arith.subi %sign3A_203, %sign3A_206 : i32
    %ne3A_208 = arith.cmpi ne, %sign3A_200, %sign3A_207 : i32
    %rem3A_209 = arith.remsi %add3A_191, %jit3A_192 : i32
    %ne3A_210 = arith.constant 0 : i32
    %ne3A_211 = arith.cmpi ne, %rem3A_209, %ne3A_210 : i32
    %and3A_212 = arith.andi %ne3A_208, %ne3A_211 : i1
    %sub3A_213 = arith.constant 1 : i32
    %sub3A_214 = arith.subi %div3A_193, %sub3A_213 : i32
    %select_n3A_215 = arith.select %and3A_212, %sub3A_214, %div3A_193 : i32
    %while3A_216 = arith.constant 0 : i32
    %while3A_217 = arith.constant 0 : i32
    %while3A_218 = arith.subi %select_n3A_215, %while3A_217 : i32
    %while3A_219 = arith.addi %while3A_217, %while3A_218 : i32
    %while3A_220 = arith.constant 1 : i32
    %while3A_221 = arith.divsi %while3A_218, %while3A_220 : i32
    %while3A_222 = arith.muli %while3A_221, %while3A_220 : i32
    %while3A_223 = arith.addi %while3A_217, %while3A_222 : i32
    %while3A_224 = arith.constant 1 : i32
    scf.for %while3A_496 = %while3A_217 to %while3A_223 step %while3A_224  : i32 {
      %mul3A_497 = arith.constant 2 : i32
      %mul3A_498 = arith.muli %mul3A_497, %while3A_496 : i32
      %mul3A_499 = arith.constant 2 : i32
      %mul3A_500 = arith.muli %mul3A_499, %while3A_496 : i32
      %add3A_501 = arith.constant 1 : i32
      %add3A_502 = arith.addi %mul3A_500, %add3A_501 : i32
      %mul3A_503 = arith.constant 128 : i32
      %mul3A_504 = arith.muli %mul3A_498, %mul3A_503 : i32
      %dma_wait3A = tpu.memref_slice %arg9[%mul3A_504] : memref<10368xi32, #tpu.memory_space<vmem>> -> memref<128xi32, #tpu.memory_space<vmem>>
      %dma_wait3A_505 = arith.constant 0 : i32
      %dma_wait3A_506 = arith.constant 0 : i32
      %dma_wait3A_507 = tpu.memref_slice %arg2[%dma_wait3A_505, %dma_wait3A_506] : memref<10000x128xf32, #tpu.memory_space<hbm>> -> memref<10000x128xf32, #tpu.memory_space<hbm>>
      tpu.wait_indirect_dma semaphore(%arg14 : memref<!tpu.dma_semaphore, #tpu.memory_space<semaphore_mem>>) src(%dma_wait3A_507 : memref<10000x128xf32, #tpu.memory_space<hbm>>) dst(%arg11 : memref<128x128xf32, #tpu.memory_space<vmem>>)
      %lt3A_508 = arith.cmpi slt, %add3A_502, %select_n3A : i32
      %convert_element_type3A_509 = arith.extui %lt3A_508 : i1 to i32
      %cond3A_510 = arith.constant 0 : i32
      %cond3A_511 = arith.cmpi ne, %convert_element_type3A_509, %cond3A_510 : i32
      scf.if %cond3A_511 {
        %mul3A_516 = arith.constant 128 : i32
        %mul3A_517 = arith.muli %add3A_502, %mul3A_516 : i32
        %dma_start3A = tpu.memref_slice %arg9[%mul3A_517] : memref<10368xi32, #tpu.memory_space<vmem>> -> memref<128xi32, #tpu.memory_space<vmem>>
        %dma_start3A_518 = arith.constant 0 : i32
        %dma_start3A_519 = arith.constant 0 : i32
        %dma_start3A_520 = tpu.memref_slice %arg2[%dma_start3A_518, %dma_start3A_519] : memref<10000x128xf32, #tpu.memory_space<hbm>> -> memref<10000x128xf32, #tpu.memory_space<hbm>>
        tpu.enqueue_indirect_dma source(%dma_start3A_520 : memref<10000x128xf32, #tpu.memory_space<hbm>>) target(%arg12 : memref<128x128xf32, #tpu.memory_space<vmem>>) offsets(%dma_start3A : memref<128xi32, #tpu.memory_space<vmem>>) semaphore(%arg15 : memref<!tpu.dma_semaphore, #tpu.memory_space<semaphore_mem>>)
      } else {
      }
      "tpu.region"() ({
        %run_scoped3A_516 = tpu.sem_alloc : memref<!tpu.dma_semaphore, #tpu.memory_space<semaphore_mem>>
        %dma_start3A = arith.constant 0 : i32
        %dma_start3A_517 = tpu.memref_slice %arg8[%mul3A_498, %dma_start3A] : memref<80x128xi32, #tpu.memory_space<vmem>> -> memref<1x128xi32, #tpu.memory_space<vmem>>
        %dma_start3A_518 = tpu.memref_squeeze %dma_start3A_517 : memref<1x128xi32, #tpu.memory_space<vmem>> -> memref<128xi32, #tpu.memory_space<vmem>>
        %dma_start3A_519 = arith.constant 0 : i32
        %dma_start3A_520 = arith.constant 0 : i32
        %dma_start3A_521 = tpu.memref_slice %arg13[%dma_start3A_519, %dma_start3A_520] : memref<4224x128xf32, #tpu.memory_space<vmem_shared>> -> memref<4224x128xf32, #tpu.memory_space<vmem_shared>>
        tpu.enqueue_indirect_dma source(%arg11 : memref<128x128xf32, #tpu.memory_space<vmem>>) target(%dma_start3A_521 : memref<4224x128xf32, #tpu.memory_space<vmem_shared>>) offsets(%dma_start3A_518 : memref<128xi32, #tpu.memory_space<vmem>>) semaphore(%run_scoped3A_516 : memref<!tpu.dma_semaphore, #tpu.memory_space<semaphore_mem>>) {add = true}
        %dma_wait3A_522 = arith.constant 0 : i32
        %dma_wait3A_523 = tpu.memref_slice %arg8[%mul3A_498, %dma_wait3A_522] : memref<80x128xi32, #tpu.memory_space<vmem>> -> memref<1x128xi32, #tpu.memory_space<vmem>>
        %dma_wait3A_524 = tpu.memref_squeeze %dma_wait3A_523 : memref<1x128xi32, #tpu.memory_space<vmem>> -> memref<128xi32, #tpu.memory_space<vmem>>
        %dma_wait3A_525 = arith.constant 0 : i32
        %dma_wait3A_526 = arith.constant 0 : i32
        %dma_wait3A_527 = tpu.memref_slice %arg13[%dma_wait3A_525, %dma_wait3A_526] : memref<4224x128xf32, #tpu.memory_space<vmem_shared>> -> memref<4224x128xf32, #tpu.memory_space<vmem_shared>>
        tpu.wait_indirect_dma semaphore(%run_scoped3A_516 : memref<!tpu.dma_semaphore, #tpu.memory_space<semaphore_mem>>) src(%arg11 : memref<128x128xf32, #tpu.memory_space<vmem>>) dst(%dma_wait3A_527 : memref<4224x128xf32, #tpu.memory_space<vmem_shared>>)
        tpu.yield
      }) : () -> ()
      %lt3A_512 = arith.cmpi slt, %add3A_502, %select_n3A : i32
      %convert_element_type3A_513 = arith.extui %lt3A_512 : i1 to i32
      %cond3A_514 = arith.constant 0 : i32
      %cond3A_515 = arith.cmpi ne, %convert_element_type3A_513, %cond3A_514 : i32
      scf.if %cond3A_515 {
        %mul3A_516 = arith.constant 128 : i32
        %mul3A_517 = arith.muli %add3A_502, %mul3A_516 : i32
        %dma_wait3A_518 = tpu.memref_slice %arg9[%mul3A_517] : memref<10368xi32, #tpu.memory_space<vmem>> -> memref<128xi32, #tpu.memory_space<vmem>>
        %dma_wait3A_519 = arith.constant 0 : i32
        %dma_wait3A_520 = arith.constant 0 : i32
        %dma_wait3A_521 = tpu.memref_slice %arg2[%dma_wait3A_519, %dma_wait3A_520] : memref<10000x128xf32, #tpu.memory_space<hbm>> -> memref<10000x128xf32, #tpu.memory_space<hbm>>
        tpu.wait_indirect_dma semaphore(%arg15 : memref<!tpu.dma_semaphore, #tpu.memory_space<semaphore_mem>>) src(%dma_wait3A_521 : memref<10000x128xf32, #tpu.memory_space<hbm>>) dst(%arg12 : memref<128x128xf32, #tpu.memory_space<vmem>>)
        %add3A_522 = arith.constant 1 : i32
        %add3A_523 = arith.addi %add3A_502, %add3A_522 : i32
        %lt3A_524 = arith.cmpi slt, %add3A_523, %select_n3A : i32
        %convert_element_type3A_525 = arith.extui %lt3A_524 : i1 to i32
        %cond3A_526 = arith.constant 0 : i32
        %cond3A_527 = arith.cmpi ne, %convert_element_type3A_525, %cond3A_526 : i32
        scf.if %cond3A_527 {
          %add3A_528 = arith.constant 1 : i32
          %add3A_529 = arith.addi %add3A_502, %add3A_528 : i32
          %mul3A_530 = arith.constant 128 : i32
          %mul3A_531 = arith.muli %add3A_529, %mul3A_530 : i32
          %dma_start3A = tpu.memref_slice %arg9[%mul3A_531] : memref<10368xi32, #tpu.memory_space<vmem>> -> memref<128xi32, #tpu.memory_space<vmem>>
          %dma_start3A_532 = arith.constant 0 : i32
          %dma_start3A_533 = arith.constant 0 : i32
          %dma_start3A_534 = tpu.memref_slice %arg2[%dma_start3A_532, %dma_start3A_533] : memref<10000x128xf32, #tpu.memory_space<hbm>> -> memref<10000x128xf32, #tpu.memory_space<hbm>>
          tpu.enqueue_indirect_dma source(%dma_start3A_534 : memref<10000x128xf32, #tpu.memory_space<hbm>>) target(%arg11 : memref<128x128xf32, #tpu.memory_space<vmem>>) offsets(%dma_start3A : memref<128xi32, #tpu.memory_space<vmem>>) semaphore(%arg14 : memref<!tpu.dma_semaphore, #tpu.memory_space<semaphore_mem>>)
        } else {
        }
        "tpu.region"() ({
          %run_scoped3A_528 = tpu.sem_alloc : memref<!tpu.dma_semaphore, #tpu.memory_space<semaphore_mem>>
          %dma_start3A = arith.constant 0 : i32
          %dma_start3A_529 = tpu.memref_slice %arg8[%add3A_502, %dma_start3A] : memref<80x128xi32, #tpu.memory_space<vmem>> -> memref<1x128xi32, #tpu.memory_space<vmem>>
          %dma_start3A_530 = tpu.memref_squeeze %dma_start3A_529 : memref<1x128xi32, #tpu.memory_space<vmem>> -> memref<128xi32, #tpu.memory_space<vmem>>
          %dma_start3A_531 = arith.constant 0 : i32
          %dma_start3A_532 = arith.constant 0 : i32
          %dma_start3A_533 = tpu.memref_slice %arg13[%dma_start3A_531, %dma_start3A_532] : memref<4224x128xf32, #tpu.memory_space<vmem_shared>> -> memref<4224x128xf32, #tpu.memory_space<vmem_shared>>
          tpu.enqueue_indirect_dma source(%arg12 : memref<128x128xf32, #tpu.memory_space<vmem>>) target(%dma_start3A_533 : memref<4224x128xf32, #tpu.memory_space<vmem_shared>>) offsets(%dma_start3A_530 : memref<128xi32, #tpu.memory_space<vmem>>) semaphore(%run_scoped3A_528 : memref<!tpu.dma_semaphore, #tpu.memory_space<semaphore_mem>>) {add = true}
          %dma_wait3A_534 = arith.constant 0 : i32
          %dma_wait3A_535 = tpu.memref_slice %arg8[%add3A_502, %dma_wait3A_534] : memref<80x128xi32, #tpu.memory_space<vmem>> -> memref<1x128xi32, #tpu.memory_space<vmem>>
          %dma_wait3A_536 = tpu.memref_squeeze %dma_wait3A_535 : memref<1x128xi32, #tpu.memory_space<vmem>> -> memref<128xi32, #tpu.memory_space<vmem>>
          %dma_wait3A_537 = arith.constant 0 : i32
          %dma_wait3A_538 = arith.constant 0 : i32
          %dma_wait3A_539 = tpu.memref_slice %arg13[%dma_wait3A_537, %dma_wait3A_538] : memref<4224x128xf32, #tpu.memory_space<vmem_shared>> -> memref<4224x128xf32, #tpu.memory_space<vmem_shared>>
          tpu.wait_indirect_dma semaphore(%run_scoped3A_528 : memref<!tpu.dma_semaphore, #tpu.memory_space<semaphore_mem>>) src(%arg12 : memref<128x128xf32, #tpu.memory_space<vmem>>) dst(%dma_wait3A_539 : memref<4224x128xf32, #tpu.memory_space<vmem_shared>>)
          tpu.yield
        }) : () -> ()
      } else {
      }
    }
    %while3A_225 = arith.constant 1 : i32
    scf.for %while3A_496 = %while3A_223 to %while3A_219 step %while3A_225  : i32 {
      %mul3A_497 = arith.constant 2 : i32
      %mul3A_498 = arith.muli %mul3A_497, %while3A_496 : i32
      %mul3A_499 = arith.constant 2 : i32
      %mul3A_500 = arith.muli %mul3A_499, %while3A_496 : i32
      %add3A_501 = arith.constant 1 : i32
      %add3A_502 = arith.addi %mul3A_500, %add3A_501 : i32
      %mul3A_503 = arith.constant 128 : i32
      %mul3A_504 = arith.muli %mul3A_498, %mul3A_503 : i32
      %dma_wait3A = tpu.memref_slice %arg9[%mul3A_504] : memref<10368xi32, #tpu.memory_space<vmem>> -> memref<128xi32, #tpu.memory_space<vmem>>
      %dma_wait3A_505 = arith.constant 0 : i32
      %dma_wait3A_506 = arith.constant 0 : i32
      %dma_wait3A_507 = tpu.memref_slice %arg2[%dma_wait3A_505, %dma_wait3A_506] : memref<10000x128xf32, #tpu.memory_space<hbm>> -> memref<10000x128xf32, #tpu.memory_space<hbm>>
      tpu.wait_indirect_dma semaphore(%arg14 : memref<!tpu.dma_semaphore, #tpu.memory_space<semaphore_mem>>) src(%dma_wait3A_507 : memref<10000x128xf32, #tpu.memory_space<hbm>>) dst(%arg11 : memref<128x128xf32, #tpu.memory_space<vmem>>)
      %lt3A_508 = arith.cmpi slt, %add3A_502, %select_n3A : i32
      %convert_element_type3A_509 = arith.extui %lt3A_508 : i1 to i32
      %cond3A_510 = arith.constant 0 : i32
      %cond3A_511 = arith.cmpi ne, %convert_element_type3A_509, %cond3A_510 : i32
      scf.if %cond3A_511 {
        %mul3A_516 = arith.constant 128 : i32
        %mul3A_517 = arith.muli %add3A_502, %mul3A_516 : i32
        %dma_start3A = tpu.memref_slice %arg9[%mul3A_517] : memref<10368xi32, #tpu.memory_space<vmem>> -> memref<128xi32, #tpu.memory_space<vmem>>
        %dma_start3A_518 = arith.constant 0 : i32
        %dma_start3A_519 = arith.constant 0 : i32
        %dma_start3A_520 = tpu.memref_slice %arg2[%dma_start3A_518, %dma_start3A_519] : memref<10000x128xf32, #tpu.memory_space<hbm>> -> memref<10000x128xf32, #tpu.memory_space<hbm>>
        tpu.enqueue_indirect_dma source(%dma_start3A_520 : memref<10000x128xf32, #tpu.memory_space<hbm>>) target(%arg12 : memref<128x128xf32, #tpu.memory_space<vmem>>) offsets(%dma_start3A : memref<128xi32, #tpu.memory_space<vmem>>) semaphore(%arg15 : memref<!tpu.dma_semaphore, #tpu.memory_space<semaphore_mem>>)
      } else {
      }
      "tpu.region"() ({
        %run_scoped3A_516 = tpu.sem_alloc : memref<!tpu.dma_semaphore, #tpu.memory_space<semaphore_mem>>
        %dma_start3A = arith.constant 0 : i32
        %dma_start3A_517 = tpu.memref_slice %arg8[%mul3A_498, %dma_start3A] : memref<80x128xi32, #tpu.memory_space<vmem>> -> memref<1x128xi32, #tpu.memory_space<vmem>>
        %dma_start3A_518 = tpu.memref_squeeze %dma_start3A_517 : memref<1x128xi32, #tpu.memory_space<vmem>> -> memref<128xi32, #tpu.memory_space<vmem>>
        %dma_start3A_519 = arith.constant 0 : i32
        %dma_start3A_520 = arith.constant 0 : i32
        %dma_start3A_521 = tpu.memref_slice %arg13[%dma_start3A_519, %dma_start3A_520] : memref<4224x128xf32, #tpu.memory_space<vmem_shared>> -> memref<4224x128xf32, #tpu.memory_space<vmem_shared>>
        tpu.enqueue_indirect_dma source(%arg11 : memref<128x128xf32, #tpu.memory_space<vmem>>) target(%dma_start3A_521 : memref<4224x128xf32, #tpu.memory_space<vmem_shared>>) offsets(%dma_start3A_518 : memref<128xi32, #tpu.memory_space<vmem>>) semaphore(%run_scoped3A_516 : memref<!tpu.dma_semaphore, #tpu.memory_space<semaphore_mem>>) {add = true}
        %dma_wait3A_522 = arith.constant 0 : i32
        %dma_wait3A_523 = tpu.memref_slice %arg8[%mul3A_498, %dma_wait3A_522] : memref<80x128xi32, #tpu.memory_space<vmem>> -> memref<1x128xi32, #tpu.memory_space<vmem>>
        %dma_wait3A_524 = tpu.memref_squeeze %dma_wait3A_523 : memref<1x128xi32, #tpu.memory_space<vmem>> -> memref<128xi32, #tpu.memory_space<vmem>>
        %dma_wait3A_525 = arith.constant 0 : i32
        %dma_wait3A_526 = arith.constant 0 : i32
        %dma_wait3A_527 = tpu.memref_slice %arg13[%dma_wait3A_525, %dma_wait3A_526] : memref<4224x128xf32, #tpu.memory_space<vmem_shared>> -> memref<4224x128xf32, #tpu.memory_space<vmem_shared>>
        tpu.wait_indirect_dma semaphore(%run_scoped3A_516 : memref<!tpu.dma_semaphore, #tpu.memory_space<semaphore_mem>>) src(%arg11 : memref<128x128xf32, #tpu.memory_space<vmem>>) dst(%dma_wait3A_527 : memref<4224x128xf32, #tpu.memory_space<vmem_shared>>)
        tpu.yield
      }) : () -> ()
      %lt3A_512 = arith.cmpi slt, %add3A_502, %select_n3A : i32
      %convert_element_type3A_513 = arith.extui %lt3A_512 : i1 to i32
      %cond3A_514 = arith.constant 0 : i32
      %cond3A_515 = arith.cmpi ne, %convert_element_type3A_513, %cond3A_514 : i32
      scf.if %cond3A_515 {
        %mul3A_516 = arith.constant 128 : i32
        %mul3A_517 = arith.muli %add3A_502, %mul3A_516 : i32
        %dma_wait3A_518 = tpu.memref_slice %arg9[%mul3A_517] : memref<10368xi32, #tpu.memory_space<vmem>> -> memref<128xi32, #tpu.memory_space<vmem>>
        %dma_wait3A_519 = arith.constant 0 : i32
        %dma_wait3A_520 = arith.constant 0 : i32
        %dma_wait3A_521 = tpu.memref_slice %arg2[%dma_wait3A_519, %dma_wait3A_520] : memref<10000x128xf32, #tpu.memory_space<hbm>> -> memref<10000x128xf32, #tpu.memory_space<hbm>>
        tpu.wait_indirect_dma semaphore(%arg15 : memref<!tpu.dma_semaphore, #tpu.memory_space<semaphore_mem>>) src(%dma_wait3A_521 : memref<10000x128xf32, #tpu.memory_space<hbm>>) dst(%arg12 : memref<128x128xf32, #tpu.memory_space<vmem>>)
        %add3A_522 = arith.constant 1 : i32
        %add3A_523 = arith.addi %add3A_502, %add3A_522 : i32
        %lt3A_524 = arith.cmpi slt, %add3A_523, %select_n3A : i32
        %convert_element_type3A_525 = arith.extui %lt3A_524 : i1 to i32
        %cond3A_526 = arith.constant 0 : i32
        %cond3A_527 = arith.cmpi ne, %convert_element_type3A_525, %cond3A_526 : i32
        scf.if %cond3A_527 {
          %add3A_528 = arith.constant 1 : i32
          %add3A_529 = arith.addi %add3A_502, %add3A_528 : i32
          %mul3A_530 = arith.constant 128 : i32
          %mul3A_531 = arith.muli %add3A_529, %mul3A_530 : i32
          %dma_start3A = tpu.memref_slice %arg9[%mul3A_531] : memref<10368xi32, #tpu.memory_space<vmem>> -> memref<128xi32, #tpu.memory_space<vmem>>
          %dma_start3A_532 = arith.constant 0 : i32
          %dma_start3A_533 = arith.constant 0 : i32
          %dma_start3A_534 = tpu.memref_slice %arg2[%dma_start3A_532, %dma_start3A_533] : memref<10000x128xf32, #tpu.memory_space<hbm>> -> memref<10000x128xf32, #tpu.memory_space<hbm>>
          tpu.enqueue_indirect_dma source(%dma_start3A_534 : memref<10000x128xf32, #tpu.memory_space<hbm>>) target(%arg11 : memref<128x128xf32, #tpu.memory_space<vmem>>) offsets(%dma_start3A : memref<128xi32, #tpu.memory_space<vmem>>) semaphore(%arg14 : memref<!tpu.dma_semaphore, #tpu.memory_space<semaphore_mem>>)
        } else {
        }
        "tpu.region"() ({
          %run_scoped3A_528 = tpu.sem_alloc : memref<!tpu.dma_semaphore, #tpu.memory_space<semaphore_mem>>
          %dma_start3A = arith.constant 0 : i32
          %dma_start3A_529 = tpu.memref_slice %arg8[%add3A_502, %dma_start3A] : memref<80x128xi32, #tpu.memory_space<vmem>> -> memref<1x128xi32, #tpu.memory_space<vmem>>
          %dma_start3A_530 = tpu.memref_squeeze %dma_start3A_529 : memref<1x128xi32, #tpu.memory_space<vmem>> -> memref<128xi32, #tpu.memory_space<vmem>>
          %dma_start3A_531 = arith.constant 0 : i32
          %dma_start3A_532 = arith.constant 0 : i32
          %dma_start3A_533 = tpu.memref_slice %arg13[%dma_start3A_531, %dma_start3A_532] : memref<4224x128xf32, #tpu.memory_space<vmem_shared>> -> memref<4224x128xf32, #tpu.memory_space<vmem_shared>>
          tpu.enqueue_indirect_dma source(%arg12 : memref<128x128xf32, #tpu.memory_space<vmem>>) target(%dma_start3A_533 : memref<4224x128xf32, #tpu.memory_space<vmem_shared>>) offsets(%dma_start3A_530 : memref<128xi32, #tpu.memory_space<vmem>>) semaphore(%run_scoped3A_528 : memref<!tpu.dma_semaphore, #tpu.memory_space<semaphore_mem>>) {add = true}
          %dma_wait3A_534 = arith.constant 0 : i32
          %dma_wait3A_535 = tpu.memref_slice %arg8[%add3A_502, %dma_wait3A_534] : memref<80x128xi32, #tpu.memory_space<vmem>> -> memref<1x128xi32, #tpu.memory_space<vmem>>
          %dma_wait3A_536 = tpu.memref_squeeze %dma_wait3A_535 : memref<1x128xi32, #tpu.memory_space<vmem>> -> memref<128xi32, #tpu.memory_space<vmem>>
          %dma_wait3A_537 = arith.constant 0 : i32
          %dma_wait3A_538 = arith.constant 0 : i32
          %dma_wait3A_539 = tpu.memref_slice %arg13[%dma_wait3A_537, %dma_wait3A_538] : memref<4224x128xf32, #tpu.memory_space<vmem_shared>> -> memref<4224x128xf32, #tpu.memory_space<vmem_shared>>
          tpu.wait_indirect_dma semaphore(%run_scoped3A_528 : memref<!tpu.dma_semaphore, #tpu.memory_space<semaphore_mem>>) src(%arg12 : memref<128x128xf32, #tpu.memory_space<vmem>>) dst(%dma_wait3A_539 : memref<4224x128xf32, #tpu.memory_space<vmem_shared>>)
          tpu.yield
        }) : () -> ()
      } else {
      }
    }
    %barrier3A_226 = arith.constant 0 : index
    tpu.barrier barrier_id(%barrier3A_226)
    %mul3A_227 = arith.constant 264 : i32
    %mul3A_228 = arith.muli %arg1, %mul3A_227 : i32
    %add3A_229 = arith.constant 0 : i32
    %add3A_230 = arith.addi %mul3A_228, %add3A_229 : i32
    %run_scoped3A_231 = arith.constant 0 : i32
    "tpu.region"() ({
      %run_scoped3A_496 = tpu.sem_alloc : memref<!tpu.dma_semaphore, #tpu.memory_space<semaphore_mem>>
      %dma_start3A = arith.constant 0 : i32
      %dma_start3A_497 = tpu.memref_slice %arg5[%arg0, %run_scoped3A_231, %add3A_230, %dma_start3A] : memref<2x2x4224x128xf32, #tpu.memory_space<hbm>> -> memref<1x1x128x128xf32, #tpu.memory_space<hbm>>
      %dma_start3A_498 = tpu.memref_squeeze %dma_start3A_497 : memref<1x1x128x128xf32, #tpu.memory_space<hbm>> -> memref<128x128xf32, #tpu.memory_space<hbm>>
      %dma_start3A_499 = arith.constant 0 : i32
      %dma_start3A_500 = tpu.memref_slice %arg13[%add3A_230, %dma_start3A_499] : memref<4224x128xf32, #tpu.memory_space<vmem_shared>> -> memref<128x128xf32, #tpu.memory_space<vmem_shared>>
      tpu.enqueue_dma source(%dma_start3A_500 : memref<128x128xf32, #tpu.memory_space<vmem_shared>>) target(%dma_start3A_498 : memref<128x128xf32, #tpu.memory_space<hbm>>) target_semaphore(%run_scoped3A_496 : memref<!tpu.dma_semaphore, #tpu.memory_space<semaphore_mem>>)
      %dma_wait3A = arith.constant 0 : i32
      %dma_wait3A_501 = tpu.memref_slice %arg5[%arg0, %run_scoped3A_231, %add3A_230, %dma_wait3A] : memref<2x2x4224x128xf32, #tpu.memory_space<hbm>> -> memref<1x1x128x128xf32, #tpu.memory_space<hbm>>
      %dma_wait3A_502 = tpu.memref_squeeze %dma_wait3A_501 : memref<1x1x128x128xf32, #tpu.memory_space<hbm>> -> memref<128x128xf32, #tpu.memory_space<hbm>>
      %dma_wait3A_503 = arith.constant 0 : i32
      %dma_wait3A_504 = tpu.memref_slice %arg13[%add3A_230, %dma_wait3A_503] : memref<4224x128xf32, #tpu.memory_space<vmem_shared>> -> memref<128x128xf32, #tpu.memory_space<vmem_shared>>
      tpu.wait_dma2 semaphore(%run_scoped3A_496 : memref<!tpu.dma_semaphore, #tpu.memory_space<semaphore_mem>>) src(%dma_wait3A_504 : memref<128x128xf32, #tpu.memory_space<vmem_shared>>) dst(%dma_wait3A_502 : memref<128x128xf32, #tpu.memory_space<hbm>>)
      tpu.yield
    }) : () -> ()
    %mul3A_232 = arith.constant 264 : i32
    %mul3A_233 = arith.muli %arg1, %mul3A_232 : i32
    %add3A_234 = arith.constant 128 : i32
    %add3A_235 = arith.addi %mul3A_233, %add3A_234 : i32
    %run_scoped3A_236 = arith.constant 0 : i32
    "tpu.region"() ({
      %run_scoped3A_496 = tpu.sem_alloc : memref<!tpu.dma_semaphore, #tpu.memory_space<semaphore_mem>>
      %dma_start3A = arith.constant 0 : i32
      %dma_start3A_497 = tpu.memref_slice %arg5[%arg0, %run_scoped3A_236, %add3A_235, %dma_start3A] : memref<2x2x4224x128xf32, #tpu.memory_space<hbm>> -> memref<1x1x128x128xf32, #tpu.memory_space<hbm>>
      %dma_start3A_498 = tpu.memref_squeeze %dma_start3A_497 : memref<1x1x128x128xf32, #tpu.memory_space<hbm>> -> memref<128x128xf32, #tpu.memory_space<hbm>>
      %dma_start3A_499 = arith.constant 0 : i32
      %dma_start3A_500 = tpu.memref_slice %arg13[%add3A_235, %dma_start3A_499] : memref<4224x128xf32, #tpu.memory_space<vmem_shared>> -> memref<128x128xf32, #tpu.memory_space<vmem_shared>>
      tpu.enqueue_dma source(%dma_start3A_500 : memref<128x128xf32, #tpu.memory_space<vmem_shared>>) target(%dma_start3A_498 : memref<128x128xf32, #tpu.memory_space<hbm>>) target_semaphore(%run_scoped3A_496 : memref<!tpu.dma_semaphore, #tpu.memory_space<semaphore_mem>>)
      %dma_wait3A = arith.constant 0 : i32
      %dma_wait3A_501 = tpu.memref_slice %arg5[%arg0, %run_scoped3A_236, %add3A_235, %dma_wait3A] : memref<2x2x4224x128xf32, #tpu.memory_space<hbm>> -> memref<1x1x128x128xf32, #tpu.memory_space<hbm>>
      %dma_wait3A_502 = tpu.memref_squeeze %dma_wait3A_501 : memref<1x1x128x128xf32, #tpu.memory_space<hbm>> -> memref<128x128xf32, #tpu.memory_space<hbm>>
      %dma_wait3A_503 = arith.constant 0 : i32
      %dma_wait3A_504 = tpu.memref_slice %arg13[%add3A_235, %dma_wait3A_503] : memref<4224x128xf32, #tpu.memory_space<vmem_shared>> -> memref<128x128xf32, #tpu.memory_space<vmem_shared>>
      tpu.wait_dma2 semaphore(%run_scoped3A_496 : memref<!tpu.dma_semaphore, #tpu.memory_space<semaphore_mem>>) src(%dma_wait3A_504 : memref<128x128xf32, #tpu.memory_space<vmem_shared>>) dst(%dma_wait3A_502 : memref<128x128xf32, #tpu.memory_space<hbm>>)
      tpu.yield
    }) : () -> ()
    %mul3A_237 = arith.constant 264 : i32
    %mul3A_238 = arith.muli %arg1, %mul3A_237 : i32
    %add3A_239 = arith.constant 256 : i32
    %add3A_240 = arith.addi %mul3A_238, %add3A_239 : i32
    %run_scoped3A_241 = arith.constant 0 : i32
    "tpu.region"() ({
      %run_scoped3A_496 = tpu.sem_alloc : memref<!tpu.dma_semaphore, #tpu.memory_space<semaphore_mem>>
      %dma_start3A = arith.constant 0 : i32
      %dma_start3A_497 = tpu.memref_slice %arg5[%arg0, %run_scoped3A_241, %add3A_240, %dma_start3A] : memref<2x2x4224x128xf32, #tpu.memory_space<hbm>> -> memref<1x1x8x128xf32, #tpu.memory_space<hbm>>
      %dma_start3A_498 = tpu.memref_squeeze %dma_start3A_497 : memref<1x1x8x128xf32, #tpu.memory_space<hbm>> -> memref<8x128xf32, #tpu.memory_space<hbm>>
      %dma_start3A_499 = arith.constant 0 : i32
      %dma_start3A_500 = tpu.memref_slice %arg13[%add3A_240, %dma_start3A_499] : memref<4224x128xf32, #tpu.memory_space<vmem_shared>> -> memref<8x128xf32, #tpu.memory_space<vmem_shared>>
      tpu.enqueue_dma source(%dma_start3A_500 : memref<8x128xf32, #tpu.memory_space<vmem_shared>>) target(%dma_start3A_498 : memref<8x128xf32, #tpu.memory_space<hbm>>) target_semaphore(%run_scoped3A_496 : memref<!tpu.dma_semaphore, #tpu.memory_space<semaphore_mem>>)
      %dma_wait3A = arith.constant 0 : i32
      %dma_wait3A_501 = tpu.memref_slice %arg5[%arg0, %run_scoped3A_241, %add3A_240, %dma_wait3A] : memref<2x2x4224x128xf32, #tpu.memory_space<hbm>> -> memref<1x1x8x128xf32, #tpu.memory_space<hbm>>
      %dma_wait3A_502 = tpu.memref_squeeze %dma_wait3A_501 : memref<1x1x8x128xf32, #tpu.memory_space<hbm>> -> memref<8x128xf32, #tpu.memory_space<hbm>>
      %dma_wait3A_503 = arith.constant 0 : i32
      %dma_wait3A_504 = tpu.memref_slice %arg13[%add3A_240, %dma_wait3A_503] : memref<4224x128xf32, #tpu.memory_space<vmem_shared>> -> memref<8x128xf32, #tpu.memory_space<vmem_shared>>
      tpu.wait_dma2 semaphore(%run_scoped3A_496 : memref<!tpu.dma_semaphore, #tpu.memory_space<semaphore_mem>>) src(%dma_wait3A_504 : memref<8x128xf32, #tpu.memory_space<vmem_shared>>) dst(%dma_wait3A_502 : memref<8x128xf32, #tpu.memory_space<hbm>>)
      tpu.yield
    }) : () -> ()
    %mul3A_242 = arith.constant 264 : i32
    %mul3A_243 = arith.muli %arg1, %mul3A_242 : i32
    %add3A_244 = arith.constant 0 : i32
    %add3A_245 = arith.addi %mul3A_243, %add3A_244 : i32
    "tpu.region"() ({
      %run_scoped3A_496 = tpu.sem_alloc : memref<!tpu.dma_semaphore, #tpu.memory_space<semaphore_mem>>
      %dma_start3A = arith.constant 0 : i32
      %dma_start3A_497 = tpu.memref_slice %arg13[%add3A_245, %dma_start3A] : memref<4224x128xf32, #tpu.memory_space<vmem_shared>> -> memref<128x128xf32, #tpu.memory_space<vmem_shared>>
      tpu.enqueue_dma source(%arg4 : memref<128x128xf32, #tpu.memory_space<hbm>>) target(%dma_start3A_497 : memref<128x128xf32, #tpu.memory_space<vmem_shared>>) target_semaphore(%run_scoped3A_496 : memref<!tpu.dma_semaphore, #tpu.memory_space<semaphore_mem>>)
      %dma_wait3A = arith.constant 0 : i32
      %dma_wait3A_498 = tpu.memref_slice %arg13[%add3A_245, %dma_wait3A] : memref<4224x128xf32, #tpu.memory_space<vmem_shared>> -> memref<128x128xf32, #tpu.memory_space<vmem_shared>>
      tpu.wait_dma2 semaphore(%run_scoped3A_496 : memref<!tpu.dma_semaphore, #tpu.memory_space<semaphore_mem>>) src(%arg4 : memref<128x128xf32, #tpu.memory_space<hbm>>) dst(%dma_wait3A_498 : memref<128x128xf32, #tpu.memory_space<vmem_shared>>)
      tpu.yield
    }) : () -> ()
    %mul3A_246 = arith.constant 264 : i32
    %mul3A_247 = arith.muli %arg1, %mul3A_246 : i32
    %add3A_248 = arith.constant 128 : i32
    %add3A_249 = arith.addi %mul3A_247, %add3A_248 : i32
    "tpu.region"() ({
      %run_scoped3A_496 = tpu.sem_alloc : memref<!tpu.dma_semaphore, #tpu.memory_space<semaphore_mem>>
      %dma_start3A = arith.constant 0 : i32
      %dma_start3A_497 = tpu.memref_slice %arg13[%add3A_249, %dma_start3A] : memref<4224x128xf32, #tpu.memory_space<vmem_shared>> -> memref<128x128xf32, #tpu.memory_space<vmem_shared>>
      tpu.enqueue_dma source(%arg4 : memref<128x128xf32, #tpu.memory_space<hbm>>) target(%dma_start3A_497 : memref<128x128xf32, #tpu.memory_space<vmem_shared>>) target_semaphore(%run_scoped3A_496 : memref<!tpu.dma_semaphore, #tpu.memory_space<semaphore_mem>>)
      %dma_wait3A = arith.constant 0 : i32
      %dma_wait3A_498 = tpu.memref_slice %arg13[%add3A_249, %dma_wait3A] : memref<4224x128xf32, #tpu.memory_space<vmem_shared>> -> memref<128x128xf32, #tpu.memory_space<vmem_shared>>
      tpu.wait_dma2 semaphore(%run_scoped3A_496 : memref<!tpu.dma_semaphore, #tpu.memory_space<semaphore_mem>>) src(%arg4 : memref<128x128xf32, #tpu.memory_space<hbm>>) dst(%dma_wait3A_498 : memref<128x128xf32, #tpu.memory_space<vmem_shared>>)
      tpu.yield
    }) : () -> ()
    %mul3A_250 = arith.constant 264 : i32
    %mul3A_251 = arith.muli %arg1, %mul3A_250 : i32
    %add3A_252 = arith.constant 256 : i32
    %add3A_253 = arith.addi %mul3A_251, %add3A_252 : i32
    "tpu.region"() ({
      %run_scoped3A_496 = tpu.sem_alloc : memref<!tpu.dma_semaphore, #tpu.memory_space<semaphore_mem>>
      %dma_start3A = arith.constant 0 : i32
      %dma_start3A_497 = tpu.memref_slice %arg13[%add3A_253, %dma_start3A] : memref<4224x128xf32, #tpu.memory_space<vmem_shared>> -> memref<8x128xf32, #tpu.memory_space<vmem_shared>>
      %dma_start3A_498 = arith.constant 0 : i32
      %dma_start3A_499 = arith.constant 0 : i32
      %dma_start3A_500 = tpu.memref_slice %arg4[%dma_start3A_498, %dma_start3A_499] : memref<128x128xf32, #tpu.memory_space<hbm>> -> memref<8x128xf32, #tpu.memory_space<hbm>>
      tpu.enqueue_dma source(%dma_start3A_500 : memref<8x128xf32, #tpu.memory_space<hbm>>) target(%dma_start3A_497 : memref<8x128xf32, #tpu.memory_space<vmem_shared>>) target_semaphore(%run_scoped3A_496 : memref<!tpu.dma_semaphore, #tpu.memory_space<semaphore_mem>>)
      %dma_wait3A = arith.constant 0 : i32
      %dma_wait3A_501 = tpu.memref_slice %arg13[%add3A_253, %dma_wait3A] : memref<4224x128xf32, #tpu.memory_space<vmem_shared>> -> memref<8x128xf32, #tpu.memory_space<vmem_shared>>
      %dma_wait3A_502 = arith.constant 0 : i32
      %dma_wait3A_503 = arith.constant 0 : i32
      %dma_wait3A_504 = tpu.memref_slice %arg4[%dma_wait3A_502, %dma_wait3A_503] : memref<128x128xf32, #tpu.memory_space<hbm>> -> memref<8x128xf32, #tpu.memory_space<hbm>>
      tpu.wait_dma2 semaphore(%run_scoped3A_496 : memref<!tpu.dma_semaphore, #tpu.memory_space<semaphore_mem>>) src(%dma_wait3A_504 : memref<8x128xf32, #tpu.memory_space<hbm>>) dst(%dma_wait3A_501 : memref<8x128xf32, #tpu.memory_space<vmem_shared>>)
      tpu.yield
    }) : () -> ()
    %barrier3A_254 = arith.constant 0 : index
    tpu.barrier barrier_id(%barrier3A_254)
    %scan3A_255 = arith.constant 0 : i32
    %scan3A_256 = arith.constant 0 : i32
    %scan3A_257 = arith.constant 80 : i32
    %scan3A_258 = arith.addi %scan3A_256, %scan3A_257 : i32
    %scan3A_259 = arith.constant 1 : i32
    %scan3A_260 = scf.for %scan3A_496 = %scan3A_256 to %scan3A_258 step %scan3A_259 iter_args(%scan3A_497 = %scan3A_255) -> (i32)  : i32 {
      %scan3A_498 = arith.constant 0 : i32
      %scan3A_499 = arith.constant 8 : i32
      %scan3A_500 = arith.addi %scan3A_498, %scan3A_499 : i32
      %scan3A_501 = arith.constant 1 : i32
      %scan3A_502 = scf.for %scan3A_504 = %scan3A_498 to %scan3A_500 step %scan3A_501 iter_args(%scan3A_505 = %scan3A_497) -> (i32)  : i32 {
        %mul3A_506 = arith.constant 16 : i32
        %mul3A_507 = arith.muli %scan3A_504, %mul3A_506 : i32
        %get3A = arith.index_cast %scan3A_496 : i32 to index
        %get3A_508 = arith.index_cast %mul3A_507 : i32 to index
        %get3A_509 = tpu.vector_load %arg6[%get3A, %get3A_508] {strides = array<i32>} : memref<80x128xi32, #tpu.memory_space<vmem>>, vector<16xi32>,
        %mul3A_510 = arith.constant 16 : i32
        %mul3A_511 = arith.muli %scan3A_504, %mul3A_510 : i32
        %get3A_512 = arith.index_cast %scan3A_496 : i32 to index
        %get3A_513 = arith.index_cast %mul3A_511 : i32 to index
        %get3A_514 = tpu.vector_load %arg7[%get3A_512, %get3A_513] {strides = array<i32>} : memref<80x128xi32, #tpu.memory_space<vmem>>, vector<16xi32>,
        %ge3A = arith.constant 4000 : i32
        %ge3A_515 = vector.broadcast %ge3A : i32 to vector<16xi32>
        %ge3A_516 = arith.cmpi sge, %get3A_514, %ge3A_515 : vector<16xi32>
        %lt3A_517 = arith.constant 8000 : i32
        %lt3A_518 = vector.broadcast %lt3A_517 : i32 to vector<16xi32>
        %lt3A_519 = arith.cmpi slt, %get3A_514, %lt3A_518 : vector<16xi32>
        %and3A_520 = arith.andi %ge3A_516, %lt3A_519 : vector<16xi1>
        %swap3A_521 = arith.index_cast %scan3A_505 : i32 to index
        %swap3A_522 = tpu.vector_load %arg9[%swap3A_521] masked %and3A_520 {strides = array<i32>} : memref<10368xi32, #tpu.memory_space<vmem>>, vector<16xi32>, vector<16xi1>
        tpu.vector_store %arg9[%swap3A_521], %get3A_509 masked %and3A_520 {strides = array<i32>} : memref<10368xi32, #tpu.memory_space<vmem>>, vector<16xi32>, vector<16xi1>
        %sub3A_523 = arith.constant 4000 : i32
        %sub3A_524 = vector.broadcast %sub3A_523 : i32 to vector<16xi32>
        %sub3A_525 = arith.subi %get3A_514, %sub3A_524 : vector<16xi32>
        %swap3A_526 = arith.index_cast %scan3A_505 : i32 to index
        %swap3A_527 = tpu.vector_load %arg10[%swap3A_526] masked %and3A_520 {strides = array<i32>} : memref<10368xi32, #tpu.memory_space<vmem>>, vector<16xi32>, vector<16xi1>
        tpu.vector_store %arg10[%swap3A_526], %sub3A_525 masked %and3A_520 {strides = array<i32>} : memref<10368xi32, #tpu.memory_space<vmem>>, vector<16xi32>, vector<16xi1>
        %all_reduce_population_count3A = tpu.all_reduce %and3A_520 {dim = 0 : i64, kind = #tpu.reduction_kind<sum>} : vector<16xi1> -> vector<16xi32>
        %reduce_max3A = arith.constant true
        %reduce_max3A_528 = vector.broadcast %reduce_max3A : i1 to vector<16xi1>
        %reduce_max3A_529 = arith.constant -2147483648 : i32
        %reduce_max3A_530 = vector.broadcast %reduce_max3A_529 : i32 to vector<16xi32>
        %reduce_max3A_531 = arith.xori %all_reduce_population_count3A, %reduce_max3A_530 : vector<16xi32>
        %reduce_max3A_532 = tpu.scan <max>, %reduce_max3A_531 masked %reduce_max3A_528 : vector<16xi32>, vector<16xi1> -> vector<16xi32>
        %reduce_max3A_533 = arith.xori %reduce_max3A_532, %reduce_max3A_530 : vector<16xi32>
        %reduce_max3A_534 = vector.extract %reduce_max3A_533[15] : i32 from vector<16xi32>
        %add3A_535 = arith.addi %scan3A_505, %reduce_max3A_534 : i32
        scf.yield %add3A_535 : i32
      }
      %scan3A_503 = arith.constant 8 : i32
      scf.yield %scan3A_502 : i32
    }
    %scan3A_261 = arith.constant 80 : i32
    %lt3A_262 = arith.constant 16 : i32
    %lt3A_263 = vector.broadcast %lt3A_262 : i32 to vector<16xi32>
    %lt3A_264 = arith.cmpi slt, %iota3A, %lt3A_263 : vector<16xi32>
    %add3A_265 = arith.constant 0 : i32
    %add3A_266 = arith.addi %scan3A_260, %add3A_265 : i32
    %swap3A_267 = arith.index_cast %add3A_266 : i32 to index
    %swap3A_268 = tpu.vector_load %arg9[%swap3A_267] masked %lt3A_264 {strides = array<i32>} : memref<10368xi32, #tpu.memory_space<vmem>>, vector<16xi32>, vector<16xi1>
    tpu.vector_store %arg9[%swap3A_267], %iota3A masked %lt3A_264 {strides = array<i32>} : memref<10368xi32, #tpu.memory_space<vmem>>, vector<16xi32>, vector<16xi1>
    %add3A_269 = arith.constant 0 : i32
    %add3A_270 = arith.addi %scan3A_260, %add3A_269 : i32
    %add3A_271 = arith.constant 0 : i32
    %add3A_272 = vector.broadcast %add3A_271 : i32 to vector<16xi32>
    %add3A_273 = arith.addi %iota3A, %add3A_272 : vector<16xi32>
    %and3A_274 = arith.constant 127 : i32
    %and3A_275 = vector.broadcast %and3A_274 : i32 to vector<16xi32>
    %and3A_276 = arith.andi %add3A_273, %and3A_275 : vector<16xi32>
    %add3A_277 = arith.constant 4000 : i32
    %add3A_278 = vector.broadcast %add3A_277 : i32 to vector<16xi32>
    %add3A_279 = arith.addi %add3A_278, %and3A_276 : vector<16xi32>
    %swap3A_280 = arith.index_cast %add3A_270 : i32 to index
    %swap3A_281 = tpu.vector_load %arg10[%swap3A_280] masked %lt3A_264 {strides = array<i32>} : memref<10368xi32, #tpu.memory_space<vmem>>, vector<16xi32>, vector<16xi1>
    tpu.vector_store %arg10[%swap3A_280], %add3A_279 masked %lt3A_264 {strides = array<i32>} : memref<10368xi32, #tpu.memory_space<vmem>>, vector<16xi32>, vector<16xi1>
    %add3A_282 = arith.constant 16 : i32
    %add3A_283 = arith.addi %scan3A_260, %add3A_282 : i32
    %swap3A_284 = arith.index_cast %add3A_283 : i32 to index
    %swap3A_285 = tpu.vector_load %arg9[%swap3A_284] masked %lt3A_264 {strides = array<i32>} : memref<10368xi32, #tpu.memory_space<vmem>>, vector<16xi32>, vector<16xi1>
    tpu.vector_store %arg9[%swap3A_284], %iota3A masked %lt3A_264 {strides = array<i32>} : memref<10368xi32, #tpu.memory_space<vmem>>, vector<16xi32>, vector<16xi1>
    %add3A_286 = arith.constant 16 : i32
    %add3A_287 = arith.addi %scan3A_260, %add3A_286 : i32
    %add3A_288 = arith.constant 16 : i32
    %add3A_289 = vector.broadcast %add3A_288 : i32 to vector<16xi32>
    %add3A_290 = arith.addi %iota3A, %add3A_289 : vector<16xi32>
    %and3A_291 = arith.constant 127 : i32
    %and3A_292 = vector.broadcast %and3A_291 : i32 to vector<16xi32>
    %and3A_293 = arith.andi %add3A_290, %and3A_292 : vector<16xi32>
    %add3A_294 = arith.constant 4000 : i32
    %add3A_295 = vector.broadcast %add3A_294 : i32 to vector<16xi32>
    %add3A_296 = arith.addi %add3A_295, %and3A_293 : vector<16xi32>
    %swap3A_297 = arith.index_cast %add3A_287 : i32 to index
    %swap3A_298 = tpu.vector_load %arg10[%swap3A_297] masked %lt3A_264 {strides = array<i32>} : memref<10368xi32, #tpu.memory_space<vmem>>, vector<16xi32>, vector<16xi1>
    tpu.vector_store %arg10[%swap3A_297], %add3A_296 masked %lt3A_264 {strides = array<i32>} : memref<10368xi32, #tpu.memory_space<vmem>>, vector<16xi32>, vector<16xi1>
    %add3A_299 = arith.constant 32 : i32
    %add3A_300 = arith.addi %scan3A_260, %add3A_299 : i32
    %swap3A_301 = arith.index_cast %add3A_300 : i32 to index
    %swap3A_302 = tpu.vector_load %arg9[%swap3A_301] masked %lt3A_264 {strides = array<i32>} : memref<10368xi32, #tpu.memory_space<vmem>>, vector<16xi32>, vector<16xi1>
    tpu.vector_store %arg9[%swap3A_301], %iota3A masked %lt3A_264 {strides = array<i32>} : memref<10368xi32, #tpu.memory_space<vmem>>, vector<16xi32>, vector<16xi1>
    %add3A_303 = arith.constant 32 : i32
    %add3A_304 = arith.addi %scan3A_260, %add3A_303 : i32
    %add3A_305 = arith.constant 32 : i32
    %add3A_306 = vector.broadcast %add3A_305 : i32 to vector<16xi32>
    %add3A_307 = arith.addi %iota3A, %add3A_306 : vector<16xi32>
    %and3A_308 = arith.constant 127 : i32
    %and3A_309 = vector.broadcast %and3A_308 : i32 to vector<16xi32>
    %and3A_310 = arith.andi %add3A_307, %and3A_309 : vector<16xi32>
    %add3A_311 = arith.constant 4000 : i32
    %add3A_312 = vector.broadcast %add3A_311 : i32 to vector<16xi32>
    %add3A_313 = arith.addi %add3A_312, %and3A_310 : vector<16xi32>
    %swap3A_314 = arith.index_cast %add3A_304 : i32 to index
    %swap3A_315 = tpu.vector_load %arg10[%swap3A_314] masked %lt3A_264 {strides = array<i32>} : memref<10368xi32, #tpu.memory_space<vmem>>, vector<16xi32>, vector<16xi1>
    tpu.vector_store %arg10[%swap3A_314], %add3A_313 masked %lt3A_264 {strides = array<i32>} : memref<10368xi32, #tpu.memory_space<vmem>>, vector<16xi32>, vector<16xi1>
    %add3A_316 = arith.constant 48 : i32
    %add3A_317 = arith.addi %scan3A_260, %add3A_316 : i32
    %swap3A_318 = arith.index_cast %add3A_317 : i32 to index
    %swap3A_319 = tpu.vector_load %arg9[%swap3A_318] masked %lt3A_264 {strides = array<i32>} : memref<10368xi32, #tpu.memory_space<vmem>>, vector<16xi32>, vector<16xi1>
    tpu.vector_store %arg9[%swap3A_318], %iota3A masked %lt3A_264 {strides = array<i32>} : memref<10368xi32, #tpu.memory_space<vmem>>, vector<16xi32>, vector<16xi1>
    %add3A_320 = arith.constant 48 : i32
    %add3A_321 = arith.addi %scan3A_260, %add3A_320 : i32
    %add3A_322 = arith.constant 48 : i32
    %add3A_323 = vector.broadcast %add3A_322 : i32 to vector<16xi32>
    %add3A_324 = arith.addi %iota3A, %add3A_323 : vector<16xi32>
    %and3A_325 = arith.constant 127 : i32
    %and3A_326 = vector.broadcast %and3A_325 : i32 to vector<16xi32>
    %and3A_327 = arith.andi %add3A_324, %and3A_326 : vector<16xi32>
    %add3A_328 = arith.constant 4000 : i32
    %add3A_329 = vector.broadcast %add3A_328 : i32 to vector<16xi32>
    %add3A_330 = arith.addi %add3A_329, %and3A_327 : vector<16xi32>
    %swap3A_331 = arith.index_cast %add3A_321 : i32 to index
    %swap3A_332 = tpu.vector_load %arg10[%swap3A_331] masked %lt3A_264 {strides = array<i32>} : memref<10368xi32, #tpu.memory_space<vmem>>, vector<16xi32>, vector<16xi1>
    tpu.vector_store %arg10[%swap3A_331], %add3A_330 masked %lt3A_264 {strides = array<i32>} : memref<10368xi32, #tpu.memory_space<vmem>>, vector<16xi32>, vector<16xi1>
    %add3A_333 = arith.constant 64 : i32
    %add3A_334 = arith.addi %scan3A_260, %add3A_333 : i32
    %swap3A_335 = arith.index_cast %add3A_334 : i32 to index
    %swap3A_336 = tpu.vector_load %arg9[%swap3A_335] masked %lt3A_264 {strides = array<i32>} : memref<10368xi32, #tpu.memory_space<vmem>>, vector<16xi32>, vector<16xi1>
    tpu.vector_store %arg9[%swap3A_335], %iota3A masked %lt3A_264 {strides = array<i32>} : memref<10368xi32, #tpu.memory_space<vmem>>, vector<16xi32>, vector<16xi1>
    %add3A_337 = arith.constant 64 : i32
    %add3A_338 = arith.addi %scan3A_260, %add3A_337 : i32
    %add3A_339 = arith.constant 64 : i32
    %add3A_340 = vector.broadcast %add3A_339 : i32 to vector<16xi32>
    %add3A_341 = arith.addi %iota3A, %add3A_340 : vector<16xi32>
    %and3A_342 = arith.constant 127 : i32
    %and3A_343 = vector.broadcast %and3A_342 : i32 to vector<16xi32>
    %and3A_344 = arith.andi %add3A_341, %and3A_343 : vector<16xi32>
    %add3A_345 = arith.constant 4000 : i32
    %add3A_346 = vector.broadcast %add3A_345 : i32 to vector<16xi32>
    %add3A_347 = arith.addi %add3A_346, %and3A_344 : vector<16xi32>
    %swap3A_348 = arith.index_cast %add3A_338 : i32 to index
    %swap3A_349 = tpu.vector_load %arg10[%swap3A_348] masked %lt3A_264 {strides = array<i32>} : memref<10368xi32, #tpu.memory_space<vmem>>, vector<16xi32>, vector<16xi1>
    tpu.vector_store %arg10[%swap3A_348], %add3A_347 masked %lt3A_264 {strides = array<i32>} : memref<10368xi32, #tpu.memory_space<vmem>>, vector<16xi32>, vector<16xi1>
    %add3A_350 = arith.constant 80 : i32
    %add3A_351 = arith.addi %scan3A_260, %add3A_350 : i32
    %swap3A_352 = arith.index_cast %add3A_351 : i32 to index
    %swap3A_353 = tpu.vector_load %arg9[%swap3A_352] masked %lt3A_264 {strides = array<i32>} : memref<10368xi32, #tpu.memory_space<vmem>>, vector<16xi32>, vector<16xi1>
    tpu.vector_store %arg9[%swap3A_352], %iota3A masked %lt3A_264 {strides = array<i32>} : memref<10368xi32, #tpu.memory_space<vmem>>, vector<16xi32>, vector<16xi1>
    %add3A_354 = arith.constant 80 : i32
    %add3A_355 = arith.addi %scan3A_260, %add3A_354 : i32
    %add3A_356 = arith.constant 80 : i32
    %add3A_357 = vector.broadcast %add3A_356 : i32 to vector<16xi32>
    %add3A_358 = arith.addi %iota3A, %add3A_357 : vector<16xi32>
    %and3A_359 = arith.constant 127 : i32
    %and3A_360 = vector.broadcast %and3A_359 : i32 to vector<16xi32>
    %and3A_361 = arith.andi %add3A_358, %and3A_360 : vector<16xi32>
    %add3A_362 = arith.constant 4000 : i32
    %add3A_363 = vector.broadcast %add3A_362 : i32 to vector<16xi32>
    %add3A_364 = arith.addi %add3A_363, %and3A_361 : vector<16xi32>
    %swap3A_365 = arith.index_cast %add3A_355 : i32 to index
    %swap3A_366 = tpu.vector_load %arg10[%swap3A_365] masked %lt3A_264 {strides = array<i32>} : memref<10368xi32, #tpu.memory_space<vmem>>, vector<16xi32>, vector<16xi1>
    tpu.vector_store %arg10[%swap3A_365], %add3A_364 masked %lt3A_264 {strides = array<i32>} : memref<10368xi32, #tpu.memory_space<vmem>>, vector<16xi32>, vector<16xi1>
    %add3A_367 = arith.constant 96 : i32
    %add3A_368 = arith.addi %scan3A_260, %add3A_367 : i32
    %swap3A_369 = arith.index_cast %add3A_368 : i32 to index
    %swap3A_370 = tpu.vector_load %arg9[%swap3A_369] masked %lt3A_264 {strides = array<i32>} : memref<10368xi32, #tpu.memory_space<vmem>>, vector<16xi32>, vector<16xi1>
    tpu.vector_store %arg9[%swap3A_369], %iota3A masked %lt3A_264 {strides = array<i32>} : memref<10368xi32, #tpu.memory_space<vmem>>, vector<16xi32>, vector<16xi1>
    %add3A_371 = arith.constant 96 : i32
    %add3A_372 = arith.addi %scan3A_260, %add3A_371 : i32
    %add3A_373 = arith.constant 96 : i32
    %add3A_374 = vector.broadcast %add3A_373 : i32 to vector<16xi32>
    %add3A_375 = arith.addi %iota3A, %add3A_374 : vector<16xi32>
    %and3A_376 = arith.constant 127 : i32
    %and3A_377 = vector.broadcast %and3A_376 : i32 to vector<16xi32>
    %and3A_378 = arith.andi %add3A_375, %and3A_377 : vector<16xi32>
    %add3A_379 = arith.constant 4000 : i32
    %add3A_380 = vector.broadcast %add3A_379 : i32 to vector<16xi32>
    %add3A_381 = arith.addi %add3A_380, %and3A_378 : vector<16xi32>
    %swap3A_382 = arith.index_cast %add3A_372 : i32 to index
    %swap3A_383 = tpu.vector_load %arg10[%swap3A_382] masked %lt3A_264 {strides = array<i32>} : memref<10368xi32, #tpu.memory_space<vmem>>, vector<16xi32>, vector<16xi1>
    tpu.vector_store %arg10[%swap3A_382], %add3A_381 masked %lt3A_264 {strides = array<i32>} : memref<10368xi32, #tpu.memory_space<vmem>>, vector<16xi32>, vector<16xi1>
    %add3A_384 = arith.constant 112 : i32
    %add3A_385 = arith.addi %scan3A_260, %add3A_384 : i32
    %swap3A_386 = arith.index_cast %add3A_385 : i32 to index
    %swap3A_387 = tpu.vector_load %arg9[%swap3A_386] masked %lt3A_264 {strides = array<i32>} : memref<10368xi32, #tpu.memory_space<vmem>>, vector<16xi32>, vector<16xi1>
    tpu.vector_store %arg9[%swap3A_386], %iota3A masked %lt3A_264 {strides = array<i32>} : memref<10368xi32, #tpu.memory_space<vmem>>, vector<16xi32>, vector<16xi1>
    %add3A_388 = arith.constant 112 : i32
    %add3A_389 = arith.addi %scan3A_260, %add3A_388 : i32
    %add3A_390 = arith.constant 112 : i32
    %add3A_391 = vector.broadcast %add3A_390 : i32 to vector<16xi32>
    %add3A_392 = arith.addi %iota3A, %add3A_391 : vector<16xi32>
    %and3A_393 = arith.constant 127 : i32
    %and3A_394 = vector.broadcast %and3A_393 : i32 to vector<16xi32>
    %and3A_395 = arith.andi %add3A_392, %and3A_394 : vector<16xi32>
    %add3A_396 = arith.constant 4000 : i32
    %add3A_397 = vector.broadcast %add3A_396 : i32 to vector<16xi32>
    %add3A_398 = arith.addi %add3A_397, %and3A_395 : vector<16xi32>
    %swap3A_399 = arith.index_cast %add3A_389 : i32 to index
    %swap3A_400 = tpu.vector_load %arg10[%swap3A_399] masked %lt3A_264 {strides = array<i32>} : memref<10368xi32, #tpu.memory_space<vmem>>, vector<16xi32>, vector<16xi1>
    tpu.vector_store %arg10[%swap3A_399], %add3A_398 masked %lt3A_264 {strides = array<i32>} : memref<10368xi32, #tpu.memory_space<vmem>>, vector<16xi32>, vector<16xi1>
    %add3A_401 = arith.constant 128 : i32
    %add3A_402 = arith.addi %scan3A_260, %add3A_401 : i32
    %sub3A_403 = arith.constant 1 : i32
    %sub3A_404 = arith.subi %add3A_402, %sub3A_403 : i32
    %jit3A_405 = arith.constant 128 : i32
    %div3A_406 = arith.divsi %sub3A_404, %jit3A_405 : i32
    %sign3A_407 = arith.constant 0 : i32
    %sign3A_408 = arith.cmpi sgt, %sub3A_404, %sign3A_407 : i32
    %sign3A_409 = arith.extui %sign3A_408 : i1 to i32
    %sign3A_410 = arith.constant 0 : i32
    %sign3A_411 = arith.cmpi slt, %sub3A_404, %sign3A_410 : i32
    %sign3A_412 = arith.extui %sign3A_411 : i1 to i32
    %sign3A_413 = arith.subi %sign3A_409, %sign3A_412 : i32
    %sign3A_414 = arith.constant 0 : i32
    %sign3A_415 = arith.cmpi sgt, %jit3A_405, %sign3A_414 : i32
    %sign3A_416 = arith.extui %sign3A_415 : i1 to i32
    %sign3A_417 = arith.constant 0 : i32
    %sign3A_418 = arith.cmpi slt, %jit3A_405, %sign3A_417 : i32
    %sign3A_419 = arith.extui %sign3A_418 : i1 to i32
    %sign3A_420 = arith.subi %sign3A_416, %sign3A_419 : i32
    %ne3A_421 = arith.cmpi ne, %sign3A_413, %sign3A_420 : i32
    %rem3A_422 = arith.remsi %sub3A_404, %jit3A_405 : i32
    %ne3A_423 = arith.constant 0 : i32
    %ne3A_424 = arith.cmpi ne, %rem3A_422, %ne3A_423 : i32
    %and3A_425 = arith.andi %ne3A_421, %ne3A_424 : i1
    %sub3A_426 = arith.constant 1 : i32
    %sub3A_427 = arith.subi %div3A_406, %sub3A_426 : i32
    %select_n3A_428 = arith.select %and3A_425, %sub3A_427, %div3A_406 : i32
    %while3A_429 = arith.constant 0 : i32
    %while3A_430 = arith.constant 0 : i32
    %while3A_431 = arith.subi %select_n3A_428, %while3A_430 : i32
    %while3A_432 = arith.addi %while3A_430, %while3A_431 : i32
    %while3A_433 = arith.constant 1 : i32
    %while3A_434 = arith.divsi %while3A_431, %while3A_433 : i32
    %while3A_435 = arith.muli %while3A_434, %while3A_433 : i32
    %while3A_436 = arith.addi %while3A_430, %while3A_435 : i32
    %while3A_437 = arith.constant 1 : i32
    scf.for %while3A_496 = %while3A_430 to %while3A_436 step %while3A_437  : i32 {
      %scan3A_497 = arith.constant 0 : i32
      %scan3A_498 = arith.constant 8 : i32
      %scan3A_499 = arith.addi %scan3A_497, %scan3A_498 : i32
      %scan3A_500 = arith.constant 1 : i32
      scf.for %scan3A_502 = %scan3A_497 to %scan3A_499 step %scan3A_500  : i32 {
        %mul3A_503 = arith.constant 128 : i32
        %mul3A_504 = arith.muli %while3A_496, %mul3A_503 : i32
        %mul3A_505 = arith.constant 16 : i32
        %mul3A_506 = arith.muli %scan3A_502, %mul3A_505 : i32
        %add3A_507 = arith.addi %mul3A_504, %mul3A_506 : i32
        %get3A = arith.index_cast %add3A_507 : i32 to index
        %get3A_508 = tpu.vector_load %arg10[%get3A] {strides = array<i32>} : memref<10368xi32, #tpu.memory_space<vmem>>, vector<16xi32>,
        %mul3A_509 = arith.constant 16 : i32
        %mul3A_510 = arith.muli %scan3A_502, %mul3A_509 : i32
        %swap3A_511 = arith.index_cast %while3A_496 : i32 to index
        %swap3A_512 = arith.index_cast %mul3A_510 : i32 to index
        %swap3A_513 = tpu.vector_load %arg8[%swap3A_511, %swap3A_512] {strides = array<i32>} : memref<80x128xi32, #tpu.memory_space<vmem>>, vector<16xi32>,
        tpu.vector_store %arg8[%swap3A_511, %swap3A_512], %get3A_508 {strides = array<i32>} : memref<80x128xi32, #tpu.memory_space<vmem>>, vector<16xi32>,
      }
      %scan3A_501 = arith.constant 8 : i32
    }
    %while3A_438 = arith.constant 1 : i32
    scf.for %while3A_496 = %while3A_436 to %while3A_432 step %while3A_438  : i32 {
      %scan3A_497 = arith.constant 0 : i32
      %scan3A_498 = arith.constant 8 : i32
      %scan3A_499 = arith.addi %scan3A_497, %scan3A_498 : i32
      %scan3A_500 = arith.constant 1 : i32
      scf.for %scan3A_502 = %scan3A_497 to %scan3A_499 step %scan3A_500  : i32 {
        %mul3A_503 = arith.constant 128 : i32
        %mul3A_504 = arith.muli %while3A_496, %mul3A_503 : i32
        %mul3A_505 = arith.constant 16 : i32
        %mul3A_506 = arith.muli %scan3A_502, %mul3A_505 : i32
        %add3A_507 = arith.addi %mul3A_504, %mul3A_506 : i32
        %get3A = arith.index_cast %add3A_507 : i32 to index
        %get3A_508 = tpu.vector_load %arg10[%get3A] {strides = array<i32>} : memref<10368xi32, #tpu.memory_space<vmem>>, vector<16xi32>,
        %mul3A_509 = arith.constant 16 : i32
        %mul3A_510 = arith.muli %scan3A_502, %mul3A_509 : i32
        %swap3A_511 = arith.index_cast %while3A_496 : i32 to index
        %swap3A_512 = arith.index_cast %mul3A_510 : i32 to index
        %swap3A_513 = tpu.vector_load %arg8[%swap3A_511, %swap3A_512] {strides = array<i32>} : memref<80x128xi32, #tpu.memory_space<vmem>>, vector<16xi32>,
        tpu.vector_store %arg8[%swap3A_511, %swap3A_512], %get3A_508 {strides = array<i32>} : memref<80x128xi32, #tpu.memory_space<vmem>>, vector<16xi32>,
      }
      %scan3A_501 = arith.constant 8 : i32
    }
    %gt3A_439 = arith.constant 0 : i32
    %gt3A_440 = arith.cmpi sgt, %select_n3A_428, %gt3A_439 : i32
    %convert_element_type3A_441 = arith.extui %gt3A_440 : i1 to i32
    %cond3A_442 = arith.constant 0 : i32
    %cond3A_443 = arith.cmpi ne, %convert_element_type3A_441, %cond3A_442 : i32
    scf.if %cond3A_443 {
      %dma_start3A = arith.constant 0 : i32
      %dma_start3A_496 = tpu.memref_slice %arg9[%dma_start3A] : memref<10368xi32, #tpu.memory_space<vmem>> -> memref<128xi32, #tpu.memory_space<vmem>>
      %dma_start3A_497 = arith.constant 0 : i32
      %dma_start3A_498 = arith.constant 0 : i32
      %dma_start3A_499 = tpu.memref_slice %arg2[%dma_start3A_497, %dma_start3A_498] : memref<10000x128xf32, #tpu.memory_space<hbm>> -> memref<10000x128xf32, #tpu.memory_space<hbm>>
      tpu.enqueue_indirect_dma source(%dma_start3A_499 : memref<10000x128xf32, #tpu.memory_space<hbm>>) target(%arg11 : memref<128x128xf32, #tpu.memory_space<vmem>>) offsets(%dma_start3A_496 : memref<128xi32, #tpu.memory_space<vmem>>) semaphore(%arg14 : memref<!tpu.dma_semaphore, #tpu.memory_space<semaphore_mem>>)
    } else {
    }
    %add3A_444 = arith.constant 1 : i32
    %add3A_445 = arith.addi %select_n3A_428, %add3A_444 : i32
    %jit3A_446 = arith.constant 2 : i32
    %div3A_447 = arith.divsi %add3A_445, %jit3A_446 : i32
    %sign3A_448 = arith.constant 0 : i32
    %sign3A_449 = arith.cmpi sgt, %add3A_445, %sign3A_448 : i32
    %sign3A_450 = arith.extui %sign3A_449 : i1 to i32
    %sign3A_451 = arith.constant 0 : i32
    %sign3A_452 = arith.cmpi slt, %add3A_445, %sign3A_451 : i32
    %sign3A_453 = arith.extui %sign3A_452 : i1 to i32
    %sign3A_454 = arith.subi %sign3A_450, %sign3A_453 : i32
    %sign3A_455 = arith.constant 0 : i32
    %sign3A_456 = arith.cmpi sgt, %jit3A_446, %sign3A_455 : i32
    %sign3A_457 = arith.extui %sign3A_456 : i1 to i32
    %sign3A_458 = arith.constant 0 : i32
    %sign3A_459 = arith.cmpi slt, %jit3A_446, %sign3A_458 : i32
    %sign3A_460 = arith.extui %sign3A_459 : i1 to i32
    %sign3A_461 = arith.subi %sign3A_457, %sign3A_460 : i32
    %ne3A_462 = arith.cmpi ne, %sign3A_454, %sign3A_461 : i32
    %rem3A_463 = arith.remsi %add3A_445, %jit3A_446 : i32
    %ne3A_464 = arith.constant 0 : i32
    %ne3A_465 = arith.cmpi ne, %rem3A_463, %ne3A_464 : i32
    %and3A_466 = arith.andi %ne3A_462, %ne3A_465 : i1
    %sub3A_467 = arith.constant 1 : i32
    %sub3A_468 = arith.subi %div3A_447, %sub3A_467 : i32
    %select_n3A_469 = arith.select %and3A_466, %sub3A_468, %div3A_447 : i32
    %while3A_470 = arith.constant 0 : i32
    %while3A_471 = arith.constant 0 : i32
    %while3A_472 = arith.subi %select_n3A_469, %while3A_471 : i32
    %while3A_473 = arith.addi %while3A_471, %while3A_472 : i32
    %while3A_474 = arith.constant 1 : i32
    %while3A_475 = arith.divsi %while3A_472, %while3A_474 : i32
    %while3A_476 = arith.muli %while3A_475, %while3A_474 : i32
    %while3A_477 = arith.addi %while3A_471, %while3A_476 : i32
    %while3A_478 = arith.constant 1 : i32
    scf.for %while3A_496 = %while3A_471 to %while3A_477 step %while3A_478  : i32 {
      %mul3A_497 = arith.constant 2 : i32
      %mul3A_498 = arith.muli %mul3A_497, %while3A_496 : i32
      %mul3A_499 = arith.constant 2 : i32
      %mul3A_500 = arith.muli %mul3A_499, %while3A_496 : i32
      %add3A_501 = arith.constant 1 : i32
      %add3A_502 = arith.addi %mul3A_500, %add3A_501 : i32
      %mul3A_503 = arith.constant 128 : i32
      %mul3A_504 = arith.muli %mul3A_498, %mul3A_503 : i32
      %dma_wait3A = tpu.memref_slice %arg9[%mul3A_504] : memref<10368xi32, #tpu.memory_space<vmem>> -> memref<128xi32, #tpu.memory_space<vmem>>
      %dma_wait3A_505 = arith.constant 0 : i32
      %dma_wait3A_506 = arith.constant 0 : i32
      %dma_wait3A_507 = tpu.memref_slice %arg2[%dma_wait3A_505, %dma_wait3A_506] : memref<10000x128xf32, #tpu.memory_space<hbm>> -> memref<10000x128xf32, #tpu.memory_space<hbm>>
      tpu.wait_indirect_dma semaphore(%arg14 : memref<!tpu.dma_semaphore, #tpu.memory_space<semaphore_mem>>) src(%dma_wait3A_507 : memref<10000x128xf32, #tpu.memory_space<hbm>>) dst(%arg11 : memref<128x128xf32, #tpu.memory_space<vmem>>)
      %lt3A_508 = arith.cmpi slt, %add3A_502, %select_n3A_428 : i32
      %convert_element_type3A_509 = arith.extui %lt3A_508 : i1 to i32
      %cond3A_510 = arith.constant 0 : i32
      %cond3A_511 = arith.cmpi ne, %convert_element_type3A_509, %cond3A_510 : i32
      scf.if %cond3A_511 {
        %mul3A_516 = arith.constant 128 : i32
        %mul3A_517 = arith.muli %add3A_502, %mul3A_516 : i32
        %dma_start3A = tpu.memref_slice %arg9[%mul3A_517] : memref<10368xi32, #tpu.memory_space<vmem>> -> memref<128xi32, #tpu.memory_space<vmem>>
        %dma_start3A_518 = arith.constant 0 : i32
        %dma_start3A_519 = arith.constant 0 : i32
        %dma_start3A_520 = tpu.memref_slice %arg2[%dma_start3A_518, %dma_start3A_519] : memref<10000x128xf32, #tpu.memory_space<hbm>> -> memref<10000x128xf32, #tpu.memory_space<hbm>>
        tpu.enqueue_indirect_dma source(%dma_start3A_520 : memref<10000x128xf32, #tpu.memory_space<hbm>>) target(%arg12 : memref<128x128xf32, #tpu.memory_space<vmem>>) offsets(%dma_start3A : memref<128xi32, #tpu.memory_space<vmem>>) semaphore(%arg15 : memref<!tpu.dma_semaphore, #tpu.memory_space<semaphore_mem>>)
      } else {
      }
      "tpu.region"() ({
        %run_scoped3A_516 = tpu.sem_alloc : memref<!tpu.dma_semaphore, #tpu.memory_space<semaphore_mem>>
        %dma_start3A = arith.constant 0 : i32
        %dma_start3A_517 = tpu.memref_slice %arg8[%mul3A_498, %dma_start3A] : memref<80x128xi32, #tpu.memory_space<vmem>> -> memref<1x128xi32, #tpu.memory_space<vmem>>
        %dma_start3A_518 = tpu.memref_squeeze %dma_start3A_517 : memref<1x128xi32, #tpu.memory_space<vmem>> -> memref<128xi32, #tpu.memory_space<vmem>>
        %dma_start3A_519 = arith.constant 0 : i32
        %dma_start3A_520 = arith.constant 0 : i32
        %dma_start3A_521 = tpu.memref_slice %arg13[%dma_start3A_519, %dma_start3A_520] : memref<4224x128xf32, #tpu.memory_space<vmem_shared>> -> memref<4224x128xf32, #tpu.memory_space<vmem_shared>>
        tpu.enqueue_indirect_dma source(%arg11 : memref<128x128xf32, #tpu.memory_space<vmem>>) target(%dma_start3A_521 : memref<4224x128xf32, #tpu.memory_space<vmem_shared>>) offsets(%dma_start3A_518 : memref<128xi32, #tpu.memory_space<vmem>>) semaphore(%run_scoped3A_516 : memref<!tpu.dma_semaphore, #tpu.memory_space<semaphore_mem>>) {add = true}
        %dma_wait3A_522 = arith.constant 0 : i32
        %dma_wait3A_523 = tpu.memref_slice %arg8[%mul3A_498, %dma_wait3A_522] : memref<80x128xi32, #tpu.memory_space<vmem>> -> memref<1x128xi32, #tpu.memory_space<vmem>>
        %dma_wait3A_524 = tpu.memref_squeeze %dma_wait3A_523 : memref<1x128xi32, #tpu.memory_space<vmem>> -> memref<128xi32, #tpu.memory_space<vmem>>
        %dma_wait3A_525 = arith.constant 0 : i32
        %dma_wait3A_526 = arith.constant 0 : i32
        %dma_wait3A_527 = tpu.memref_slice %arg13[%dma_wait3A_525, %dma_wait3A_526] : memref<4224x128xf32, #tpu.memory_space<vmem_shared>> -> memref<4224x128xf32, #tpu.memory_space<vmem_shared>>
        tpu.wait_indirect_dma semaphore(%run_scoped3A_516 : memref<!tpu.dma_semaphore, #tpu.memory_space<semaphore_mem>>) src(%arg11 : memref<128x128xf32, #tpu.memory_space<vmem>>) dst(%dma_wait3A_527 : memref<4224x128xf32, #tpu.memory_space<vmem_shared>>)
        tpu.yield
      }) : () -> ()
      %lt3A_512 = arith.cmpi slt, %add3A_502, %select_n3A_428 : i32
      %convert_element_type3A_513 = arith.extui %lt3A_512 : i1 to i32
      %cond3A_514 = arith.constant 0 : i32
      %cond3A_515 = arith.cmpi ne, %convert_element_type3A_513, %cond3A_514 : i32
      scf.if %cond3A_515 {
        %mul3A_516 = arith.constant 128 : i32
        %mul3A_517 = arith.muli %add3A_502, %mul3A_516 : i32
        %dma_wait3A_518 = tpu.memref_slice %arg9[%mul3A_517] : memref<10368xi32, #tpu.memory_space<vmem>> -> memref<128xi32, #tpu.memory_space<vmem>>
        %dma_wait3A_519 = arith.constant 0 : i32
        %dma_wait3A_520 = arith.constant 0 : i32
        %dma_wait3A_521 = tpu.memref_slice %arg2[%dma_wait3A_519, %dma_wait3A_520] : memref<10000x128xf32, #tpu.memory_space<hbm>> -> memref<10000x128xf32, #tpu.memory_space<hbm>>
        tpu.wait_indirect_dma semaphore(%arg15 : memref<!tpu.dma_semaphore, #tpu.memory_space<semaphore_mem>>) src(%dma_wait3A_521 : memref<10000x128xf32, #tpu.memory_space<hbm>>) dst(%arg12 : memref<128x128xf32, #tpu.memory_space<vmem>>)
        %add3A_522 = arith.constant 1 : i32
        %add3A_523 = arith.addi %add3A_502, %add3A_522 : i32
        %lt3A_524 = arith.cmpi slt, %add3A_523, %select_n3A_428 : i32
        %convert_element_type3A_525 = arith.extui %lt3A_524 : i1 to i32
        %cond3A_526 = arith.constant 0 : i32
        %cond3A_527 = arith.cmpi ne, %convert_element_type3A_525, %cond3A_526 : i32
        scf.if %cond3A_527 {
          %add3A_528 = arith.constant 1 : i32
          %add3A_529 = arith.addi %add3A_502, %add3A_528 : i32
          %mul3A_530 = arith.constant 128 : i32
          %mul3A_531 = arith.muli %add3A_529, %mul3A_530 : i32
          %dma_start3A = tpu.memref_slice %arg9[%mul3A_531] : memref<10368xi32, #tpu.memory_space<vmem>> -> memref<128xi32, #tpu.memory_space<vmem>>
          %dma_start3A_532 = arith.constant 0 : i32
          %dma_start3A_533 = arith.constant 0 : i32
          %dma_start3A_534 = tpu.memref_slice %arg2[%dma_start3A_532, %dma_start3A_533] : memref<10000x128xf32, #tpu.memory_space<hbm>> -> memref<10000x128xf32, #tpu.memory_space<hbm>>
          tpu.enqueue_indirect_dma source(%dma_start3A_534 : memref<10000x128xf32, #tpu.memory_space<hbm>>) target(%arg11 : memref<128x128xf32, #tpu.memory_space<vmem>>) offsets(%dma_start3A : memref<128xi32, #tpu.memory_space<vmem>>) semaphore(%arg14 : memref<!tpu.dma_semaphore, #tpu.memory_space<semaphore_mem>>)
        } else {
        }
        "tpu.region"() ({
          %run_scoped3A_528 = tpu.sem_alloc : memref<!tpu.dma_semaphore, #tpu.memory_space<semaphore_mem>>
          %dma_start3A = arith.constant 0 : i32
          %dma_start3A_529 = tpu.memref_slice %arg8[%add3A_502, %dma_start3A] : memref<80x128xi32, #tpu.memory_space<vmem>> -> memref<1x128xi32, #tpu.memory_space<vmem>>
          %dma_start3A_530 = tpu.memref_squeeze %dma_start3A_529 : memref<1x128xi32, #tpu.memory_space<vmem>> -> memref<128xi32, #tpu.memory_space<vmem>>
          %dma_start3A_531 = arith.constant 0 : i32
          %dma_start3A_532 = arith.constant 0 : i32
          %dma_start3A_533 = tpu.memref_slice %arg13[%dma_start3A_531, %dma_start3A_532] : memref<4224x128xf32, #tpu.memory_space<vmem_shared>> -> memref<4224x128xf32, #tpu.memory_space<vmem_shared>>
          tpu.enqueue_indirect_dma source(%arg12 : memref<128x128xf32, #tpu.memory_space<vmem>>) target(%dma_start3A_533 : memref<4224x128xf32, #tpu.memory_space<vmem_shared>>) offsets(%dma_start3A_530 : memref<128xi32, #tpu.memory_space<vmem>>) semaphore(%run_scoped3A_528 : memref<!tpu.dma_semaphore, #tpu.memory_space<semaphore_mem>>) {add = true}
          %dma_wait3A_534 = arith.constant 0 : i32
          %dma_wait3A_535 = tpu.memref_slice %arg8[%add3A_502, %dma_wait3A_534] : memref<80x128xi32, #tpu.memory_space<vmem>> -> memref<1x128xi32, #tpu.memory_space<vmem>>
          %dma_wait3A_536 = tpu.memref_squeeze %dma_wait3A_535 : memref<1x128xi32, #tpu.memory_space<vmem>> -> memref<128xi32, #tpu.memory_space<vmem>>
          %dma_wait3A_537 = arith.constant 0 : i32
          %dma_wait3A_538 = arith.constant 0 : i32
          %dma_wait3A_539 = tpu.memref_slice %arg13[%dma_wait3A_537, %dma_wait3A_538] : memref<4224x128xf32, #tpu.memory_space<vmem_shared>> -> memref<4224x128xf32, #tpu.memory_space<vmem_shared>>
          tpu.wait_indirect_dma semaphore(%run_scoped3A_528 : memref<!tpu.dma_semaphore, #tpu.memory_space<semaphore_mem>>) src(%arg12 : memref<128x128xf32, #tpu.memory_space<vmem>>) dst(%dma_wait3A_539 : memref<4224x128xf32, #tpu.memory_space<vmem_shared>>)
          tpu.yield
        }) : () -> ()
      } else {
      }
    }
    %while3A_479 = arith.constant 1 : i32
    scf.for %while3A_496 = %while3A_477 to %while3A_473 step %while3A_479  : i32 {
      %mul3A_497 = arith.constant 2 : i32
      %mul3A_498 = arith.muli %mul3A_497, %while3A_496 : i32
      %mul3A_499 = arith.constant 2 : i32
      %mul3A_500 = arith.muli %mul3A_499, %while3A_496 : i32
      %add3A_501 = arith.constant 1 : i32
      %add3A_502 = arith.addi %mul3A_500, %add3A_501 : i32
      %mul3A_503 = arith.constant 128 : i32
      %mul3A_504 = arith.muli %mul3A_498, %mul3A_503 : i32
      %dma_wait3A = tpu.memref_slice %arg9[%mul3A_504] : memref<10368xi32, #tpu.memory_space<vmem>> -> memref<128xi32, #tpu.memory_space<vmem>>
      %dma_wait3A_505 = arith.constant 0 : i32
      %dma_wait3A_506 = arith.constant 0 : i32
      %dma_wait3A_507 = tpu.memref_slice %arg2[%dma_wait3A_505, %dma_wait3A_506] : memref<10000x128xf32, #tpu.memory_space<hbm>> -> memref<10000x128xf32, #tpu.memory_space<hbm>>
      tpu.wait_indirect_dma semaphore(%arg14 : memref<!tpu.dma_semaphore, #tpu.memory_space<semaphore_mem>>) src(%dma_wait3A_507 : memref<10000x128xf32, #tpu.memory_space<hbm>>) dst(%arg11 : memref<128x128xf32, #tpu.memory_space<vmem>>)
      %lt3A_508 = arith.cmpi slt, %add3A_502, %select_n3A_428 : i32
      %convert_element_type3A_509 = arith.extui %lt3A_508 : i1 to i32
      %cond3A_510 = arith.constant 0 : i32
      %cond3A_511 = arith.cmpi ne, %convert_element_type3A_509, %cond3A_510 : i32
      scf.if %cond3A_511 {
        %mul3A_516 = arith.constant 128 : i32
        %mul3A_517 = arith.muli %add3A_502, %mul3A_516 : i32
        %dma_start3A = tpu.memref_slice %arg9[%mul3A_517] : memref<10368xi32, #tpu.memory_space<vmem>> -> memref<128xi32, #tpu.memory_space<vmem>>
        %dma_start3A_518 = arith.constant 0 : i32
        %dma_start3A_519 = arith.constant 0 : i32
        %dma_start3A_520 = tpu.memref_slice %arg2[%dma_start3A_518, %dma_start3A_519] : memref<10000x128xf32, #tpu.memory_space<hbm>> -> memref<10000x128xf32, #tpu.memory_space<hbm>>
        tpu.enqueue_indirect_dma source(%dma_start3A_520 : memref<10000x128xf32, #tpu.memory_space<hbm>>) target(%arg12 : memref<128x128xf32, #tpu.memory_space<vmem>>) offsets(%dma_start3A : memref<128xi32, #tpu.memory_space<vmem>>) semaphore(%arg15 : memref<!tpu.dma_semaphore, #tpu.memory_space<semaphore_mem>>)
      } else {
      }
      "tpu.region"() ({
        %run_scoped3A_516 = tpu.sem_alloc : memref<!tpu.dma_semaphore, #tpu.memory_space<semaphore_mem>>
        %dma_start3A = arith.constant 0 : i32
        %dma_start3A_517 = tpu.memref_slice %arg8[%mul3A_498, %dma_start3A] : memref<80x128xi32, #tpu.memory_space<vmem>> -> memref<1x128xi32, #tpu.memory_space<vmem>>
        %dma_start3A_518 = tpu.memref_squeeze %dma_start3A_517 : memref<1x128xi32, #tpu.memory_space<vmem>> -> memref<128xi32, #tpu.memory_space<vmem>>
        %dma_start3A_519 = arith.constant 0 : i32
        %dma_start3A_520 = arith.constant 0 : i32
        %dma_start3A_521 = tpu.memref_slice %arg13[%dma_start3A_519, %dma_start3A_520] : memref<4224x128xf32, #tpu.memory_space<vmem_shared>> -> memref<4224x128xf32, #tpu.memory_space<vmem_shared>>
        tpu.enqueue_indirect_dma source(%arg11 : memref<128x128xf32, #tpu.memory_space<vmem>>) target(%dma_start3A_521 : memref<4224x128xf32, #tpu.memory_space<vmem_shared>>) offsets(%dma_start3A_518 : memref<128xi32, #tpu.memory_space<vmem>>) semaphore(%run_scoped3A_516 : memref<!tpu.dma_semaphore, #tpu.memory_space<semaphore_mem>>) {add = true}
        %dma_wait3A_522 = arith.constant 0 : i32
        %dma_wait3A_523 = tpu.memref_slice %arg8[%mul3A_498, %dma_wait3A_522] : memref<80x128xi32, #tpu.memory_space<vmem>> -> memref<1x128xi32, #tpu.memory_space<vmem>>
        %dma_wait3A_524 = tpu.memref_squeeze %dma_wait3A_523 : memref<1x128xi32, #tpu.memory_space<vmem>> -> memref<128xi32, #tpu.memory_space<vmem>>
        %dma_wait3A_525 = arith.constant 0 : i32
        %dma_wait3A_526 = arith.constant 0 : i32
        %dma_wait3A_527 = tpu.memref_slice %arg13[%dma_wait3A_525, %dma_wait3A_526] : memref<4224x128xf32, #tpu.memory_space<vmem_shared>> -> memref<4224x128xf32, #tpu.memory_space<vmem_shared>>
        tpu.wait_indirect_dma semaphore(%run_scoped3A_516 : memref<!tpu.dma_semaphore, #tpu.memory_space<semaphore_mem>>) src(%arg11 : memref<128x128xf32, #tpu.memory_space<vmem>>) dst(%dma_wait3A_527 : memref<4224x128xf32, #tpu.memory_space<vmem_shared>>)
        tpu.yield
      }) : () -> ()
      %lt3A_512 = arith.cmpi slt, %add3A_502, %select_n3A_428 : i32
      %convert_element_type3A_513 = arith.extui %lt3A_512 : i1 to i32
      %cond3A_514 = arith.constant 0 : i32
      %cond3A_515 = arith.cmpi ne, %convert_element_type3A_513, %cond3A_514 : i32
      scf.if %cond3A_515 {
        %mul3A_516 = arith.constant 128 : i32
        %mul3A_517 = arith.muli %add3A_502, %mul3A_516 : i32
        %dma_wait3A_518 = tpu.memref_slice %arg9[%mul3A_517] : memref<10368xi32, #tpu.memory_space<vmem>> -> memref<128xi32, #tpu.memory_space<vmem>>
        %dma_wait3A_519 = arith.constant 0 : i32
        %dma_wait3A_520 = arith.constant 0 : i32
        %dma_wait3A_521 = tpu.memref_slice %arg2[%dma_wait3A_519, %dma_wait3A_520] : memref<10000x128xf32, #tpu.memory_space<hbm>> -> memref<10000x128xf32, #tpu.memory_space<hbm>>
        tpu.wait_indirect_dma semaphore(%arg15 : memref<!tpu.dma_semaphore, #tpu.memory_space<semaphore_mem>>) src(%dma_wait3A_521 : memref<10000x128xf32, #tpu.memory_space<hbm>>) dst(%arg12 : memref<128x128xf32, #tpu.memory_space<vmem>>)
        %add3A_522 = arith.constant 1 : i32
        %add3A_523 = arith.addi %add3A_502, %add3A_522 : i32
        %lt3A_524 = arith.cmpi slt, %add3A_523, %select_n3A_428 : i32
        %convert_element_type3A_525 = arith.extui %lt3A_524 : i1 to i32
        %cond3A_526 = arith.constant 0 : i32
        %cond3A_527 = arith.cmpi ne, %convert_element_type3A_525, %cond3A_526 : i32
        scf.if %cond3A_527 {
          %add3A_528 = arith.constant 1 : i32
          %add3A_529 = arith.addi %add3A_502, %add3A_528 : i32
          %mul3A_530 = arith.constant 128 : i32
          %mul3A_531 = arith.muli %add3A_529, %mul3A_530 : i32
          %dma_start3A = tpu.memref_slice %arg9[%mul3A_531] : memref<10368xi32, #tpu.memory_space<vmem>> -> memref<128xi32, #tpu.memory_space<vmem>>
          %dma_start3A_532 = arith.constant 0 : i32
          %dma_start3A_533 = arith.constant 0 : i32
          %dma_start3A_534 = tpu.memref_slice %arg2[%dma_start3A_532, %dma_start3A_533] : memref<10000x128xf32, #tpu.memory_space<hbm>> -> memref<10000x128xf32, #tpu.memory_space<hbm>>
          tpu.enqueue_indirect_dma source(%dma_start3A_534 : memref<10000x128xf32, #tpu.memory_space<hbm>>) target(%arg11 : memref<128x128xf32, #tpu.memory_space<vmem>>) offsets(%dma_start3A : memref<128xi32, #tpu.memory_space<vmem>>) semaphore(%arg14 : memref<!tpu.dma_semaphore, #tpu.memory_space<semaphore_mem>>)
        } else {
        }
        "tpu.region"() ({
          %run_scoped3A_528 = tpu.sem_alloc : memref<!tpu.dma_semaphore, #tpu.memory_space<semaphore_mem>>
          %dma_start3A = arith.constant 0 : i32
          %dma_start3A_529 = tpu.memref_slice %arg8[%add3A_502, %dma_start3A] : memref<80x128xi32, #tpu.memory_space<vmem>> -> memref<1x128xi32, #tpu.memory_space<vmem>>
          %dma_start3A_530 = tpu.memref_squeeze %dma_start3A_529 : memref<1x128xi32, #tpu.memory_space<vmem>> -> memref<128xi32, #tpu.memory_space<vmem>>
          %dma_start3A_531 = arith.constant 0 : i32
          %dma_start3A_532 = arith.constant 0 : i32
          %dma_start3A_533 = tpu.memref_slice %arg13[%dma_start3A_531, %dma_start3A_532] : memref<4224x128xf32, #tpu.memory_space<vmem_shared>> -> memref<4224x128xf32, #tpu.memory_space<vmem_shared>>
          tpu.enqueue_indirect_dma source(%arg12 : memref<128x128xf32, #tpu.memory_space<vmem>>) target(%dma_start3A_533 : memref<4224x128xf32, #tpu.memory_space<vmem_shared>>) offsets(%dma_start3A_530 : memref<128xi32, #tpu.memory_space<vmem>>) semaphore(%run_scoped3A_528 : memref<!tpu.dma_semaphore, #tpu.memory_space<semaphore_mem>>) {add = true}
          %dma_wait3A_534 = arith.constant 0 : i32
          %dma_wait3A_535 = tpu.memref_slice %arg8[%add3A_502, %dma_wait3A_534] : memref<80x128xi32, #tpu.memory_space<vmem>> -> memref<1x128xi32, #tpu.memory_space<vmem>>
          %dma_wait3A_536 = tpu.memref_squeeze %dma_wait3A_535 : memref<1x128xi32, #tpu.memory_space<vmem>> -> memref<128xi32, #tpu.memory_space<vmem>>
          %dma_wait3A_537 = arith.constant 0 : i32
          %dma_wait3A_538 = arith.constant 0 : i32
          %dma_wait3A_539 = tpu.memref_slice %arg13[%dma_wait3A_537, %dma_wait3A_538] : memref<4224x128xf32, #tpu.memory_space<vmem_shared>> -> memref<4224x128xf32, #tpu.memory_space<vmem_shared>>
          tpu.wait_indirect_dma semaphore(%run_scoped3A_528 : memref<!tpu.dma_semaphore, #tpu.memory_space<semaphore_mem>>) src(%arg12 : memref<128x128xf32, #tpu.memory_space<vmem>>) dst(%dma_wait3A_539 : memref<4224x128xf32, #tpu.memory_space<vmem_shared>>)
          tpu.yield
        }) : () -> ()
      } else {
      }
    }
    %barrier3A_480 = arith.constant 0 : index
    tpu.barrier barrier_id(%barrier3A_480)
    %mul3A_481 = arith.constant 264 : i32
    %mul3A_482 = arith.muli %arg1, %mul3A_481 : i32
    %add3A_483 = arith.constant 0 : i32
    %add3A_484 = arith.addi %mul3A_482, %add3A_483 : i32
    %run_scoped3A_485 = arith.constant 1 : i32
    "tpu.region"() ({
      %run_scoped3A_496 = tpu.sem_alloc : memref<!tpu.dma_semaphore, #tpu.memory_space<semaphore_mem>>
      %dma_start3A = arith.constant 0 : i32
      %dma_start3A_497 = tpu.memref_slice %arg5[%arg0, %run_scoped3A_485, %add3A_484, %dma_start3A] : memref<2x2x4224x128xf32, #tpu.memory_space<hbm>> -> memref<1x1x128x128xf32, #tpu.memory_space<hbm>>
      %dma_start3A_498 = tpu.memref_squeeze %dma_start3A_497 : memref<1x1x128x128xf32, #tpu.memory_space<hbm>> -> memref<128x128xf32, #tpu.memory_space<hbm>>
      %dma_start3A_499 = arith.constant 0 : i32
      %dma_start3A_500 = tpu.memref_slice %arg13[%add3A_484, %dma_start3A_499] : memref<4224x128xf32, #tpu.memory_space<vmem_shared>> -> memref<128x128xf32, #tpu.memory_space<vmem_shared>>
      tpu.enqueue_dma source(%dma_start3A_500 : memref<128x128xf32, #tpu.memory_space<vmem_shared>>) target(%dma_start3A_498 : memref<128x128xf32, #tpu.memory_space<hbm>>) target_semaphore(%run_scoped3A_496 : memref<!tpu.dma_semaphore, #tpu.memory_space<semaphore_mem>>)
      %dma_wait3A = arith.constant 0 : i32
      %dma_wait3A_501 = tpu.memref_slice %arg5[%arg0, %run_scoped3A_485, %add3A_484, %dma_wait3A] : memref<2x2x4224x128xf32, #tpu.memory_space<hbm>> -> memref<1x1x128x128xf32, #tpu.memory_space<hbm>>
      %dma_wait3A_502 = tpu.memref_squeeze %dma_wait3A_501 : memref<1x1x128x128xf32, #tpu.memory_space<hbm>> -> memref<128x128xf32, #tpu.memory_space<hbm>>
      %dma_wait3A_503 = arith.constant 0 : i32
      %dma_wait3A_504 = tpu.memref_slice %arg13[%add3A_484, %dma_wait3A_503] : memref<4224x128xf32, #tpu.memory_space<vmem_shared>> -> memref<128x128xf32, #tpu.memory_space<vmem_shared>>
      tpu.wait_dma2 semaphore(%run_scoped3A_496 : memref<!tpu.dma_semaphore, #tpu.memory_space<semaphore_mem>>) src(%dma_wait3A_504 : memref<128x128xf32, #tpu.memory_space<vmem_shared>>) dst(%dma_wait3A_502 : memref<128x128xf32, #tpu.memory_space<hbm>>)
      tpu.yield
    }) : () -> ()
    %mul3A_486 = arith.constant 264 : i32
    %mul3A_487 = arith.muli %arg1, %mul3A_486 : i32
    %add3A_488 = arith.constant 128 : i32
    %add3A_489 = arith.addi %mul3A_487, %add3A_488 : i32
    %run_scoped3A_490 = arith.constant 1 : i32
    "tpu.region"() ({
      %run_scoped3A_496 = tpu.sem_alloc : memref<!tpu.dma_semaphore, #tpu.memory_space<semaphore_mem>>
      %dma_start3A = arith.constant 0 : i32
      %dma_start3A_497 = tpu.memref_slice %arg5[%arg0, %run_scoped3A_490, %add3A_489, %dma_start3A] : memref<2x2x4224x128xf32, #tpu.memory_space<hbm>> -> memref<1x1x128x128xf32, #tpu.memory_space<hbm>>
      %dma_start3A_498 = tpu.memref_squeeze %dma_start3A_497 : memref<1x1x128x128xf32, #tpu.memory_space<hbm>> -> memref<128x128xf32, #tpu.memory_space<hbm>>
      %dma_start3A_499 = arith.constant 0 : i32
      %dma_start3A_500 = tpu.memref_slice %arg13[%add3A_489, %dma_start3A_499] : memref<4224x128xf32, #tpu.memory_space<vmem_shared>> -> memref<128x128xf32, #tpu.memory_space<vmem_shared>>
      tpu.enqueue_dma source(%dma_start3A_500 : memref<128x128xf32, #tpu.memory_space<vmem_shared>>) target(%dma_start3A_498 : memref<128x128xf32, #tpu.memory_space<hbm>>) target_semaphore(%run_scoped3A_496 : memref<!tpu.dma_semaphore, #tpu.memory_space<semaphore_mem>>)
      %dma_wait3A = arith.constant 0 : i32
      %dma_wait3A_501 = tpu.memref_slice %arg5[%arg0, %run_scoped3A_490, %add3A_489, %dma_wait3A] : memref<2x2x4224x128xf32, #tpu.memory_space<hbm>> -> memref<1x1x128x128xf32, #tpu.memory_space<hbm>>
      %dma_wait3A_502 = tpu.memref_squeeze %dma_wait3A_501 : memref<1x1x128x128xf32, #tpu.memory_space<hbm>> -> memref<128x128xf32, #tpu.memory_space<hbm>>
      %dma_wait3A_503 = arith.constant 0 : i32
      %dma_wait3A_504 = tpu.memref_slice %arg13[%add3A_489, %dma_wait3A_503] : memref<4224x128xf32, #tpu.memory_space<vmem_shared>> -> memref<128x128xf32, #tpu.memory_space<vmem_shared>>
      tpu.wait_dma2 semaphore(%run_scoped3A_496 : memref<!tpu.dma_semaphore, #tpu.memory_space<semaphore_mem>>) src(%dma_wait3A_504 : memref<128x128xf32, #tpu.memory_space<vmem_shared>>) dst(%dma_wait3A_502 : memref<128x128xf32, #tpu.memory_space<hbm>>)
      tpu.yield
    }) : () -> ()
    %mul3A_491 = arith.constant 264 : i32
    %mul3A_492 = arith.muli %arg1, %mul3A_491 : i32
    %add3A_493 = arith.constant 256 : i32
    %add3A_494 = arith.addi %mul3A_492, %add3A_493 : i32
    %run_scoped3A_495 = arith.constant 1 : i32
    "tpu.region"() ({
      %run_scoped3A_496 = tpu.sem_alloc : memref<!tpu.dma_semaphore, #tpu.memory_space<semaphore_mem>>
      %dma_start3A = arith.constant 0 : i32
      %dma_start3A_497 = tpu.memref_slice %arg5[%arg0, %run_scoped3A_495, %add3A_494, %dma_start3A] : memref<2x2x4224x128xf32, #tpu.memory_space<hbm>> -> memref<1x1x8x128xf32, #tpu.memory_space<hbm>>
      %dma_start3A_498 = tpu.memref_squeeze %dma_start3A_497 : memref<1x1x8x128xf32, #tpu.memory_space<hbm>> -> memref<8x128xf32, #tpu.memory_space<hbm>>
      %dma_start3A_499 = arith.constant 0 : i32
      %dma_start3A_500 = tpu.memref_slice %arg13[%add3A_494, %dma_start3A_499] : memref<4224x128xf32, #tpu.memory_space<vmem_shared>> -> memref<8x128xf32, #tpu.memory_space<vmem_shared>>
      tpu.enqueue_dma source(%dma_start3A_500 : memref<8x128xf32, #tpu.memory_space<vmem_shared>>) target(%dma_start3A_498 : memref<8x128xf32, #tpu.memory_space<hbm>>) target_semaphore(%run_scoped3A_496 : memref<!tpu.dma_semaphore, #tpu.memory_space<semaphore_mem>>)
      %dma_wait3A = arith.constant 0 : i32
      %dma_wait3A_501 = tpu.memref_slice %arg5[%arg0, %run_scoped3A_495, %add3A_494, %dma_wait3A] : memref<2x2x4224x128xf32, #tpu.memory_space<hbm>> -> memref<1x1x8x128xf32, #tpu.memory_space<hbm>>
      %dma_wait3A_502 = tpu.memref_squeeze %dma_wait3A_501 : memref<1x1x8x128xf32, #tpu.memory_space<hbm>> -> memref<8x128xf32, #tpu.memory_space<hbm>>
      %dma_wait3A_503 = arith.constant 0 : i32
      %dma_wait3A_504 = tpu.memref_slice %arg13[%add3A_494, %dma_wait3A_503] : memref<4224x128xf32, #tpu.memory_space<vmem_shared>> -> memref<8x128xf32, #tpu.memory_space<vmem_shared>>
      tpu.wait_dma2 semaphore(%run_scoped3A_496 : memref<!tpu.dma_semaphore, #tpu.memory_space<semaphore_mem>>) src(%dma_wait3A_504 : memref<8x128xf32, #tpu.memory_space<vmem_shared>>) dst(%dma_wait3A_502 : memref<8x128xf32, #tpu.memory_space<hbm>>)
      tpu.yield
    }) : () -> ()
    return
  }
}

module attributes {stable_mosaic.version = 14 : i64} {
  func.func @_prep_body(%arg0: memref<20480xf32, #tpu.memory_space<vmem>>, %arg1: memref<20480xf32, #tpu.memory_space<vmem>>, %arg2: memref<10000x128xf32, #tpu.memory_space<vmem>>, %arg3: memref<10000x128xf32, #tpu.memory_space<vmem>>, %arg4: memref<10000x128xf32, #tpu.memory_space<vmem>>, %arg5: memref<10240xf32, #tpu.memory_space<vmem>>, %arg6: memref<10240xf32, #tpu.memory_space<vmem>>) attributes {dimension_semantics = [], scalar_prefetch = 0 : i64, scratch_operands = 0 : i64, tpu.core_type = #tpu.core_type<tc>} {
    %get3A = arith.constant 0 : index
    %get3A_0 = vector.load %arg0[%get3A] : memref<20480xf32, #tpu.memory_space<vmem>>, vector<20480xf32>
    %get3A_1 = arith.constant 0 : index
    %get3A_2 = vector.load %arg1[%get3A_1] : memref<20480xf32, #tpu.memory_space<vmem>>, vector<20480xf32>
    %slice3A = vector.extract_strided_slice %get3A_0 {offsets = [0], sizes = [10240], strides = [1]} : vector<20480xf32> to vector<10240xf32>
    %slice3A_3 = vector.extract_strided_slice %get3A_0 {offsets = [10240], sizes = [10240], strides = [1]} : vector<20480xf32> to vector<10240xf32>
    %add3A = arith.addf %slice3A, %slice3A_3 : vector<10240xf32>
    %add3A_4 = arith.constant 1.000000e+00 : f32
    %add3A_5 = vector.broadcast %add3A_4 : f32 to vector<10240xf32>
    %add3A_6 = arith.addf %add3A, %add3A_5 : vector<10240xf32>
    %rsqrt3A = math.rsqrt %add3A_6 : vector<10240xf32>
    %slice3A_7 = vector.extract_strided_slice %get3A_2 {offsets = [0], sizes = [10240], strides = [1]} : vector<20480xf32> to vector<10240xf32>
    %slice3A_8 = vector.extract_strided_slice %get3A_2 {offsets = [10240], sizes = [10240], strides = [1]} : vector<20480xf32> to vector<10240xf32>
    %add3A_9 = arith.addf %slice3A_7, %slice3A_8 : vector<10240xf32>
    %add3A_10 = arith.constant 1.000000e+00 : f32
    %add3A_11 = vector.broadcast %add3A_10 : f32 to vector<10240xf32>
    %add3A_12 = arith.addf %add3A_9, %add3A_11 : vector<10240xf32>
    %rsqrt3A_13 = math.rsqrt %add3A_12 : vector<10240xf32>
    %swap3A = arith.constant 0 : index
    %swap3A_14 = vector.load %arg5[%swap3A] : memref<10240xf32, #tpu.memory_space<vmem>>, vector<10240xf32>
    tpu.vector_store %arg5[%swap3A], %rsqrt3A {strides = array<i32>} : memref<10240xf32, #tpu.memory_space<vmem>>, vector<10240xf32>,
    %swap3A_15 = arith.constant 0 : index
    %swap3A_16 = vector.load %arg6[%swap3A_15] : memref<10240xf32, #tpu.memory_space<vmem>>, vector<10240xf32>
    tpu.vector_store %arg6[%swap3A_15], %rsqrt3A_13 {strides = array<i32>} : memref<10240xf32, #tpu.memory_space<vmem>>, vector<10240xf32>,
    %get3A_17 = arith.constant 0 : index
    %get3A_18 = arith.constant 0 : index
    %get3A_19 = vector.load %arg2[%get3A_17, %get3A_18] : memref<10000x128xf32, #tpu.memory_space<vmem>>, vector<10000x128xf32>
    %slice3A_20 = vector.extract_strided_slice %rsqrt3A {offsets = [0], sizes = [10000], strides = [1]} : vector<10240xf32> to vector<10000xf32>
    %reshape3A = vector.shape_cast %slice3A_20 : vector<10000xf32> to vector<10000x1xf32>
    %mul3A = vector.broadcast %reshape3A : vector<10000x1xf32> to vector<10000x128xf32>
    %mul3A_21 = arith.mulf %mul3A, %get3A_19 : vector<10000x128xf32>
    %swap3A_22 = arith.constant 0 : index
    %swap3A_23 = arith.constant 0 : index
    %swap3A_24 = vector.load %arg3[%swap3A_22, %swap3A_23] : memref<10000x128xf32, #tpu.memory_space<vmem>>, vector<10000x128xf32>
    tpu.vector_store %arg3[%swap3A_22, %swap3A_23], %mul3A_21 {strides = array<i32>} : memref<10000x128xf32, #tpu.memory_space<vmem>>, vector<10000x128xf32>,
    %slice3A_25 = vector.extract_strided_slice %rsqrt3A_13 {offsets = [0], sizes = [10000], strides = [1]} : vector<10240xf32> to vector<10000xf32>
    %reshape3A_26 = vector.shape_cast %slice3A_25 : vector<10000xf32> to vector<10000x1xf32>
    %mul3A_27 = vector.broadcast %reshape3A_26 : vector<10000x1xf32> to vector<10000x128xf32>
    %mul3A_28 = arith.mulf %mul3A_27, %get3A_19 : vector<10000x128xf32>
    %swap3A_29 = arith.constant 0 : index
    %swap3A_30 = arith.constant 0 : index
    %swap3A_31 = vector.load %arg4[%swap3A_29, %swap3A_30] : memref<10000x128xf32, #tpu.memory_space<vmem>>, vector<10000x128xf32>
    tpu.vector_store %arg4[%swap3A_29, %swap3A_30], %mul3A_28 {strides = array<i32>} : memref<10000x128xf32, #tpu.memory_space<vmem>>, vector<10000x128xf32>,
    return
  }
}

module attributes {stable_mosaic.version = 14 : i64} {
  func.func @_dense_body(%arg0: memref<2x1x2048x128xf32, #tpu.memory_space<vmem>>, %arg1: memref<2x2x4224x128xf32, #tpu.memory_space<vmem>>, %arg2: memref<10000x128xf32, #tpu.memory_space<vmem>>, %arg3: memref<10240xf32, #tpu.memory_space<vmem>>, %arg4: memref<10240xf32, #tpu.memory_space<vmem>>, %arg5: memref<2x128x128xf32, #tpu.memory_space<vmem>>, %arg6: memref<2x128xf32, #tpu.memory_space<vmem>>, %arg7: memref<2x128x128xf32, #tpu.memory_space<vmem>>, %arg8: memref<2x128xf32, #tpu.memory_space<vmem>>, %arg9: memref<2x1x128xf32, #tpu.memory_space<vmem>>, %arg10: memref<10240xf32, #tpu.memory_space<vmem>>, %arg11: memref<10240xf32, #tpu.memory_space<vmem>>) attributes {dimension_semantics = [], scalar_prefetch = 0 : i64, scratch_operands = 0 : i64, tpu.core_type = #tpu.core_type<tc>} {
    %get3A = arith.constant 0 : index
    %get3A_0 = arith.constant 0 : index
    %get3A_1 = arith.constant 0 : index
    %get3A_2 = arith.constant 0 : index
    %get3A_3 = vector.load %arg0[%get3A, %get3A_0, %get3A_1, %get3A_2] : memref<2x1x2048x128xf32, #tpu.memory_space<vmem>>, vector<2x1x2048x128xf32>
    %get3A_4 = arith.constant 0 : index
    %get3A_5 = arith.constant 0 : index
    %get3A_6 = arith.constant 0 : index
    %get3A_7 = arith.constant 0 : index
    %get3A_8 = vector.load %arg1[%get3A_4, %get3A_5, %get3A_6, %get3A_7] : memref<2x2x4224x128xf32, #tpu.memory_space<vmem>>, vector<2x2x4224x128xf32>
    %get3A_9 = arith.constant 0 : index
    %get3A_10 = arith.constant 0 : index
    %get3A_11 = vector.load %arg2[%get3A_9, %get3A_10] : memref<10000x128xf32, #tpu.memory_space<vmem>>, vector<10000x128xf32>
    %get3A_12 = arith.constant 0 : index
    %get3A_13 = vector.load %arg3[%get3A_12] : memref<10240xf32, #tpu.memory_space<vmem>>, vector<10240xf32>
    %get3A_14 = arith.constant 0 : index
    %get3A_15 = vector.load %arg4[%get3A_14] : memref<10240xf32, #tpu.memory_space<vmem>>, vector<10240xf32>
    %slice3A = vector.extract_strided_slice %get3A_3 {offsets = [0, 0, 0, 0], sizes = [1, 1, 2000, 128], strides = [1, 1, 1, 1]} : vector<2x1x2048x128xf32> to vector<1x1x2000x128xf32>
    %squeeze3A = vector.shape_cast %slice3A : vector<1x1x2000x128xf32> to vector<2000x128xf32>
    %slice3A_16 = vector.extract_strided_slice %get3A_3 {offsets = [1, 0, 0, 0], sizes = [1, 1, 2000, 128], strides = [1, 1, 1, 1]} : vector<2x1x2048x128xf32> to vector<1x1x2000x128xf32>
    %squeeze3A_17 = vector.shape_cast %slice3A_16 : vector<1x1x2000x128xf32> to vector<2000x128xf32>
    %add3A = arith.addf %squeeze3A, %squeeze3A_17 : vector<2000x128xf32>
    %slice3A_18 = vector.extract_strided_slice %get3A_8 {offsets = [0, 0, 0, 0], sizes = [1, 1, 4000, 128], strides = [1, 1, 1, 1]} : vector<2x2x4224x128xf32> to vector<1x1x4000x128xf32>
    %squeeze3A_19 = vector.shape_cast %slice3A_18 : vector<1x1x4000x128xf32> to vector<4000x128xf32>
    %slice3A_20 = vector.extract_strided_slice %get3A_8 {offsets = [1, 0, 0, 0], sizes = [1, 1, 4000, 128], strides = [1, 1, 1, 1]} : vector<2x2x4224x128xf32> to vector<1x1x4000x128xf32>
    %squeeze3A_21 = vector.shape_cast %slice3A_20 : vector<1x1x4000x128xf32> to vector<4000x128xf32>
    %add3A_22 = arith.addf %squeeze3A_19, %squeeze3A_21 : vector<4000x128xf32>
    %slice3A_23 = vector.extract_strided_slice %get3A_8 {offsets = [0, 1, 0, 0], sizes = [1, 1, 4000, 128], strides = [1, 1, 1, 1]} : vector<2x2x4224x128xf32> to vector<1x1x4000x128xf32>
    %squeeze3A_24 = vector.shape_cast %slice3A_23 : vector<1x1x4000x128xf32> to vector<4000x128xf32>
    %slice3A_25 = vector.extract_strided_slice %get3A_8 {offsets = [1, 1, 0, 0], sizes = [1, 1, 4000, 128], strides = [1, 1, 1, 1]} : vector<2x2x4224x128xf32> to vector<1x1x4000x128xf32>
    %squeeze3A_26 = vector.shape_cast %slice3A_25 : vector<1x1x4000x128xf32> to vector<4000x128xf32>
    %add3A_27 = arith.addf %squeeze3A_24, %squeeze3A_26 : vector<4000x128xf32>
    %concatenate3A = tpu.concatenate %add3A_22, %add3A_27 in 0 : vector<4000x128xf32>, vector<4000x128xf32> -> vector<8000x128xf32>
    %slice3A_28 = vector.extract_strided_slice %get3A_13 {offsets = [8000], sizes = [2000], strides = [1]} : vector<10240xf32> to vector<2000xf32>
    %reshape3A = vector.shape_cast %slice3A_28 : vector<2000xf32> to vector<2000x1xf32>
    %mul3A = vector.broadcast %reshape3A : vector<2000x1xf32> to vector<2000x128xf32>
    %mul3A_29 = arith.mulf %mul3A, %add3A : vector<2000x128xf32>
    %mul3A_30 = arith.mulf %reshape3A, %reshape3A : vector<2000x1xf32>
    %slice3A_31 = vector.extract_strided_slice %get3A_11 {offsets = [8000, 0], sizes = [2000, 128], strides = [1, 1]} : vector<10000x128xf32> to vector<2000x128xf32>
    %mul3A_32 = vector.broadcast %mul3A_30 : vector<2000x1xf32> to vector<2000x128xf32>
    %mul3A_33 = arith.mulf %mul3A_32, %slice3A_31 : vector<2000x128xf32>
    %add3A_34 = arith.addf %mul3A_29, %mul3A_33 : vector<2000x128xf32>
    %slice3A_35 = vector.extract_strided_slice %get3A_15 {offsets = [0], sizes = [8000], strides = [1]} : vector<10240xf32> to vector<8000xf32>
    %reshape3A_36 = vector.shape_cast %slice3A_35 : vector<8000xf32> to vector<8000x1xf32>
    %mul3A_37 = vector.broadcast %reshape3A_36 : vector<8000x1xf32> to vector<8000x128xf32>
    %mul3A_38 = arith.mulf %mul3A_37, %concatenate3A : vector<8000x128xf32>
    %mul3A_39 = arith.mulf %reshape3A_36, %reshape3A_36 : vector<8000x1xf32>
    %slice3A_40 = vector.extract_strided_slice %get3A_11 {offsets = [0, 0], sizes = [8000, 128], strides = [1, 1]} : vector<10000x128xf32> to vector<8000x128xf32>
    %mul3A_41 = vector.broadcast %mul3A_39 : vector<8000x1xf32> to vector<8000x128xf32>
    %mul3A_42 = arith.mulf %mul3A_41, %slice3A_40 : vector<8000x128xf32>
    %add3A_43 = arith.addf %mul3A_38, %mul3A_42 : vector<8000x128xf32>
    %slice3A_44 = vector.extract_strided_slice %get3A_13 {offsets = [0], sizes = [10000], strides = [1]} : vector<10240xf32> to vector<10000xf32>
    %get3A_45 = arith.constant 0 : index
    %get3A_46 = arith.constant 0 : index
    %get3A_47 = arith.constant 0 : index
    %get3A_48 = vector.load %arg5[%get3A_45, %get3A_46, %get3A_47] : memref<2x128x128xf32, #tpu.memory_space<vmem>>, vector<1x128x128xf32>
    %get3A_49 = vector.shape_cast %get3A_48 : vector<1x128x128xf32> to vector<128x128xf32>
    %transpose3A = tpu.transpose %get3A_49, [1, 0] : vector<128x128xf32> -> vector<128x128xf32>
    %dot_general3A = arith.constant dense<0.000000e+00> : vector<2000x128xf32>
    %dot_general3A_50 = tpu.matmul %add3A_34, %transpose3A, %dot_general3A {dimension_numbers = #tpu.dot_dimension_numbers<[1], [0], [0], [1], [0, 0, 1, 1], [], []>, transpose_lhs_hint = false} : vector<2000x128xf32>, vector<128x128xf32>, vector<2000x128xf32> -> vector<2000x128xf32>
    %get3A_51 = arith.constant 0 : index
    %get3A_52 = arith.constant 0 : index
    %get3A_53 = vector.load %arg6[%get3A_51, %get3A_52] : memref<2x128xf32, #tpu.memory_space<vmem>>, vector<1x128xf32>
    %get3A_54 = vector.shape_cast %get3A_53 : vector<1x128xf32> to vector<128xf32>
    %broadcast_in_dim3A = vector.shape_cast %get3A_54 : vector<128xf32> to vector<1x128xf32>
    %add3A_55 = vector.broadcast %broadcast_in_dim3A : vector<1x128xf32> to vector<2000x128xf32>
    %add3A_56 = arith.addf %dot_general3A_50, %add3A_55 : vector<2000x128xf32>
    %get3A_57 = arith.constant 0 : index
    %get3A_58 = arith.constant 0 : index
    %get3A_59 = arith.constant 0 : index
    %get3A_60 = vector.load %arg7[%get3A_57, %get3A_58, %get3A_59] : memref<2x128x128xf32, #tpu.memory_space<vmem>>, vector<1x128x128xf32>
    %get3A_61 = vector.shape_cast %get3A_60 : vector<1x128x128xf32> to vector<128x128xf32>
    %transpose3A_62 = tpu.transpose %get3A_61, [1, 0] : vector<128x128xf32> -> vector<128x128xf32>
    %dot_general3A_63 = arith.constant dense<0.000000e+00> : vector<8000x128xf32>
    %dot_general3A_64 = tpu.matmul %add3A_43, %transpose3A_62, %dot_general3A_63 {dimension_numbers = #tpu.dot_dimension_numbers<[1], [0], [0], [1], [0, 0, 1, 1], [], []>, transpose_lhs_hint = false} : vector<8000x128xf32>, vector<128x128xf32>, vector<8000x128xf32> -> vector<8000x128xf32>
    %get3A_65 = arith.constant 0 : index
    %get3A_66 = arith.constant 0 : index
    %get3A_67 = vector.load %arg8[%get3A_65, %get3A_66] : memref<2x128xf32, #tpu.memory_space<vmem>>, vector<1x128xf32>
    %get3A_68 = vector.shape_cast %get3A_67 : vector<1x128xf32> to vector<128xf32>
    %broadcast_in_dim3A_69 = vector.shape_cast %get3A_68 : vector<128xf32> to vector<1x128xf32>
    %add3A_70 = vector.broadcast %broadcast_in_dim3A_69 : vector<1x128xf32> to vector<8000x128xf32>
    %add3A_71 = arith.addf %dot_general3A_64, %add3A_70 : vector<8000x128xf32>
    %concatenate3A_72 = tpu.concatenate %add3A_71, %add3A_56 in 0 : vector<8000x128xf32>, vector<2000x128xf32> -> vector<10000x128xf32>
    %neg3A = arith.constant 0.000000e+00 : f32
    %neg3A_73 = vector.broadcast %neg3A : f32 to vector<10000x128xf32>
    %neg3A_74 = arith.subf %neg3A_73, %concatenate3A_72 : vector<10000x128xf32>
    %exp3A = math.exp %neg3A_74 : vector<10000x128xf32>
    %add3A_75 = arith.constant 1.000000e+00 : f32
    %add3A_76 = vector.broadcast %add3A_75 : f32 to vector<10000x128xf32>
    %add3A_77 = arith.addf %add3A_76, %exp3A : vector<10000x128xf32>
    %div3A = arith.constant 1.000000e+00 : f32
    %div3A_78 = vector.broadcast %div3A : f32 to vector<10000x128xf32>
    %div3A_79 = arith.divf %div3A_78, %add3A_77 : vector<10000x128xf32>
    %get3A_80 = arith.constant 0 : index
    %get3A_81 = arith.constant 0 : index
    %get3A_82 = arith.constant 0 : index
    %get3A_83 = vector.load %arg9[%get3A_80, %get3A_81, %get3A_82] : memref<2x1x128xf32, #tpu.memory_space<vmem>>, vector<1x1x128xf32>
    %get3A_84 = vector.shape_cast %get3A_83 : vector<1x1x128xf32> to vector<1x128xf32>
    %reshape3A_85 = vector.shape_cast %get3A_84 : vector<1x128xf32> to vector<128x1xf32>
    %dot_general3A_86 = arith.constant dense<0.000000e+00> : vector<10000x1xf32>
    %dot_general3A_87 = tpu.matmul %div3A_79, %reshape3A_85, %dot_general3A_86 {dimension_numbers = #tpu.dot_dimension_numbers<[1], [0], [0], [1], [0, 0, 1, 1], [], []>, transpose_lhs_hint = false} : vector<10000x128xf32>, vector<128x1xf32>, vector<10000x1xf32> -> vector<10000x1xf32>
    %squeeze3A_88 = vector.shape_cast %dot_general3A_87 : vector<10000x1xf32> to vector<10000xf32>
    %mul3A_89 = arith.mulf %squeeze3A_88, %slice3A_44 : vector<10000xf32>
    %broadcast_in_dim3A_90 = arith.constant 0.000000e+00 : f32
    %broadcast_in_dim3A_91 = vector.broadcast %broadcast_in_dim3A_90 : f32 to vector<240xf32>
    %concatenate3A_92 = tpu.concatenate %mul3A_89, %broadcast_in_dim3A_91 in 0 : vector<10000xf32>, vector<240xf32> -> vector<10240xf32>
    %swap3A = arith.constant 0 : index
    %swap3A_93 = vector.load %arg10[%swap3A] : memref<10240xf32, #tpu.memory_space<vmem>>, vector<10240xf32>
    tpu.vector_store %arg10[%swap3A], %concatenate3A_92 {strides = array<i32>} : memref<10240xf32, #tpu.memory_space<vmem>>, vector<10240xf32>,
    %get3A_94 = arith.constant 1 : index
    %get3A_95 = arith.constant 0 : index
    %get3A_96 = arith.constant 0 : index
    %get3A_97 = vector.load %arg5[%get3A_94, %get3A_95, %get3A_96] : memref<2x128x128xf32, #tpu.memory_space<vmem>>, vector<1x128x128xf32>
    %get3A_98 = vector.shape_cast %get3A_97 : vector<1x128x128xf32> to vector<128x128xf32>
    %transpose3A_99 = tpu.transpose %get3A_98, [1, 0] : vector<128x128xf32> -> vector<128x128xf32>
    %dot_general3A_100 = arith.constant dense<0.000000e+00> : vector<2000x128xf32>
    %dot_general3A_101 = tpu.matmul %add3A_34, %transpose3A_99, %dot_general3A_100 {dimension_numbers = #tpu.dot_dimension_numbers<[1], [0], [0], [1], [0, 0, 1, 1], [], []>, transpose_lhs_hint = false} : vector<2000x128xf32>, vector<128x128xf32>, vector<2000x128xf32> -> vector<2000x128xf32>
    %get3A_102 = arith.constant 1 : index
    %get3A_103 = arith.constant 0 : index
    %get3A_104 = vector.load %arg6[%get3A_102, %get3A_103] : memref<2x128xf32, #tpu.memory_space<vmem>>, vector<1x128xf32>
    %get3A_105 = vector.shape_cast %get3A_104 : vector<1x128xf32> to vector<128xf32>
    %broadcast_in_dim3A_106 = vector.shape_cast %get3A_105 : vector<128xf32> to vector<1x128xf32>
    %add3A_107 = vector.broadcast %broadcast_in_dim3A_106 : vector<1x128xf32> to vector<2000x128xf32>
    %add3A_108 = arith.addf %dot_general3A_101, %add3A_107 : vector<2000x128xf32>
    %get3A_109 = arith.constant 1 : index
    %get3A_110 = arith.constant 0 : index
    %get3A_111 = arith.constant 0 : index
    %get3A_112 = vector.load %arg7[%get3A_109, %get3A_110, %get3A_111] : memref<2x128x128xf32, #tpu.memory_space<vmem>>, vector<1x128x128xf32>
    %get3A_113 = vector.shape_cast %get3A_112 : vector<1x128x128xf32> to vector<128x128xf32>
    %transpose3A_114 = tpu.transpose %get3A_113, [1, 0] : vector<128x128xf32> -> vector<128x128xf32>
    %dot_general3A_115 = arith.constant dense<0.000000e+00> : vector<8000x128xf32>
    %dot_general3A_116 = tpu.matmul %add3A_43, %transpose3A_114, %dot_general3A_115 {dimension_numbers = #tpu.dot_dimension_numbers<[1], [0], [0], [1], [0, 0, 1, 1], [], []>, transpose_lhs_hint = false} : vector<8000x128xf32>, vector<128x128xf32>, vector<8000x128xf32> -> vector<8000x128xf32>
    %get3A_117 = arith.constant 1 : index
    %get3A_118 = arith.constant 0 : index
    %get3A_119 = vector.load %arg8[%get3A_117, %get3A_118] : memref<2x128xf32, #tpu.memory_space<vmem>>, vector<1x128xf32>
    %get3A_120 = vector.shape_cast %get3A_119 : vector<1x128xf32> to vector<128xf32>
    %broadcast_in_dim3A_121 = vector.shape_cast %get3A_120 : vector<128xf32> to vector<1x128xf32>
    %add3A_122 = vector.broadcast %broadcast_in_dim3A_121 : vector<1x128xf32> to vector<8000x128xf32>
    %add3A_123 = arith.addf %dot_general3A_116, %add3A_122 : vector<8000x128xf32>
    %concatenate3A_124 = tpu.concatenate %add3A_123, %add3A_108 in 0 : vector<8000x128xf32>, vector<2000x128xf32> -> vector<10000x128xf32>
    %neg3A_125 = arith.constant 0.000000e+00 : f32
    %neg3A_126 = vector.broadcast %neg3A_125 : f32 to vector<10000x128xf32>
    %neg3A_127 = arith.subf %neg3A_126, %concatenate3A_124 : vector<10000x128xf32>
    %exp3A_128 = math.exp %neg3A_127 : vector<10000x128xf32>
    %add3A_129 = arith.constant 1.000000e+00 : f32
    %add3A_130 = vector.broadcast %add3A_129 : f32 to vector<10000x128xf32>
    %add3A_131 = arith.addf %add3A_130, %exp3A_128 : vector<10000x128xf32>
    %div3A_132 = arith.constant 1.000000e+00 : f32
    %div3A_133 = vector.broadcast %div3A_132 : f32 to vector<10000x128xf32>
    %div3A_134 = arith.divf %div3A_133, %add3A_131 : vector<10000x128xf32>
    %get3A_135 = arith.constant 1 : index
    %get3A_136 = arith.constant 0 : index
    %get3A_137 = arith.constant 0 : index
    %get3A_138 = vector.load %arg9[%get3A_135, %get3A_136, %get3A_137] : memref<2x1x128xf32, #tpu.memory_space<vmem>>, vector<1x1x128xf32>
    %get3A_139 = vector.shape_cast %get3A_138 : vector<1x1x128xf32> to vector<1x128xf32>
    %reshape3A_140 = vector.shape_cast %get3A_139 : vector<1x128xf32> to vector<128x1xf32>
    %dot_general3A_141 = arith.constant dense<0.000000e+00> : vector<10000x1xf32>
    %dot_general3A_142 = tpu.matmul %div3A_134, %reshape3A_140, %dot_general3A_141 {dimension_numbers = #tpu.dot_dimension_numbers<[1], [0], [0], [1], [0, 0, 1, 1], [], []>, transpose_lhs_hint = false} : vector<10000x128xf32>, vector<128x1xf32>, vector<10000x1xf32> -> vector<10000x1xf32>
    %squeeze3A_143 = vector.shape_cast %dot_general3A_142 : vector<10000x1xf32> to vector<10000xf32>
    %mul3A_144 = arith.mulf %squeeze3A_143, %slice3A_44 : vector<10000xf32>
    %broadcast_in_dim3A_145 = arith.constant 0.000000e+00 : f32
    %broadcast_in_dim3A_146 = vector.broadcast %broadcast_in_dim3A_145 : f32 to vector<240xf32>
    %concatenate3A_147 = tpu.concatenate %mul3A_144, %broadcast_in_dim3A_146 in 0 : vector<10000xf32>, vector<240xf32> -> vector<10240xf32>
    %swap3A_148 = arith.constant 0 : index
    %swap3A_149 = vector.load %arg11[%swap3A_148] : memref<10240xf32, #tpu.memory_space<vmem>>, vector<10240xf32>
    tpu.vector_store %arg11[%swap3A_148], %concatenate3A_147 {strides = array<i32>} : memref<10240xf32, #tpu.memory_space<vmem>>, vector<10240xf32>,
    return
  }
}

</mosaic_0001>

<sc_bundles>
// kernel: kernel.11.cloned.1.call-start
scs
__scs_entry_jumppad:
0x0: {  	(pc) =	sbr.rel $0x88, $3  }
0x1: {  	(tag) =	ssettag $0x0;
	lr =	simm.s32 $0x1  }
0x2: {  	[smem:$0x3F98] =	sst lr;
	_ =	strace $0xD0000000  }
0x3: {  	_ = 	snop  }
0x4: {  	_ = 	snop  }
0x5: {  	_ = 	snop  }
0x6: {  	_ = 	snop  }
0x7: {  	_ = 	snop  }
__scs_overlays_trampoline_lowered:
0x8: {  	[smem:$0x3FA7] =	sst s0  }
0x9: {  	[smem:$0x3FA8] =	sst s1  }
0xa: {  	[smem:$0x3FA9] =	sst s2  }
0xb: {  	[smem:$0x3FAA] =	sst s3  }
0xc: {  	[smem:$0x3FAB] =	sst s4  }
0xd: {  	[smem:$0x3FAC] =	sst s5  }
0xe: {  	[smem:$0x3FAD] =	sst s6  }
0xf: {  	[smem:$0x3FAE] =	sst s7  }
0x10: {  	[smem:$0x3FAF] =	sst s8  }
0x11: {  	[smem:$0x3FB0] =	sst s9;
	s0 =	simm.s32 @!p0 $0x0  }
0x12: {  	s1 =	sld [smem:$0x3F96];
	s0 =	simm.s32 @p0 $0x1  }
0x13: {  	[smem:$0x3FB1] =	sst s0;
	s0 =	simm.s32 @!p1 $0x0  }
0x14: {  	s2 =	sld [smem:$0x3F95];
	s0 =	simm.s32 @p1 $0x1  }
0x15: {  	[smem:$0x3FB2] =	sst s0;
	s0 =	simm.s32 @!p2 $0x0  }
0x16: {  	s3 =	sld [smem:$0x3FDB];
	s0 =	simm.s32 @p2 $0x1  }
0x17: {  	s4 =	simm.s32 $0x1BF5;
	[smem:$0x3FB4] =	sst s0  }
0x18: {  	s0 =	sld [smem:$0x3F97];
	_ =	swait.ge [sflag:s4], $0x0  }
0x19: {  	s7 =	sld [smem:$0x3F98]  }
0x1a: {  	s8 =	sadd.s32 $0xFFFFE003, lr  }
0x1b: {  	s9 =	sadd.s32 $0xFFFFFEF7, lr;
	s5 =	simm.s32 $0xFFFFFFFF;
	p2 =	slt.u32 s8, $0xFFFFF086  }
0x1c: {  	p1 =	slt.u32 s9, $0xF7A;
	s5 =	simm.s32 @!p2 $0x0  }
0x1d: {  	s5 =	simm.s32 @p1 $0x1;
	p0 =	seq.s32 s7, s2  }
0x1e: {  	s7 =	smul.u32 @!p0 $0xF7A, s2;
	p2 =	seq.s32 @!p0 s5, $0x0  }
0x1f: {  	s9 =	smul.u32 $0xF7A, s1;
	s8 =	simm.s32 @!p0 $0x1BF5;
	p2 =	por !p2, p0  }
0x20: {  	[sflag:s8] =	ssyncset.s32 @!p0 $0xFFFFF086;
	s6 =	sadd.s32 @!p0 s3, s7;
	s7 =	simm.s32 @!p0 $0x108  }
0x21: {  	s3 =	sadd.s32 s3, s9;
	s6 =	sadd.s32 @!p0 $0x88, s6;
	s7 =	simm.s32 @p2 $0x1082  }
0x22: {  	[simem:s7], [sflag:s8] =	dma.local @!p0 [hbm:s6], $0xF7A  }
0x23: {  	s9 =	sor.u32 $0xD0000000, s2;
	s6 =	simm.s32 $0x108;
	_ =	swait.ge @!p0 [sflag:s8], $0x0  }
0x24: {  	s3 =	sadd.s32 $0x88, s3;
	s6 =	simm.s32 @!p1 $0x1082;
	[sflag:s4] =	ssyncset.s32 $0xFFFFF086  }
0x25: {  	[simem:s6], [sflag:s4] =	dma.local [hbm:s3], $0xF7A  }
0x26: {  	[smem:$0x3F98] =	sst s1;
	(tag) =	ssettag s2;
	_ =	strace s9  }
0x27: {  	s1 =	sld [smem:$0x3FA8]  }
0x28: {  	s2 =	sld [smem:$0x3FA9]  }
0x29: {  	s4 =	sld [smem:$0x3FAB]  }
0x2a: {  	p0 =	seq.s32 s5, $0x0;
	s5 =	sld [smem:$0x3FAC]  }
0x2b: {  	s6 =	sld [smem:$0x3FAD]  }
0x2c: {  	s7 =	sld [smem:$0x3FAE]  }
0x2d: {  	s3 =	simm.s32 $0x108;
	s8 =	sld [smem:$0x3FAF]  }
0x2e: {  	s3 =	simm.s32 @!p0 $0x1082;
	s9 =	sld [smem:$0x3FB0]  }
0x2f: {  	lr =	sadd.s32 s0, s3;
	s0 =	sld [smem:$0x3FA7]  }
0x30: {  	s3 =	sld [smem:$0x3FAA]  }
0x31: {  	[smem:$0x3FB3] =	sst s10  }
0x32: {  	s10 =	sld [smem:$0x3FB1];
	_ =	sdelay $0x3  }
0x33: {  	p0 =	seq.s32 s10, $0x1;
	s10 =	sld [smem:$0x3FB3];
	_ =	sdelay $0x3  }
0x34: {  	[smem:$0x3FB3] =	sst s10  }
0x35: {  	s10 =	sld [smem:$0x3FB2];
	_ =	sdelay $0x3  }
0x36: {  	p1 =	seq.s32 s10, $0x1;
	s10 =	sld [smem:$0x3FB3];
	_ =	sdelay $0x3  }
0x37: {  	[smem:$0x3FB3] =	sst s10  }
0x38: {  	s10 =	sld [smem:$0x3FB4]  }
0x39: {  	_ = 	snop;
	(pc) =	sbr.ind lr, $3  }
0x3a: {  	_ = 	snop  }
0x3b: {  	_ = 	snop  }
0x3c: {  	p2 =	seq.s32 s10, $0x1;
	s10 =	sld [smem:$0x3FB3]  }
0x3d: {  	_ =	shalt  }
0x3e: {  	_ =	shalt  }
0x3f: {  	_ =	shalt  }
0x40: {  	_ =	shalt  }
0x41: {  	_ =	shalt  }
0x42: {  	_ =	shalt  }
0x43: {  	_ =	shalt  }
0x44: {  	_ =	shalt  }
0x45: {  	_ =	shalt  }
0x46: {  	_ =	shalt  }
0x47: {  	_ =	shalt  }
0x48: {  	_ =	shalt  }
0x49: {  	_ =	shalt  }
0x4a: {  	_ =	shalt  }
0x4b: {  	_ =	shalt  }
0x4c: {  	_ =	shalt  }
0x4d: {  	_ =	shalt  }
0x4e: {  	_ =	shalt  }
0x4f: {  	_ =	shalt  }
0x50: {  	_ =	shalt  }
0x51: {  	_ =	shalt  }
0x52: {  	_ =	shalt  }
0x53: {  	_ =	shalt  }
0x54: {  	_ =	shalt  }
0x55: {  	_ =	shalt  }
0x56: {  	_ =	shalt  }
0x57: {  	_ =	shalt  }
0x58: {  	_ =	shalt  }
0x59: {  	_ =	shalt  }
0x5a: {  	_ =	shalt  }
0x5b: {  	_ =	shalt  }
0x5c: {  	_ =	shalt  }
0x5d: {  	_ =	shalt  }
0x5e: {  	_ =	shalt  }
0x5f: {  	_ =	shalt  }
0x60: {  	_ =	shalt  }
0x61: {  	_ =	shalt  }
0x62: {  	_ =	shalt  }
0x63: {  	_ =	shalt  }
0x64: {  	_ =	shalt  }
0x65: {  	_ =	shalt  }
0x66: {  	_ =	shalt  }
0x67: {  	_ =	shalt  }
0x68: {  	_ =	shalt  }
0x69: {  	_ =	shalt  }
0x6a: {  	_ =	shalt  }
0x6b: {  	_ =	shalt  }
0x6c: {  	_ =	shalt  }
0x6d: {  	_ =	shalt  }
0x6e: {  	_ =	shalt  }
0x6f: {  	_ =	shalt  }
0x70: {  	_ =	shalt  }
0x71: {  	_ =	shalt  }
0x72: {  	_ =	shalt  }
0x73: {  	_ =	shalt  }
0x74: {  	_ =	shalt  }
0x75: {  	_ =	shalt  }
0x76: {  	_ =	shalt  }
0x77: {  	_ =	shalt  }
0x78: {  	_ =	shalt  }
0x79: {  	_ =	shalt  }
0x7a: {  	_ =	shalt  }
0x7b: {  	_ =	shalt  }
0x7c: {  	_ =	shalt  }
0x7d: {  	_ =	shalt  }
0x7e: {  	_ =	shalt  }
0x7f: {  	_ =	shalt  }
0x80: {  	_ =	shalt  }
0x81: {  	_ =	shalt  }
0x82: {  	_ =	shalt  }
0x83: {  	_ =	shalt  }
0x84: {  	_ =	shalt  }
0x85: {  	_ =	shalt  }
0x86: {  	_ =	shalt  }
0x87: {  	_ =	shalt  }
.Lfunc_end0:
.L_simem_size_0:
called_computation.1_lowered:
.L_overlay_start_0:
0x88: {  	s2 =	sld [smem:$0x3FD9]  }
0x89: {  	s3 =	sld [smem:$0x3FFE];
	_ =	sdelay $0x1  }
0x8a: {  	s1 =	srdreg.scid  }
0x8b: {  	s0 =	sand.u32 $0x1, s1  }
0x8c: {  	s16 =	sshll.u32 s0, $0xA;
	s2 =	sadd.s32 s3, s2  }
0x8d: {  	s2 =	sadd.s32 s2, s16  }
0x8e: {  	[smem:$0x3FBF] =	sst s2  }
0x8f: {  	_ = 	snop  }
0x90: {  	(tm) =	ssettm $0x1  }
0x91: {  	s17 =	sld [smem:$0x3FFB];
	_ =	sdelay $0x3  }
0x92: {  	_ =	strace s17  }
0x93: {  	s2 =	sld [smem:$0x3FFC];
	_ =	sdelay $0x3  }
0x94: {  	_ =	strace s2  }
0x95: {  	s2 =	sld [smem:$0x3FFD];
	_ =	sdelay $0x3  }
0x96: {  	_ =	strace s2  }
0x97: {  	_ =	strace $0x8FFFFFFF  }
0x98: {  	s18 =	sld [smem:$0x3FDB];
	_ =	sdelay $0x1  }
0x99: {  	s19 =	simm.s32 $_scs_section_size  }
0x9a: {  	s4 =	simm.s32 $_size__tile_overlayer_lowered;
	s5 =	simm.s32 $_tile_overlayer_lowered  }
0x9b: {  	s22 =	simm.s32 $0x1BFF;
	s21 =	sshll.u32 s5, $0x1;
	s2 =	sadd.s32 s19, s18  }
0x9c: {  	s6 =	simm.s32 $0x0;
	s20 =	sshll.u32 s4, $0x1;
	s4 =	sadd.s32 s21, s2  }
0x9d: {  	[timem:s6], [sflag:s22] =	dma.local [hbm:s4], s20  }
0x9e: {  	_ =	swait.ge [sflag:s22], s20  }
0x9f: {  	s3 =	ssub.s32 $0x0, s20;
	[sflag:s22] =	ssyncset.done $0x0  }
0xa0: {  	[sflag:s22] =	ssyncadd.s32 s3;
	_ =	sdelay $0x1  }
0xa1: {  	s23 =	simm.s32 $0x1B8B  }
0xa2: {  	_ =	swait.ge [sflag:s23], $0x1  }
0xa3: {  	[sflag:s23] =	ssyncset.done $0x0  }
0xa4: {  	s25 =	simm.s32 $0x1B8E;
	s24 =	sld [smem:$0x3FFE];
	[sflag:s23] =	ssyncadd.s32 $0xFFFFFFFF  }
0xa5: {  	s26 =	simm.s32 $execute0_lowered;
	[smem:$0x3FD2] =	sst s25  }
0xa6: {  	s4 =	sshll.u32 s26, $0x1;
	_ =	strace $0x80000049;
	[dreg:$0x1] =	wrdreg $0xFFFFFFFF  }
0xa7: {  	s28 =	simm.s32 $_size_execute0_lowered;
	s2 =	sadd.s32 s2, s4;
	[dreg:$0x0] =	wrdreg $0x0  }
0xa8: {  	s4 =	sshll.u32 s28, $0x1;
	[dreg:$0x2] =	wrdreg s2  }
0xa9: {  	[dreg:$0x3] =	wrdreg s4  }
0xaa: {  	[dreg:$0x4] =	wrdreg $0xC0  }
0xab: {  	_ =	task [dreg:s6], $0x5FFFF  }
0xac: {  	[dreg:$0x1] =	wrdreg $0xFFFFFFFF  }
0xad: {  	[dreg:$0x0] =	wrdreg $0x60  }
0xae: {  	[dreg:$0x2] =	wrdreg s24  }
0xaf: {  	[dreg:$0x3] =	wrdreg $0x149000  }
0xb0: {  	[dreg:$0x4] =	wrdreg $0x9  }
0xb1: {  	_ =	task.clear_ibuf [dreg:s6], $0x5FFFF;
	_ =	strace $0x90000049  }
0xb2: {  	s29 =	simm.s32 $0x9;
	_ =	strace $0x8000004B  }
0xb3: {  	_ =	swait.ge [sflag:s29], $0x1  }
0xb4: {  	[sflag:s29] =	ssyncadd.s32 $0xFFFFFFFF  }
0xb5: {  	_ =	strace $0x9000004B  }
0xb6: {  	_ =	sfence  }
0xb7: {  	s30 =	sld [smem:$0x0];
	_ =	sdelay $0x2  }
0xb8: {  	s31 =	sshll.u32 s1, $0xD;
	s1 =	sshrl.u32 s1, $0x2  }
0xb9: {  	s3 =	sand.u32 $0x4000, s31;
	s1 =	sadd.s32 s1, s30  }
0xba: {  	s0 =	sor.u32 s3, s0;
	s1 =	sshll.u32 s1, $0x11  }
0xbb: {  	s0 =	sor.u32 s1, s0  }
0xbc: {  	s0 =	sadd.s32 $0x8F2B, s0  }
0xbd: {  	[sflag:s0] =	ssyncadd.remote.s32 $0x1  }
0xbe: {  	_ =	sfence.sel $0xFFFF  }
0xbf: {  	[dreg:$0x0] =	wrdreg $0xFFFFFFFF;
	(pc) =	sbr.abs _section_cstart, $3  }
0xc0: {  	[dreg:$0x1] =	wrdreg $0xFFFFFFFF  }
0xc1: {  	_ =	task.clear_ibuf [dreg:s6], $0x2FFFF;
	_ =	strace $0x9FFFFFFF  }
0xc2: {  	(tm) =	ssettm $0x7FFFFFFF  }
0xc3: {  	_ =	shalt  }
tec
execute0_lowered:
.L_overlay_start_1:
0x0: {  	(tag) =	ssettag $0x1  }
0x1: {  	s0 =	srdreg.scid;
	s6 =	rddreg [dreg:$0x0]  }
0x2: {  	s2 =	rddreg [dreg:$0x1];
	s1 =	stileid.u32  }
0x3: {  	s3 =	simm.s32 $0x0;
	s14 =	simm.s32 $0x1;
	s15 =	simm.s32 $0x80  }
0x4: {  	s16 =	simm.s32 $0x7800;
	s7 =	sand.u32 $0x1, s0;
	s0 =	rddreg [dreg:$0x2]  }
0x5: {  	s17 =	simm.s32 $0xC900;
	s18 =	simm.s32 $0x0;
	[smem:$0x7FF] =	sst s3  }
0x6: {  	s10 =	sshll.u32 s1, $0xB;
	s29 =	sshll.u32 s1, $0xE;
	s31 =	sshll.u32 s1, $0x6  }
0x7: {  	s4 =	sshll.u32 s7, $0x4;
	_ =	strace $0x8000004A;
	s8 =	ssub.s32 $0x2, s7  }
0x8: {  	s10 =	sadd.s32 s10, s6;
	s12 =	sshll.u32 s7, $0xF;
	s4 =	sor.u32 s1, s4  }
0x9: {  	s13 =	sadd.s32 s29, s2;
	s11 =	sshrl.u32 s8, $0x1;
	s5 =	smul.u32 $0x2800, s4  }
.Ltmp0:
0xa: {  	s30 =	sadd.s32 s12, s10;
	s10 =	simm.s32 $0x3;
	(pc) =	sbr.rel .LBB2_1-.Ltmp0, $4  }
0xb: {  	s12 =	sor.u32 $0x1C03, s31;
	s13 =	sshrl.u32 s13, $0x3;
	s5 =	sshrl.u32 s5, $0x3  }
0xc: {  	s4 =	sadd.s32 $0x2C600, s6;
	s11 =	ssub.s32 s8, s11;
	s9 =	sadd.s32 s5, s6  }
0xd: {  	v0 =	vlaneseq.u32;
	s8 =	sadd.s32 $0x7B800, s30;
	s5 =	sadd.s32 $0x7B000, s6;
	s6 =	sadd.s32 $0x18600, s9  }
0xe: {  	v1 =	vor.u32 $0x7D0, v0;
	v2 =	vor.u32 $0x7E0, v0;
	s7 =	sadd.s32 $0x22600, s9;
	s9 =	smax.u32 s11, $0x1;
	s11 =	simm.s32 $0x2800  }
.LBB2_13:
0xf: {  	[sflag:s24] =	ssyncadd.s32 $0xFFFFC000  }
.LBB2_14:
0x10: {  	s18 =	sadd.s32 $0x1, s18  }
0x11: {  	p0 =	sne.s32 s18, s9  }
.Ltmp1:
0x12: {  	[bflag:$0x0] =	sbarrier.arrive $0xFFFF;
	(pc) =	sbr.rel @!p0 .LBB2_15-.Ltmp1, $4  }
0x13: {  	[hbm:s8], [sflag:s12] =	dma.local [spmem:s13], $0x800  }
0x14: {  	_ =	swait.ge [sflag:s10], $0x800  }
0x15: {  	[sflag:s10] =	ssyncset.done $0x0  }
0x16: {  	[sflag:s10] =	ssyncadd.s32 $0xFFFFF800  }
.LBB2_1:
0x17: {  	[tilespmem:s3], [sflag:$0x3] =	stream.linear.gather [hbm4b:s6+s3], $0x2800, $0x38;
	[tilespmem:$0x18900] =	vst v63  }
0x18: {  	_ =	swait.ge [sflag:s10], $0x2800  }
0x19: {  	[sflag:s10] =	ssyncset.done $0x0  }
0x1a: {  	[sflag:s10] =	ssyncadd.s32 $0xFFFFD800  }
0x1b: {  	[tilespmem:s11], [sflag:$0x3] =	stream.linear.gather [hbm4b:s7+s3], $0x2800, $0x38;
	[tilespmem:$0x18900] =	vst v63  }
0x1c: {  	_ =	swait.ge [sflag:s10], $0x2800  }
0x1d: {  	[sflag:s10] =	ssyncset.done $0x0  }
0x1e: {  	[sflag:s10] =	ssyncadd.s32 $0xFFFFD800  }
0x1f: {  	[spmem:s13], [sflag:s12] =	dma.local [hbm:s5], $0x800  }
0x20: {  	_ =	swait.ge [sflag:s10], $0x800  }
0x21: {  	[sflag:s10] =	ssyncset.done $0x0  }
0x22: {  	[sflag:s10] =	ssyncadd.s32 $0xFFFFF800  }
0x23: {  	s19 =	simm.s32 $0x0;
	[bflag:$0x0] =	sbarrier.arrive $0xFFFF  }
0x24: {  	v3 =	vld [tilespmem:s19+$0x2800];
	_ =	sdelay $0x1  }
0x25: {  	v4 =	vld [tilespmem:s19+$0x0];
	_ =	sdelay $0x2  }
0x26: {  	v3 =	vadd.s32 $0xFFFFE0C0, v3  }
0x27: {  	vm0 =	vlt.u32 v3, $0x7D0  }
0x28: {  	[tilespmem:s3+$0x7800] =	vst.msk vm0, v4;
	v4 =	vmpcnt.ones.xlane vm0  }
0x29: {  	[tilespmem:s3+$0xA080] =	vst.msk vm0, v3  }
0x2a: {  	v3 =	vxor.u32 $0x80000000, v4;
	v4 =	vld [tilespmem:s19+$0x2810]  }
0x2b: {  	(xrf0) =	vmax.scan.msk.u32 $0xffff, v3;
	_ =	sdelay $0x3  }
0x2c: {  	v3 =	vadd.s32 $0xFFFFE0C0, v4  }
0x2d: {  	vm9 =	vlt.u32 v3, $0x7D0  }
0x2e: {  	v4 =	vmpcnt.ones.xlane vm9;
	v5, _, _ =	vpop (xrf0)  }
0x2f: {  	(v2sf) =	vpush v5, $0xF  }
0x30: {  	v4 =	vxor.u32 $0x80000000, v4  }
0x31: {  	(xrf0) =	vmax.scan.msk.u32 $0xffff, v4;
	_ =	sdelay $0x5  }
0x32: {  	v4, _, _ =	vpop (xrf0)  }
0x33: {  	(v2sf) =	vpush v4, $0xF;
	_ =	sdelay $0x3  }
0x34: {  	v4 =	vld [tilespmem:s19+$0x10];
	_ =	sdelay $0x1  }
0x35: {  	s20 =	spop (v2sf)  }
0x36: {  	s20 =	sadd.s32 $0x0, s20  }
0x37: {  	s20 =	sadd.s32 $0x80000000, s20  }
0x38: {  	[tilespmem:s20+$0x7800] =	vst.msk vm9, v4  }
0x39: {  	[tilespmem:s20+$0xA080] =	vst.msk vm9, v3  }
0x3a: {  	v3 =	vld [tilespmem:s19+$0x2820];
	_ =	sdelay $0x1  }
0x3b: {  	v4 =	vld [tilespmem:s19+$0x20];
	_ =	sdelay $0x1  }
0x3c: {  	s21 =	spop (v2sf)  }
0x3d: {  	s20 =	sadd.s32 s21, s20;
	v3 =	vadd.s32 $0xFFFFE0C0, v3  }
0x3e: {  	s20 =	sadd.s32 $0x80000000, s20;
	vm10 =	vlt.u32 v3, $0x7D0  }
0x3f: {  	[tilespmem:s20+$0x7800] =	vst.msk vm10, v4;
	v4 =	vmpcnt.ones.xlane vm10  }
0x40: {  	[tilespmem:s20+$0xA080] =	vst.msk vm10, v3  }
0x41: {  	v3 =	vxor.u32 $0x80000000, v4;
	v4 =	vld [tilespmem:s19+$0x2830]  }
0x42: {  	(xrf0) =	vmax.scan.msk.u32 $0xffff, v3;
	_ =	sdelay $0x3  }
0x43: {  	v3 =	vadd.s32 $0xFFFFE0C0, v4  }
0x44: {  	vm11 =	vlt.u32 v3, $0x7D0  }
0x45: {  	v4 =	vmpcnt.ones.xlane vm11;
	v5, _, _ =	vpop (xrf0)  }
0x46: {  	(v2sf) =	vpush v5, $0xF  }
0x47: {  	v4 =	vxor.u32 $0x80000000, v4  }
0x48: {  	(xrf0) =	vmax.scan.msk.u32 $0xffff, v4;
	_ =	sdelay $0x5  }
0x49: {  	v4, _, _ =	vpop (xrf0)  }
0x4a: {  	(v2sf) =	vpush v4, $0xF;
	_ =	sdelay $0x3  }
0x4b: {  	v4 =	vld [tilespmem:s19+$0x30];
	_ =	sdelay $0x1  }
0x4c: {  	s25 =	spop (v2sf)  }
0x4d: {  	s20 =	sadd.s32 s25, s20  }
0x4e: {  	s20 =	sadd.s32 $0x80000000, s20  }
0x4f: {  	[tilespmem:s20+$0x7800] =	vst.msk vm11, v4  }
0x50: {  	[tilespmem:s20+$0xA080] =	vst.msk vm11, v3  }
0x51: {  	v3 =	vld [tilespmem:s19+$0x2840];
	_ =	sdelay $0x1  }
0x52: {  	v4 =	vld [tilespmem:s19+$0x40];
	_ =	sdelay $0x1  }
0x53: {  	s26 =	spop (v2sf)  }
0x54: {  	s20 =	sadd.s32 s26, s20;
	v3 =	vadd.s32 $0xFFFFE0C0, v3  }
0x55: {  	s20 =	sadd.s32 $0x80000000, s20;
	vm12 =	vlt.u32 v3, $0x7D0  }
0x56: {  	[tilespmem:s20+$0x7800] =	vst.msk vm12, v4;
	v4 =	vmpcnt.ones.xlane vm12  }
0x57: {  	[tilespmem:s20+$0xA080] =	vst.msk vm12, v3  }
0x58: {  	v3 =	vxor.u32 $0x80000000, v4;
	v4 =	vld [tilespmem:s19+$0x2850]  }
0x59: {  	(xrf0) =	vmax.scan.msk.u32 $0xffff, v3;
	_ =	sdelay $0x3  }
0x5a: {  	v3 =	vadd.s32 $0xFFFFE0C0, v4  }
0x5b: {  	vm13 =	vlt.u32 v3, $0x7D0  }
0x5c: {  	v4 =	vmpcnt.ones.xlane vm13;
	v5, _, _ =	vpop (xrf0)  }
0x5d: {  	(v2sf) =	vpush v5, $0xF  }
0x5e: {  	v4 =	vxor.u32 $0x80000000, v4  }
0x5f: {  	(xrf0) =	vmax.scan.msk.u32 $0xffff, v4;
	_ =	sdelay $0x5  }
0x60: {  	v4, _, _ =	vpop (xrf0)  }
0x61: {  	(v2sf) =	vpush v4, $0xF;
	_ =	sdelay $0x3  }
0x62: {  	v4 =	vld [tilespmem:s19+$0x50];
	_ =	sdelay $0x1  }
0x63: {  	s28 =	spop (v2sf)  }
0x64: {  	s20 =	sadd.s32 s28, s20  }
0x65: {  	s20 =	sadd.s32 $0x80000000, s20  }
0x66: {  	[tilespmem:s20+$0x7800] =	vst.msk vm13, v4  }
0x67: {  	[tilespmem:s20+$0xA080] =	vst.msk vm13, v3  }
0x68: {  	v3 =	vld [tilespmem:s19+$0x2860];
	_ =	sdelay $0x1  }
0x69: {  	v4 =	vld [tilespmem:s19+$0x60];
	_ =	sdelay $0x1  }
0x6a: {  	s29 =	spop (v2sf)  }
0x6b: {  	s20 =	sadd.s32 s29, s20;
	v3 =	vadd.s32 $0xFFFFE0C0, v3  }
0x6c: {  	s20 =	sadd.s32 $0x80000000, s20;
	vm14 =	vlt.u32 v3, $0x7D0  }
0x6d: {  	[tilespmem:s20+$0x7800] =	vst.msk vm14, v4;
	v4 =	vmpcnt.ones.xlane vm14  }
0x6e: {  	[tilespmem:s20+$0xA080] =	vst.msk vm14, v3  }
0x6f: {  	v3 =	vxor.u32 $0x80000000, v4;
	v4 =	vld [tilespmem:s19+$0x2870]  }
0x70: {  	(xrf0) =	vmax.scan.msk.u32 $0xffff, v3;
	_ =	sdelay $0x3  }
0x71: {  	v3 =	vadd.s32 $0xFFFFE0C0, v4  }
0x72: {  	vm15 =	vlt.u32 v3, $0x7D0  }
0x73: {  	v4 =	vmpcnt.ones.xlane vm15;
	v5, _, _ =	vpop (xrf0)  }
0x74: {  	(v2sf) =	vpush v5, $0xF  }
0x75: {  	v4 =	vxor.u32 $0x80000000, v4  }
0x76: {  	(xrf0) =	vmax.scan.msk.u32 $0xffff, v4;
	_ =	sdelay $0x5  }
0x77: {  	v4, _, _ =	vpop (xrf0)  }
0x78: {  	(v2sf) =	vpush v4, $0xF;
	_ =	sdelay $0x3  }
0x79: {  	v4 =	vld [tilespmem:s19+$0x70];
	_ =	sdelay $0x1  }
0x7a: {  	s30 =	spop (v2sf)  }
0x7b: {  	s19 =	sadd.s32 s30, s20  }
0x7c: {  	s31 =	sadd.s32 $0x80000000, s19  }
0x7d: {  	[tilespmem:s31+$0x7800] =	vst.msk vm15, v4  }
0x7e: {  	s19 =	simm.s32 $0x80;
	[tilespmem:s31+$0xA080] =	vst.msk vm15, v3  }
0x7f: {  	v4 =	vld [tilespmem:s19+$0x2800];
	_ =	sdelay $0x2  }
0x80: {  	v3 =	vld [tilespmem:s19+$0x0]  }
0x81: {  	s22 =	spop (v2sf)  }
0x82: {  	s20 =	simm.s32 $0x400;
	v4 =	vadd.s32 $0xFFFFE0C0, v4;
	s21 =	sadd.s32 s22, s31  }
.LBB2_2:
0x83: {  	p0 =	sne.s32 s20, $0x9E00  }
0x84: {  	vm0 =	vlt.u32 v4, $0x7D0;
	s22 =	sadd.s32 $0x80000000, s21;
	s21 =	smov.u32 s20;
	s20 =	sadd.s32 $0x200, s20  }
0x85: {  	[tilespmem:s22+$0x7800] =	vst.msk vm0, v3;
	v3 =	vmpcnt.ones.xlane vm0  }
0x86: {  	[tilespmem:s22+$0xA080] =	vst.msk vm0, v4  }
0x87: {  	v3 =	vxor.u32 $0x80000000, v3;
	v4 =	vld [tilespmem:s19+$0x2810]  }
0x88: {  	(xrf0) =	vmax.scan.msk.u32 $0xffff, v3;
	_ =	sdelay $0x3  }
0x89: {  	v3 =	vadd.s32 $0xFFFFE0C0, v4  }
0x8a: {  	vm0 =	vlt.u32 v3, $0x7D0  }
0x8b: {  	v4 =	vmpcnt.ones.xlane vm0;
	v5, _, _ =	vpop (xrf0)  }
0x8c: {  	(v2sf) =	vpush v5, $0xF  }
0x8d: {  	v4 =	vxor.u32 $0x80000000, v4  }
0x8e: {  	(xrf0) =	vmax.scan.msk.u32 $0xffff, v4;
	_ =	sdelay $0x5  }
0x8f: {  	v4, _, _ =	vpop (xrf0)  }
0x90: {  	(v2sf) =	vpush v4, $0xF;
	_ =	sdelay $0x3  }
0x91: {  	v4 =	vld [tilespmem:s19+$0x10];
	_ =	sdelay $0x1  }
0x92: {  	s23 =	spop (v2sf)  }
0x93: {  	s22 =	sadd.s32 s23, s22  }
0x94: {  	s22 =	sadd.s32 $0x80000000, s22  }
0x95: {  	[tilespmem:s22+$0x7800] =	vst.msk vm0, v4  }
0x96: {  	[tilespmem:s22+$0xA080] =	vst.msk vm0, v3  }
0x97: {  	v3 =	vld [tilespmem:s19+$0x2820];
	_ =	sdelay $0x1  }
0x98: {  	v4 =	vld [tilespmem:s19+$0x20];
	_ =	sdelay $0x1  }
0x99: {  	s23 =	spop (v2sf)  }
0x9a: {  	s22 =	sadd.s32 s23, s22;
	v3 =	vadd.s32 $0xFFFFE0C0, v3  }
0x9b: {  	s22 =	sadd.s32 $0x80000000, s22;
	vm0 =	vlt.u32 v3, $0x7D0  }
0x9c: {  	[tilespmem:s22+$0x7800] =	vst.msk vm0, v4;
	v4 =	vmpcnt.ones.xlane vm0  }
0x9d: {  	[tilespmem:s22+$0xA080] =	vst.msk vm0, v3  }
0x9e: {  	v3 =	vxor.u32 $0x80000000, v4;
	v4 =	vld [tilespmem:s19+$0x2830]  }
0x9f: {  	(xrf0) =	vmax.scan.msk.u32 $0xffff, v3;
	_ =	sdelay $0x3  }
0xa0: {  	v3 =	vadd.s32 $0xFFFFE0C0, v4  }
0xa1: {  	vm0 =	vlt.u32 v3, $0x7D0  }
0xa2: {  	v4 =	vmpcnt.ones.xlane vm0;
	v5, _, _ =	vpop (xrf0)  }
0xa3: {  	(v2sf) =	vpush v5, $0xF  }
0xa4: {  	v4 =	vxor.u32 $0x80000000, v4  }
0xa5: {  	(xrf0) =	vmax.scan.msk.u32 $0xffff, v4;
	_ =	sdelay $0x5  }
0xa6: {  	v4, _, _ =	vpop (xrf0)  }
0xa7: {  	(v2sf) =	vpush v4, $0xF;
	_ =	sdelay $0x3  }
0xa8: {  	v4 =	vld [tilespmem:s19+$0x30];
	_ =	sdelay $0x1  }
0xa9: {  	s23 =	spop (v2sf)  }
0xaa: {  	s22 =	sadd.s32 s23, s22  }
0xab: {  	s22 =	sadd.s32 $0x80000000, s22  }
0xac: {  	[tilespmem:s22+$0x7800] =	vst.msk vm0, v4  }
0xad: {  	[tilespmem:s22+$0xA080] =	vst.msk vm0, v3  }
0xae: {  	v3 =	vld [tilespmem:s19+$0x2840];
	_ =	sdelay $0x1  }
0xaf: {  	v4 =	vld [tilespmem:s19+$0x40];
	_ =	sdelay $0x1  }
0xb0: {  	s23 =	spop (v2sf)  }
0xb1: {  	s22 =	sadd.s32 s23, s22;
	v3 =	vadd.s32 $0xFFFFE0C0, v3  }
0xb2: {  	s22 =	sadd.s32 $0x80000000, s22;
	vm0 =	vlt.u32 v3, $0x7D0  }
0xb3: {  	[tilespmem:s22+$0x7800] =	vst.msk vm0, v4;
	v4 =	vmpcnt.ones.xlane vm0  }
0xb4: {  	[tilespmem:s22+$0xA080] =	vst.msk vm0, v3  }
0xb5: {  	v3 =	vxor.u32 $0x80000000, v4;
	v4 =	vld [tilespmem:s19+$0x2850]  }
0xb6: {  	v5 =	vld [tilespmem:s19+$0x50];
	(xrf0) =	vmax.scan.msk.u32 $0xffff, v3;
	_ =	sdelay $0x3  }
0xb7: {  	v3 =	vadd.s32 $0xFFFFE0C0, v4  }
0xb8: {  	vm0 =	vlt.u32 v3, $0x7D0  }
0xb9: {  	v4 =	vmpcnt.ones.xlane vm0;
	v6, _, _ =	vpop (xrf0)  }
0xba: {  	(v2sf) =	vpush v6, $0xF  }
0xbb: {  	v4 =	vxor.u32 $0x80000000, v4  }
0xbc: {  	(xrf0) =	vmax.scan.msk.u32 $0xffff, v4;
	_ =	sdelay $0x5  }
0xbd: {  	v4, _, _ =	vpop (xrf0)  }
0xbe: {  	(v2sf) =	vpush v4, $0xF;
	_ =	sdelay $0x5  }
0xbf: {  	s23 =	spop (v2sf)  }
0xc0: {  	s22 =	sadd.s32 s23, s22  }
0xc1: {  	s22 =	sadd.s32 $0x80000000, s22  }
0xc2: {  	[tilespmem:s22+$0x7800] =	vst.msk vm0, v5  }
0xc3: {  	[tilespmem:s22+$0xA080] =	vst.msk vm0, v3  }
0xc4: {  	v3 =	vld [tilespmem:s19+$0x2860]  }
0xc5: {  	v4 =	vld [tilespmem:s19+$0x60];
	_ =	sdelay $0x2  }
0xc6: {  	s23 =	spop (v2sf)  }
0xc7: {  	s22 =	sadd.s32 s23, s22;
	v3 =	vadd.s32 $0xFFFFE0C0, v3  }
0xc8: {  	s22 =	sadd.s32 $0x80000000, s22;
	vm0 =	vlt.u32 v3, $0x7D0  }
0xc9: {  	[tilespmem:s22+$0x7800] =	vst.msk vm0, v4;
	v4 =	vmpcnt.ones.xlane vm0  }
0xca: {  	[tilespmem:s22+$0xA080] =	vst.msk vm0, v3  }
0xcb: {  	v3 =	vxor.u32 $0x80000000, v4;
	v4 =	vld [tilespmem:s19+$0x2870]  }
0xcc: {  	v5 =	vld [tilespmem:s19+$0x70];
	(xrf0) =	vmax.scan.msk.u32 $0xffff, v3;
	_ =	sdelay $0x3  }
0xcd: {  	v3 =	vadd.s32 $0xFFFFE0C0, v4  }
0xce: {  	vm0 =	vlt.u32 v3, $0x7D0  }
0xcf: {  	v4 =	vmpcnt.ones.xlane vm0;
	v6, _, _ =	vpop (xrf0)  }
0xd0: {  	(v2sf) =	vpush v6, $0xF  }
0xd1: {  	v4 =	vxor.u32 $0x80000000, v4  }
0xd2: {  	(xrf0) =	vmax.scan.msk.u32 $0xffff, v4;
	_ =	sdelay $0x5  }
0xd3: {  	v4, _, _ =	vpop (xrf0)  }
0xd4: {  	(v2sf) =	vpush v4, $0xF;
	_ =	sdelay $0x5  }
0xd5: {  	s19 =	spop (v2sf)  }
0xd6: {  	s19 =	sadd.s32 s19, s22  }
0xd7: {  	s22 =	sadd.s32 $0x80000000, s19  }
0xd8: {  	[tilespmem:s22+$0x7800] =	vst.msk vm0, v5  }
0xd9: {  	s19 =	sshra.s32 s21, $0x2;
	[tilespmem:s22+$0xA080] =	vst.msk vm0, v3  }
0xda: {  	v4 =	vld [tilespmem:s19+$0x2800]  }
.Ltmp2:
0xdb: {  	(pc) =	sbr.rel @p0 .LBB2_2-.Ltmp2, $3  }
0xdc: {  	v3 =	vld [tilespmem:s19+$0x0];
	_ =	sdelay $0x1  }
0xdd: {  	s21 =	spop (v2sf)  }
0xde: {  	v4 =	vadd.s32 $0xFFFFE0C0, v4;
	s21 =	sadd.s32 s21, s22  }
0xdf: {  	vm0 =	vlt.u32 v4, $0x7D0;
	s20 =	sadd.s32 $0x80000000, s21  }
0xe0: {  	[tilespmem:s20+$0x7800] =	vst.msk vm0, v3;
	v3 =	vmpcnt.ones.xlane vm0  }
0xe1: {  	[tilespmem:s20+$0xA080] =	vst.msk vm0, v4  }
0xe2: {  	v3 =	vxor.u32 $0x80000000, v3;
	v4 =	vld [tilespmem:s19+$0x2810]  }
0xe3: {  	(xrf0) =	vmax.scan.msk.u32 $0xffff, v3;
	_ =	sdelay $0x3  }
0xe4: {  	v3 =	vadd.s32 $0xFFFFE0C0, v4  }
0xe5: {  	vm9 =	vlt.u32 v3, $0x7D0  }
0xe6: {  	v46 =	vmpcnt.ones.xlane vm9;
	v5, _, _ =	vpop (xrf0)  }
0xe7: {  	(v2sf) =	vpush v5, $0xF  }
0xe8: {  	v4 =	vxor.u32 $0x80000000, v46  }
0xe9: {  	(xrf0) =	vmax.scan.msk.u32 $0xffff, v4;
	_ =	sdelay $0x5  }
0xea: {  	v4, _, _ =	vpop (xrf0)  }
0xeb: {  	(v2sf) =	vpush v4, $0xF;
	_ =	sdelay $0x3  }
0xec: {  	v47 =	vld [tilespmem:s19+$0x10];
	_ =	sdelay $0x1  }
0xed: {  	s30 =	spop (v2sf)  }
0xee: {  	s20 =	sadd.s32 s30, s20  }
0xef: {  	s20 =	sadd.s32 $0x80000000, s20  }
0xf0: {  	[tilespmem:s20+$0x7800] =	vst.msk vm9, v47  }
0xf1: {  	[tilespmem:s20+$0xA080] =	vst.msk vm9, v3  }
0xf2: {  	v3 =	vld [tilespmem:s19+$0x2820];
	_ =	sdelay $0x1  }
0xf3: {  	v4 =	vld [tilespmem:s19+$0x20];
	_ =	sdelay $0x1  }
0xf4: {  	s31 =	spop (v2sf)  }
0xf5: {  	s20 =	sadd.s32 s31, s20;
	v3 =	vadd.s32 $0xFFFFE0C0, v3  }
0xf6: {  	s20 =	sadd.s32 $0x80000000, s20;
	vm10 =	vlt.u32 v3, $0x7D0  }
0xf7: {  	[tilespmem:s20+$0x7800] =	vst.msk vm10, v4;
	v48 =	vmpcnt.ones.xlane vm10  }
0xf8: {  	[tilespmem:s20+$0xA080] =	vst.msk vm10, v3  }
0xf9: {  	v3 =	vxor.u32 $0x80000000, v48;
	v49 =	vld [tilespmem:s19+$0x2830]  }
0xfa: {  	(xrf0) =	vmax.scan.msk.u32 $0xffff, v3;
	_ =	sdelay $0x3  }
0xfb: {  	v3 =	vadd.s32 $0xFFFFE0C0, v49  }
0xfc: {  	vm11 =	vlt.u32 v3, $0x7D0  }
0xfd: {  	v50 =	vmpcnt.ones.xlane vm11;
	v51, _, _ =	vpop (xrf0)  }
0xfe: {  	(v2sf) =	vpush v51, $0xF  }
0xff: {  	v4 =	vxor.u32 $0x80000000, v50  }
0x100: {  	(xrf0) =	vmax.scan.msk.u32 $0xffff, v4;
	_ =	sdelay $0x5  }
0x101: {  	v4, _, _ =	vpop (xrf0)  }
0x102: {  	(v2sf) =	vpush v4, $0xF;
	_ =	sdelay $0x3  }
0x103: {  	v52 =	vld [tilespmem:s19+$0x30];
	_ =	sdelay $0x1  }
0x104: {  	s22 =	spop (v2sf)  }
0x105: {  	s20 =	sadd.s32 s22, s20  }
0x106: {  	s20 =	sadd.s32 $0x80000000, s20  }
0x107: {  	[tilespmem:s20+$0x7800] =	vst.msk vm11, v52  }
0x108: {  	[tilespmem:s20+$0xA080] =	vst.msk vm11, v3  }
0x109: {  	v3 =	vld [tilespmem:s19+$0x2840];
	_ =	sdelay $0x1  }
0x10a: {  	v4 =	vld [tilespmem:s19+$0x40];
	_ =	sdelay $0x1  }
0x10b: {  	s23 =	spop (v2sf)  }
0x10c: {  	s20 =	sadd.s32 s23, s20;
	v3 =	vadd.s32 $0xFFFFE0C0, v3  }
0x10d: {  	s20 =	sadd.s32 $0x80000000, s20;
	vm12 =	vlt.u32 v3, $0x7D0  }
0x10e: {  	[tilespmem:s20+$0x7800] =	vst.msk vm12, v4;
	v53 =	vmpcnt.ones.xlane vm12  }
0x10f: {  	[tilespmem:s20+$0xA080] =	vst.msk vm12, v3  }
0x110: {  	v3 =	vxor.u32 $0x80000000, v53;
	v54 =	vld [tilespmem:s19+$0x2850]  }
0x111: {  	(xrf0) =	vmax.scan.msk.u32 $0xffff, v3;
	_ =	sdelay $0x3  }
0x112: {  	v3 =	vadd.s32 $0xFFFFE0C0, v54  }
0x113: {  	vm13 =	vlt.u32 v3, $0x7D0  }
0x114: {  	v55 =	vmpcnt.ones.xlane vm13;
	v56, _, _ =	vpop (xrf0)  }
0x115: {  	(v2sf) =	vpush v56, $0xF  }
0x116: {  	v4 =	vxor.u32 $0x80000000, v55  }
0x117: {  	(xrf0) =	vmax.scan.msk.u32 $0xffff, v4;
	_ =	sdelay $0x5  }
0x118: {  	v4, _, _ =	vpop (xrf0)  }
0x119: {  	(v2sf) =	vpush v4, $0xF;
	_ =	sdelay $0x3  }
0x11a: {  	v57 =	vld [tilespmem:s19+$0x50];
	_ =	sdelay $0x1  }
0x11b: {  	s24 =	spop (v2sf)  }
0x11c: {  	s20 =	sadd.s32 s24, s20  }
0x11d: {  	s20 =	sadd.s32 $0x80000000, s20  }
0x11e: {  	[tilespmem:s20+$0x7800] =	vst.msk vm13, v57  }
0x11f: {  	[tilespmem:s20+$0xA080] =	vst.msk vm13, v3  }
0x120: {  	v3 =	vld [tilespmem:s19+$0x2860];
	_ =	sdelay $0x1  }
0x121: {  	v4 =	vld [tilespmem:s19+$0x60];
	_ =	sdelay $0x1  }
0x122: {  	s25 =	spop (v2sf)  }
0x123: {  	s20 =	sadd.s32 s25, s20;
	v3 =	vadd.s32 $0xFFFFE0C0, v3  }
0x124: {  	s20 =	sadd.s32 $0x80000000, s20;
	vm14 =	vlt.u32 v3, $0x7D0  }
0x125: {  	[tilespmem:s20+$0x7800] =	vst.msk vm14, v4  }
0x126: {  	[tilespmem:s20+$0xA080] =	vst.msk vm14, v3  }
0x127: {  	v3 =	vld [tilespmem:s19+$0x2870];
	_ =	sdelay $0x4  }
0x128: {  	v58 =	vmpcnt.ones.xlane vm14;
	v3 =	vadd.s32 $0xFFFFE0C0, v3  }
0x129: {  	vm15 =	vlt.u32 v3, $0x7D0  }
0x12a: {  	v4 =	vxor.u32 $0x80000000, v58;
	v59 =	vmpcnt.ones.xlane vm15  }
0x12b: {  	(xrf0) =	vmax.scan.msk.u32 $0xffff, v4  }
0x12c: {  	v60 =	vxor.u32 $0x80000000, v59  }
0x12d: {  	(xrf0) =	vmax.scan.msk.u32 $0xffff, v60;
	_ =	sdelay $0x3  }
0x12e: {  	v61, _, _ =	vpop (xrf0)  }
0x12f: {  	(v2sf) =	vpush v61, $0xF  }
0x130: {  	v62, _, _ =	vpop (xrf0)  }
0x131: {  	(v2sf) =	vpush v62, $0xF;
	_ =	sdelay $0xa  }
0x132: {  	v63 =	vld [tilespmem:s19+$0x70];
	_ =	sdelay $0x1  }
0x133: {  	s26 =	spop (v2sf)  }
0x134: {  	s19 =	sadd.s32 s26, s20  }
0x135: {  	s19 =	sadd.s32 $0x80000000, s19;
	s28 =	spop (v2sf)  }
0x136: {  	[tilespmem:s19+$0x7800] =	vst.msk vm15, v63;
	s20 =	sadd.s32 s28, s19  }
0x137: {  	[tilespmem:s19+$0xA080] =	vst.msk vm15, v3;
	s20 =	sadd.s32 $0x80000000, s20  }
0x138: {  	[tilespmem:s20+$0x7800] =	vst v0  }
0x139: {  	[tilespmem:s20+$0xA080] =	vst v1  }
0x13a: {  	[tilespmem:s20+$0x7810] =	vst v0  }
0x13b: {  	[tilespmem:s20+$0xA090] =	vst v2;
	s29 =	sadd.s32 $0x7F, s20  }
0x13c: {  	[tilespmem:s20+$0x7820] =	vst v0;
	s30 =	sand.u32 $0x7F, s29  }
0x13d: {  	[tilespmem:s20+$0xA0A0] =	vst v1;
	s31 =	sshra.s32 s29, $0x1F;
	p1 =	slt.s32 s29, $0x1;
	p0 =	sne.s32 s30, $0x0  }
0x13e: {  	[tilespmem:s20+$0x7830] =	vst v0;
	s21 =	sshrl.u32 s31, $0x19;
	p0 =	por !p1, !p0  }
0x13f: {  	[tilespmem:s20+$0xA0B0] =	vst v2;
	s19 =	sadd.s32 s21, s29;
	s21 =	simm.s32 $0x1;
	p0 =	por !p0, !p0  }
0x140: {  	[tilespmem:s20+$0x7840] =	vst v0;
	s19 =	sshra.s32 s19, $0x7;
	s21 =	simm.s32 @!p0 $0x0  }
0x141: {  	[tilespmem:s20+$0xA0C0] =	vst v1;
	s19 =	ssub.s32 s19, s21  }
0x142: {  	[tilespmem:s20+$0x7850] =	vst v0;
	p0 =	slt.s32 s19, $0x1  }
.Ltmp3:
0x143: {  	[tilespmem:s20+$0xA0D0] =	vst v2;
	(pc) =	sbr.rel @p0 .LBB2_10-.Ltmp3, $4  }
0x144: {  	[tilespmem:s20+$0x7860] =	vst v0  }
0x145: {  	[tilespmem:s20+$0xA0E0] =	vst v1  }
0x146: {  	[tilespmem:s20+$0x7870] =	vst v0  }
0x147: {  	[tilespmem:s20+$0xA0F0] =	vst v2  }
0x148: {  	p1 =	sne.s32 s19, $0x1  }
.Ltmp4:
0x149: {  	_ = 	snop;
	(pc) =	sbr.rel @!p1 .LBB2_5-.Ltmp4, $3  }
0x14a: {  	_ =	sdelay $0x1  }
0x14b: {  	s21 =	simm.s32 $0xA0C0  }
0x14c: {  	s20 =	simm.s32 $0x5040;
	s22 =	sadd.s32 $0xFFFFFFFF, s19;
	p0 =	por $0x0, $0x0;
	v3 =	vld [tilespmem:s21+$0xFFFFFFC0]  }
0x14d: {  	_ =	sdelay $0x3  }
0x14e: {  	[tilespmem:s20+$0xFFFFFFC0] =	vst v3  }
0x14f: {  	v3 =	vld [tilespmem:s21+$0xFFFFFFD0];
	_ =	sdelay $0x4  }
0x150: {  	[tilespmem:s20+$0xFFFFFFD0] =	vst v3  }
0x151: {  	v3 =	vld [tilespmem:s21+$0xFFFFFFE0];
	_ =	sdelay $0x4  }
0x152: {  	[tilespmem:s20+$0xFFFFFFE0] =	vst v3  }
0x153: {  	v3 =	vld [tilespmem:s21+$0xFFFFFFF0];
	_ =	sdelay $0x4  }
0x154: {  	[tilespmem:s20+$0xFFFFFFF0] =	vst v3  }
0x155: {  	v3 =	vld [tilespmem:s21+$0x0];
	_ =	sdelay $0x4  }
0x156: {  	[tilespmem:s20+$0x0] =	vst v3  }
0x157: {  	v3 =	vld [tilespmem:s21+$0x10];
	_ =	sdelay $0x4  }
0x158: {  	[tilespmem:s20+$0x10] =	vst v3  }
0x159: {  	v3 =	vld [tilespmem:s21+$0x20];
	_ =	sdelay $0x4  }
0x15a: {  	[tilespmem:s20+$0x20] =	vst v3  }
0x15b: {  	v3 =	vld [tilespmem:s21+$0x30]  }
0x15c: {  	p1 =	sne.s32 s22, $0x1  }
.Ltmp5:
0x15d: {  	_ = 	snop;
	(pc) =	sbr.rel @!p1 .LBB2_7-.Ltmp5, $3  }
0x15e: {  	_ =	sdelay $0x1  }
0x15f: {  	s21 =	simm.s32 $0xA140;
	[tilespmem:s20+$0x30] =	vst v3  }
0x160: {  	s23 =	sadd.s32 $0xFFFFFFFF, s22;
	p0 =	por $0x1, $0x1;
	s22 =	simm.s32 $0x5040;
	v3 =	vld [tilespmem:s21+$0xFFFFFFC0]  }
.LBB2_8:
0x161: {  	p1 =	sne.s32 s23, $0x1;
	_ =	sdelay $0x2  }
0x162: {  	s22 =	sadd.s32 $0x80, s22  }
0x163: {  	[tilespmem:s22+$0xFFFFFFC0] =	vst v3  }
0x164: {  	v3 =	vld [tilespmem:s21+$0xFFFFFFD0];
	_ =	sdelay $0x4  }
0x165: {  	[tilespmem:s22+$0xFFFFFFD0] =	vst v3  }
0x166: {  	v3 =	vld [tilespmem:s21+$0xFFFFFFE0];
	_ =	sdelay $0x4  }
0x167: {  	[tilespmem:s22+$0xFFFFFFE0] =	vst v3  }
0x168: {  	v3 =	vld [tilespmem:s21+$0xFFFFFFF0];
	_ =	sdelay $0x4  }
0x169: {  	[tilespmem:s22+$0xFFFFFFF0] =	vst v3  }
0x16a: {  	v3 =	vld [tilespmem:s21+$0x0];
	_ =	sdelay $0x4  }
0x16b: {  	[tilespmem:s22+$0x0] =	vst v3  }
0x16c: {  	v3 =	vld [tilespmem:s21+$0x10];
	_ =	sdelay $0x4  }
0x16d: {  	[tilespmem:s22+$0x10] =	vst v3  }
0x16e: {  	v3 =	vld [tilespmem:s21+$0x20];
	_ =	sdelay $0x4  }
0x16f: {  	[tilespmem:s22+$0x20] =	vst v3  }
0x170: {  	v3 =	vld [tilespmem:s21+$0x30];
	_ =	sdelay $0x1  }
.Ltmp6:
0x171: {  	(pc) =	sbr.rel @p1 .LBB2_8-.Ltmp6, $3  }
0x172: {  	_ =	sdelay $0x1  }
0x173: {  	s21 =	sadd.s32 $0x80, s21;
	[tilespmem:s22+$0x30] =	vst v3  }
0x174: {  	s23 =	sadd.s32 $0xFFFFFFFF, s23;
	v3 =	vld [tilespmem:s21+$0xFFFFFFC0]  }
.LBB2_9:
0x175: {  	_ =	sdelay $0x1  }
0x176: {  	s22 =	sadd.s32 @p0 $0x80, s22  }
0x177: {  	s20 =	smov.u32 @p0 s22  }
0x178: {  	[tilespmem:s20+$0xFFFFFFC0] =	vst v3  }
0x179: {  	v3 =	vld [tilespmem:s21+$0xFFFFFFD0];
	_ =	sdelay $0x4  }
0x17a: {  	[tilespmem:s20+$0xFFFFFFD0] =	vst v3  }
0x17b: {  	v3 =	vld [tilespmem:s21+$0xFFFFFFE0];
	_ =	sdelay $0x4  }
0x17c: {  	[tilespmem:s20+$0xFFFFFFE0] =	vst v3  }
0x17d: {  	v3 =	vld [tilespmem:s21+$0xFFFFFFF0];
	_ =	sdelay $0x4  }
0x17e: {  	[tilespmem:s20+$0xFFFFFFF0] =	vst v3  }
0x17f: {  	v3 =	vld [tilespmem:s21+$0x0];
	_ =	sdelay $0x4  }
0x180: {  	[tilespmem:s20+$0x0] =	vst v3  }
0x181: {  	v3 =	vld [tilespmem:s21+$0x10];
	_ =	sdelay $0x4  }
0x182: {  	[tilespmem:s20+$0x10] =	vst v3  }
0x183: {  	v3 =	vld [tilespmem:s21+$0x20];
	_ =	sdelay $0x4  }
0x184: {  	[tilespmem:s20+$0x20] =	vst v3  }
0x185: {  	v3 =	vld [tilespmem:s21+$0x30];
	_ =	sdelay $0x4  }
0x186: {  	[tilespmem:s20+$0x30] =	vst v3  }
0x187: {  	[tilespmem:s17], [sflag:$0x1] =	stream.indirect.gather [hbm4b:s4+s15], $0x80, s16, s15, $0xb8;
	[tilespmem:$0x18900] =	vst v63  }
.LBB2_10:
0x188: {  	s20 =	sadd.s32 $0x1, s19  }
0x189: {  	s21 =	sand.u32 $0x1, s20  }
0x18a: {  	p0 =	slt.s32 s19, $0x0;
	p1 =	seq.s32 s21, $0x1  }
0x18b: {  	s31 =	sshrl.u32 s20, $0x1F;
	p0 =	por !p0, !p1  }
0x18c: {  	s20 =	sadd.s32 s31, s20;
	s21 =	simm.s32 $0x1;
	p0 =	por !p0, !p0  }
0x18d: {  	s20 =	sshra.s32 s20, $0x1;
	s21 =	simm.s32 @!p0 $0x0  }
0x18e: {  	s21 =	ssub.s32 s20, s21  }
0x18f: {  	p0 =	slt.s32 s21, $0x1  }
.Ltmp7:
0x190: {  	_ = 	snop;
	(pc) =	sbr.rel @p0 .LBB2_14-.Ltmp7, $1  }
0x191: {  	_ =	sdelay $0x3  }
0x192: {  	_ =	swait.ge [sflag:s14], $0x4000  }
0x193: {  	s20 =	simm.s32 $0x5000;
	p0 =	sle.s32 s19, $0x1;
	[sflag:s14] =	ssyncset.done $0x0  }
0x194: {  	s22 =	simm.s32 @p0 $0x80;
	s23 =	simm.s32 @p0 $0xC900;
	[sflag:s14] =	ssyncadd.s32 $0xFFFFC000  }
0x195: {  	[spmem:s2] =	stream.indirect.scatter.add.f32 @p0 [tilespmem:s23], [sflag:$0x4], $0x80, s20, s22, $0xb8;
	[tilespmem:$0x18900] =	vst v63  }
0x196: {  	s25 =	simm.s32 @!p0 $0x10900;
	s22 =	simm.s32 $0x7880;
	s23 =	simm.s32 @!p0 $0x80  }
0x197: {  	[tilespmem:s25], [sflag:$0x2] =	stream.indirect.gather @!p0 [hbm4b:s4+s23], $0x80, s22, s23, $0xb8;
	[tilespmem:$0x18900] =	vst v63  }
0x198: {  	s24 =	simm.s32 @!p0 $0x4;
	s22 =	simm.s32 @!p0 $0xC900  }
0x199: {  	[spmem:s2] =	stream.indirect.scatter.add.f32 @!p0 [tilespmem:s22], [sflag:$0x4], $0x80, s20, s23, $0xb8;
	[tilespmem:$0x18900] =	vst v63  }
0x19a: {  	_ =	swait.ge @!p0 [sflag:s24], $0x4000  }
0x19b: {  	[sflag:s24] =	ssyncset.done @!p0 $0x0  }
0x19c: {  	p1 =	sle.s32 @!p0 s19, $0x2;
	s22 =	simm.s32 @!p0 $0x2;
	[sflag:s24] =	ssyncadd.s32 @!p0 $0xFFFFC000  }
0x19d: {  	p1 =	por p1, p0;
	_ =	swait.ge @!p0 [sflag:s22], $0x4000  }
0x19e: {  	s26 =	simm.s32 @!p1 $0xC900;
	[sflag:s22] =	ssyncset.done @!p0 $0x0  }
0x19f: {  	s28 =	simm.s32 @!p1 $0x80;
	[sflag:s22] =	ssyncadd.s32 @!p0 $0xFFFFC000;
	s22 =	simm.s32 @!p1 $0x7900  }
0x1a0: {  	[tilespmem:s26], [sflag:$0x1] =	stream.indirect.gather @!p1 [hbm4b:s4+s28], $0x80, s22, s28, $0xb8;
	[tilespmem:$0x18900] =	vst v63  }
0x1a1: {  	s21 =	sadd.s32 $0xFFFFFFFF, s21;
	s24 =	simm.s32 @!p0 $0x3;
	s22 =	simm.s32 @!p0 $0x5080  }
0x1a2: {  	[spmem:s2] =	stream.indirect.scatter.add.f32 @!p0 [tilespmem:s25], [sflag:$0x3], $0x80, s22, s23, $0xb8;
	[tilespmem:$0x18900] =	vst v63  }
0x1a3: {  	s24 =	simm.s32 @p0 $0x4;
	p0 =	sne.s32 s21, $0x0  }
.Ltmp8:
0x1a4: {  	_ = 	snop;
	(pc) =	sbr.rel @!p0 .LBB2_13-.Ltmp8, $3  }
0x1a5: {  	_ =	sdelay $0x1  }
0x1a6: {  	_ =	swait.ge [sflag:s24], $0x4000  }
0x1a7: {  	s22 =	simm.s32 $0x7980;
	s23 =	simm.s32 $0x3;
	[sflag:s24] =	ssyncset.done $0x0  }
.LBB2_12:
0x1a8: {  	s21 =	sadd.s32 $0xFFFFFFFF, s21;
	[sflag:s24] =	ssyncadd.s32 $0xFFFFC000;
	s20 =	sadd.s32 $0x100, s20  }
0x1a9: {  	p0 =	sne.s32 s21, $0x0  }
0x1aa: {  	_ =	swait.ge [sflag:s14], $0x4000  }
0x1ab: {  	p1 =	sge.s32 s23, s19;
	[sflag:s14] =	ssyncset.done $0x0  }
0x1ac: {  	s24 =	simm.s32 @p1 $0x80;
	s25 =	simm.s32 @p1 $0xC900;
	[sflag:s14] =	ssyncadd.s32 $0xFFFFC000  }
0x1ad: {  	[spmem:s2] =	stream.indirect.scatter.add.f32 @p1 [tilespmem:s25], [sflag:$0x4], $0x80, s20, s24, $0xb8;
	[tilespmem:$0x18900] =	vst v63  }
0x1ae: {  	s26 =	simm.s32 @!p1 $0x10900;
	s25 =	simm.s32 @!p1 $0x80;
	s24 =	sadd.s32 @!p1 $0x1, s23  }
0x1af: {  	[tilespmem:s26], [sflag:$0x2] =	stream.indirect.gather @!p1 [hbm4b:s4+s25], $0x80, s22, s25, $0xb8;
	[tilespmem:$0x18900] =	vst v63  }
0x1b0: {  	s28 =	simm.s32 @!p1 $0xC900;
	s29 =	simm.s32 @!p1 $0x4;
	p2 =	sge.s32 @!p1 s24, s19  }
0x1b1: {  	[spmem:s2] =	stream.indirect.scatter.add.f32 @!p1 [tilespmem:s28], [sflag:$0x4], $0x80, s20, s25, $0xb8;
	[tilespmem:$0x18900] =	vst v63  }
0x1b2: {  	s24 =	simm.s32 @!p1 $0x3;
	p2 =	por p2, p1;
	_ =	swait.ge @!p1 [sflag:s29], $0x4000  }
0x1b3: {  	[sflag:s29] =	ssyncset.done @!p1 $0x0  }
0x1b4: {  	s28 =	simm.s32 @!p1 $0x2;
	[sflag:s29] =	ssyncadd.s32 @!p1 $0xFFFFC000  }
0x1b5: {  	_ =	swait.ge @!p1 [sflag:s28], $0x4000  }
0x1b6: {  	s29 =	simm.s32 @!p2 $0xC900;
	[sflag:s28] =	ssyncset.done @!p1 $0x0  }
0x1b7: {  	s30 =	simm.s32 @!p2 $0x80;
	[sflag:s28] =	ssyncadd.s32 @!p1 $0xFFFFC000;
	s28 =	sadd.s32 @!p2 $0x80, s22  }
0x1b8: {  	[tilespmem:s29], [sflag:$0x1] =	stream.indirect.gather @!p2 [hbm4b:s4+s30], $0x80, s28, s30, $0xb8;
	[tilespmem:$0x18900] =	vst v63  }
.Ltmp9:
0x1b9: {  	_ = 	snop;
	(pc) =	sbr.rel @p0 .LBB2_12-.Ltmp9, $4  }
0x1ba: {  	s24 =	simm.s32 @p1 $0x4;
	s28 =	sadd.s32 @!p1 $0x80, s20  }
0x1bb: {  	[spmem:s2] =	stream.indirect.scatter.add.f32 @!p1 [tilespmem:s26], [sflag:$0x3], $0x80, s28, s25, $0xb8;
	[tilespmem:$0x18900] =	vst v63  }
0x1bc: {  	_ =	swait.ge [sflag:s24], $0x4000  }
0x1bd: {  	s23 =	sadd.s32 $0x2, s23;
	s22 =	sadd.s32 $0x100, s22;
	[sflag:s24] =	ssyncset.done $0x0  }
.Ltmp10:
0x1be: {  	_ = 	snop;
	(pc) =	sbr.rel .LBB2_13-.Ltmp10, $1  }
0x1bf: {  	_ =	sdelay $0x3  }
.LBB2_5:
.Ltmp11:
0x1c0: {  	(pc) =	sbr.rel .LBB2_9-.Ltmp11, $2  }
0x1c1: {  	_ =	sdelay $0x2  }
0x1c2: {  	s22 =	simm.s32 $0x5040  }
.LBB2_7:
.Ltmp12:
0x1c3: {  	(pc) =	sbr.rel .LBB2_9-.Ltmp12, $2  }
0x1c4: {  	_ =	sdelay $0x2  }
0x1c5: {  	s22 =	simm.s32 $0x5040  }
.LBB2_15:
0x1c6: {  	_ =	sfence.sel $0x180000  }
0x1c7: {  	[bflag:$0x0] =	sbarrier.arrive $0xFFFF  }
0x1c8: {  	p0 =	sne.s32 s1, $0x0;
	_ =	strace $0x9000004A  }
0x1c9: {  	s0 =	sadd.s32 @!p0 $0x100000, s0;
	[bflag:$0x2] =	sbarrier.arrive $0xFFFF  }
0x1ca: {  	[sflag:s0] =	ssyncadd.tile.s32 @!p0 $0x1;
	_ =	shalt  }
.Lfunc_end2:
_tile_overlayer_lowered:
.L_overlay_start_2:
0x1cb: {  	(tag) =	ssettag $0x2  }
0x1cc: {  	s0 =	rddreg [dreg:$0x0];
	s2 =	stileid.u32  }
0x1cd: {  	s1 =	rddreg [dreg:$0x1];
	p0 =	sne.s32 s2, $0x0  }
0x1ce: {  	s3 =	rddreg [dreg:$0x2];
	[bflag:$0x3] =	sbarrier.arrive $0xFFFF;
	s2 =	simm.s32 @!p0 $0x1C03  }
0x1cf: {  	[timem:s3], [sflag:s2] =	dma.local @!p0 [hbm:s0], s1  }
0x1d0: {  	s0 =	simm.s32 @!p0 $0x3  }
0x1d1: {  	_ =	swait.ge @!p0 [sflag:s0], s1  }
0x1d2: {  	s1 =	ssub.s32 @!p0 $0x0, s1;
	[sflag:s0] =	ssyncset.done @!p0 $0x0  }
0x1d3: {  	[sflag:s0] =	ssyncadd.s32 @!p0 s1  }
0x1d4: {  	[bflag:$0x3] =	sbarrier.arrive $0xFFFF  }
0x1d5: {  	_ =	shalt  }

// kernel: kernel.14.cloned.1.call-start
scs
__scs_entry_jumppad:
0x0: {  	(pc) =	sbr.rel $0x88, $3  }
0x1: {  	(tag) =	ssettag $0x0;
	lr =	simm.s32 $0x1  }
0x2: {  	[smem:$0x3F98] =	sst lr;
	_ =	strace $0xD0000000  }
0x3: {  	_ = 	snop  }
0x4: {  	_ = 	snop  }
0x5: {  	_ = 	snop  }
0x6: {  	_ = 	snop  }
0x7: {  	_ = 	snop  }
__scs_overlays_trampoline_lowered:
0x8: {  	[smem:$0x3FA7] =	sst s0  }
0x9: {  	[smem:$0x3FA8] =	sst s1  }
0xa: {  	[smem:$0x3FA9] =	sst s2  }
0xb: {  	[smem:$0x3FAA] =	sst s3  }
0xc: {  	[smem:$0x3FAB] =	sst s4  }
0xd: {  	[smem:$0x3FAC] =	sst s5  }
0xe: {  	[smem:$0x3FAD] =	sst s6  }
0xf: {  	[smem:$0x3FAE] =	sst s7  }
0x10: {  	[smem:$0x3FAF] =	sst s8  }
0x11: {  	[smem:$0x3FB0] =	sst s9;
	s0 =	simm.s32 @!p0 $0x0  }
0x12: {  	s1 =	sld [smem:$0x3F96];
	s0 =	simm.s32 @p0 $0x1  }
0x13: {  	[smem:$0x3FB1] =	sst s0;
	s0 =	simm.s32 @!p1 $0x0  }
0x14: {  	s2 =	sld [smem:$0x3F95];
	s0 =	simm.s32 @p1 $0x1  }
0x15: {  	[smem:$0x3FB2] =	sst s0;
	s0 =	simm.s32 @!p2 $0x0  }
0x16: {  	s3 =	sld [smem:$0x3FDB];
	s0 =	simm.s32 @p2 $0x1  }
0x17: {  	s4 =	simm.s32 $0x1BF5;
	[smem:$0x3FB4] =	sst s0  }
0x18: {  	s0 =	sld [smem:$0x3F97];
	_ =	swait.ge [sflag:s4], $0x0  }
0x19: {  	s7 =	sld [smem:$0x3F98]  }
0x1a: {  	s8 =	sadd.s32 $0xFFFFE003, lr  }
0x1b: {  	s9 =	sadd.s32 $0xFFFFFEF7, lr;
	s5 =	simm.s32 $0xFFFFFFFF;
	p2 =	slt.u32 s8, $0xFFFFF086  }
0x1c: {  	p1 =	slt.u32 s9, $0xF7A;
	s5 =	simm.s32 @!p2 $0x0  }
0x1d: {  	s5 =	simm.s32 @p1 $0x1;
	p0 =	seq.s32 s7, s2  }
0x1e: {  	s7 =	smul.u32 @!p0 $0xF7A, s2;
	p2 =	seq.s32 @!p0 s5, $0x0  }
0x1f: {  	s9 =	smul.u32 $0xF7A, s1;
	s8 =	simm.s32 @!p0 $0x1BF5;
	p2 =	por !p2, p0  }
0x20: {  	[sflag:s8] =	ssyncset.s32 @!p0 $0xFFFFF086;
	s6 =	sadd.s32 @!p0 s3, s7;
	s7 =	simm.s32 @!p0 $0x108  }
0x21: {  	s3 =	sadd.s32 s3, s9;
	s6 =	sadd.s32 @!p0 $0x88, s6;
	s7 =	simm.s32 @p2 $0x1082  }
0x22: {  	[simem:s7], [sflag:s8] =	dma.local @!p0 [hbm:s6], $0xF7A  }
0x23: {  	s9 =	sor.u32 $0xD0000000, s2;
	s6 =	simm.s32 $0x108;
	_ =	swait.ge @!p0 [sflag:s8], $0x0  }
0x24: {  	s3 =	sadd.s32 $0x88, s3;
	s6 =	simm.s32 @!p1 $0x1082;
	[sflag:s4] =	ssyncset.s32 $0xFFFFF086  }
0x25: {  	[simem:s6], [sflag:s4] =	dma.local [hbm:s3], $0xF7A  }
0x26: {  	[smem:$0x3F98] =	sst s1;
	(tag) =	ssettag s2;
	_ =	strace s9  }
0x27: {  	s1 =	sld [smem:$0x3FA8]  }
0x28: {  	s2 =	sld [smem:$0x3FA9]  }
0x29: {  	s4 =	sld [smem:$0x3FAB]  }
0x2a: {  	p0 =	seq.s32 s5, $0x0;
	s5 =	sld [smem:$0x3FAC]  }
0x2b: {  	s6 =	sld [smem:$0x3FAD]  }
0x2c: {  	s7 =	sld [smem:$0x3FAE]  }
0x2d: {  	s3 =	simm.s32 $0x108;
	s8 =	sld [smem:$0x3FAF]  }
0x2e: {  	s3 =	simm.s32 @!p0 $0x1082;
	s9 =	sld [smem:$0x3FB0]  }
0x2f: {  	lr =	sadd.s32 s0, s3;
	s0 =	sld [smem:$0x3FA7]  }
0x30: {  	s3 =	sld [smem:$0x3FAA]  }
0x31: {  	[smem:$0x3FB3] =	sst s10  }
0x32: {  	s10 =	sld [smem:$0x3FB1];
	_ =	sdelay $0x3  }
0x33: {  	p0 =	seq.s32 s10, $0x1;
	s10 =	sld [smem:$0x3FB3];
	_ =	sdelay $0x3  }
0x34: {  	[smem:$0x3FB3] =	sst s10  }
0x35: {  	s10 =	sld [smem:$0x3FB2];
	_ =	sdelay $0x3  }
0x36: {  	p1 =	seq.s32 s10, $0x1;
	s10 =	sld [smem:$0x3FB3];
	_ =	sdelay $0x3  }
0x37: {  	[smem:$0x3FB3] =	sst s10  }
0x38: {  	s10 =	sld [smem:$0x3FB4]  }
0x39: {  	_ = 	snop;
	(pc) =	sbr.ind lr, $3  }
0x3a: {  	_ = 	snop  }
0x3b: {  	_ = 	snop  }
0x3c: {  	p2 =	seq.s32 s10, $0x1;
	s10 =	sld [smem:$0x3FB3]  }
0x3d: {  	_ =	shalt  }
0x3e: {  	_ =	shalt  }
0x3f: {  	_ =	shalt  }
0x40: {  	_ =	shalt  }
0x41: {  	_ =	shalt  }
0x42: {  	_ =	shalt  }
0x43: {  	_ =	shalt  }
0x44: {  	_ =	shalt  }
0x45: {  	_ =	shalt  }
0x46: {  	_ =	shalt  }
0x47: {  	_ =	shalt  }
0x48: {  	_ =	shalt  }
0x49: {  	_ =	shalt  }
0x4a: {  	_ =	shalt  }
0x4b: {  	_ =	shalt  }
0x4c: {  	_ =	shalt  }
0x4d: {  	_ =	shalt  }
0x4e: {  	_ =	shalt  }
0x4f: {  	_ =	shalt  }
0x50: {  	_ =	shalt  }
0x51: {  	_ =	shalt  }
0x52: {  	_ =	shalt  }
0x53: {  	_ =	shalt  }
0x54: {  	_ =	shalt  }
0x55: {  	_ =	shalt  }
0x56: {  	_ =	shalt  }
0x57: {  	_ =	shalt  }
0x58: {  	_ =	shalt  }
0x59: {  	_ =	shalt  }
0x5a: {  	_ =	shalt  }
0x5b: {  	_ =	shalt  }
0x5c: {  	_ =	shalt  }
0x5d: {  	_ =	shalt  }
0x5e: {  	_ =	shalt  }
0x5f: {  	_ =	shalt  }
0x60: {  	_ =	shalt  }
0x61: {  	_ =	shalt  }
0x62: {  	_ =	shalt  }
0x63: {  	_ =	shalt  }
0x64: {  	_ =	shalt  }
0x65: {  	_ =	shalt  }
0x66: {  	_ =	shalt  }
0x67: {  	_ =	shalt  }
0x68: {  	_ =	shalt  }
0x69: {  	_ =	shalt  }
0x6a: {  	_ =	shalt  }
0x6b: {  	_ =	shalt  }
0x6c: {  	_ =	shalt  }
0x6d: {  	_ =	shalt  }
0x6e: {  	_ =	shalt  }
0x6f: {  	_ =	shalt  }
0x70: {  	_ =	shalt  }
0x71: {  	_ =	shalt  }
0x72: {  	_ =	shalt  }
0x73: {  	_ =	shalt  }
0x74: {  	_ =	shalt  }
0x75: {  	_ =	shalt  }
0x76: {  	_ =	shalt  }
0x77: {  	_ =	shalt  }
0x78: {  	_ =	shalt  }
0x79: {  	_ =	shalt  }
0x7a: {  	_ =	shalt  }
0x7b: {  	_ =	shalt  }
0x7c: {  	_ =	shalt  }
0x7d: {  	_ =	shalt  }
0x7e: {  	_ =	shalt  }
0x7f: {  	_ =	shalt  }
0x80: {  	_ =	shalt  }
0x81: {  	_ =	shalt  }
0x82: {  	_ =	shalt  }
0x83: {  	_ =	shalt  }
0x84: {  	_ =	shalt  }
0x85: {  	_ =	shalt  }
0x86: {  	_ =	shalt  }
0x87: {  	_ =	shalt  }
.Lfunc_end0:
.L_simem_size_0:
called_computation.2_lowered:
.L_overlay_start_0:
0x88: {  	s2 =	sld [smem:$0x3FD9]  }
0x89: {  	s3 =	sld [smem:$0x3FFE];
	_ =	sdelay $0x1  }
0x8a: {  	s1 =	srdreg.scid  }
0x8b: {  	s0 =	sand.u32 $0x1, s1  }
0x8c: {  	s17 =	sshll.u32 s0, $0xA;
	s2 =	sadd.s32 s3, s2  }
0x8d: {  	s2 =	sadd.s32 s2, s17  }
0x8e: {  	[smem:$0x3FBF] =	sst s2  }
0x8f: {  	_ = 	snop  }
0x90: {  	(tm) =	ssettm $0x1  }
0x91: {  	s18 =	sld [smem:$0x3FFB];
	_ =	sdelay $0x3  }
0x92: {  	_ =	strace s18  }
0x93: {  	s2 =	sld [smem:$0x3FFC];
	_ =	sdelay $0x3  }
0x94: {  	_ =	strace s2  }
0x95: {  	s2 =	sld [smem:$0x3FFD];
	_ =	sdelay $0x3  }
0x96: {  	_ =	strace s2  }
0x97: {  	_ =	strace $0x8FFFFFFF  }
0x98: {  	s19 =	sld [smem:$0x3FDB];
	_ =	sdelay $0x1  }
0x99: {  	s20 =	simm.s32 $_scs_section_size  }
0x9a: {  	s4 =	simm.s32 $_size__tile_overlayer_lowered;
	s5 =	simm.s32 $_tile_overlayer_lowered  }
0x9b: {  	s6 =	simm.s32 $0x1BFF;
	s21 =	sshll.u32 s5, $0x1;
	s3 =	sadd.s32 s20, s19  }
0x9c: {  	s22 =	simm.s32 $0x0;
	s4 =	sshll.u32 s4, $0x1;
	s5 =	sadd.s32 s21, s3  }
0x9d: {  	[timem:s22], [sflag:s6] =	dma.local [hbm:s5], s4  }
0x9e: {  	_ =	swait.ge [sflag:s6], s4  }
0x9f: {  	s4 =	ssub.s32 $0x0, s4;
	[sflag:s6] =	ssyncset.done $0x0  }
0xa0: {  	[sflag:s6] =	ssyncadd.s32 s4;
	_ =	sdelay $0x1  }
0xa1: {  	s23 =	simm.s32 $0x1B8B  }
0xa2: {  	_ =	swait.ge [sflag:s23], $0x1  }
0xa3: {  	[sflag:s23] =	ssyncset.done $0x0  }
0xa4: {  	[sflag:s23] =	ssyncadd.s32 $0xFFFFFFFF  }
0xa5: {  	s4 =	sld [smem:$0x0]  }
0xa6: {  	s5 =	sand.u32 $0xFFFFFFFE, s1  }
0xa7: {  	p0 =	sne.s32 s1, s5  }
0xa8: {  	s5 =	sshll.u32 @p0 s5, $0xE  }
0xa9: {  	s5 =	sadd.s32 @p0 $0x11B8D, s5;
	s6 =	sshll.u32 @p0 s4, $0x11  }
0xaa: {  	s5 =	sor.u32 @p0 s6, s5  }
0xab: {  	[sflag:s5] =	ssyncadd.remote.s32 @p0 $0x1;
	_ =	sdelay $0x1  }
0xac: {  	s5 =	simm.s32 @p0 $0x1B8D  }
0xad: {  	_ =	swait.eq @p0 [sflag:s5], $0x1  }
0xae: {  	[sflag:s5] =	ssyncadd.s32 @p0 $0xFFFFFFFF  }
0xaf: {  	s6 =	sshll.u32 @!p0 s1, $0xE  }
0xb0: {  	s6 =	sor.u32 @!p0 $0x4000, s6;
	s5 =	simm.s32 @!p0 $0x1B8D  }
0xb1: {  	s4 =	sshll.u32 @!p0 s4, $0x11;
	s6 =	sadd.s32 @!p0 $0x11B8D, s6;
	_ =	swait.eq @!p0 [sflag:s5], $0x1  }
0xb2: {  	s4 =	sor.u32 @!p0 s4, s6;
	[sflag:s5] =	ssyncadd.s32 @!p0 $0xFFFFFFFF  }
0xb3: {  	s25 =	simm.s32 $0x1B8E;
	s24 =	sld [smem:$0x3FFE];
	[sflag:s4] =	ssyncadd.remote.s32 @!p0 $0x1  }
0xb4: {  	s26 =	simm.s32 $execute0_lowered;
	[smem:$0x3FD2] =	sst s25  }
0xb5: {  	s5 =	sshll.u32 s26, $0x1;
	_ =	strace $0x8000004C;
	[dreg:$0x1] =	wrdreg $0xFFFFFFFF  }
0xb6: {  	s28 =	simm.s32 $_size_execute0_lowered;
	s3 =	sadd.s32 s3, s5;
	[dreg:$0x0] =	wrdreg $0x0  }
0xb7: {  	s5 =	sshll.u32 s28, $0x1;
	[dreg:$0x2] =	wrdreg s3  }
0xb8: {  	[dreg:$0x3] =	wrdreg s5  }
0xb9: {  	[dreg:$0x4] =	wrdreg $0xC0  }
0xba: {  	_ =	task [dreg:s22], $0x5FFFF  }
0xbb: {  	[dreg:$0x1] =	wrdreg $0xFFFFFFFF  }
0xbc: {  	[dreg:$0x0] =	wrdreg $0x60  }
0xbd: {  	[dreg:$0x2] =	wrdreg s24  }
0xbe: {  	[dreg:$0x3] =	wrdreg $0x149000  }
0xbf: {  	[dreg:$0x4] =	wrdreg $0xA  }
0xc0: {  	_ =	task.clear_ibuf [dreg:s22], $0x5FFFF;
	_ =	strace $0x9000004C  }
0xc1: {  	s29 =	simm.s32 $0xA;
	_ =	strace $0x8000004E  }
0xc2: {  	_ =	swait.ge [sflag:s29], $0x1  }
0xc3: {  	[sflag:s29] =	ssyncadd.s32 $0xFFFFFFFF  }
0xc4: {  	_ =	strace $0x9000004E  }
0xc5: {  	_ =	sfence  }
0xc6: {  	s30 =	sld [smem:$0x0];
	_ =	sdelay $0x2  }
0xc7: {  	s31 =	sshll.u32 s1, $0xD;
	s1 =	sshrl.u32 s1, $0x2  }
0xc8: {  	s4 =	sand.u32 $0x4000, s31;
	s1 =	sadd.s32 s1, s30  }
0xc9: {  	s0 =	sor.u32 s4, s0;
	s1 =	sshll.u32 s1, $0x11  }
0xca: {  	s0 =	sor.u32 s1, s0  }
0xcb: {  	s0 =	sadd.s32 $0x8F2B, s0  }
0xcc: {  	[sflag:s0] =	ssyncadd.remote.s32 $0x1  }
0xcd: {  	_ =	sfence.sel $0xFFFF  }
0xce: {  	[dreg:$0x0] =	wrdreg $0xFFFFFFFF;
	(pc) =	sbr.abs _section_cstart, $3  }
0xcf: {  	[dreg:$0x1] =	wrdreg $0xFFFFFFFF  }
0xd0: {  	_ =	task.clear_ibuf [dreg:s22], $0x2FFFF;
	_ =	strace $0x9FFFFFFF  }
0xd1: {  	(tm) =	ssettm $0x7FFFFFFF  }
tec
execute0_lowered:
.L_overlay_start_1:
0x0: {  	(tag) =	ssettag $0x1  }
0x1: {  	s0 =	srdreg.scid;
	s6 =	rddreg [dreg:$0x0]  }
0x2: {  	s17 =	stileid.u32;
	s2 =	rddreg [dreg:$0x1]  }
0x3: {  	s3 =	simm.s32 $0x0;
	s21 =	simm.s32 $0x1;
	s25 =	simm.s32 $0x0  }
0x4: {  	s0 =	sand.u32 $0x1, s0;
	[smem:$0x7FF] =	sst s3;
	s4 =	sadd.s32 $0x53800, s6  }
0x5: {  	s5 =	sadd.s32 $0x7B000, s6;
	s8 =	smul.u32 $0x21000, s17;
	s12 =	sadd.s32 $0x8B800, s6  }
0x6: {  	s10 =	smul.u32 $0x8400, s17;
	s31 =	sshll.u32 s17, $0x6;
	s1 =	sshll.u32 s0, $0x4  }
0x7: {  	_ =	strace $0x8000004D;
	s7 =	ssub.s32 $0x2, s0;
	s0 =	smul.u32 $0x108000, s0  }
0x8: {  	s19 =	sor.u32 $0x1C03, s31;
	s1 =	sor.u32 s17, s1;
	s28 =	sshrl.u32 s7, $0x1  }
0x9: {  	s30 =	sshrl.u32 s8, $0x2;
	s11 =	sadd.s32 $0x4000, s10;
	s13 =	sadd.s32 $0x8000, s10  }
0xa: {  	s17 =	simm.s32 $0x3;
	s1 =	smul.u32 $0x2800, s1;
	s16 =	ssub.s32 s7, s28  }
0xb: {  	s8 =	sadd.s32 s11, s2;
	s9 =	sadd.s32 s13, s2;
	s10 =	sadd.s32 s10, s0  }
0xc: {  	s11 =	sadd.s32 s0, s11;
	s0 =	sadd.s32 s0, s13;
	s10 =	sshrl.u32 s10, $0x3  }
0xd: {  	s11 =	sshrl.u32 s11, $0x3;
	s0 =	sshrl.u32 s0, $0x3;
	s16 =	smax.u32 s16, $0x1  }
.Ltmp0:
0xe: {  	s1 =	sshrl.u32 s1, $0x3;
	s10 =	sadd.s32 s12, s10;
	(pc) =	sbr.rel .LBB2_1-.Ltmp0, $4  }
0xf: {  	v0 =	vlaneseq.u32;
	s11 =	sadd.s32 s12, s11;
	s12 =	sadd.s32 s12, s0;
	s1 =	sadd.s32 s1, s6  }
0x10: {  	v1 =	vor.u32 $0xFA0, v0;
	v2 =	vor.u32 $0xFB0, v0;
	s13 =	sadd.s32 $0x10800, s10;
	s29 =	sadd.s32 $0x4600, s1;
	s1 =	sadd.s32 $0xE600, s1  }
0x11: {  	v3 =	vor.u32 $0xFC0, v0;
	v4 =	vor.u32 $0xFD0, v0;
	v5 =	vor.u32 $0xFE0, v0;
	s14 =	sadd.s32 $0x10800, s11;
	[dreg:$0x4] =	wrdreg s1;
	s1 =	sadd.s32 s30, s2  }
0x12: {  	v6 =	vor.u32 $0xFF0, v0;
	v7 =	vor.u32 $0x1000, v0;
	v8 =	vor.u32 $0x1010, v0;
	s15 =	sadd.s32 $0x10800, s12;
	[dreg:$0x3] =	wrdreg s29;
	s20 =	sshrl.u32 s1, $0x3  }
.LBB2_26:
0x13: {  	[sflag:s18] =	ssyncadd.s32 $0xFFFFC000  }
.LBB2_27:
0x14: {  	[bflag:$0x0] =	sbarrier.arrive $0xFFFF  }
0x15: {  	[hbm:s13], [sflag:s19] =	dma.local [spmem:s20], $0x800  }
0x16: {  	_ =	swait.ge [sflag:s17], $0x800  }
0x17: {  	[sflag:s17] =	ssyncset.done $0x0  }
0x18: {  	[sflag:s17] =	ssyncadd.s32 $0xFFFFF800  }
0x19: {  	[hbm:s14], [sflag:s19] =	dma.local [spmem:s26], $0x800  }
0x1a: {  	s25 =	sadd.s32 $0x1, s25;
	_ =	swait.ge [sflag:s17], $0x800  }
0x1b: {  	p0 =	sne.s32 s25, s16;
	[sflag:s17] =	ssyncset.done $0x0  }
.Ltmp1:
0x1c: {  	[sflag:s17] =	ssyncadd.s32 $0xFFFFF800;
	(pc) =	sbr.rel @!p0 .LBB2_28-.Ltmp1, $4  }
0x1d: {  	[hbm:s15], [sflag:s19] =	dma.local [spmem:s28], $0x80  }
0x1e: {  	_ =	swait.ge [sflag:s17], $0x80  }
0x1f: {  	[sflag:s17] =	ssyncset.done $0x0  }
0x20: {  	[sflag:s17] =	ssyncadd.s32 $0xFFFFFF80  }
.LBB2_1:
0x21: {  	s0 =	rddreg [dreg:$0x3]  }
0x22: {  	[tilespmem:s3], [sflag:$0x3] =	stream.linear.gather [hbm4b:s0+s3], $0x2800, $0x38;
	[tilespmem:$0x1CD00] =	vst v63  }
0x23: {  	_ =	swait.ge [sflag:s17], $0x2800  }
0x24: {  	[sflag:s17] =	ssyncset.done $0x0  }
0x25: {  	s1 =	simm.s32 $0x2800;
	s31 =	rddreg [dreg:$0x4];
	[sflag:s17] =	ssyncadd.s32 $0xFFFFD800  }
0x26: {  	[tilespmem:s1], [sflag:$0x3] =	stream.linear.gather [hbm4b:s31+s3], $0x2800, $0x38;
	[tilespmem:$0x1CD00] =	vst v63  }
0x27: {  	_ =	swait.ge [sflag:s17], $0x2800  }
0x28: {  	[sflag:s17] =	ssyncset.done $0x0  }
0x29: {  	[sflag:s17] =	ssyncadd.s32 $0xFFFFD800  }
0x2a: {  	[spmem:s20], [sflag:s19] =	dma.local [hbm:s5], $0x800  }
0x2b: {  	_ =	swait.ge [sflag:s17], $0x800  }
0x2c: {  	[sflag:s17] =	ssyncset.done $0x0  }
0x2d: {  	s26 =	sshrl.u32 s8, $0x3;
	[sflag:s17] =	ssyncadd.s32 $0xFFFFF800  }
0x2e: {  	[spmem:s26], [sflag:s19] =	dma.local [hbm:s5], $0x800  }
0x2f: {  	_ =	swait.ge [sflag:s17], $0x800  }
0x30: {  	[sflag:s17] =	ssyncset.done $0x0  }
0x31: {  	s28 =	sshrl.u32 s9, $0x3;
	[sflag:s17] =	ssyncadd.s32 $0xFFFFF800  }
0x32: {  	[spmem:s28], [sflag:s19] =	dma.local [hbm:s5], $0x80  }
0x33: {  	_ =	swait.ge [sflag:s17], $0x80  }
0x34: {  	[sflag:s17] =	ssyncset.done $0x0  }
0x35: {  	[sflag:s17] =	ssyncadd.s32 $0xFFFFFF80  }
0x36: {  	s29 =	simm.s32 $0x0;
	[bflag:$0x0] =	sbarrier.arrive $0xFFFF  }
0x37: {  	v9 =	vld [tilespmem:s29+$0x2800]  }
0x38: {  	v10 =	vld [tilespmem:s29+$0x0];
	_ =	sdelay $0x3  }
0x39: {  	vm0 =	vlt.u32 v9, $0xFA0  }
0x3a: {  	[tilespmem:s3+$0x7800] =	vst.msk vm0, v10;
	v10 =	vmpcnt.ones.xlane vm0  }
0x3b: {  	[tilespmem:s3+$0xA080] =	vst.msk vm0, v9  }
0x3c: {  	v9 =	vxor.u32 $0x80000000, v10;
	v10 =	vld [tilespmem:s29+$0x2810]  }
0x3d: {  	(xrf0) =	vmax.scan.msk.u32 $0xffff, v9;
	_ =	sdelay $0x3  }
0x3e: {  	vm9 =	vlt.u32 v10, $0xFA0  }
0x3f: {  	v9 =	vmpcnt.ones.xlane vm9  }
0x40: {  	v11, _, _ =	vpop (xrf0)  }
0x41: {  	v9 =	vxor.u32 $0x80000000, v9;
	(v2sf) =	vpush v11, $0xF  }
0x42: {  	(xrf0) =	vmax.scan.msk.u32 $0xffff, v9;
	_ =	sdelay $0x5  }
0x43: {  	v9, _, _ =	vpop (xrf0)  }
0x44: {  	(v2sf) =	vpush v9, $0xF;
	_ =	sdelay $0x4  }
0x45: {  	v9 =	vld [tilespmem:s29+$0x10];
	_ =	sdelay $0x1  }
0x46: {  	s1 =	spop (v2sf)  }
0x47: {  	s0 =	sadd.s32 $0x0, s1  }
0x48: {  	s0 =	sadd.s32 $0x80000000, s0  }
0x49: {  	[tilespmem:s0+$0x7800] =	vst.msk vm9, v9  }
0x4a: {  	[tilespmem:s0+$0xA080] =	vst.msk vm9, v10  }
0x4b: {  	v9 =	vld [tilespmem:s29+$0x2820]  }
0x4c: {  	v10 =	vld [tilespmem:s29+$0x20];
	_ =	sdelay $0x1  }
0x4d: {  	s6 =	spop (v2sf)  }
0x4e: {  	s0 =	sadd.s32 s6, s0  }
0x4f: {  	s0 =	sadd.s32 $0x80000000, s0;
	vm10 =	vlt.u32 v9, $0xFA0  }
0x50: {  	[tilespmem:s0+$0x7800] =	vst.msk vm10, v10;
	v10 =	vmpcnt.ones.xlane vm10  }
0x51: {  	[tilespmem:s0+$0xA080] =	vst.msk vm10, v9  }
0x52: {  	v9 =	vxor.u32 $0x80000000, v10;
	v10 =	vld [tilespmem:s29+$0x2830]  }
0x53: {  	(xrf0) =	vmax.scan.msk.u32 $0xffff, v9;
	_ =	sdelay $0x3  }
0x54: {  	vm11 =	vlt.u32 v10, $0xFA0  }
0x55: {  	v9 =	vmpcnt.ones.xlane vm11  }
0x56: {  	v11, _, _ =	vpop (xrf0)  }
0x57: {  	v9 =	vxor.u32 $0x80000000, v9;
	(v2sf) =	vpush v11, $0xF  }
0x58: {  	(xrf0) =	vmax.scan.msk.u32 $0xffff, v9;
	_ =	sdelay $0x5  }
0x59: {  	v9, _, _ =	vpop (xrf0)  }
0x5a: {  	(v2sf) =	vpush v9, $0xF;
	_ =	sdelay $0x4  }
0x5b: {  	v9 =	vld [tilespmem:s29+$0x30];
	_ =	sdelay $0x1  }
0x5c: {  	s7 =	spop (v2sf)  }
0x5d: {  	s0 =	sadd.s32 s7, s0  }
0x5e: {  	s0 =	sadd.s32 $0x80000000, s0  }
0x5f: {  	[tilespmem:s0+$0x7800] =	vst.msk vm11, v9  }
0x60: {  	[tilespmem:s0+$0xA080] =	vst.msk vm11, v10  }
0x61: {  	v9 =	vld [tilespmem:s29+$0x2840]  }
0x62: {  	v10 =	vld [tilespmem:s29+$0x40];
	_ =	sdelay $0x1  }
0x63: {  	s18 =	spop (v2sf)  }
0x64: {  	s0 =	sadd.s32 s18, s0  }
0x65: {  	s0 =	sadd.s32 $0x80000000, s0;
	vm12 =	vlt.u32 v9, $0xFA0  }
0x66: {  	[tilespmem:s0+$0x7800] =	vst.msk vm12, v10;
	v10 =	vmpcnt.ones.xlane vm12  }
0x67: {  	[tilespmem:s0+$0xA080] =	vst.msk vm12, v9  }
0x68: {  	v9 =	vxor.u32 $0x80000000, v10;
	v10 =	vld [tilespmem:s29+$0x2850]  }
0x69: {  	(xrf0) =	vmax.scan.msk.u32 $0xffff, v9;
	_ =	sdelay $0x3  }
0x6a: {  	vm13 =	vlt.u32 v10, $0xFA0  }
0x6b: {  	v9 =	vmpcnt.ones.xlane vm13  }
0x6c: {  	v11, _, _ =	vpop (xrf0)  }
0x6d: {  	v9 =	vxor.u32 $0x80000000, v9;
	(v2sf) =	vpush v11, $0xF  }
0x6e: {  	(xrf0) =	vmax.scan.msk.u32 $0xffff, v9;
	_ =	sdelay $0x5  }
0x6f: {  	v9, _, _ =	vpop (xrf0)  }
0x70: {  	(v2sf) =	vpush v9, $0xF;
	_ =	sdelay $0x4  }
0x71: {  	v9 =	vld [tilespmem:s29+$0x50];
	_ =	sdelay $0x1  }
0x72: {  	s22 =	spop (v2sf)  }
0x73: {  	s0 =	sadd.s32 s22, s0  }
0x74: {  	s0 =	sadd.s32 $0x80000000, s0  }
0x75: {  	[tilespmem:s0+$0x7800] =	vst.msk vm13, v9  }
0x76: {  	[tilespmem:s0+$0xA080] =	vst.msk vm13, v10  }
0x77: {  	v9 =	vld [tilespmem:s29+$0x2860]  }
0x78: {  	v10 =	vld [tilespmem:s29+$0x60];
	_ =	sdelay $0x1  }
0x79: {  	s23 =	spop (v2sf)  }
0x7a: {  	s0 =	sadd.s32 s23, s0  }
0x7b: {  	s0 =	sadd.s32 $0x80000000, s0;
	vm14 =	vlt.u32 v9, $0xFA0  }
0x7c: {  	[tilespmem:s0+$0x7800] =	vst.msk vm14, v10  }
0x7d: {  	[tilespmem:s0+$0xA080] =	vst.msk vm14, v9  }
0x7e: {  	v9 =	vld [tilespmem:s29+$0x2870];
	_ =	sdelay $0x1  }
0x7f: {  	v10 =	vmpcnt.ones.xlane vm14;
	_ =	sdelay $0x1  }
0x80: {  	v10 =	vxor.u32 $0x80000000, v10  }
0x81: {  	(xrf0) =	vmax.scan.msk.u32 $0xffff, v10;
	vm15 =	vlt.u32 v9, $0xFA0  }
0x82: {  	v10 =	vmpcnt.ones.xlane vm15;
	_ =	sdelay $0x1  }
0x83: {  	v10 =	vxor.u32 $0x80000000, v10;
	_ =	sdelay $0x2  }
0x84: {  	(xrf0) =	vmax.scan.msk.u32 $0xffff, v10;
	v10, _, _ =	vpop (xrf0)  }
0x85: {  	(v2sf) =	vpush v10, $0xF;
	_ =	sdelay $0x5  }
0x86: {  	v10, _, _ =	vpop (xrf0)  }
0x87: {  	(v2sf) =	vpush v10, $0xF;
	_ =	sdelay $0x5  }
0x88: {  	v10 =	vld [tilespmem:s29+$0x70];
	_ =	sdelay $0x1  }
0x89: {  	s24 =	spop (v2sf)  }
0x8a: {  	s0 =	sadd.s32 s24, s0  }
0x8b: {  	s0 =	sadd.s32 $0x80000000, s0  }
0x8c: {  	[tilespmem:s0+$0x7800] =	vst.msk vm15, v10  }
0x8d: {  	s29 =	simm.s32 $0x80;
	[tilespmem:s0+$0xA080] =	vst.msk vm15, v9  }
0x8e: {  	v9 =	vld [tilespmem:s29+$0x2800]  }
0x8f: {  	v10 =	vld [tilespmem:s29+$0x0]  }
0x90: {  	s31 =	spop (v2sf)  }
0x91: {  	s30 =	simm.s32 $0x400;
	s0 =	sadd.s32 s31, s0  }
.LBB2_2:
0x92: {  	p0 =	sne.s32 s30, $0x9E00  }
0x93: {  	vm0 =	vlt.u32 v9, $0xFA0;
	s0 =	sadd.s32 $0x80000000, s0;
	s31 =	smov.u32 s30;
	s30 =	sadd.s32 $0x200, s30  }
0x94: {  	[tilespmem:s0+$0x7800] =	vst.msk vm0, v10;
	v10 =	vmpcnt.ones.xlane vm0  }
0x95: {  	[tilespmem:s0+$0xA080] =	vst.msk vm0, v9  }
0x96: {  	v9 =	vxor.u32 $0x80000000, v10;
	v10 =	vld [tilespmem:s29+$0x2810]  }
0x97: {  	(xrf0) =	vmax.scan.msk.u32 $0xffff, v9;
	_ =	sdelay $0x3  }
0x98: {  	vm0 =	vlt.u32 v10, $0xFA0  }
0x99: {  	v9 =	vmpcnt.ones.xlane vm0  }
0x9a: {  	v11, _, _ =	vpop (xrf0)  }
0x9b: {  	v9 =	vxor.u32 $0x80000000, v9;
	(v2sf) =	vpush v11, $0xF  }
0x9c: {  	(xrf0) =	vmax.scan.msk.u32 $0xffff, v9;
	_ =	sdelay $0x5  }
0x9d: {  	v9, _, _ =	vpop (xrf0)  }
0x9e: {  	(v2sf) =	vpush v9, $0xF;
	_ =	sdelay $0x4  }
0x9f: {  	v9 =	vld [tilespmem:s29+$0x10];
	_ =	sdelay $0x1  }
0xa0: {  	s1 =	spop (v2sf)  }
0xa1: {  	s0 =	sadd.s32 s1, s0  }
0xa2: {  	s0 =	sadd.s32 $0x80000000, s0  }
0xa3: {  	[tilespmem:s0+$0x7800] =	vst.msk vm0, v9  }
0xa4: {  	[tilespmem:s0+$0xA080] =	vst.msk vm0, v10  }
0xa5: {  	v9 =	vld [tilespmem:s29+$0x2820]  }
0xa6: {  	v10 =	vld [tilespmem:s29+$0x20];
	_ =	sdelay $0x1  }
0xa7: {  	s1 =	spop (v2sf)  }
0xa8: {  	s0 =	sadd.s32 s1, s0  }
0xa9: {  	s0 =	sadd.s32 $0x80000000, s0;
	vm0 =	vlt.u32 v9, $0xFA0  }
0xaa: {  	[tilespmem:s0+$0x7800] =	vst.msk vm0, v10;
	v10 =	vmpcnt.ones.xlane vm0  }
0xab: {  	[tilespmem:s0+$0xA080] =	vst.msk vm0, v9  }
0xac: {  	v9 =	vxor.u32 $0x80000000, v10;
	v10 =	vld [tilespmem:s29+$0x2830]  }
0xad: {  	(xrf0) =	vmax.scan.msk.u32 $0xffff, v9;
	_ =	sdelay $0x3  }
0xae: {  	vm0 =	vlt.u32 v10, $0xFA0  }
0xaf: {  	v9 =	vmpcnt.ones.xlane vm0  }
0xb0: {  	v11, _, _ =	vpop (xrf0)  }
0xb1: {  	v9 =	vxor.u32 $0x80000000, v9;
	(v2sf) =	vpush v11, $0xF  }
0xb2: {  	(xrf0) =	vmax.scan.msk.u32 $0xffff, v9;
	_ =	sdelay $0x5  }
0xb3: {  	v9, _, _ =	vpop (xrf0)  }
0xb4: {  	(v2sf) =	vpush v9, $0xF;
	_ =	sdelay $0x4  }
0xb5: {  	v9 =	vld [tilespmem:s29+$0x30];
	_ =	sdelay $0x1  }
0xb6: {  	s1 =	spop (v2sf)  }
0xb7: {  	s0 =	sadd.s32 s1, s0  }
0xb8: {  	s0 =	sadd.s32 $0x80000000, s0  }
0xb9: {  	[tilespmem:s0+$0x7800] =	vst.msk vm0, v9  }
0xba: {  	[tilespmem:s0+$0xA080] =	vst.msk vm0, v10  }
0xbb: {  	v9 =	vld [tilespmem:s29+$0x2840]  }
0xbc: {  	v10 =	vld [tilespmem:s29+$0x40];
	_ =	sdelay $0x1  }
0xbd: {  	s1 =	spop (v2sf)  }
0xbe: {  	s0 =	sadd.s32 s1, s0  }
0xbf: {  	s0 =	sadd.s32 $0x80000000, s0;
	vm0 =	vlt.u32 v9, $0xFA0  }
0xc0: {  	[tilespmem:s0+$0x7800] =	vst.msk vm0, v10;
	v10 =	vmpcnt.ones.xlane vm0  }
0xc1: {  	[tilespmem:s0+$0xA080] =	vst.msk vm0, v9  }
0xc2: {  	v9 =	vxor.u32 $0x80000000, v10;
	v10 =	vld [tilespmem:s29+$0x2850]  }
0xc3: {  	v11 =	vld [tilespmem:s29+$0x50];
	(xrf0) =	vmax.scan.msk.u32 $0xffff, v9;
	_ =	sdelay $0x3  }
0xc4: {  	vm0 =	vlt.u32 v10, $0xFA0  }
0xc5: {  	v9 =	vmpcnt.ones.xlane vm0  }
0xc6: {  	v12, _, _ =	vpop (xrf0)  }
0xc7: {  	v9 =	vxor.u32 $0x80000000, v9;
	(v2sf) =	vpush v12, $0xF  }
0xc8: {  	(xrf0) =	vmax.scan.msk.u32 $0xffff, v9;
	_ =	sdelay $0x5  }
0xc9: {  	v9, _, _ =	vpop (xrf0)  }
0xca: {  	(v2sf) =	vpush v9, $0xF;
	_ =	sdelay $0x6  }
0xcb: {  	s1 =	spop (v2sf)  }
0xcc: {  	s0 =	sadd.s32 s1, s0  }
0xcd: {  	s0 =	sadd.s32 $0x80000000, s0  }
0xce: {  	[tilespmem:s0+$0x7800] =	vst.msk vm0, v11  }
0xcf: {  	[tilespmem:s0+$0xA080] =	vst.msk vm0, v10  }
0xd0: {  	v9 =	vld [tilespmem:s29+$0x2860]  }
0xd1: {  	v10 =	vld [tilespmem:s29+$0x60];
	_ =	sdelay $0x1  }
0xd2: {  	s1 =	spop (v2sf)  }
0xd3: {  	s0 =	sadd.s32 s1, s0  }
0xd4: {  	s0 =	sadd.s32 $0x80000000, s0;
	vm0 =	vlt.u32 v9, $0xFA0  }
0xd5: {  	[tilespmem:s0+$0x7800] =	vst.msk vm0, v10;
	v10 =	vmpcnt.ones.xlane vm0  }
0xd6: {  	[tilespmem:s0+$0xA080] =	vst.msk vm0, v9  }
0xd7: {  	v9 =	vxor.u32 $0x80000000, v10;
	v10 =	vld [tilespmem:s29+$0x2870]  }
0xd8: {  	v11 =	vld [tilespmem:s29+$0x70];
	(xrf0) =	vmax.scan.msk.u32 $0xffff, v9;
	_ =	sdelay $0x3  }
0xd9: {  	vm0 =	vlt.u32 v10, $0xFA0  }
0xda: {  	v9 =	vmpcnt.ones.xlane vm0  }
0xdb: {  	v12, _, _ =	vpop (xrf0)  }
0xdc: {  	v9 =	vxor.u32 $0x80000000, v9;
	(v2sf) =	vpush v12, $0xF  }
0xdd: {  	(xrf0) =	vmax.scan.msk.u32 $0xffff, v9;
	_ =	sdelay $0x5  }
0xde: {  	v9, _, _ =	vpop (xrf0)  }
0xdf: {  	(v2sf) =	vpush v9, $0xF;
	_ =	sdelay $0x6  }
0xe0: {  	s1 =	spop (v2sf)  }
0xe1: {  	s0 =	sadd.s32 s1, s0  }
0xe2: {  	s0 =	sadd.s32 $0x80000000, s0  }
0xe3: {  	[tilespmem:s0+$0x7800] =	vst.msk vm0, v11  }
0xe4: {  	s29 =	sshra.s32 s31, $0x2;
	[tilespmem:s0+$0xA080] =	vst.msk vm0, v10  }
.Ltmp2:
0xe5: {  	v9 =	vld [tilespmem:s29+$0x2800];
	(pc) =	sbr.rel @p0 .LBB2_2-.Ltmp2, $3  }
0xe6: {  	v10 =	vld [tilespmem:s29+$0x0];
	_ =	sdelay $0x1  }
0xe7: {  	s1 =	spop (v2sf)  }
0xe8: {  	s0 =	sadd.s32 s1, s0  }
0xe9: {  	vm0 =	vlt.u32 v9, $0xFA0;
	s0 =	sadd.s32 $0x80000000, s0  }
0xea: {  	[tilespmem:s0+$0x7800] =	vst.msk vm0, v10;
	v10 =	vmpcnt.ones.xlane vm0  }
0xeb: {  	[tilespmem:s0+$0xA080] =	vst.msk vm0, v9  }
0xec: {  	v9 =	vxor.u32 $0x80000000, v10;
	v10 =	vld [tilespmem:s29+$0x2810]  }
0xed: {  	(xrf0) =	vmax.scan.msk.u32 $0xffff, v9;
	_ =	sdelay $0x3  }
0xee: {  	vm9 =	vlt.u32 v10, $0xFA0  }
0xef: {  	v9 =	vmpcnt.ones.xlane vm9  }
0xf0: {  	v11, _, _ =	vpop (xrf0)  }
0xf1: {  	v9 =	vxor.u32 $0x80000000, v9;
	(v2sf) =	vpush v11, $0xF  }
0xf2: {  	(xrf0) =	vmax.scan.msk.u32 $0xffff, v9;
	_ =	sdelay $0x5  }
0xf3: {  	v9, _, _ =	vpop (xrf0)  }
0xf4: {  	(v2sf) =	vpush v9, $0xF;
	_ =	sdelay $0x4  }
0xf5: {  	v9 =	vld [tilespmem:s29+$0x10];
	_ =	sdelay $0x1  }
0xf6: {  	s1 =	spop (v2sf)  }
0xf7: {  	s0 =	sadd.s32 s1, s0  }
0xf8: {  	s0 =	sadd.s32 $0x80000000, s0  }
0xf9: {  	[tilespmem:s0+$0x7800] =	vst.msk vm9, v9  }
0xfa: {  	[tilespmem:s0+$0xA080] =	vst.msk vm9, v10  }
0xfb: {  	v9 =	vld [tilespmem:s29+$0x2820]  }
0xfc: {  	v10 =	vld [tilespmem:s29+$0x20];
	_ =	sdelay $0x1  }
0xfd: {  	s31 =	spop (v2sf)  }
0xfe: {  	s0 =	sadd.s32 s31, s0  }
0xff: {  	s0 =	sadd.s32 $0x80000000, s0;
	vm10 =	vlt.u32 v9, $0xFA0  }
0x100: {  	[tilespmem:s0+$0x7800] =	vst.msk vm10, v10;
	v10 =	vmpcnt.ones.xlane vm10  }
0x101: {  	[tilespmem:s0+$0xA080] =	vst.msk vm10, v9  }
0x102: {  	v9 =	vxor.u32 $0x80000000, v10;
	v10 =	vld [tilespmem:s29+$0x2830]  }
0x103: {  	(xrf0) =	vmax.scan.msk.u32 $0xffff, v9;
	_ =	sdelay $0x3  }
0x104: {  	vm11 =	vlt.u32 v10, $0xFA0  }
0x105: {  	v9 =	vmpcnt.ones.xlane vm11  }
0x106: {  	v11, _, _ =	vpop (xrf0)  }
0x107: {  	v9 =	vxor.u32 $0x80000000, v9;
	(v2sf) =	vpush v11, $0xF  }
0x108: {  	(xrf0) =	vmax.scan.msk.u32 $0xffff, v9;
	_ =	sdelay $0x5  }
0x109: {  	v9, _, _ =	vpop (xrf0)  }
0x10a: {  	(v2sf) =	vpush v9, $0xF;
	_ =	sdelay $0x4  }
0x10b: {  	v9 =	vld [tilespmem:s29+$0x30];
	_ =	sdelay $0x1  }
0x10c: {  	s6 =	spop (v2sf)  }
0x10d: {  	s0 =	sadd.s32 s6, s0  }
0x10e: {  	s0 =	sadd.s32 $0x80000000, s0  }
0x10f: {  	[tilespmem:s0+$0x7800] =	vst.msk vm11, v9  }
0x110: {  	[tilespmem:s0+$0xA080] =	vst.msk vm11, v10  }
0x111: {  	v9 =	vld [tilespmem:s29+$0x2840]  }
0x112: {  	v10 =	vld [tilespmem:s29+$0x40];
	_ =	sdelay $0x1  }
0x113: {  	s7 =	spop (v2sf)  }
0x114: {  	s0 =	sadd.s32 s7, s0  }
0x115: {  	s0 =	sadd.s32 $0x80000000, s0;
	vm12 =	vlt.u32 v9, $0xFA0  }
0x116: {  	[tilespmem:s0+$0x7800] =	vst.msk vm12, v10;
	v10 =	vmpcnt.ones.xlane vm12  }
0x117: {  	[tilespmem:s0+$0xA080] =	vst.msk vm12, v9  }
0x118: {  	v9 =	vxor.u32 $0x80000000, v10;
	v10 =	vld [tilespmem:s29+$0x2850]  }
0x119: {  	(xrf0) =	vmax.scan.msk.u32 $0xffff, v9;
	_ =	sdelay $0x3  }
0x11a: {  	vm13 =	vlt.u32 v10, $0xFA0  }
0x11b: {  	v9 =	vmpcnt.ones.xlane vm13  }
0x11c: {  	v11, _, _ =	vpop (xrf0)  }
0x11d: {  	v9 =	vxor.u32 $0x80000000, v9;
	(v2sf) =	vpush v11, $0xF  }
0x11e: {  	(xrf0) =	vmax.scan.msk.u32 $0xffff, v9;
	_ =	sdelay $0x5  }
0x11f: {  	v9, _, _ =	vpop (xrf0)  }
0x120: {  	(v2sf) =	vpush v9, $0xF;
	_ =	sdelay $0x4  }
0x121: {  	v9 =	vld [tilespmem:s29+$0x50];
	_ =	sdelay $0x1  }
0x122: {  	s18 =	spop (v2sf)  }
0x123: {  	s0 =	sadd.s32 s18, s0  }
0x124: {  	s0 =	sadd.s32 $0x80000000, s0  }
0x125: {  	[tilespmem:s0+$0x7800] =	vst.msk vm13, v9  }
0x126: {  	[tilespmem:s0+$0xA080] =	vst.msk vm13, v10  }
0x127: {  	v9 =	vld [tilespmem:s29+$0x2860]  }
0x128: {  	v10 =	vld [tilespmem:s29+$0x60];
	_ =	sdelay $0x1  }
0x129: {  	s22 =	spop (v2sf)  }
0x12a: {  	s0 =	sadd.s32 s22, s0  }
0x12b: {  	s0 =	sadd.s32 $0x80000000, s0;
	vm14 =	vlt.u32 v9, $0xFA0  }
0x12c: {  	[tilespmem:s0+$0x7800] =	vst.msk vm14, v10  }
0x12d: {  	[tilespmem:s0+$0xA080] =	vst.msk vm14, v9  }
0x12e: {  	v9 =	vld [tilespmem:s29+$0x2870];
	_ =	sdelay $0x3  }
0x12f: {  	v10 =	vmpcnt.ones.xlane vm14  }
0x130: {  	vm15 =	vlt.u32 v9, $0xFA0  }
0x131: {  	v10 =	vxor.u32 $0x80000000, v10;
	v11 =	vmpcnt.ones.xlane vm15  }
0x132: {  	(xrf0) =	vmax.scan.msk.u32 $0xffff, v10  }
0x133: {  	v10 =	vxor.u32 $0x80000000, v11  }
0x134: {  	(xrf0) =	vmax.scan.msk.u32 $0xffff, v10;
	_ =	sdelay $0x3  }
0x135: {  	v10, _, _ =	vpop (xrf0)  }
0x136: {  	(v2sf) =	vpush v10, $0xF  }
0x137: {  	v10, _, _ =	vpop (xrf0)  }
0x138: {  	(v2sf) =	vpush v10, $0xF;
	_ =	sdelay $0xa  }
0x139: {  	v10 =	vld [tilespmem:s29+$0x70];
	_ =	sdelay $0x1  }
0x13a: {  	s23 =	spop (v2sf)  }
0x13b: {  	s0 =	sadd.s32 s23, s0  }
0x13c: {  	s0 =	sadd.s32 $0x80000000, s0;
	s24 =	spop (v2sf)  }
0x13d: {  	[tilespmem:s0+$0x7800] =	vst.msk vm15, v10;
	s1 =	sadd.s32 s24, s0  }
0x13e: {  	[tilespmem:s0+$0xA080] =	vst.msk vm15, v9;
	s30 =	sadd.s32 $0x80000000, s1  }
0x13f: {  	[tilespmem:s30+$0x7800] =	vst v0  }
0x140: {  	[tilespmem:s30+$0xA080] =	vst v1  }
0x141: {  	[tilespmem:s30+$0x7810] =	vst v0  }
0x142: {  	[tilespmem:s30+$0xA090] =	vst v2;
	s1 =	sadd.s32 $0x7F, s30  }
0x143: {  	[tilespmem:s30+$0x7820] =	vst v0;
	s18 =	sand.u32 $0x7F, s1  }
0x144: {  	[tilespmem:s30+$0xA0A0] =	vst v3;
	s31 =	sshra.s32 s1, $0x1F;
	p1 =	slt.s32 s1, $0x1;
	p0 =	sne.s32 s18, $0x0  }
0x145: {  	[tilespmem:s30+$0x7830] =	vst v0;
	s18 =	sshrl.u32 s31, $0x19;
	p0 =	por !p1, !p0  }
0x146: {  	[tilespmem:s30+$0xA0B0] =	vst v4;
	s1 =	sadd.s32 s18, s1;
	s18 =	simm.s32 $0x1;
	p0 =	por !p0, !p0  }
0x147: {  	[tilespmem:s30+$0x7840] =	vst v0;
	s1 =	sshra.s32 s1, $0x7;
	s18 =	simm.s32 @!p0 $0x0  }
0x148: {  	[tilespmem:s30+$0xA0C0] =	vst v5;
	s29 =	ssub.s32 s1, s18  }
0x149: {  	[tilespmem:s30+$0x7850] =	vst v0;
	p0 =	slt.s32 s29, $0x1  }
.Ltmp3:
0x14a: {  	[tilespmem:s30+$0xA0D0] =	vst v6;
	(pc) =	sbr.rel @p0 .LBB2_10-.Ltmp3, $4  }
0x14b: {  	[tilespmem:s30+$0x7860] =	vst v0  }
0x14c: {  	[tilespmem:s30+$0xA0E0] =	vst v7  }
0x14d: {  	[tilespmem:s30+$0x7870] =	vst v0  }
0x14e: {  	[tilespmem:s30+$0xA0F0] =	vst v8  }
0x14f: {  	p1 =	sne.s32 s29, $0x1  }
.Ltmp4:
0x150: {  	_ = 	snop;
	(pc) =	sbr.rel @!p1 .LBB2_5-.Ltmp4, $3  }
0x151: {  	_ =	sdelay $0x1  }
0x152: {  	s31 =	simm.s32 $0xA0C0  }
0x153: {  	s30 =	simm.s32 $0x5040;
	s0 =	sadd.s32 $0xFFFFFFFF, s29;
	p0 =	por $0x0, $0x0;
	v9 =	vld [tilespmem:s31+$0xFFFFFFC0]  }
0x154: {  	_ =	sdelay $0x3  }
0x155: {  	[tilespmem:s30+$0xFFFFFFC0] =	vst v9  }
0x156: {  	v9 =	vld [tilespmem:s31+$0xFFFFFFD0];
	_ =	sdelay $0x4  }
0x157: {  	[tilespmem:s30+$0xFFFFFFD0] =	vst v9  }
0x158: {  	v9 =	vld [tilespmem:s31+$0xFFFFFFE0];
	_ =	sdelay $0x4  }
0x159: {  	[tilespmem:s30+$0xFFFFFFE0] =	vst v9  }
0x15a: {  	v9 =	vld [tilespmem:s31+$0xFFFFFFF0];
	_ =	sdelay $0x4  }
0x15b: {  	[tilespmem:s30+$0xFFFFFFF0] =	vst v9  }
0x15c: {  	v9 =	vld [tilespmem:s31+$0x0];
	_ =	sdelay $0x4  }
0x15d: {  	[tilespmem:s30+$0x0] =	vst v9  }
0x15e: {  	v9 =	vld [tilespmem:s31+$0x10];
	_ =	sdelay $0x4  }
0x15f: {  	[tilespmem:s30+$0x10] =	vst v9  }
0x160: {  	v9 =	vld [tilespmem:s31+$0x20];
	_ =	sdelay $0x4  }
0x161: {  	[tilespmem:s30+$0x20] =	vst v9  }
0x162: {  	v9 =	vld [tilespmem:s31+$0x30]  }
0x163: {  	p1 =	sne.s32 s0, $0x1  }
.Ltmp5:
0x164: {  	_ = 	snop;
	(pc) =	sbr.rel @!p1 .LBB2_7-.Ltmp5, $3  }
0x165: {  	_ =	sdelay $0x1  }
0x166: {  	s31 =	simm.s32 $0xA140;
	[tilespmem:s30+$0x30] =	vst v9  }
0x167: {  	s0 =	sadd.s32 $0xFFFFFFFF, s0;
	p0 =	por $0x1, $0x1;
	s1 =	simm.s32 $0x5040;
	v9 =	vld [tilespmem:s31+$0xFFFFFFC0]  }
.LBB2_8:
0x168: {  	p1 =	sne.s32 s0, $0x1;
	_ =	sdelay $0x2  }
0x169: {  	s1 =	sadd.s32 $0x80, s1  }
0x16a: {  	[tilespmem:s1+$0xFFFFFFC0] =	vst v9  }
0x16b: {  	v9 =	vld [tilespmem:s31+$0xFFFFFFD0];
	_ =	sdelay $0x4  }
0x16c: {  	[tilespmem:s1+$0xFFFFFFD0] =	vst v9  }
0x16d: {  	v9 =	vld [tilespmem:s31+$0xFFFFFFE0];
	_ =	sdelay $0x4  }
0x16e: {  	[tilespmem:s1+$0xFFFFFFE0] =	vst v9  }
0x16f: {  	v9 =	vld [tilespmem:s31+$0xFFFFFFF0];
	_ =	sdelay $0x4  }
0x170: {  	[tilespmem:s1+$0xFFFFFFF0] =	vst v9  }
0x171: {  	v9 =	vld [tilespmem:s31+$0x0];
	_ =	sdelay $0x4  }
0x172: {  	[tilespmem:s1+$0x0] =	vst v9  }
0x173: {  	v9 =	vld [tilespmem:s31+$0x10];
	_ =	sdelay $0x4  }
0x174: {  	[tilespmem:s1+$0x10] =	vst v9  }
0x175: {  	v9 =	vld [tilespmem:s31+$0x20];
	_ =	sdelay $0x4  }
0x176: {  	[tilespmem:s1+$0x20] =	vst v9  }
0x177: {  	v9 =	vld [tilespmem:s31+$0x30];
	_ =	sdelay $0x1  }
.Ltmp6:
0x178: {  	(pc) =	sbr.rel @p1 .LBB2_8-.Ltmp6, $3  }
0x179: {  	_ =	sdelay $0x1  }
0x17a: {  	s31 =	sadd.s32 $0x80, s31;
	[tilespmem:s1+$0x30] =	vst v9  }
0x17b: {  	s0 =	sadd.s32 $0xFFFFFFFF, s0;
	v9 =	vld [tilespmem:s31+$0xFFFFFFC0]  }
.LBB2_9:
0x17c: {  	_ =	sdelay $0x1  }
0x17d: {  	s0 =	sadd.s32 @p0 $0x80, s1  }
0x17e: {  	s30 =	smov.u32 @p0 s0  }
0x17f: {  	[tilespmem:s30+$0xFFFFFFC0] =	vst v9  }
0x180: {  	v9 =	vld [tilespmem:s31+$0xFFFFFFD0];
	_ =	sdelay $0x4  }
0x181: {  	[tilespmem:s30+$0xFFFFFFD0] =	vst v9  }
0x182: {  	v9 =	vld [tilespmem:s31+$0xFFFFFFE0];
	_ =	sdelay $0x4  }
0x183: {  	[tilespmem:s30+$0xFFFFFFE0] =	vst v9  }
0x184: {  	v9 =	vld [tilespmem:s31+$0xFFFFFFF0];
	_ =	sdelay $0x4  }
0x185: {  	[tilespmem:s30+$0xFFFFFFF0] =	vst v9  }
0x186: {  	v9 =	vld [tilespmem:s31+$0x0];
	_ =	sdelay $0x4  }
0x187: {  	[tilespmem:s30+$0x0] =	vst v9  }
0x188: {  	v9 =	vld [tilespmem:s31+$0x10];
	_ =	sdelay $0x4  }
0x189: {  	[tilespmem:s30+$0x10] =	vst v9  }
0x18a: {  	v9 =	vld [tilespmem:s31+$0x20];
	_ =	sdelay $0x4  }
0x18b: {  	[tilespmem:s30+$0x20] =	vst v9  }
0x18c: {  	v9 =	vld [tilespmem:s31+$0x30];
	_ =	sdelay $0x4  }
0x18d: {  	s6 =	simm.s32 $0xC900;
	s31 =	simm.s32 $0x7800;
	[tilespmem:s30+$0x30] =	vst v9;
	s30 =	simm.s32 $0x80  }
0x18e: {  	[tilespmem:s6], [sflag:$0x1] =	stream.indirect.gather [hbm4b:s4+s30], $0x80, s31, s30, $0xb8;
	[tilespmem:$0x1CD00] =	vst v63  }
.LBB2_10:
0x18f: {  	s0 =	sadd.s32 $0x1, s29  }
0x190: {  	s1 =	sand.u32 $0x1, s0  }
0x191: {  	p0 =	slt.s32 s29, $0x0;
	p1 =	seq.s32 s1, $0x1  }
0x192: {  	s31 =	sshrl.u32 s0, $0x1F;
	p0 =	por !p0, !p1  }
0x193: {  	s0 =	sadd.s32 s31, s0;
	s1 =	simm.s32 $0x1;
	p0 =	por !p0, !p0  }
0x194: {  	s0 =	sshra.s32 s0, $0x1;
	s1 =	simm.s32 @!p0 $0x0  }
0x195: {  	s0 =	ssub.s32 s0, s1  }
0x196: {  	p0 =	slt.s32 s0, $0x1  }
.Ltmp7:
0x197: {  	_ = 	snop;
	(pc) =	sbr.rel @p0 .LBB2_14-.Ltmp7, $1  }
0x198: {  	_ =	sdelay $0x3  }
0x199: {  	_ =	swait.ge [sflag:s21], $0x4000  }
0x19a: {  	s30 =	simm.s32 $0x5000;
	p0 =	sle.s32 s29, $0x1;
	[sflag:s21] =	ssyncset.done $0x0  }
0x19b: {  	s1 =	simm.s32 @p0 $0x80;
	s18 =	simm.s32 @p0 $0xC900;
	[sflag:s21] =	ssyncadd.s32 $0xFFFFC000  }
0x19c: {  	[spmem:s2] =	stream.indirect.scatter.add.f32 @p0 [tilespmem:s18], [sflag:$0x4], $0x80, s30, s1, $0xb8;
	[tilespmem:$0x1CD00] =	vst v63  }
0x19d: {  	s31 =	simm.s32 @!p0 $0x80;
	s22 =	simm.s32 @!p0 $0x10900;
	s1 =	simm.s32 $0x7880  }
0x19e: {  	[tilespmem:s22], [sflag:$0x2] =	stream.indirect.gather @!p0 [hbm4b:s4+s31], $0x80, s1, s31, $0xb8;
	[tilespmem:$0x1CD00] =	vst v63  }
0x19f: {  	s18 =	simm.s32 @!p0 $0x4;
	s1 =	simm.s32 @!p0 $0xC900  }
0x1a0: {  	[spmem:s2] =	stream.indirect.scatter.add.f32 @!p0 [tilespmem:s1], [sflag:$0x4], $0x80, s30, s31, $0xb8;
	[tilespmem:$0x1CD00] =	vst v63  }
0x1a1: {  	_ =	swait.ge @!p0 [sflag:s18], $0x4000  }
0x1a2: {  	[sflag:s18] =	ssyncset.done @!p0 $0x0  }
0x1a3: {  	p1 =	sle.s32 @!p0 s29, $0x2;
	s1 =	simm.s32 @!p0 $0x2;
	[sflag:s18] =	ssyncadd.s32 @!p0 $0xFFFFC000  }
0x1a4: {  	p1 =	por p1, p0;
	_ =	swait.ge @!p0 [sflag:s1], $0x4000  }
0x1a5: {  	s23 =	simm.s32 @!p1 $0xC900;
	[sflag:s1] =	ssyncset.done @!p0 $0x0  }
0x1a6: {  	s24 =	simm.s32 @!p1 $0x80;
	[sflag:s1] =	ssyncadd.s32 @!p0 $0xFFFFC000;
	s1 =	simm.s32 @!p1 $0x7900  }
0x1a7: {  	[tilespmem:s23], [sflag:$0x1] =	stream.indirect.gather @!p1 [hbm4b:s4+s24], $0x80, s1, s24, $0xb8;
	[tilespmem:$0x1CD00] =	vst v63  }
0x1a8: {  	s0 =	sadd.s32 $0xFFFFFFFF, s0;
	s18 =	simm.s32 @!p0 $0x3;
	s1 =	simm.s32 @!p0 $0x5080  }
0x1a9: {  	[spmem:s2] =	stream.indirect.scatter.add.f32 @!p0 [tilespmem:s22], [sflag:$0x3], $0x80, s1, s31, $0xb8;
	[tilespmem:$0x1CD00] =	vst v63  }
0x1aa: {  	s18 =	simm.s32 @p0 $0x4;
	p0 =	sne.s32 s0, $0x0  }
.Ltmp8:
0x1ab: {  	_ = 	snop;
	(pc) =	sbr.rel @!p0 .LBB2_13-.Ltmp8, $3  }
0x1ac: {  	_ =	sdelay $0x1  }
0x1ad: {  	_ =	swait.ge [sflag:s18], $0x4000  }
0x1ae: {  	s1 =	simm.s32 $0x7980;
	s31 =	simm.s32 $0x3;
	[sflag:s18] =	ssyncset.done $0x0  }
.LBB2_12:
0x1af: {  	s0 =	sadd.s32 $0xFFFFFFFF, s0;
	[sflag:s18] =	ssyncadd.s32 $0xFFFFC000;
	s30 =	sadd.s32 $0x100, s30  }
0x1b0: {  	p0 =	sne.s32 s0, $0x0  }
0x1b1: {  	_ =	swait.ge [sflag:s21], $0x4000  }
0x1b2: {  	p1 =	sge.s32 s31, s29;
	[sflag:s21] =	ssyncset.done $0x0  }
0x1b3: {  	s18 =	simm.s32 @p1 $0x80;
	s22 =	simm.s32 @p1 $0xC900;
	[sflag:s21] =	ssyncadd.s32 $0xFFFFC000  }
0x1b4: {  	[spmem:s2] =	stream.indirect.scatter.add.f32 @p1 [tilespmem:s22], [sflag:$0x4], $0x80, s30, s18, $0xb8;
	[tilespmem:$0x1CD00] =	vst v63  }
0x1b5: {  	s23 =	simm.s32 @!p1 $0x10900;
	s22 =	simm.s32 @!p1 $0x80;
	s18 =	sadd.s32 @!p1 $0x1, s31  }
0x1b6: {  	[tilespmem:s23], [sflag:$0x2] =	stream.indirect.gather @!p1 [hbm4b:s4+s22], $0x80, s1, s22, $0xb8;
	[tilespmem:$0x1CD00] =	vst v63  }
0x1b7: {  	s24 =	simm.s32 @!p1 $0xC900;
	s6 =	simm.s32 @!p1 $0x4;
	p2 =	sge.s32 @!p1 s18, s29  }
0x1b8: {  	[spmem:s2] =	stream.indirect.scatter.add.f32 @!p1 [tilespmem:s24], [sflag:$0x4], $0x80, s30, s22, $0xb8;
	[tilespmem:$0x1CD00] =	vst v63  }
0x1b9: {  	s18 =	simm.s32 @!p1 $0x3;
	p2 =	por p2, p1;
	_ =	swait.ge @!p1 [sflag:s6], $0x4000  }
0x1ba: {  	[sflag:s6] =	ssyncset.done @!p1 $0x0  }
0x1bb: {  	[sflag:s6] =	ssyncadd.s32 @!p1 $0xFFFFC000;
	s6 =	simm.s32 @!p1 $0x2  }
0x1bc: {  	_ =	swait.ge @!p1 [sflag:s6], $0x4000  }
0x1bd: {  	s24 =	simm.s32 @!p2 $0xC900;
	[sflag:s6] =	ssyncset.done @!p1 $0x0  }
0x1be: {  	s7 =	simm.s32 @!p2 $0x80;
	[sflag:s6] =	ssyncadd.s32 @!p1 $0xFFFFC000;
	s6 =	sadd.s32 @!p2 $0x80, s1  }
0x1bf: {  	[tilespmem:s24], [sflag:$0x1] =	stream.indirect.gather @!p2 [hbm4b:s4+s7], $0x80, s6, s7, $0xb8;
	[tilespmem:$0x1CD00] =	vst v63  }
.Ltmp9:
0x1c0: {  	_ = 	snop;
	(pc) =	sbr.rel @p0 .LBB2_12-.Ltmp9, $4  }
0x1c1: {  	s18 =	simm.s32 @p1 $0x4;
	s6 =	sadd.s32 @!p1 $0x80, s30  }
0x1c2: {  	[spmem:s2] =	stream.indirect.scatter.add.f32 @!p1 [tilespmem:s23], [sflag:$0x3], $0x80, s6, s22, $0xb8;
	[tilespmem:$0x1CD00] =	vst v63  }
0x1c3: {  	_ =	swait.ge [sflag:s18], $0x4000  }
0x1c4: {  	s31 =	sadd.s32 $0x2, s31;
	s1 =	sadd.s32 $0x100, s1;
	[sflag:s18] =	ssyncset.done $0x0  }
.LBB2_13:
0x1c5: {  	[sflag:s18] =	ssyncadd.s32 $0xFFFFC000  }
.LBB2_14:
0x1c6: {  	[bflag:$0x0] =	sbarrier.arrive $0xFFFF  }
0x1c7: {  	[hbm:s10], [sflag:s19] =	dma.local [spmem:s20], $0x800  }
0x1c8: {  	_ =	swait.ge [sflag:s17], $0x800  }
0x1c9: {  	[sflag:s17] =	ssyncset.done $0x0  }
0x1ca: {  	[sflag:s17] =	ssyncadd.s32 $0xFFFFF800  }
0x1cb: {  	[hbm:s11], [sflag:s19] =	dma.local [spmem:s26], $0x800  }
0x1cc: {  	_ =	swait.ge [sflag:s17], $0x800  }
0x1cd: {  	[sflag:s17] =	ssyncset.done $0x0  }
0x1ce: {  	[sflag:s17] =	ssyncadd.s32 $0xFFFFF800  }
0x1cf: {  	[hbm:s12], [sflag:s19] =	dma.local [spmem:s28], $0x80  }
0x1d0: {  	_ =	swait.ge [sflag:s17], $0x80  }
0x1d1: {  	[sflag:s17] =	ssyncset.done $0x0  }
0x1d2: {  	[sflag:s17] =	ssyncadd.s32 $0xFFFFFF80  }
0x1d3: {  	[spmem:s20], [sflag:s19] =	dma.local [hbm:s5], $0x800  }
0x1d4: {  	_ =	swait.ge [sflag:s17], $0x800  }
0x1d5: {  	[sflag:s17] =	ssyncset.done $0x0  }
0x1d6: {  	[sflag:s17] =	ssyncadd.s32 $0xFFFFF800  }
0x1d7: {  	[spmem:s26], [sflag:s19] =	dma.local [hbm:s5], $0x800  }
0x1d8: {  	_ =	swait.ge [sflag:s17], $0x800  }
0x1d9: {  	[sflag:s17] =	ssyncset.done $0x0  }
0x1da: {  	[sflag:s17] =	ssyncadd.s32 $0xFFFFF800  }
0x1db: {  	[spmem:s28], [sflag:s19] =	dma.local [hbm:s5], $0x80  }
0x1dc: {  	_ =	swait.ge [sflag:s17], $0x80  }
0x1dd: {  	[sflag:s17] =	ssyncset.done $0x0  }
0x1de: {  	[sflag:s17] =	ssyncadd.s32 $0xFFFFFF80  }
0x1df: {  	s29 =	simm.s32 $0x0;
	[bflag:$0x0] =	sbarrier.arrive $0xFFFF  }
0x1e0: {  	v9 =	vld [tilespmem:s29+$0x2800];
	_ =	sdelay $0x1  }
0x1e1: {  	v10 =	vld [tilespmem:s29+$0x0];
	_ =	sdelay $0x2  }
0x1e2: {  	v9 =	vadd.s32 $0xFFFFF060, v9  }
0x1e3: {  	s0 =	simm.s32 $0x0;
	vm0 =	vlt.u32 v9, $0xFA0  }
0x1e4: {  	[tilespmem:s0+$0x7800] =	vst.msk vm0, v10;
	v10 =	vmpcnt.ones.xlane vm0  }
0x1e5: {  	[tilespmem:s0+$0xA080] =	vst.msk vm0, v9  }
0x1e6: {  	v9 =	vxor.u32 $0x80000000, v10;
	v10 =	vld [tilespmem:s29+$0x2810]  }
0x1e7: {  	(xrf0) =	vmax.scan.msk.u32 $0xffff, v9;
	_ =	sdelay $0x3  }
0x1e8: {  	v9 =	vadd.s32 $0xFFFFF060, v10  }
0x1e9: {  	vm9 =	vlt.u32 v9, $0xFA0  }
0x1ea: {  	v10 =	vmpcnt.ones.xlane vm9;
	v11, _, _ =	vpop (xrf0)  }
0x1eb: {  	(v2sf) =	vpush v11, $0xF  }
0x1ec: {  	v10 =	vxor.u32 $0x80000000, v10  }
0x1ed: {  	(xrf0) =	vmax.scan.msk.u32 $0xffff, v10;
	_ =	sdelay $0x5  }
0x1ee: {  	v10, _, _ =	vpop (xrf0)  }
0x1ef: {  	(v2sf) =	vpush v10, $0xF;
	_ =	sdelay $0x3  }
0x1f0: {  	v10 =	vld [tilespmem:s29+$0x10];
	_ =	sdelay $0x1  }
0x1f1: {  	s6 =	spop (v2sf)  }
0x1f2: {  	s0 =	sadd.s32 $0x0, s6  }
0x1f3: {  	s0 =	sadd.s32 $0x80000000, s0  }
0x1f4: {  	[tilespmem:s0+$0x7800] =	vst.msk vm9, v10  }
0x1f5: {  	[tilespmem:s0+$0xA080] =	vst.msk vm9, v9  }
0x1f6: {  	v9 =	vld [tilespmem:s29+$0x2820];
	_ =	sdelay $0x1  }
0x1f7: {  	v10 =	vld [tilespmem:s29+$0x20];
	_ =	sdelay $0x1  }
0x1f8: {  	s1 =	spop (v2sf)  }
0x1f9: {  	s0 =	sadd.s32 s1, s0;
	v9 =	vadd.s32 $0xFFFFF060, v9  }
0x1fa: {  	s0 =	sadd.s32 $0x80000000, s0;
	vm10 =	vlt.u32 v9, $0xFA0  }
0x1fb: {  	[tilespmem:s0+$0x7800] =	vst.msk vm10, v10;
	v10 =	vmpcnt.ones.xlane vm10  }
0x1fc: {  	[tilespmem:s0+$0xA080] =	vst.msk vm10, v9  }
0x1fd: {  	v9 =	vxor.u32 $0x80000000, v10;
	v10 =	vld [tilespmem:s29+$0x2830]  }
0x1fe: {  	(xrf0) =	vmax.scan.msk.u32 $0xffff, v9;
	_ =	sdelay $0x3  }
0x1ff: {  	v9 =	vadd.s32 $0xFFFFF060, v10  }
0x200: {  	vm11 =	vlt.u32 v9, $0xFA0  }
0x201: {  	v10 =	vmpcnt.ones.xlane vm11;
	v11, _, _ =	vpop (xrf0)  }
0x202: {  	(v2sf) =	vpush v11, $0xF  }
0x203: {  	v10 =	vxor.u32 $0x80000000, v10  }
0x204: {  	(xrf0) =	vmax.scan.msk.u32 $0xffff, v10;
	_ =	sdelay $0x5  }
0x205: {  	v10, _, _ =	vpop (xrf0)  }
0x206: {  	(v2sf) =	vpush v10, $0xF;
	_ =	sdelay $0x3  }
0x207: {  	v10 =	vld [tilespmem:s29+$0x30];
	_ =	sdelay $0x1  }
0x208: {  	s7 =	spop (v2sf)  }
0x209: {  	s0 =	sadd.s32 s7, s0  }
0x20a: {  	s0 =	sadd.s32 $0x80000000, s0  }
0x20b: {  	[tilespmem:s0+$0x7800] =	vst.msk vm11, v10  }
0x20c: {  	[tilespmem:s0+$0xA080] =	vst.msk vm11, v9  }
0x20d: {  	v9 =	vld [tilespmem:s29+$0x2840];
	_ =	sdelay $0x1  }
0x20e: {  	v10 =	vld [tilespmem:s29+$0x40];
	_ =	sdelay $0x1  }
0x20f: {  	s18 =	spop (v2sf)  }
0x210: {  	s0 =	sadd.s32 s18, s0;
	v9 =	vadd.s32 $0xFFFFF060, v9  }
0x211: {  	s0 =	sadd.s32 $0x80000000, s0;
	vm12 =	vlt.u32 v9, $0xFA0  }
0x212: {  	[tilespmem:s0+$0x7800] =	vst.msk vm12, v10;
	v10 =	vmpcnt.ones.xlane vm12  }
0x213: {  	[tilespmem:s0+$0xA080] =	vst.msk vm12, v9  }
0x214: {  	v9 =	vxor.u32 $0x80000000, v10;
	v10 =	vld [tilespmem:s29+$0x2850]  }
0x215: {  	(xrf0) =	vmax.scan.msk.u32 $0xffff, v9;
	_ =	sdelay $0x3  }
0x216: {  	v9 =	vadd.s32 $0xFFFFF060, v10  }
0x217: {  	vm13 =	vlt.u32 v9, $0xFA0  }
0x218: {  	v10 =	vmpcnt.ones.xlane vm13;
	v11, _, _ =	vpop (xrf0)  }
0x219: {  	(v2sf) =	vpush v11, $0xF  }
0x21a: {  	v10 =	vxor.u32 $0x80000000, v10  }
0x21b: {  	(xrf0) =	vmax.scan.msk.u32 $0xffff, v10;
	_ =	sdelay $0x5  }
0x21c: {  	v10, _, _ =	vpop (xrf0)  }
0x21d: {  	(v2sf) =	vpush v10, $0xF;
	_ =	sdelay $0x3  }
0x21e: {  	v10 =	vld [tilespmem:s29+$0x50];
	_ =	sdelay $0x1  }
0x21f: {  	s22 =	spop (v2sf)  }
0x220: {  	s0 =	sadd.s32 s22, s0  }
0x221: {  	s0 =	sadd.s32 $0x80000000, s0  }
0x222: {  	[tilespmem:s0+$0x7800] =	vst.msk vm13, v10  }
0x223: {  	[tilespmem:s0+$0xA080] =	vst.msk vm13, v9  }
0x224: {  	v9 =	vld [tilespmem:s29+$0x2860];
	_ =	sdelay $0x1  }
0x225: {  	v10 =	vld [tilespmem:s29+$0x60];
	_ =	sdelay $0x1  }
0x226: {  	s23 =	spop (v2sf)  }
0x227: {  	s0 =	sadd.s32 s23, s0;
	v9 =	vadd.s32 $0xFFFFF060, v9  }
0x228: {  	s0 =	sadd.s32 $0x80000000, s0;
	vm14 =	vlt.u32 v9, $0xFA0  }
0x229: {  	[tilespmem:s0+$0x7800] =	vst.msk vm14, v10;
	v10 =	vmpcnt.ones.xlane vm14  }
0x22a: {  	[tilespmem:s0+$0xA080] =	vst.msk vm14, v9  }
0x22b: {  	v9 =	vxor.u32 $0x80000000, v10;
	v10 =	vld [tilespmem:s29+$0x2870]  }
0x22c: {  	(xrf0) =	vmax.scan.msk.u32 $0xffff, v9;
	_ =	sdelay $0x3  }
0x22d: {  	v9 =	vadd.s32 $0xFFFFF060, v10  }
0x22e: {  	vm15 =	vlt.u32 v9, $0xFA0  }
0x22f: {  	v10 =	vmpcnt.ones.xlane vm15;
	v11, _, _ =	vpop (xrf0)  }
0x230: {  	(v2sf) =	vpush v11, $0xF  }
0x231: {  	v10 =	vxor.u32 $0x80000000, v10  }
0x232: {  	(xrf0) =	vmax.scan.msk.u32 $0xffff, v10;
	_ =	sdelay $0x5  }
0x233: {  	v10, _, _ =	vpop (xrf0)  }
0x234: {  	(v2sf) =	vpush v10, $0xF;
	_ =	sdelay $0x3  }
0x235: {  	v10 =	vld [tilespmem:s29+$0x70];
	_ =	sdelay $0x1  }
0x236: {  	s24 =	spop (v2sf)  }
0x237: {  	s0 =	sadd.s32 s24, s0  }
0x238: {  	s0 =	sadd.s32 $0x80000000, s0  }
0x239: {  	[tilespmem:s0+$0x7800] =	vst.msk vm15, v10  }
0x23a: {  	s29 =	simm.s32 $0x80;
	[tilespmem:s0+$0xA080] =	vst.msk vm15, v9  }
0x23b: {  	v10 =	vld [tilespmem:s29+$0x2800];
	_ =	sdelay $0x2  }
0x23c: {  	v9 =	vld [tilespmem:s29+$0x0]  }
0x23d: {  	s31 =	spop (v2sf)  }
0x23e: {  	s30 =	simm.s32 $0x400;
	v10 =	vadd.s32 $0xFFFFF060, v10;
	s0 =	sadd.s32 s31, s0  }
.LBB2_15:
0x23f: {  	p0 =	sne.s32 s30, $0x9E00  }
0x240: {  	vm0 =	vlt.u32 v10, $0xFA0;
	s0 =	sadd.s32 $0x80000000, s0;
	s31 =	smov.u32 s30;
	s30 =	sadd.s32 $0x200, s30  }
0x241: {  	[tilespmem:s0+$0x7800] =	vst.msk vm0, v9;
	v9 =	vmpcnt.ones.xlane vm0  }
0x242: {  	[tilespmem:s0+$0xA080] =	vst.msk vm0, v10  }
0x243: {  	v9 =	vxor.u32 $0x80000000, v9;
	v10 =	vld [tilespmem:s29+$0x2810]  }
0x244: {  	(xrf0) =	vmax.scan.msk.u32 $0xffff, v9;
	_ =	sdelay $0x3  }
0x245: {  	v9 =	vadd.s32 $0xFFFFF060, v10  }
0x246: {  	vm0 =	vlt.u32 v9, $0xFA0  }
0x247: {  	v10 =	vmpcnt.ones.xlane vm0;
	v11, _, _ =	vpop (xrf0)  }
0x248: {  	(v2sf) =	vpush v11, $0xF  }
0x249: {  	v10 =	vxor.u32 $0x80000000, v10  }
0x24a: {  	(xrf0) =	vmax.scan.msk.u32 $0xffff, v10;
	_ =	sdelay $0x5  }
0x24b: {  	v10, _, _ =	vpop (xrf0)  }
0x24c: {  	(v2sf) =	vpush v10, $0xF;
	_ =	sdelay $0x3  }
0x24d: {  	v10 =	vld [tilespmem:s29+$0x10];
	_ =	sdelay $0x1  }
0x24e: {  	s1 =	spop (v2sf)  }
0x24f: {  	s0 =	sadd.s32 s1, s0  }
0x250: {  	s0 =	sadd.s32 $0x80000000, s0  }
0x251: {  	[tilespmem:s0+$0x7800] =	vst.msk vm0, v10  }
0x252: {  	[tilespmem:s0+$0xA080] =	vst.msk vm0, v9  }
0x253: {  	v9 =	vld [tilespmem:s29+$0x2820];
	_ =	sdelay $0x1  }
0x254: {  	v10 =	vld [tilespmem:s29+$0x20];
	_ =	sdelay $0x1  }
0x255: {  	s1 =	spop (v2sf)  }
0x256: {  	s0 =	sadd.s32 s1, s0;
	v9 =	vadd.s32 $0xFFFFF060, v9  }
0x257: {  	s0 =	sadd.s32 $0x80000000, s0;
	vm0 =	vlt.u32 v9, $0xFA0  }
0x258: {  	[tilespmem:s0+$0x7800] =	vst.msk vm0, v10;
	v10 =	vmpcnt.ones.xlane vm0  }
0x259: {  	[tilespmem:s0+$0xA080] =	vst.msk vm0, v9  }
0x25a: {  	v9 =	vxor.u32 $0x80000000, v10;
	v10 =	vld [tilespmem:s29+$0x2830]  }
0x25b: {  	(xrf0) =	vmax.scan.msk.u32 $0xffff, v9;
	_ =	sdelay $0x3  }
0x25c: {  	v9 =	vadd.s32 $0xFFFFF060, v10  }
0x25d: {  	vm0 =	vlt.u32 v9, $0xFA0  }
0x25e: {  	v10 =	vmpcnt.ones.xlane vm0;
	v11, _, _ =	vpop (xrf0)  }
0x25f: {  	(v2sf) =	vpush v11, $0xF  }
0x260: {  	v10 =	vxor.u32 $0x80000000, v10  }
0x261: {  	(xrf0) =	vmax.scan.msk.u32 $0xffff, v10;
	_ =	sdelay $0x5  }
0x262: {  	v10, _, _ =	vpop (xrf0)  }
0x263: {  	(v2sf) =	vpush v10, $0xF;
	_ =	sdelay $0x3  }
0x264: {  	v10 =	vld [tilespmem:s29+$0x30];
	_ =	sdelay $0x1  }
0x265: {  	s1 =	spop (v2sf)  }
0x266: {  	s0 =	sadd.s32 s1, s0  }
0x267: {  	s0 =	sadd.s32 $0x80000000, s0  }
0x268: {  	[tilespmem:s0+$0x7800] =	vst.msk vm0, v10  }
0x269: {  	[tilespmem:s0+$0xA080] =	vst.msk vm0, v9  }
0x26a: {  	v9 =	vld [tilespmem:s29+$0x2840];
	_ =	sdelay $0x1  }
0x26b: {  	v10 =	vld [tilespmem:s29+$0x40];
	_ =	sdelay $0x1  }
0x26c: {  	s1 =	spop (v2sf)  }
0x26d: {  	s0 =	sadd.s32 s1, s0;
	v9 =	vadd.s32 $0xFFFFF060, v9  }
0x26e: {  	s0 =	sadd.s32 $0x80000000, s0;
	vm0 =	vlt.u32 v9, $0xFA0  }
0x26f: {  	[tilespmem:s0+$0x7800] =	vst.msk vm0, v10;
	v10 =	vmpcnt.ones.xlane vm0  }
0x270: {  	[tilespmem:s0+$0xA080] =	vst.msk vm0, v9  }
0x271: {  	v9 =	vxor.u32 $0x80000000, v10;
	v10 =	vld [tilespmem:s29+$0x2850]  }
0x272: {  	v11 =	vld [tilespmem:s29+$0x50];
	(xrf0) =	vmax.scan.msk.u32 $0xffff, v9;
	_ =	sdelay $0x3  }
0x273: {  	v9 =	vadd.s32 $0xFFFFF060, v10  }
0x274: {  	vm0 =	vlt.u32 v9, $0xFA0  }
0x275: {  	v10 =	vmpcnt.ones.xlane vm0;
	v12, _, _ =	vpop (xrf0)  }
0x276: {  	(v2sf) =	vpush v12, $0xF  }
0x277: {  	v10 =	vxor.u32 $0x80000000, v10  }
0x278: {  	(xrf0) =	vmax.scan.msk.u32 $0xffff, v10;
	_ =	sdelay $0x5  }
0x279: {  	v10, _, _ =	vpop (xrf0)  }
0x27a: {  	(v2sf) =	vpush v10, $0xF;
	_ =	sdelay $0x5  }
0x27b: {  	s1 =	spop (v2sf)  }
0x27c: {  	s0 =	sadd.s32 s1, s0  }
0x27d: {  	s0 =	sadd.s32 $0x80000000, s0  }
0x27e: {  	[tilespmem:s0+$0x7800] =	vst.msk vm0, v11  }
0x27f: {  	[tilespmem:s0+$0xA080] =	vst.msk vm0, v9  }
0x280: {  	v9 =	vld [tilespmem:s29+$0x2860]  }
0x281: {  	v10 =	vld [tilespmem:s29+$0x60];
	_ =	sdelay $0x2  }
0x282: {  	s1 =	spop (v2sf)  }
0x283: {  	s0 =	sadd.s32 s1, s0;
	v9 =	vadd.s32 $0xFFFFF060, v9  }
0x284: {  	s0 =	sadd.s32 $0x80000000, s0;
	vm0 =	vlt.u32 v9, $0xFA0  }
0x285: {  	[tilespmem:s0+$0x7800] =	vst.msk vm0, v10;
	v10 =	vmpcnt.ones.xlane vm0  }
0x286: {  	[tilespmem:s0+$0xA080] =	vst.msk vm0, v9  }
0x287: {  	v9 =	vxor.u32 $0x80000000, v10;
	v10 =	vld [tilespmem:s29+$0x2870]  }
0x288: {  	v11 =	vld [tilespmem:s29+$0x70];
	(xrf0) =	vmax.scan.msk.u32 $0xffff, v9;
	_ =	sdelay $0x3  }
0x289: {  	v9 =	vadd.s32 $0xFFFFF060, v10  }
0x28a: {  	vm0 =	vlt.u32 v9, $0xFA0  }
0x28b: {  	v10 =	vmpcnt.ones.xlane vm0;
	v12, _, _ =	vpop (xrf0)  }
0x28c: {  	(v2sf) =	vpush v12, $0xF  }
0x28d: {  	v10 =	vxor.u32 $0x80000000, v10  }
0x28e: {  	(xrf0) =	vmax.scan.msk.u32 $0xffff, v10;
	_ =	sdelay $0x5  }
0x28f: {  	v10, _, _ =	vpop (xrf0)  }
0x290: {  	(v2sf) =	vpush v10, $0xF;
	_ =	sdelay $0x5  }
0x291: {  	s1 =	spop (v2sf)  }
0x292: {  	s0 =	sadd.s32 s1, s0  }
0x293: {  	s0 =	sadd.s32 $0x80000000, s0  }
0x294: {  	[tilespmem:s0+$0x7800] =	vst.msk vm0, v11  }
0x295: {  	s29 =	sshra.s32 s31, $0x2;
	[tilespmem:s0+$0xA080] =	vst.msk vm0, v9  }
0x296: {  	v10 =	vld [tilespmem:s29+$0x2800]  }
.Ltmp10:
0x297: {  	(pc) =	sbr.rel @p0 .LBB2_15-.Ltmp10, $3  }
0x298: {  	v9 =	vld [tilespmem:s29+$0x0];
	_ =	sdelay $0x1  }
0x299: {  	s1 =	spop (v2sf)  }
0x29a: {  	v10 =	vadd.s32 $0xFFFFF060, v10;
	s0 =	sadd.s32 s1, s0  }
0x29b: {  	vm0 =	vlt.u32 v10, $0xFA0;
	s0 =	sadd.s32 $0x80000000, s0  }
0x29c: {  	[tilespmem:s0+$0x7800] =	vst.msk vm0, v9;
	v9 =	vmpcnt.ones.xlane vm0  }
0x29d: {  	[tilespmem:s0+$0xA080] =	vst.msk vm0, v10  }
0x29e: {  	v9 =	vxor.u32 $0x80000000, v9;
	v10 =	vld [tilespmem:s29+$0x2810]  }
0x29f: {  	(xrf0) =	vmax.scan.msk.u32 $0xffff, v9;
	_ =	sdelay $0x3  }
0x2a0: {  	v9 =	vadd.s32 $0xFFFFF060, v10  }
0x2a1: {  	vm9 =	vlt.u32 v9, $0xFA0  }
0x2a2: {  	v10 =	vmpcnt.ones.xlane vm9;
	v11, _, _ =	vpop (xrf0)  }
0x2a3: {  	(v2sf) =	vpush v11, $0xF  }
0x2a4: {  	v10 =	vxor.u32 $0x80000000, v10  }
0x2a5: {  	(xrf0) =	vmax.scan.msk.u32 $0xffff, v10;
	_ =	sdelay $0x5  }
0x2a6: {  	v10, _, _ =	vpop (xrf0)  }
0x2a7: {  	(v2sf) =	vpush v10, $0xF;
	_ =	sdelay $0x3  }
0x2a8: {  	v10 =	vld [tilespmem:s29+$0x10];
	_ =	sdelay $0x1  }
0x2a9: {  	s1 =	spop (v2sf)  }
0x2aa: {  	s0 =	sadd.s32 s1, s0  }
0x2ab: {  	s0 =	sadd.s32 $0x80000000, s0  }
0x2ac: {  	[tilespmem:s0+$0x7800] =	vst.msk vm9, v10  }
0x2ad: {  	[tilespmem:s0+$0xA080] =	vst.msk vm9, v9  }
0x2ae: {  	v9 =	vld [tilespmem:s29+$0x2820];
	_ =	sdelay $0x1  }
0x2af: {  	v10 =	vld [tilespmem:s29+$0x20];
	_ =	sdelay $0x1  }
0x2b0: {  	s31 =	spop (v2sf)  }
0x2b1: {  	s0 =	sadd.s32 s31, s0;
	v9 =	vadd.s32 $0xFFFFF060, v9  }
0x2b2: {  	s0 =	sadd.s32 $0x80000000, s0;
	vm10 =	vlt.u32 v9, $0xFA0  }
0x2b3: {  	[tilespmem:s0+$0x7800] =	vst.msk vm10, v10;
	v10 =	vmpcnt.ones.xlane vm10  }
0x2b4: {  	[tilespmem:s0+$0xA080] =	vst.msk vm10, v9  }
0x2b5: {  	v9 =	vxor.u32 $0x80000000, v10;
	v10 =	vld [tilespmem:s29+$0x2830]  }
0x2b6: {  	(xrf0) =	vmax.scan.msk.u32 $0xffff, v9;
	_ =	sdelay $0x3  }
0x2b7: {  	v9 =	vadd.s32 $0xFFFFF060, v10  }
0x2b8: {  	vm11 =	vlt.u32 v9, $0xFA0  }
0x2b9: {  	v10 =	vmpcnt.ones.xlane vm11;
	v11, _, _ =	vpop (xrf0)  }
0x2ba: {  	(v2sf) =	vpush v11, $0xF  }
0x2bb: {  	v10 =	vxor.u32 $0x80000000, v10  }
0x2bc: {  	(xrf0) =	vmax.scan.msk.u32 $0xffff, v10;
	_ =	sdelay $0x5  }
0x2bd: {  	v10, _, _ =	vpop (xrf0)  }
0x2be: {  	(v2sf) =	vpush v10, $0xF;
	_ =	sdelay $0x3  }
0x2bf: {  	v10 =	vld [tilespmem:s29+$0x30];
	_ =	sdelay $0x1  }
0x2c0: {  	s6 =	spop (v2sf)  }
0x2c1: {  	s0 =	sadd.s32 s6, s0  }
0x2c2: {  	s0 =	sadd.s32 $0x80000000, s0  }
0x2c3: {  	[tilespmem:s0+$0x7800] =	vst.msk vm11, v10  }
0x2c4: {  	[tilespmem:s0+$0xA080] =	vst.msk vm11, v9  }
0x2c5: {  	v9 =	vld [tilespmem:s29+$0x2840];
	_ =	sdelay $0x1  }
0x2c6: {  	v10 =	vld [tilespmem:s29+$0x40];
	_ =	sdelay $0x1  }
0x2c7: {  	s7 =	spop (v2sf)  }
0x2c8: {  	s0 =	sadd.s32 s7, s0;
	v9 =	vadd.s32 $0xFFFFF060, v9  }
0x2c9: {  	s0 =	sadd.s32 $0x80000000, s0;
	vm12 =	vlt.u32 v9, $0xFA0  }
0x2ca: {  	[tilespmem:s0+$0x7800] =	vst.msk vm12, v10;
	v10 =	vmpcnt.ones.xlane vm12  }
0x2cb: {  	[tilespmem:s0+$0xA080] =	vst.msk vm12, v9  }
0x2cc: {  	v9 =	vxor.u32 $0x80000000, v10;
	v10 =	vld [tilespmem:s29+$0x2850]  }
0x2cd: {  	(xrf0) =	vmax.scan.msk.u32 $0xffff, v9;
	_ =	sdelay $0x3  }
0x2ce: {  	v9 =	vadd.s32 $0xFFFFF060, v10  }
0x2cf: {  	vm13 =	vlt.u32 v9, $0xFA0  }
0x2d0: {  	v10 =	vmpcnt.ones.xlane vm13;
	v11, _, _ =	vpop (xrf0)  }
0x2d1: {  	(v2sf) =	vpush v11, $0xF  }
0x2d2: {  	v10 =	vxor.u32 $0x80000000, v10  }
0x2d3: {  	(xrf0) =	vmax.scan.msk.u32 $0xffff, v10;
	_ =	sdelay $0x5  }
0x2d4: {  	v10, _, _ =	vpop (xrf0)  }
0x2d5: {  	(v2sf) =	vpush v10, $0xF;
	_ =	sdelay $0x3  }
0x2d6: {  	v10 =	vld [tilespmem:s29+$0x50];
	_ =	sdelay $0x1  }
0x2d7: {  	s18 =	spop (v2sf)  }
0x2d8: {  	s0 =	sadd.s32 s18, s0  }
0x2d9: {  	s0 =	sadd.s32 $0x80000000, s0  }
0x2da: {  	[tilespmem:s0+$0x7800] =	vst.msk vm13, v10  }
0x2db: {  	[tilespmem:s0+$0xA080] =	vst.msk vm13, v9  }
0x2dc: {  	v9 =	vld [tilespmem:s29+$0x2860];
	_ =	sdelay $0x1  }
0x2dd: {  	v10 =	vld [tilespmem:s29+$0x60];
	_ =	sdelay $0x1  }
0x2de: {  	s22 =	spop (v2sf)  }
0x2df: {  	s0 =	sadd.s32 s22, s0;
	v9 =	vadd.s32 $0xFFFFF060, v9  }
0x2e0: {  	s0 =	sadd.s32 $0x80000000, s0;
	vm14 =	vlt.u32 v9, $0xFA0  }
0x2e1: {  	[tilespmem:s0+$0x7800] =	vst.msk vm14, v10  }
0x2e2: {  	[tilespmem:s0+$0xA080] =	vst.msk vm14, v9  }
0x2e3: {  	v9 =	vld [tilespmem:s29+$0x2870];
	_ =	sdelay $0x4  }
0x2e4: {  	v10 =	vmpcnt.ones.xlane vm14;
	v9 =	vadd.s32 $0xFFFFF060, v9  }
0x2e5: {  	vm15 =	vlt.u32 v9, $0xFA0  }
0x2e6: {  	v10 =	vxor.u32 $0x80000000, v10;
	v11 =	vmpcnt.ones.xlane vm15  }
0x2e7: {  	(xrf0) =	vmax.scan.msk.u32 $0xffff, v10  }
0x2e8: {  	v10 =	vxor.u32 $0x80000000, v11  }
0x2e9: {  	(xrf0) =	vmax.scan.msk.u32 $0xffff, v10;
	_ =	sdelay $0x3  }
0x2ea: {  	v10, _, _ =	vpop (xrf0)  }
0x2eb: {  	(v2sf) =	vpush v10, $0xF  }
0x2ec: {  	v10, _, _ =	vpop (xrf0)  }
0x2ed: {  	(v2sf) =	vpush v10, $0xF;
	_ =	sdelay $0xa  }
0x2ee: {  	v10 =	vld [tilespmem:s29+$0x70];
	_ =	sdelay $0x1  }
0x2ef: {  	s23 =	spop (v2sf)  }
0x2f0: {  	s0 =	sadd.s32 s23, s0  }
0x2f1: {  	s0 =	sadd.s32 $0x80000000, s0;
	s24 =	spop (v2sf)  }
0x2f2: {  	[tilespmem:s0+$0x7800] =	vst.msk vm15, v10;
	s1 =	sadd.s32 s24, s0  }
0x2f3: {  	[tilespmem:s0+$0xA080] =	vst.msk vm15, v9;
	s30 =	sadd.s32 $0x80000000, s1  }
0x2f4: {  	[tilespmem:s30+$0x7800] =	vst v0  }
0x2f5: {  	[tilespmem:s30+$0xA080] =	vst v1  }
0x2f6: {  	[tilespmem:s30+$0x7810] =	vst v0  }
0x2f7: {  	[tilespmem:s30+$0xA090] =	vst v2;
	s1 =	sadd.s32 $0x7F, s30  }
0x2f8: {  	[tilespmem:s30+$0x7820] =	vst v0;
	s6 =	sand.u32 $0x7F, s1  }
0x2f9: {  	[tilespmem:s30+$0xA0A0] =	vst v3;
	s31 =	sshra.s32 s1, $0x1F;
	p1 =	slt.s32 s1, $0x1;
	p0 =	sne.s32 s6, $0x0  }
0x2fa: {  	[tilespmem:s30+$0x7830] =	vst v0;
	s6 =	sshrl.u32 s31, $0x19;
	p0 =	por !p1, !p0  }
0x2fb: {  	[tilespmem:s30+$0xA0B0] =	vst v4;
	s1 =	sadd.s32 s6, s1;
	s6 =	simm.s32 $0x1;
	p0 =	por !p0, !p0  }
0x2fc: {  	[tilespmem:s30+$0x7840] =	vst v0;
	s1 =	sshra.s32 s1, $0x7;
	s6 =	simm.s32 @!p0 $0x0  }
0x2fd: {  	[tilespmem:s30+$0xA0C0] =	vst v5;
	s29 =	ssub.s32 s1, s6  }
0x2fe: {  	[tilespmem:s30+$0x7850] =	vst v0;
	p0 =	slt.s32 s29, $0x1  }
.Ltmp11:
0x2ff: {  	[tilespmem:s30+$0xA0D0] =	vst v6;
	(pc) =	sbr.rel @p0 .LBB2_23-.Ltmp11, $4  }
0x300: {  	[tilespmem:s30+$0x7860] =	vst v0  }
0x301: {  	[tilespmem:s30+$0xA0E0] =	vst v7  }
0x302: {  	[tilespmem:s30+$0x7870] =	vst v0  }
0x303: {  	[tilespmem:s30+$0xA0F0] =	vst v8  }
0x304: {  	p1 =	sne.s32 s29, $0x1  }
.Ltmp12:
0x305: {  	_ = 	snop;
	(pc) =	sbr.rel @!p1 .LBB2_18-.Ltmp12, $3  }
0x306: {  	_ =	sdelay $0x1  }
0x307: {  	s31 =	simm.s32 $0xA0C0  }
0x308: {  	s30 =	simm.s32 $0x5040;
	s0 =	sadd.s32 $0xFFFFFFFF, s29;
	p0 =	por $0x0, $0x0;
	v9 =	vld [tilespmem:s31+$0xFFFFFFC0]  }
0x309: {  	_ =	sdelay $0x3  }
0x30a: {  	[tilespmem:s30+$0xFFFFFFC0] =	vst v9  }
0x30b: {  	v9 =	vld [tilespmem:s31+$0xFFFFFFD0];
	_ =	sdelay $0x4  }
0x30c: {  	[tilespmem:s30+$0xFFFFFFD0] =	vst v9  }
0x30d: {  	v9 =	vld [tilespmem:s31+$0xFFFFFFE0];
	_ =	sdelay $0x4  }
0x30e: {  	[tilespmem:s30+$0xFFFFFFE0] =	vst v9  }
0x30f: {  	v9 =	vld [tilespmem:s31+$0xFFFFFFF0];
	_ =	sdelay $0x4  }
0x310: {  	[tilespmem:s30+$0xFFFFFFF0] =	vst v9  }
0x311: {  	v9 =	vld [tilespmem:s31+$0x0];
	_ =	sdelay $0x4  }
0x312: {  	[tilespmem:s30+$0x0] =	vst v9  }
0x313: {  	v9 =	vld [tilespmem:s31+$0x10];
	_ =	sdelay $0x4  }
0x314: {  	[tilespmem:s30+$0x10] =	vst v9  }
0x315: {  	v9 =	vld [tilespmem:s31+$0x20];
	_ =	sdelay $0x4  }
0x316: {  	[tilespmem:s30+$0x20] =	vst v9  }
0x317: {  	v9 =	vld [tilespmem:s31+$0x30]  }
0x318: {  	p1 =	sne.s32 s0, $0x1  }
.Ltmp13:
0x319: {  	_ = 	snop;
	(pc) =	sbr.rel @!p1 .LBB2_20-.Ltmp13, $3  }
0x31a: {  	_ =	sdelay $0x1  }
0x31b: {  	s31 =	simm.s32 $0xA140;
	[tilespmem:s30+$0x30] =	vst v9  }
0x31c: {  	s0 =	sadd.s32 $0xFFFFFFFF, s0;
	p0 =	por $0x1, $0x1;
	s1 =	simm.s32 $0x5040;
	v9 =	vld [tilespmem:s31+$0xFFFFFFC0]  }
.LBB2_21:
0x31d: {  	p1 =	sne.s32 s0, $0x1;
	_ =	sdelay $0x2  }
0x31e: {  	s1 =	sadd.s32 $0x80, s1  }
0x31f: {  	[tilespmem:s1+$0xFFFFFFC0] =	vst v9  }
0x320: {  	v9 =	vld [tilespmem:s31+$0xFFFFFFD0];
	_ =	sdelay $0x4  }
0x321: {  	[tilespmem:s1+$0xFFFFFFD0] =	vst v9  }
0x322: {  	v9 =	vld [tilespmem:s31+$0xFFFFFFE0];
	_ =	sdelay $0x4  }
0x323: {  	[tilespmem:s1+$0xFFFFFFE0] =	vst v9  }
0x324: {  	v9 =	vld [tilespmem:s31+$0xFFFFFFF0];
	_ =	sdelay $0x4  }
0x325: {  	[tilespmem:s1+$0xFFFFFFF0] =	vst v9  }
0x326: {  	v9 =	vld [tilespmem:s31+$0x0];
	_ =	sdelay $0x4  }
0x327: {  	[tilespmem:s1+$0x0] =	vst v9  }
0x328: {  	v9 =	vld [tilespmem:s31+$0x10];
	_ =	sdelay $0x4  }
0x329: {  	[tilespmem:s1+$0x10] =	vst v9  }
0x32a: {  	v9 =	vld [tilespmem:s31+$0x20];
	_ =	sdelay $0x4  }
0x32b: {  	[tilespmem:s1+$0x20] =	vst v9  }
0x32c: {  	v9 =	vld [tilespmem:s31+$0x30];
	_ =	sdelay $0x1  }
.Ltmp14:
0x32d: {  	(pc) =	sbr.rel @p1 .LBB2_21-.Ltmp14, $3  }
0x32e: {  	_ =	sdelay $0x1  }
0x32f: {  	s31 =	sadd.s32 $0x80, s31;
	[tilespmem:s1+$0x30] =	vst v9  }
0x330: {  	s0 =	sadd.s32 $0xFFFFFFFF, s0;
	v9 =	vld [tilespmem:s31+$0xFFFFFFC0]  }
.LBB2_22:
0x331: {  	_ =	sdelay $0x1  }
0x332: {  	s0 =	sadd.s32 @p0 $0x80, s1  }
0x333: {  	s30 =	smov.u32 @p0 s0  }
0x334: {  	[tilespmem:s30+$0xFFFFFFC0] =	vst v9  }
0x335: {  	v9 =	vld [tilespmem:s31+$0xFFFFFFD0];
	_ =	sdelay $0x4  }
0x336: {  	[tilespmem:s30+$0xFFFFFFD0] =	vst v9  }
0x337: {  	v9 =	vld [tilespmem:s31+$0xFFFFFFE0];
	_ =	sdelay $0x4  }
0x338: {  	[tilespmem:s30+$0xFFFFFFE0] =	vst v9  }
0x339: {  	v9 =	vld [tilespmem:s31+$0xFFFFFFF0];
	_ =	sdelay $0x4  }
0x33a: {  	[tilespmem:s30+$0xFFFFFFF0] =	vst v9  }
0x33b: {  	v9 =	vld [tilespmem:s31+$0x0];
	_ =	sdelay $0x4  }
0x33c: {  	[tilespmem:s30+$0x0] =	vst v9  }
0x33d: {  	v9 =	vld [tilespmem:s31+$0x10];
	_ =	sdelay $0x4  }
0x33e: {  	[tilespmem:s30+$0x10] =	vst v9  }
0x33f: {  	v9 =	vld [tilespmem:s31+$0x20];
	_ =	sdelay $0x4  }
0x340: {  	[tilespmem:s30+$0x20] =	vst v9  }
0x341: {  	v9 =	vld [tilespmem:s31+$0x30];
	_ =	sdelay $0x4  }
0x342: {  	s6 =	simm.s32 $0xC900;
	s31 =	simm.s32 $0x7800;
	[tilespmem:s30+$0x30] =	vst v9;
	s30 =	simm.s32 $0x80  }
0x343: {  	[tilespmem:s6], [sflag:$0x1] =	stream.indirect.gather [hbm4b:s4+s30], $0x80, s31, s30, $0xb8;
	[tilespmem:$0x1CD00] =	vst v63  }
.LBB2_23:
0x344: {  	s0 =	sadd.s32 $0x1, s29  }
0x345: {  	s1 =	sand.u32 $0x1, s0  }
0x346: {  	p0 =	slt.s32 s29, $0x0;
	p1 =	seq.s32 s1, $0x1  }
0x347: {  	s31 =	sshrl.u32 s0, $0x1F;
	p0 =	por !p0, !p1  }
0x348: {  	s0 =	sadd.s32 s31, s0;
	s1 =	simm.s32 $0x1;
	p0 =	por !p0, !p0  }
0x349: {  	s0 =	sshra.s32 s0, $0x1;
	s1 =	simm.s32 @!p0 $0x0  }
0x34a: {  	s0 =	ssub.s32 s0, s1  }
0x34b: {  	p0 =	slt.s32 s0, $0x1  }
.Ltmp15:
0x34c: {  	_ = 	snop;
	(pc) =	sbr.rel @p0 .LBB2_27-.Ltmp15, $1  }
0x34d: {  	_ =	sdelay $0x3  }
0x34e: {  	_ =	swait.ge [sflag:s21], $0x4000  }
0x34f: {  	s30 =	simm.s32 $0x5000;
	p0 =	sle.s32 s29, $0x1;
	[sflag:s21] =	ssyncset.done $0x0  }
0x350: {  	s1 =	simm.s32 @p0 $0x80;
	s6 =	simm.s32 @p0 $0xC900;
	[sflag:s21] =	ssyncadd.s32 $0xFFFFC000  }
0x351: {  	[spmem:s2] =	stream.indirect.scatter.add.f32 @p0 [tilespmem:s6], [sflag:$0x4], $0x80, s30, s1, $0xb8;
	[tilespmem:$0x1CD00] =	vst v63  }
0x352: {  	s7 =	simm.s32 @!p0 $0x10900;
	s1 =	simm.s32 $0x7880;
	s6 =	simm.s32 @!p0 $0x80  }
0x353: {  	[tilespmem:s7], [sflag:$0x2] =	stream.indirect.gather @!p0 [hbm4b:s4+s6], $0x80, s1, s6, $0xb8;
	[tilespmem:$0x1CD00] =	vst v63  }
0x354: {  	s18 =	simm.s32 @!p0 $0x4;
	s1 =	simm.s32 @!p0 $0xC900  }
0x355: {  	[spmem:s2] =	stream.indirect.scatter.add.f32 @!p0 [tilespmem:s1], [sflag:$0x4], $0x80, s30, s6, $0xb8;
	[tilespmem:$0x1CD00] =	vst v63  }
0x356: {  	_ =	swait.ge @!p0 [sflag:s18], $0x4000  }
0x357: {  	[sflag:s18] =	ssyncset.done @!p0 $0x0  }
0x358: {  	p1 =	sle.s32 @!p0 s29, $0x2;
	s1 =	simm.s32 @!p0 $0x2;
	[sflag:s18] =	ssyncadd.s32 @!p0 $0xFFFFC000  }
0x359: {  	p1 =	por p1, p0;
	_ =	swait.ge @!p0 [sflag:s1], $0x4000  }
0x35a: {  	s22 =	simm.s32 @!p1 $0xC900;
	[sflag:s1] =	ssyncset.done @!p0 $0x0  }
0x35b: {  	s23 =	simm.s32 @!p1 $0x80;
	[sflag:s1] =	ssyncadd.s32 @!p0 $0xFFFFC000;
	s1 =	simm.s32 @!p1 $0x7900  }
0x35c: {  	[tilespmem:s22], [sflag:$0x1] =	stream.indirect.gather @!p1 [hbm4b:s4+s23], $0x80, s1, s23, $0xb8;
	[tilespmem:$0x1CD00] =	vst v63  }
0x35d: {  	s0 =	sadd.s32 $0xFFFFFFFF, s0;
	s18 =	simm.s32 @!p0 $0x3;
	s1 =	simm.s32 @!p0 $0x5080  }
0x35e: {  	[spmem:s2] =	stream.indirect.scatter.add.f32 @!p0 [tilespmem:s7], [sflag:$0x3], $0x80, s1, s6, $0xb8;
	[tilespmem:$0x1CD00] =	vst v63  }
0x35f: {  	s18 =	simm.s32 @p0 $0x4;
	p0 =	sne.s32 s0, $0x0  }
.Ltmp16:
0x360: {  	_ = 	snop;
	(pc) =	sbr.rel @!p0 .LBB2_26-.Ltmp16, $3  }
0x361: {  	_ =	sdelay $0x1  }
0x362: {  	_ =	swait.ge [sflag:s18], $0x4000  }
0x363: {  	s31 =	simm.s32 $0x3;
	s1 =	simm.s32 $0x7980;
	[sflag:s18] =	ssyncset.done $0x0  }
.LBB2_25:
0x364: {  	s0 =	sadd.s32 $0xFFFFFFFF, s0;
	[sflag:s18] =	ssyncadd.s32 $0xFFFFC000;
	s30 =	sadd.s32 $0x100, s30  }
0x365: {  	p0 =	sne.s32 s0, $0x0  }
0x366: {  	_ =	swait.ge [sflag:s21], $0x4000  }
0x367: {  	p1 =	sge.s32 s31, s29;
	[sflag:s21] =	ssyncset.done $0x0  }
0x368: {  	s6 =	simm.s32 @p1 $0x80;
	s7 =	simm.s32 @p1 $0xC900;
	[sflag:s21] =	ssyncadd.s32 $0xFFFFC000  }
0x369: {  	[spmem:s2] =	stream.indirect.scatter.add.f32 @p1 [tilespmem:s7], [sflag:$0x4], $0x80, s30, s6, $0xb8;
	[tilespmem:$0x1CD00] =	vst v63  }
0x36a: {  	s18 =	sadd.s32 @!p1 $0x1, s31;
	s6 =	simm.s32 @!p1 $0x80;
	s7 =	simm.s32 @!p1 $0x10900  }
0x36b: {  	[tilespmem:s7], [sflag:$0x2] =	stream.indirect.gather @!p1 [hbm4b:s4+s6], $0x80, s1, s6, $0xb8;
	[tilespmem:$0x1CD00] =	vst v63  }
0x36c: {  	s22 =	simm.s32 @!p1 $0xC900;
	s23 =	simm.s32 @!p1 $0x4;
	p2 =	sge.s32 @!p1 s18, s29  }
0x36d: {  	[spmem:s2] =	stream.indirect.scatter.add.f32 @!p1 [tilespmem:s22], [sflag:$0x4], $0x80, s30, s6, $0xb8;
	[tilespmem:$0x1CD00] =	vst v63  }
0x36e: {  	s18 =	simm.s32 @!p1 $0x3;
	p2 =	por p2, p1;
	_ =	swait.ge @!p1 [sflag:s23], $0x4000  }
0x36f: {  	[sflag:s23] =	ssyncset.done @!p1 $0x0  }
0x370: {  	s22 =	simm.s32 @!p1 $0x2;
	[sflag:s23] =	ssyncadd.s32 @!p1 $0xFFFFC000  }
0x371: {  	_ =	swait.ge @!p1 [sflag:s22], $0x4000  }
0x372: {  	s23 =	simm.s32 @!p2 $0xC900;
	[sflag:s22] =	ssyncset.done @!p1 $0x0  }
0x373: {  	s24 =	simm.s32 @!p2 $0x80;
	[sflag:s22] =	ssyncadd.s32 @!p1 $0xFFFFC000;
	s22 =	sadd.s32 @!p2 $0x80, s1  }
0x374: {  	[tilespmem:s23], [sflag:$0x1] =	stream.indirect.gather @!p2 [hbm4b:s4+s24], $0x80, s22, s24, $0xb8;
	[tilespmem:$0x1CD00] =	vst v63  }
.Ltmp17:
0x375: {  	_ = 	snop;
	(pc) =	sbr.rel @p0 .LBB2_25-.Ltmp17, $4  }
0x376: {  	s18 =	simm.s32 @p1 $0x4;
	s22 =	sadd.s32 @!p1 $0x80, s30  }
0x377: {  	[spmem:s2] =	stream.indirect.scatter.add.f32 @!p1 [tilespmem:s7], [sflag:$0x3], $0x80, s22, s6, $0xb8;
	[tilespmem:$0x1CD00] =	vst v63  }
0x378: {  	_ =	swait.ge [sflag:s18], $0x4000  }
0x379: {  	s31 =	sadd.s32 $0x2, s31;
	s1 =	sadd.s32 $0x100, s1;
	[sflag:s18] =	ssyncset.done $0x0  }
.Ltmp18:
0x37a: {  	_ = 	snop;
	(pc) =	sbr.rel .LBB2_26-.Ltmp18, $1  }
0x37b: {  	_ =	sdelay $0x3  }
.LBB2_5:
.Ltmp19:
0x37c: {  	(pc) =	sbr.rel .LBB2_9-.Ltmp19, $2  }
0x37d: {  	_ =	sdelay $0x2  }
0x37e: {  	s1 =	simm.s32 $0x5040  }
.LBB2_18:
.Ltmp20:
0x37f: {  	(pc) =	sbr.rel .LBB2_22-.Ltmp20, $2  }
0x380: {  	_ =	sdelay $0x2  }
0x381: {  	s1 =	simm.s32 $0x5040  }
.LBB2_7:
.Ltmp21:
0x382: {  	(pc) =	sbr.rel .LBB2_9-.Ltmp21, $2  }
0x383: {  	_ =	sdelay $0x2  }
0x384: {  	s1 =	simm.s32 $0x5040  }
.LBB2_20:
.Ltmp22:
0x385: {  	(pc) =	sbr.rel .LBB2_22-.Ltmp22, $2  }
0x386: {  	_ =	sdelay $0x2  }
0x387: {  	s1 =	simm.s32 $0x5040  }
.LBB2_28:
0x388: {  	_ =	sfence.sel $0x180000  }
0x389: {  	[bflag:$0x0] =	sbarrier.arrive $0xFFFF  }
0x38a: {  	_ =	strace $0x9000004D  }
0x38b: {  	s0 =	stileid.u32;
	[bflag:$0x2] =	sbarrier.arrive $0xFFFF  }
0x38c: {  	p0 =	sne.s32 s0, $0x0;
	s0 =	rddreg [dreg:$0x2]  }
0x38d: {  	s0 =	sadd.s32 @!p0 $0x100000, s0  }
0x38e: {  	[sflag:s0] =	ssyncadd.tile.s32 @!p0 $0x1;
	_ =	shalt  }
.Lfunc_end2:
_tile_overlayer_lowered:
.L_overlay_start_2:
0x38f: {  	(tag) =	ssettag $0x2  }
0x390: {  	s0 =	rddreg [dreg:$0x0];
	s2 =	stileid.u32  }
0x391: {  	s1 =	rddreg [dreg:$0x1];
	p0 =	sne.s32 s2, $0x0  }
0x392: {  	s3 =	rddreg [dreg:$0x2];
	[bflag:$0x3] =	sbarrier.arrive $0xFFFF;
	s2 =	simm.s32 @!p0 $0x1C03  }
0x393: {  	[timem:s3], [sflag:s2] =	dma.local @!p0 [hbm:s0], s1  }
0x394: {  	s0 =	simm.s32 @!p0 $0x3  }
0x395: {  	_ =	swait.ge @!p0 [sflag:s0], s1  }
0x396: {  	s1 =	ssub.s32 @!p0 $0x0, s1;
	[sflag:s0] =	ssyncset.done @!p0 $0x0  }
0x397: {  	[sflag:s0] =	ssyncadd.s32 @!p0 s1  }
0x398: {  	[bflag:$0x3] =	sbarrier.arrive $0xFFFF  }
0x399: {  	_ =	shalt  }

// kernel: kernel.17.cloned.1.call-start
scs
__scs_entry_jumppad:
0x0: {  	(pc) =	sbr.rel $0x88, $3  }
0x1: {  	(tag) =	ssettag $0x0;
	lr =	simm.s32 $0x1  }
0x2: {  	[smem:$0x3F98] =	sst lr;
	_ =	strace $0xD0000000  }
0x3: {  	_ = 	snop  }
0x4: {  	_ = 	snop  }
0x5: {  	_ = 	snop  }
0x6: {  	_ = 	snop  }
0x7: {  	_ = 	snop  }
__scs_overlays_trampoline_lowered:
0x8: {  	[smem:$0x3FA7] =	sst s0  }
0x9: {  	[smem:$0x3FA8] =	sst s1  }
0xa: {  	[smem:$0x3FA9] =	sst s2  }
0xb: {  	[smem:$0x3FAA] =	sst s3  }
0xc: {  	[smem:$0x3FAB] =	sst s4  }
0xd: {  	[smem:$0x3FAC] =	sst s5  }
0xe: {  	[smem:$0x3FAD] =	sst s6  }
0xf: {  	[smem:$0x3FAE] =	sst s7  }
0x10: {  	[smem:$0x3FAF] =	sst s8  }
0x11: {  	[smem:$0x3FB0] =	sst s9;
	s0 =	simm.s32 @!p0 $0x0  }
0x12: {  	s1 =	sld [smem:$0x3F96];
	s0 =	simm.s32 @p0 $0x1  }
0x13: {  	[smem:$0x3FB1] =	sst s0;
	s0 =	simm.s32 @!p1 $0x0  }
0x14: {  	s2 =	sld [smem:$0x3F95];
	s0 =	simm.s32 @p1 $0x1  }
0x15: {  	[smem:$0x3FB2] =	sst s0;
	s0 =	simm.s32 @!p2 $0x0  }
0x16: {  	s3 =	sld [smem:$0x3FDB];
	s0 =	simm.s32 @p2 $0x1  }
0x17: {  	s4 =	simm.s32 $0x1BF5;
	[smem:$0x3FB4] =	sst s0  }
0x18: {  	s0 =	sld [smem:$0x3F97];
	_ =	swait.ge [sflag:s4], $0x0  }
0x19: {  	s7 =	sld [smem:$0x3F98]  }
0x1a: {  	s8 =	sadd.s32 $0xFFFFE003, lr  }
0x1b: {  	s9 =	sadd.s32 $0xFFFFFEF7, lr;
	s5 =	simm.s32 $0xFFFFFFFF;
	p2 =	slt.u32 s8, $0xFFFFF086  }
0x1c: {  	p1 =	slt.u32 s9, $0xF7A;
	s5 =	simm.s32 @!p2 $0x0  }
0x1d: {  	s5 =	simm.s32 @p1 $0x1;
	p0 =	seq.s32 s7, s2  }
0x1e: {  	s7 =	smul.u32 @!p0 $0xF7A, s2;
	p2 =	seq.s32 @!p0 s5, $0x0  }
0x1f: {  	s9 =	smul.u32 $0xF7A, s1;
	s8 =	simm.s32 @!p0 $0x1BF5;
	p2 =	por !p2, p0  }
0x20: {  	[sflag:s8] =	ssyncset.s32 @!p0 $0xFFFFF086;
	s6 =	sadd.s32 @!p0 s3, s7;
	s7 =	simm.s32 @!p0 $0x108  }
0x21: {  	s3 =	sadd.s32 s3, s9;
	s6 =	sadd.s32 @!p0 $0x88, s6;
	s7 =	simm.s32 @p2 $0x1082  }
0x22: {  	[simem:s7], [sflag:s8] =	dma.local @!p0 [hbm:s6], $0xF7A  }
0x23: {  	s9 =	sor.u32 $0xD0000000, s2;
	s6 =	simm.s32 $0x108;
	_ =	swait.ge @!p0 [sflag:s8], $0x0  }
0x24: {  	s3 =	sadd.s32 $0x88, s3;
	s6 =	simm.s32 @!p1 $0x1082;
	[sflag:s4] =	ssyncset.s32 $0xFFFFF086  }
0x25: {  	[simem:s6], [sflag:s4] =	dma.local [hbm:s3], $0xF7A  }
0x26: {  	[smem:$0x3F98] =	sst s1;
	(tag) =	ssettag s2;
	_ =	strace s9  }
0x27: {  	s1 =	sld [smem:$0x3FA8]  }
0x28: {  	s2 =	sld [smem:$0x3FA9]  }
0x29: {  	s4 =	sld [smem:$0x3FAB]  }
0x2a: {  	p0 =	seq.s32 s5, $0x0;
	s5 =	sld [smem:$0x3FAC]  }
0x2b: {  	s6 =	sld [smem:$0x3FAD]  }
0x2c: {  	s7 =	sld [smem:$0x3FAE]  }
0x2d: {  	s3 =	simm.s32 $0x108;
	s8 =	sld [smem:$0x3FAF]  }
0x2e: {  	s3 =	simm.s32 @!p0 $0x1082;
	s9 =	sld [smem:$0x3FB0]  }
0x2f: {  	lr =	sadd.s32 s0, s3;
	s0 =	sld [smem:$0x3FA7]  }
0x30: {  	s3 =	sld [smem:$0x3FAA]  }
0x31: {  	[smem:$0x3FB3] =	sst s10  }
0x32: {  	s10 =	sld [smem:$0x3FB1];
	_ =	sdelay $0x3  }
0x33: {  	p0 =	seq.s32 s10, $0x1;
	s10 =	sld [smem:$0x3FB3];
	_ =	sdelay $0x3  }
0x34: {  	[smem:$0x3FB3] =	sst s10  }
0x35: {  	s10 =	sld [smem:$0x3FB2];
	_ =	sdelay $0x3  }
0x36: {  	p1 =	seq.s32 s10, $0x1;
	s10 =	sld [smem:$0x3FB3];
	_ =	sdelay $0x3  }
0x37: {  	[smem:$0x3FB3] =	sst s10  }
0x38: {  	s10 =	sld [smem:$0x3FB4]  }
0x39: {  	_ = 	snop;
	(pc) =	sbr.ind lr, $3  }
0x3a: {  	_ = 	snop  }
0x3b: {  	_ = 	snop  }
0x3c: {  	p2 =	seq.s32 s10, $0x1;
	s10 =	sld [smem:$0x3FB3]  }
0x3d: {  	_ =	shalt  }
0x3e: {  	_ =	shalt  }
0x3f: {  	_ =	shalt  }
0x40: {  	_ =	shalt  }
0x41: {  	_ =	shalt  }
0x42: {  	_ =	shalt  }
0x43: {  	_ =	shalt  }
0x44: {  	_ =	shalt  }
0x45: {  	_ =	shalt  }
0x46: {  	_ =	shalt  }
0x47: {  	_ =	shalt  }
0x48: {  	_ =	shalt  }
0x49: {  	_ =	shalt  }
0x4a: {  	_ =	shalt  }
0x4b: {  	_ =	shalt  }
0x4c: {  	_ =	shalt  }
0x4d: {  	_ =	shalt  }
0x4e: {  	_ =	shalt  }
0x4f: {  	_ =	shalt  }
0x50: {  	_ =	shalt  }
0x51: {  	_ =	shalt  }
0x52: {  	_ =	shalt  }
0x53: {  	_ =	shalt  }
0x54: {  	_ =	shalt  }
0x55: {  	_ =	shalt  }
0x56: {  	_ =	shalt  }
0x57: {  	_ =	shalt  }
0x58: {  	_ =	shalt  }
0x59: {  	_ =	shalt  }
0x5a: {  	_ =	shalt  }
0x5b: {  	_ =	shalt  }
0x5c: {  	_ =	shalt  }
0x5d: {  	_ =	shalt  }
0x5e: {  	_ =	shalt  }
0x5f: {  	_ =	shalt  }
0x60: {  	_ =	shalt  }
0x61: {  	_ =	shalt  }
0x62: {  	_ =	shalt  }
0x63: {  	_ =	shalt  }
0x64: {  	_ =	shalt  }
0x65: {  	_ =	shalt  }
0x66: {  	_ =	shalt  }
0x67: {  	_ =	shalt  }
0x68: {  	_ =	shalt  }
0x69: {  	_ =	shalt  }
0x6a: {  	_ =	shalt  }
0x6b: {  	_ =	shalt  }
0x6c: {  	_ =	shalt  }
0x6d: {  	_ =	shalt  }
0x6e: {  	_ =	shalt  }
0x6f: {  	_ =	shalt  }
0x70: {  	_ =	shalt  }
0x71: {  	_ =	shalt  }
0x72: {  	_ =	shalt  }
0x73: {  	_ =	shalt  }
0x74: {  	_ =	shalt  }
0x75: {  	_ =	shalt  }
0x76: {  	_ =	shalt  }
0x77: {  	_ =	shalt  }
0x78: {  	_ =	shalt  }
0x79: {  	_ =	shalt  }
0x7a: {  	_ =	shalt  }
0x7b: {  	_ =	shalt  }
0x7c: {  	_ =	shalt  }
0x7d: {  	_ =	shalt  }
0x7e: {  	_ =	shalt  }
0x7f: {  	_ =	shalt  }
0x80: {  	_ =	shalt  }
0x81: {  	_ =	shalt  }
0x82: {  	_ =	shalt  }
0x83: {  	_ =	shalt  }
0x84: {  	_ =	shalt  }
0x85: {  	_ =	shalt  }
0x86: {  	_ =	shalt  }
0x87: {  	_ =	shalt  }
.Lfunc_end0:
.L_simem_size_0:
called_computation.3_lowered:
.L_overlay_start_0:
0x88: {  	s2 =	sld [smem:$0x3FD9]  }
0x89: {  	s3 =	sld [smem:$0x3FFE];
	_ =	sdelay $0x1  }
0x8a: {  	s1 =	srdreg.scid  }
0x8b: {  	s0 =	sand.u32 $0x1, s1  }
0x8c: {  	s17 =	sshll.u32 s0, $0xA;
	s2 =	sadd.s32 s3, s2  }
0x8d: {  	s2 =	sadd.s32 s2, s17  }
0x8e: {  	[smem:$0x3FBF] =	sst s2  }
0x8f: {  	_ = 	snop  }
0x90: {  	s2 =	sld [smem:$0x3FD0];
	(tm) =	ssettm $0x1  }
0x91: {  	s18 =	sld [smem:$0x3FFB];
	_ =	sdelay $0x3  }
0x92: {  	_ =	strace s18  }
0x93: {  	s3 =	sld [smem:$0x3FFC];
	_ =	sdelay $0x3  }
0x94: {  	_ =	strace s3  }
0x95: {  	s3 =	sld [smem:$0x3FFD];
	_ =	sdelay $0x3  }
0x96: {  	_ =	strace s3  }
0x97: {  	_ =	strace $0x8FFFFFFF  }
0x98: {  	s19 =	sld [smem:$0x3FDB];
	_ =	sdelay $0x1  }
0x99: {  	s4 =	simm.s32 $_scs_section_size  }
0x9a: {  	s5 =	simm.s32 $_size__tile_overlayer_lowered;
	s6 =	simm.s32 $_tile_overlayer_lowered  }
0x9b: {  	s22 =	simm.s32 $0x1BFF;
	s21 =	sshll.u32 s6, $0x1;
	s3 =	sadd.s32 s4, s19  }
0x9c: {  	s7 =	simm.s32 $0x0;
	s20 =	sshll.u32 s5, $0x1;
	s5 =	sadd.s32 s21, s3  }
0x9d: {  	[timem:s7], [sflag:s22] =	dma.local [hbm:s5], s20  }
0x9e: {  	_ =	swait.ge [sflag:s22], s20  }
0x9f: {  	s4 =	ssub.s32 $0x0, s20;
	[sflag:s22] =	ssyncset.done $0x0  }
0xa0: {  	[sflag:s22] =	ssyncadd.s32 s4;
	_ =	sdelay $0x1  }
0xa1: {  	s23 =	simm.s32 $0x1B8B  }
0xa2: {  	_ =	swait.ge [sflag:s23], $0x1  }
0xa3: {  	[sflag:s23] =	ssyncset.done $0x0  }
0xa4: {  	s25 =	simm.s32 $0x1B8E;
	s24 =	sld [smem:$0x3FFE];
	[sflag:s23] =	ssyncadd.s32 $0xFFFFFFFF  }
0xa5: {  	s26 =	simm.s32 $execute0_lowered;
	[smem:$0x3FD2] =	sst s25  }
0xa6: {  	s5 =	sshll.u32 s26, $0x1;
	_ =	strace $0x8000004F;
	[dreg:$0x1] =	wrdreg $0xFFFFFFFF  }
0xa7: {  	s28 =	simm.s32 $_size_execute0_lowered;
	s3 =	sadd.s32 s3, s5;
	[dreg:$0x0] =	wrdreg $0x0  }
0xa8: {  	s5 =	sshll.u32 s28, $0x1;
	[dreg:$0x2] =	wrdreg s3  }
0xa9: {  	[dreg:$0x3] =	wrdreg s5  }
0xaa: {  	[dreg:$0x4] =	wrdreg $0xC0  }
0xab: {  	_ =	task [dreg:s7], $0x5FFFF  }
0xac: {  	[dreg:$0x1] =	wrdreg $0xFFFFFFFF  }
0xad: {  	[dreg:$0x0] =	wrdreg $0x60  }
0xae: {  	[dreg:$0x2] =	wrdreg s24  }
0xaf: {  	[dreg:$0x3] =	wrdreg s2  }
0xb0: {  	[dreg:$0x4] =	wrdreg $0x195000  }
0xb1: {  	[dreg:$0x5] =	wrdreg $0x195800  }
0xb2: {  	[dreg:$0x6] =	wrdreg $0x9  }
0xb3: {  	_ =	task.clear_ibuf [dreg:s7], $0x7FFFF;
	_ =	strace $0x9000004F  }
0xb4: {  	s29 =	simm.s32 $0x9;
	_ =	strace $0x80000051  }
0xb5: {  	_ =	swait.ge [sflag:s29], $0x1  }
0xb6: {  	[sflag:s29] =	ssyncadd.s32 $0xFFFFFFFF  }
0xb7: {  	_ =	strace $0x90000051  }
0xb8: {  	_ =	sfence  }
0xb9: {  	s30 =	sld [smem:$0x0];
	_ =	sdelay $0x2  }
0xba: {  	s31 =	sshll.u32 s1, $0xD;
	s1 =	sshrl.u32 s1, $0x2  }
0xbb: {  	s3 =	sand.u32 $0x4000, s31;
	s1 =	sadd.s32 s1, s30  }
0xbc: {  	s0 =	sor.u32 s3, s0;
	s1 =	sshll.u32 s1, $0x11  }
0xbd: {  	s0 =	sor.u32 s1, s0  }
0xbe: {  	s0 =	sadd.s32 $0x8F2B, s0  }
0xbf: {  	[sflag:s0] =	ssyncadd.remote.s32 $0x1  }
0xc0: {  	_ =	sfence.sel $0xFFFF  }
0xc1: {  	[dreg:$0x0] =	wrdreg $0xFFFFFFFF;
	(pc) =	sbr.abs _section_cstart, $3  }
0xc2: {  	[dreg:$0x1] =	wrdreg $0xFFFFFFFF  }
0xc3: {  	_ =	task.clear_ibuf [dreg:s7], $0x2FFFF;
	_ =	strace $0x9FFFFFFF  }
0xc4: {  	(tm) =	ssettm $0x7FFFFFFF  }
0xc5: {  	_ =	shalt  }
tec
execute0_lowered:
.L_overlay_start_1:
0x0: {  	(tag) =	ssettag $0x1  }
0x1: {  	s1 =	srdreg.scid  }
0x2: {  	s1 =	sand.u32 $0x1, s1  }
0x3: {  	s8 =	rddreg [dreg:$0x0];
	p0 =	seq.s32 s1, $0x1  }
.Ltmp0:
0x4: {  	s2 =	rddreg [dreg:$0x1];
	(pc) =	sbr.rel @p0 .LBB2_16-.Ltmp0, $4  }
0x5: {  	s4 =	rddreg [dreg:$0x2]  }
0x6: {  	s5 =	rddreg [dreg:$0x3];
	s11 =	simm.s32 $0x0  }
0x7: {  	[smem:$0x7FF] =	sst s11  }
0x8: {  	s0 =	rddreg [dreg:$0x4];
	_ =	strace $0x80000050;
	s1 =	stileid.u32  }
0x9: {  	s3 =	sshll.u32 s1, $0x7  }
0xa: {  	s7 =	sshll.u32 s1, $0x6;
	s6 =	sadd.s32 s3, s4  }
0xb: {  	s9 =	sadd.s32 $0x5200, s8;
	s10 =	sor.u32 $0x1C01, s7;
	s12 =	sshrl.u32 s6, $0x3  }
0xc: {  	[spmem:s12], [sflag:s10] =	dma.local [hbm:s9], $0x10  }
0xd: {  	s12 =	simm.s32 $0x1  }
0xe: {  	_ =	swait.ge [sflag:s12], $0x10  }
0xf: {  	s7 =	sadd.s32 s3, s5;
	[sflag:s12] =	ssyncset.done $0x0  }
0x10: {  	s13 =	sshrl.u32 s7, $0x3;
	[sflag:s12] =	ssyncadd.s32 $0xFFFFFFF0  }
0x11: {  	[spmem:s13], [sflag:s10] =	dma.local [hbm:s9], $0x10  }
0x12: {  	_ =	swait.ge [sflag:s12], $0x10  }
0x13: {  	[sflag:s12] =	ssyncset.done $0x0  }
0x14: {  	s14 =	simm.s32 $0x14200;
	s13 =	sadd.s32 $0x4600, s8;
	[sflag:s12] =	ssyncadd.s32 $0xFFFFFFF0  }
0x15: {  	[tilespmem:s14], [sflag:$0x1] =	stream.linear.gather [hbm4b:s13+s11], $0x2800, $0x38;
	[tilespmem:$0x19600] =	vst v63  }
0x16: {  	_ =	swait.ge [sflag:s12], $0x2800  }
0x17: {  	[sflag:s12] =	ssyncset.done $0x0  }
0x18: {  	s15 =	sadd.s32 $0x4C00, s8;
	s16 =	simm.s32 $0x16A00;
	[sflag:s12] =	ssyncadd.s32 $0xFFFFD800  }
0x19: {  	[tilespmem:s16], [sflag:$0x1] =	stream.linear.gather [hbm4b:s15+s11], $0x2800, $0x38;
	[tilespmem:$0x19600] =	vst v63  }
0x1a: {  	s17 =	smul.u32 $0x5000, s1;
	_ =	swait.ge [sflag:s12], $0x2800  }
0x1b: {  	[sflag:s12] =	ssyncset.done $0x0  }
0x1c: {  	s18 =	sadd.s32 $0x18600, s8;
	s9 =	sshrl.u32 s17, $0x3;
	[sflag:s12] =	ssyncadd.s32 $0xFFFFD800  }
0x1d: {  	s9 =	sadd.s32 s18, s9;
	[bflag:$0x0] =	sbarrier.arrive $0xFFFF  }
0x1e: {  	[tilespmem:s11], [sflag:$0x1] =	stream.linear.gather [hbm4b:s9+s11], $0x2800, $0x38;
	[tilespmem:$0x19600] =	vst v63  }
0x1f: {  	_ =	swait.ge [sflag:s12], $0x2800  }
0x20: {  	[sflag:s12] =	ssyncset.done $0x0  }
0x21: {  	s19 =	simm.s32 $0x2800;
	s10 =	sadd.s32 $0xA000, s9;
	[sflag:s12] =	ssyncadd.s32 $0xFFFFD800  }
0x22: {  	[tilespmem:s19], [sflag:$0x1] =	stream.linear.gather [hbm4b:s10+s11], $0x2800, $0x38;
	[tilespmem:$0x19600] =	vst v63  }
0x23: {  	_ =	swait.ge [sflag:s12], $0x2800  }
0x24: {  	[sflag:s12] =	ssyncset.done $0x0  }
0x25: {  	s20 =	simm.s32 $0x0;
	[sflag:s12] =	ssyncadd.s32 $0xFFFFD800  }
0x26: {  	v0 =	vld [tilespmem:s20+$0x2800];
	_ =	sdelay $0x1  }
0x27: {  	v1 =	vld [tilespmem:s20+$0x0];
	_ =	sdelay $0x2  }
0x28: {  	v0 =	vadd.s32 $0xFFFFE0C0, v0  }
0x29: {  	vm0 =	vlt.u32 v0, $0x7D0  }
0x2a: {  	[tilespmem:s11+$0xA000] =	vst.msk vm0, v1;
	v1 =	vmpcnt.ones.xlane vm0  }
0x2b: {  	[tilespmem:s11+$0xF080] =	vst.msk vm0, v0  }
0x2c: {  	v0 =	vxor.u32 $0x80000000, v1;
	v1 =	vld [tilespmem:s20+$0x2810]  }
0x2d: {  	(xrf0) =	vmax.scan.msk.u32 $0xffff, v0;
	_ =	sdelay $0x3  }
0x2e: {  	v0 =	vadd.s32 $0xFFFFE0C0, v1  }
0x2f: {  	vm9 =	vlt.u32 v0, $0x7D0  }
0x30: {  	v1 =	vmpcnt.ones.xlane vm9;
	v2, _, _ =	vpop (xrf0)  }
0x31: {  	(v2sf) =	vpush v2, $0xF  }
0x32: {  	v1 =	vxor.u32 $0x80000000, v1  }
0x33: {  	(xrf0) =	vmax.scan.msk.u32 $0xffff, v1;
	_ =	sdelay $0x5  }
0x34: {  	v1, _, _ =	vpop (xrf0)  }
0x35: {  	(v2sf) =	vpush v1, $0xF;
	_ =	sdelay $0x3  }
0x36: {  	v1 =	vld [tilespmem:s20+$0x10];
	_ =	sdelay $0x1  }
0x37: {  	s21 =	spop (v2sf)  }
0x38: {  	s11 =	sadd.s32 $0x0, s21  }
0x39: {  	s11 =	sadd.s32 $0x80000000, s11  }
0x3a: {  	[tilespmem:s11+$0xA000] =	vst.msk vm9, v1  }
0x3b: {  	[tilespmem:s11+$0xF080] =	vst.msk vm9, v0  }
0x3c: {  	v0 =	vld [tilespmem:s20+$0x2820];
	_ =	sdelay $0x1  }
0x3d: {  	v1 =	vld [tilespmem:s20+$0x20];
	_ =	sdelay $0x1  }
0x3e: {  	s22 =	spop (v2sf)  }
0x3f: {  	s11 =	sadd.s32 s22, s11;
	v0 =	vadd.s32 $0xFFFFE0C0, v0  }
0x40: {  	s11 =	sadd.s32 $0x80000000, s11;
	vm10 =	vlt.u32 v0, $0x7D0  }
0x41: {  	[tilespmem:s11+$0xA000] =	vst.msk vm10, v1;
	v1 =	vmpcnt.ones.xlane vm10  }
0x42: {  	[tilespmem:s11+$0xF080] =	vst.msk vm10, v0  }
0x43: {  	v0 =	vxor.u32 $0x80000000, v1;
	v1 =	vld [tilespmem:s20+$0x2830]  }
0x44: {  	(xrf0) =	vmax.scan.msk.u32 $0xffff, v0;
	_ =	sdelay $0x3  }
0x45: {  	v0 =	vadd.s32 $0xFFFFE0C0, v1  }
0x46: {  	vm11 =	vlt.u32 v0, $0x7D0  }
0x47: {  	v1 =	vmpcnt.ones.xlane vm11;
	v2, _, _ =	vpop (xrf0)  }
0x48: {  	(v2sf) =	vpush v2, $0xF  }
0x49: {  	v1 =	vxor.u32 $0x80000000, v1  }
0x4a: {  	(xrf0) =	vmax.scan.msk.u32 $0xffff, v1;
	_ =	sdelay $0x5  }
0x4b: {  	v1, _, _ =	vpop (xrf0)  }
0x4c: {  	(v2sf) =	vpush v1, $0xF;
	_ =	sdelay $0x3  }
0x4d: {  	v1 =	vld [tilespmem:s20+$0x30];
	_ =	sdelay $0x1  }
0x4e: {  	s23 =	spop (v2sf)  }
0x4f: {  	s11 =	sadd.s32 s23, s11  }
0x50: {  	s11 =	sadd.s32 $0x80000000, s11  }
0x51: {  	[tilespmem:s11+$0xA000] =	vst.msk vm11, v1  }
0x52: {  	[tilespmem:s11+$0xF080] =	vst.msk vm11, v0  }
0x53: {  	v0 =	vld [tilespmem:s20+$0x2840];
	_ =	sdelay $0x1  }
0x54: {  	v1 =	vld [tilespmem:s20+$0x40];
	_ =	sdelay $0x1  }
0x55: {  	s24 =	spop (v2sf)  }
0x56: {  	s11 =	sadd.s32 s24, s11;
	v0 =	vadd.s32 $0xFFFFE0C0, v0  }
0x57: {  	s11 =	sadd.s32 $0x80000000, s11;
	vm12 =	vlt.u32 v0, $0x7D0  }
0x58: {  	[tilespmem:s11+$0xA000] =	vst.msk vm12, v1;
	v1 =	vmpcnt.ones.xlane vm12  }
0x59: {  	[tilespmem:s11+$0xF080] =	vst.msk vm12, v0  }
0x5a: {  	v0 =	vxor.u32 $0x80000000, v1;
	v1 =	vld [tilespmem:s20+$0x2850]  }
0x5b: {  	(xrf0) =	vmax.scan.msk.u32 $0xffff, v0;
	_ =	sdelay $0x3  }
0x5c: {  	v0 =	vadd.s32 $0xFFFFE0C0, v1  }
0x5d: {  	vm13 =	vlt.u32 v0, $0x7D0  }
0x5e: {  	v1 =	vmpcnt.ones.xlane vm13;
	v2, _, _ =	vpop (xrf0)  }
0x5f: {  	(v2sf) =	vpush v2, $0xF  }
0x60: {  	v1 =	vxor.u32 $0x80000000, v1  }
0x61: {  	(xrf0) =	vmax.scan.msk.u32 $0xffff, v1;
	_ =	sdelay $0x5  }
0x62: {  	v1, _, _ =	vpop (xrf0)  }
0x63: {  	(v2sf) =	vpush v1, $0xF;
	_ =	sdelay $0x3  }
0x64: {  	v1 =	vld [tilespmem:s20+$0x50];
	_ =	sdelay $0x1  }
0x65: {  	s25 =	spop (v2sf)  }
0x66: {  	s11 =	sadd.s32 s25, s11  }
0x67: {  	s11 =	sadd.s32 $0x80000000, s11  }
0x68: {  	[tilespmem:s11+$0xA000] =	vst.msk vm13, v1  }
0x69: {  	[tilespmem:s11+$0xF080] =	vst.msk vm13, v0  }
0x6a: {  	v0 =	vld [tilespmem:s20+$0x2860];
	_ =	sdelay $0x1  }
0x6b: {  	v1 =	vld [tilespmem:s20+$0x60];
	_ =	sdelay $0x1  }
0x6c: {  	s26 =	spop (v2sf)  }
0x6d: {  	s11 =	sadd.s32 s26, s11;
	v0 =	vadd.s32 $0xFFFFE0C0, v0  }
0x6e: {  	s11 =	sadd.s32 $0x80000000, s11;
	vm14 =	vlt.u32 v0, $0x7D0  }
0x6f: {  	[tilespmem:s11+$0xA000] =	vst.msk vm14, v1;
	v1 =	vmpcnt.ones.xlane vm14  }
0x70: {  	[tilespmem:s11+$0xF080] =	vst.msk vm14, v0  }
0x71: {  	v0 =	vxor.u32 $0x80000000, v1;
	v1 =	vld [tilespmem:s20+$0x2870]  }
0x72: {  	(xrf0) =	vmax.scan.msk.u32 $0xffff, v0;
	_ =	sdelay $0x3  }
0x73: {  	v0 =	vadd.s32 $0xFFFFE0C0, v1  }
0x74: {  	vm15 =	vlt.u32 v0, $0x7D0  }
0x75: {  	v1 =	vmpcnt.ones.xlane vm15;
	v2, _, _ =	vpop (xrf0)  }
0x76: {  	(v2sf) =	vpush v2, $0xF  }
0x77: {  	v1 =	vxor.u32 $0x80000000, v1  }
0x78: {  	(xrf0) =	vmax.scan.msk.u32 $0xffff, v1;
	_ =	sdelay $0x5  }
0x79: {  	v1, _, _ =	vpop (xrf0)  }
0x7a: {  	(v2sf) =	vpush v1, $0xF;
	_ =	sdelay $0x3  }
0x7b: {  	v1 =	vld [tilespmem:s20+$0x70];
	_ =	sdelay $0x1  }
0x7c: {  	s28 =	spop (v2sf)  }
0x7d: {  	s10 =	sadd.s32 s28, s11  }
0x7e: {  	s15 =	sadd.s32 $0x80000000, s10  }
0x7f: {  	[tilespmem:s15+$0xA000] =	vst.msk vm15, v1  }
0x80: {  	s13 =	simm.s32 $0x80;
	[tilespmem:s15+$0xF080] =	vst.msk vm15, v0  }
0x81: {  	v1 =	vld [tilespmem:s13+$0x2800]  }
0x82: {  	s29 =	sshll.u32 s1, $0x4  }
0x83: {  	s30 =	sshrl.u32 s3, $0x3;
	s14 =	sadd.s32 s29, s8  }
0x84: {  	s31 =	sadd.s32 s8, s30;
	s8 =	sadd.s32 $0x5600, s14;
	s12 =	sadd.s32 $0x500, s9;
	v0 =	vld [tilespmem:s13+$0x0]  }
0x85: {  	s11 =	sadd.s32 $0xA500, s9;
	s9 =	sadd.s32 $0x5400, s14;
	s16 =	spop (v2sf)  }
0x86: {  	s14 =	simm.s32 $0x400;
	s10 =	sadd.s32 $0x7ADE8, s31;
	v1 =	vadd.s32 $0xFFFFE0C0, v1;
	s15 =	sadd.s32 s16, s15  }
.LBB2_2:
0x87: {  	p0 =	sne.s32 s14, $0x9E00  }
0x88: {  	vm0 =	vlt.u32 v1, $0x7D0;
	s16 =	sadd.s32 $0x80000000, s15;
	s15 =	smov.u32 s14;
	s14 =	sadd.s32 $0x200, s14  }
0x89: {  	[tilespmem:s16+$0xA000] =	vst.msk vm0, v0;
	v0 =	vmpcnt.ones.xlane vm0  }
0x8a: {  	[tilespmem:s16+$0xF080] =	vst.msk vm0, v1  }
0x8b: {  	v0 =	vxor.u32 $0x80000000, v0;
	v1 =	vld [tilespmem:s13+$0x2810]  }
0x8c: {  	(xrf0) =	vmax.scan.msk.u32 $0xffff, v0;
	_ =	sdelay $0x3  }
0x8d: {  	v0 =	vadd.s32 $0xFFFFE0C0, v1  }
0x8e: {  	vm0 =	vlt.u32 v0, $0x7D0  }
0x8f: {  	v1 =	vmpcnt.ones.xlane vm0;
	v2, _, _ =	vpop (xrf0)  }
0x90: {  	(v2sf) =	vpush v2, $0xF  }
0x91: {  	v1 =	vxor.u32 $0x80000000, v1  }
0x92: {  	(xrf0) =	vmax.scan.msk.u32 $0xffff, v1;
	_ =	sdelay $0x5  }
0x93: {  	v1, _, _ =	vpop (xrf0)  }
0x94: {  	(v2sf) =	vpush v1, $0xF;
	_ =	sdelay $0x3  }
0x95: {  	v1 =	vld [tilespmem:s13+$0x10];
	_ =	sdelay $0x1  }
0x96: {  	s17 =	spop (v2sf)  }
0x97: {  	s16 =	sadd.s32 s17, s16  }
0x98: {  	s16 =	sadd.s32 $0x80000000, s16  }
0x99: {  	[tilespmem:s16+$0xA000] =	vst.msk vm0, v1  }
0x9a: {  	[tilespmem:s16+$0xF080] =	vst.msk vm0, v0  }
0x9b: {  	v0 =	vld [tilespmem:s13+$0x2820];
	_ =	sdelay $0x1  }
0x9c: {  	v1 =	vld [tilespmem:s13+$0x20];
	_ =	sdelay $0x1  }
0x9d: {  	s17 =	spop (v2sf)  }
0x9e: {  	s16 =	sadd.s32 s17, s16;
	v0 =	vadd.s32 $0xFFFFE0C0, v0  }
0x9f: {  	s16 =	sadd.s32 $0x80000000, s16;
	vm0 =	vlt.u32 v0, $0x7D0  }
0xa0: {  	[tilespmem:s16+$0xA000] =	vst.msk vm0, v1;
	v1 =	vmpcnt.ones.xlane vm0  }
0xa1: {  	[tilespmem:s16+$0xF080] =	vst.msk vm0, v0  }
0xa2: {  	v0 =	vxor.u32 $0x80000000, v1;
	v1 =	vld [tilespmem:s13+$0x2830]  }
0xa3: {  	(xrf0) =	vmax.scan.msk.u32 $0xffff, v0;
	_ =	sdelay $0x3  }
0xa4: {  	v0 =	vadd.s32 $0xFFFFE0C0, v1  }
0xa5: {  	vm0 =	vlt.u32 v0, $0x7D0  }
0xa6: {  	v1 =	vmpcnt.ones.xlane vm0;
	v2, _, _ =	vpop (xrf0)  }
0xa7: {  	(v2sf) =	vpush v2, $0xF  }
0xa8: {  	v1 =	vxor.u32 $0x80000000, v1  }
0xa9: {  	(xrf0) =	vmax.scan.msk.u32 $0xffff, v1;
	_ =	sdelay $0x5  }
0xaa: {  	v1, _, _ =	vpop (xrf0)  }
0xab: {  	(v2sf) =	vpush v1, $0xF;
	_ =	sdelay $0x3  }
0xac: {  	v1 =	vld [tilespmem:s13+$0x30];
	_ =	sdelay $0x1  }
0xad: {  	s17 =	spop (v2sf)  }
0xae: {  	s16 =	sadd.s32 s17, s16  }
0xaf: {  	s16 =	sadd.s32 $0x80000000, s16  }
0xb0: {  	[tilespmem:s16+$0xA000] =	vst.msk vm0, v1  }
0xb1: {  	[tilespmem:s16+$0xF080] =	vst.msk vm0, v0  }
0xb2: {  	v0 =	vld [tilespmem:s13+$0x2840];
	_ =	sdelay $0x1  }
0xb3: {  	v1 =	vld [tilespmem:s13+$0x40];
	_ =	sdelay $0x1  }
0xb4: {  	s17 =	spop (v2sf)  }
0xb5: {  	s16 =	sadd.s32 s17, s16;
	v0 =	vadd.s32 $0xFFFFE0C0, v0  }
0xb6: {  	s16 =	sadd.s32 $0x80000000, s16;
	vm0 =	vlt.u32 v0, $0x7D0  }
0xb7: {  	[tilespmem:s16+$0xA000] =	vst.msk vm0, v1;
	v1 =	vmpcnt.ones.xlane vm0  }
0xb8: {  	[tilespmem:s16+$0xF080] =	vst.msk vm0, v0  }
0xb9: {  	v0 =	vxor.u32 $0x80000000, v1;
	v1 =	vld [tilespmem:s13+$0x2850]  }
0xba: {  	v2 =	vld [tilespmem:s13+$0x50];
	(xrf0) =	vmax.scan.msk.u32 $0xffff, v0;
	_ =	sdelay $0x3  }
0xbb: {  	v0 =	vadd.s32 $0xFFFFE0C0, v1  }
0xbc: {  	vm0 =	vlt.u32 v0, $0x7D0  }
0xbd: {  	v1 =	vmpcnt.ones.xlane vm0;
	v3, _, _ =	vpop (xrf0)  }
0xbe: {  	(v2sf) =	vpush v3, $0xF  }
0xbf: {  	v1 =	vxor.u32 $0x80000000, v1  }
0xc0: {  	(xrf0) =	vmax.scan.msk.u32 $0xffff, v1;
	_ =	sdelay $0x5  }
0xc1: {  	v1, _, _ =	vpop (xrf0)  }
0xc2: {  	(v2sf) =	vpush v1, $0xF;
	_ =	sdelay $0x5  }
0xc3: {  	s17 =	spop (v2sf)  }
0xc4: {  	s16 =	sadd.s32 s17, s16  }
0xc5: {  	s16 =	sadd.s32 $0x80000000, s16  }
0xc6: {  	[tilespmem:s16+$0xA000] =	vst.msk vm0, v2  }
0xc7: {  	[tilespmem:s16+$0xF080] =	vst.msk vm0, v0  }
0xc8: {  	v0 =	vld [tilespmem:s13+$0x2860]  }
0xc9: {  	v1 =	vld [tilespmem:s13+$0x60];
	_ =	sdelay $0x2  }
0xca: {  	s17 =	spop (v2sf)  }
0xcb: {  	s16 =	sadd.s32 s17, s16;
	v0 =	vadd.s32 $0xFFFFE0C0, v0  }
0xcc: {  	s16 =	sadd.s32 $0x80000000, s16;
	vm0 =	vlt.u32 v0, $0x7D0  }
0xcd: {  	[tilespmem:s16+$0xA000] =	vst.msk vm0, v1;
	v1 =	vmpcnt.ones.xlane vm0  }
0xce: {  	[tilespmem:s16+$0xF080] =	vst.msk vm0, v0  }
0xcf: {  	v0 =	vxor.u32 $0x80000000, v1;
	v1 =	vld [tilespmem:s13+$0x2870]  }
0xd0: {  	v2 =	vld [tilespmem:s13+$0x70];
	(xrf0) =	vmax.scan.msk.u32 $0xffff, v0;
	_ =	sdelay $0x3  }
0xd1: {  	v0 =	vadd.s32 $0xFFFFE0C0, v1  }
0xd2: {  	vm0 =	vlt.u32 v0, $0x7D0  }
0xd3: {  	v1 =	vmpcnt.ones.xlane vm0;
	v3, _, _ =	vpop (xrf0)  }
0xd4: {  	(v2sf) =	vpush v3, $0xF  }
0xd5: {  	v1 =	vxor.u32 $0x80000000, v1  }
0xd6: {  	(xrf0) =	vmax.scan.msk.u32 $0xffff, v1;
	_ =	sdelay $0x5  }
0xd7: {  	v1, _, _ =	vpop (xrf0)  }
0xd8: {  	(v2sf) =	vpush v1, $0xF;
	_ =	sdelay $0x5  }
0xd9: {  	s13 =	spop (v2sf)  }
0xda: {  	s13 =	sadd.s32 s13, s16  }
0xdb: {  	s16 =	sadd.s32 $0x80000000, s13  }
0xdc: {  	[tilespmem:s16+$0xA000] =	vst.msk vm0, v2  }
0xdd: {  	s13 =	sshra.s32 s15, $0x2;
	[tilespmem:s16+$0xF080] =	vst.msk vm0, v0  }
0xde: {  	v1 =	vld [tilespmem:s13+$0x2800]  }
.Ltmp1:
0xdf: {  	(pc) =	sbr.rel @p0 .LBB2_2-.Ltmp1, $3  }
0xe0: {  	v0 =	vld [tilespmem:s13+$0x0];
	_ =	sdelay $0x1  }
0xe1: {  	s15 =	spop (v2sf)  }
0xe2: {  	v1 =	vadd.s32 $0xFFFFE0C0, v1;
	s15 =	sadd.s32 s15, s16  }
0xe3: {  	vm0 =	vlt.u32 v1, $0x7D0;
	s14 =	sadd.s32 $0x80000000, s15  }
0xe4: {  	[tilespmem:s14+$0xA000] =	vst.msk vm0, v0;
	v0 =	vmpcnt.ones.xlane vm0  }
0xe5: {  	[tilespmem:s14+$0xF080] =	vst.msk vm0, v1  }
0xe6: {  	v0 =	vxor.u32 $0x80000000, v0;
	v1 =	vld [tilespmem:s13+$0x2810]  }
0xe7: {  	(xrf0) =	vmax.scan.msk.u32 $0xffff, v0;
	_ =	sdelay $0x3  }
0xe8: {  	v0 =	vadd.s32 $0xFFFFE0C0, v1  }
0xe9: {  	vm13 =	vlt.u32 v0, $0x7D0  }
0xea: {  	v1 =	vmpcnt.ones.xlane vm13;
	v2, _, _ =	vpop (xrf0)  }
0xeb: {  	(v2sf) =	vpush v2, $0xF  }
0xec: {  	v1 =	vxor.u32 $0x80000000, v1  }
0xed: {  	(xrf0) =	vmax.scan.msk.u32 $0xffff, v1;
	_ =	sdelay $0x5  }
0xee: {  	v1, _, _ =	vpop (xrf0)  }
0xef: {  	(v2sf) =	vpush v1, $0xF;
	_ =	sdelay $0x3  }
0xf0: {  	v1 =	vld [tilespmem:s13+$0x10];
	_ =	sdelay $0x1  }
0xf1: {  	s26 =	spop (v2sf)  }
0xf2: {  	s14 =	sadd.s32 s26, s14  }
0xf3: {  	s14 =	sadd.s32 $0x80000000, s14  }
0xf4: {  	[tilespmem:s14+$0xA000] =	vst.msk vm13, v1  }
0xf5: {  	[tilespmem:s14+$0xF080] =	vst.msk vm13, v0  }
0xf6: {  	v0 =	vld [tilespmem:s13+$0x2820];
	_ =	sdelay $0x1  }
0xf7: {  	v1 =	vld [tilespmem:s13+$0x20];
	_ =	sdelay $0x1  }
0xf8: {  	s28 =	spop (v2sf)  }
0xf9: {  	s14 =	sadd.s32 s28, s14;
	v0 =	vadd.s32 $0xFFFFE0C0, v0  }
0xfa: {  	s14 =	sadd.s32 $0x80000000, s14;
	vm14 =	vlt.u32 v0, $0x7D0  }
0xfb: {  	[tilespmem:s14+$0xA000] =	vst.msk vm14, v1;
	v1 =	vmpcnt.ones.xlane vm14  }
0xfc: {  	[tilespmem:s14+$0xF080] =	vst.msk vm14, v0  }
0xfd: {  	v0 =	vxor.u32 $0x80000000, v1;
	v1 =	vld [tilespmem:s13+$0x2830]  }
0xfe: {  	(xrf0) =	vmax.scan.msk.u32 $0xffff, v0;
	_ =	sdelay $0x3  }
0xff: {  	v0 =	vadd.s32 $0xFFFFE0C0, v1  }
0x100: {  	vm15 =	vlt.u32 v0, $0x7D0  }
0x101: {  	v1 =	vmpcnt.ones.xlane vm15;
	v2, _, _ =	vpop (xrf0)  }
0x102: {  	(v2sf) =	vpush v2, $0xF  }
0x103: {  	v1 =	vxor.u32 $0x80000000, v1  }
0x104: {  	(xrf0) =	vmax.scan.msk.u32 $0xffff, v1;
	_ =	sdelay $0x5  }
0x105: {  	v1, _, _ =	vpop (xrf0)  }
0x106: {  	(v2sf) =	vpush v1, $0xF;
	_ =	sdelay $0x3  }
0x107: {  	v1 =	vld [tilespmem:s13+$0x30];
	_ =	sdelay $0x1  }
0x108: {  	s29 =	spop (v2sf)  }
0x109: {  	s14 =	sadd.s32 s29, s14  }
0x10a: {  	s14 =	sadd.s32 $0x80000000, s14  }
0x10b: {  	[tilespmem:s14+$0xA000] =	vst.msk vm15, v1  }
0x10c: {  	[tilespmem:s14+$0xF080] =	vst.msk vm15, v0  }
0x10d: {  	v0 =	vld [tilespmem:s13+$0x2840];
	_ =	sdelay $0x1  }
0x10e: {  	v1 =	vld [tilespmem:s13+$0x40];
	_ =	sdelay $0x1  }
0x10f: {  	s30 =	spop (v2sf)  }
0x110: {  	s14 =	sadd.s32 s30, s14;
	v0 =	vadd.s32 $0xFFFFE0C0, v0  }
0x111: {  	s14 =	sadd.s32 $0x80000000, s14;
	vm4 =	vlt.u32 v0, $0x7D0  }
0x112: {  	[tilespmem:s14+$0xA000] =	vst.msk vm4, v1;
	v1 =	vmpcnt.ones.xlane vm4  }
0x113: {  	[tilespmem:s14+$0xF080] =	vst.msk vm4, v0  }
0x114: {  	v0 =	vxor.u32 $0x80000000, v1;
	v1 =	vld [tilespmem:s13+$0x2850]  }
0x115: {  	(xrf0) =	vmax.scan.msk.u32 $0xffff, v0;
	_ =	sdelay $0x3  }
0x116: {  	v0 =	vadd.s32 $0xFFFFE0C0, v1  }
0x117: {  	vm5 =	vlt.u32 v0, $0x7D0  }
0x118: {  	v1 =	vmpcnt.ones.xlane vm5;
	v2, _, _ =	vpop (xrf0)  }
0x119: {  	(v2sf) =	vpush v2, $0xF  }
0x11a: {  	v1 =	vxor.u32 $0x80000000, v1  }
0x11b: {  	(xrf0) =	vmax.scan.msk.u32 $0xffff, v1;
	_ =	sdelay $0x5  }
0x11c: {  	v1, _, _ =	vpop (xrf0)  }
0x11d: {  	(v2sf) =	vpush v1, $0xF;
	_ =	sdelay $0x3  }
0x11e: {  	v1 =	vld [tilespmem:s13+$0x50];
	_ =	sdelay $0x1  }
0x11f: {  	s31 =	spop (v2sf)  }
0x120: {  	s14 =	sadd.s32 s31, s14  }
0x121: {  	s14 =	sadd.s32 $0x80000000, s14  }
0x122: {  	[tilespmem:s14+$0xA000] =	vst.msk vm5, v1  }
0x123: {  	[tilespmem:s14+$0xF080] =	vst.msk vm5, v0  }
0x124: {  	v0 =	vld [tilespmem:s13+$0x2860];
	_ =	sdelay $0x1  }
0x125: {  	v1 =	vld [tilespmem:s13+$0x60];
	_ =	sdelay $0x1  }
0x126: {  	s16 =	spop (v2sf)  }
0x127: {  	s14 =	sadd.s32 s16, s14;
	v0 =	vadd.s32 $0xFFFFE0C0, v0  }
0x128: {  	s14 =	sadd.s32 $0x80000000, s14;
	vm6 =	vlt.u32 v0, $0x7D0  }
0x129: {  	[tilespmem:s14+$0xA000] =	vst.msk vm6, v1  }
0x12a: {  	[tilespmem:s14+$0xF080] =	vst.msk vm6, v0  }
0x12b: {  	v0 =	vld [tilespmem:s13+$0x2870]  }
0x12c: {  	v1 =	vmpcnt.ones.xlane vm6;
	_ =	sdelay $0x1  }
0x12d: {  	v1 =	vxor.u32 $0x80000000, v1  }
0x12e: {  	(xrf0) =	vmax.scan.msk.u32 $0xffff, v1  }
0x12f: {  	v0 =	vadd.s32 $0xFFFFE0C0, v0  }
0x130: {  	vm7 =	vlt.u32 v0, $0x7D0  }
0x131: {  	v1 =	vmpcnt.ones.xlane vm7;
	_ =	sdelay $0x1  }
0x132: {  	v1 =	vxor.u32 $0x80000000, v1  }
0x133: {  	v2, _, _ =	vpop (xrf0);
	(xrf0) =	vmax.scan.msk.u32 $0xffff, v1  }
0x134: {  	(v2sf) =	vpush v2, $0xF;
	_ =	sdelay $0x4  }
0x135: {  	v1, _, _ =	vpop (xrf0)  }
0x136: {  	(v2sf) =	vpush v1, $0xF;
	_ =	sdelay $0x6  }
0x137: {  	v1 =	vld [tilespmem:s13+$0x70];
	_ =	sdelay $0x1  }
0x138: {  	s17 =	spop (v2sf)  }
0x139: {  	s13 =	sadd.s32 s17, s14  }
0x13a: {  	s13 =	sadd.s32 $0x80000000, s13  }
0x13b: {  	[tilespmem:s13+$0xA000] =	vst.msk vm7, v1  }
0x13c: {  	s18 =	simm.s32 $0x0;
	[tilespmem:s13+$0xF080] =	vst.msk vm7, v0  }
0x13d: {  	[tilespmem:s18], [sflag:$0x1] =	stream.linear.gather [hbm4b:s12+s18], $0x2800, $0x38;
	[tilespmem:$0x19600] =	vst v63  }
0x13e: {  	s20 =	simm.s32 $0x1;
	s19 =	spop (v2sf)  }
0x13f: {  	_ =	swait.ge [sflag:s20], $0x2800  }
0x140: {  	[sflag:s20] =	ssyncset.done $0x0  }
0x141: {  	s16 =	simm.s32 $0x2800;
	[sflag:s20] =	ssyncadd.s32 $0xFFFFD800  }
0x142: {  	[tilespmem:s16], [sflag:$0x1] =	stream.linear.gather [hbm4b:s11+s18], $0x2800, $0x38;
	[tilespmem:$0x19600] =	vst v63  }
0x143: {  	_ =	swait.ge [sflag:s20], $0x2800  }
0x144: {  	[sflag:s20] =	ssyncset.done $0x0  }
0x145: {  	s21 =	simm.s32 $0x0;
	[sflag:s20] =	ssyncadd.s32 $0xFFFFD800  }
0x146: {  	v0 =	vld [tilespmem:s21+$0x2800];
	_ =	sdelay $0x1  }
0x147: {  	v1 =	vld [tilespmem:s21+$0x0];
	_ =	sdelay $0x2  }
0x148: {  	s12 =	sadd.s32 s19, s13;
	v0 =	vadd.s32 $0xFFFFE0C0, v0  }
0x149: {  	s12 =	sadd.s32 $0x80000000, s12;
	vm8 =	vlt.u32 v0, $0x7D0  }
0x14a: {  	[tilespmem:s12+$0xA000] =	vst.msk vm8, v1;
	v1 =	vmpcnt.ones.xlane vm8  }
0x14b: {  	[tilespmem:s12+$0xF080] =	vst.msk vm8, v0  }
0x14c: {  	v0 =	vxor.u32 $0x80000000, v1;
	v1 =	vld [tilespmem:s21+$0x2810]  }
0x14d: {  	(xrf0) =	vmax.scan.msk.u32 $0xffff, v0;
	_ =	sdelay $0x3  }
0x14e: {  	v0 =	vadd.s32 $0xFFFFE0C0, v1  }
0x14f: {  	vm9 =	vlt.u32 v0, $0x7D0  }
0x150: {  	v1 =	vmpcnt.ones.xlane vm9;
	v2, _, _ =	vpop (xrf0)  }
0x151: {  	(v2sf) =	vpush v2, $0xF  }
0x152: {  	v1 =	vxor.u32 $0x80000000, v1  }
0x153: {  	(xrf0) =	vmax.scan.msk.u32 $0xffff, v1;
	_ =	sdelay $0x5  }
0x154: {  	v1, _, _ =	vpop (xrf0)  }
0x155: {  	(v2sf) =	vpush v1, $0xF;
	_ =	sdelay $0x3  }
0x156: {  	v1 =	vld [tilespmem:s21+$0x10];
	_ =	sdelay $0x1  }
0x157: {  	s22 =	spop (v2sf)  }
0x158: {  	s12 =	sadd.s32 s22, s12  }
0x159: {  	s12 =	sadd.s32 $0x80000000, s12  }
0x15a: {  	[tilespmem:s12+$0xA000] =	vst.msk vm9, v1  }
0x15b: {  	[tilespmem:s12+$0xF080] =	vst.msk vm9, v0  }
0x15c: {  	v0 =	vld [tilespmem:s21+$0x2820];
	_ =	sdelay $0x1  }
0x15d: {  	v1 =	vld [tilespmem:s21+$0x20];
	_ =	sdelay $0x1  }
0x15e: {  	s23 =	spop (v2sf)  }
0x15f: {  	s12 =	sadd.s32 s23, s12;
	v0 =	vadd.s32 $0xFFFFE0C0, v0  }
0x160: {  	s12 =	sadd.s32 $0x80000000, s12;
	vm10 =	vlt.u32 v0, $0x7D0  }
0x161: {  	[tilespmem:s12+$0xA000] =	vst.msk vm10, v1;
	v1 =	vmpcnt.ones.xlane vm10  }
0x162: {  	[tilespmem:s12+$0xF080] =	vst.msk vm10, v0  }
0x163: {  	v0 =	vxor.u32 $0x80000000, v1;
	v1 =	vld [tilespmem:s21+$0x2830]  }
0x164: {  	(xrf0) =	vmax.scan.msk.u32 $0xffff, v0;
	_ =	sdelay $0x3  }
0x165: {  	v0 =	vadd.s32 $0xFFFFE0C0, v1  }
0x166: {  	vm11 =	vlt.u32 v0, $0x7D0  }
0x167: {  	v1 =	vmpcnt.ones.xlane vm11;
	v2, _, _ =	vpop (xrf0)  }
0x168: {  	(v2sf) =	vpush v2, $0xF  }
0x169: {  	v1 =	vxor.u32 $0x80000000, v1  }
0x16a: {  	(xrf0) =	vmax.scan.msk.u32 $0xffff, v1;
	_ =	sdelay $0x5  }
0x16b: {  	v1, _, _ =	vpop (xrf0)  }
0x16c: {  	(v2sf) =	vpush v1, $0xF;
	_ =	sdelay $0x3  }
0x16d: {  	v1 =	vld [tilespmem:s21+$0x30];
	_ =	sdelay $0x1  }
0x16e: {  	s24 =	spop (v2sf)  }
0x16f: {  	s12 =	sadd.s32 s24, s12  }
0x170: {  	s12 =	sadd.s32 $0x80000000, s12  }
0x171: {  	[tilespmem:s12+$0xA000] =	vst.msk vm11, v1  }
0x172: {  	[tilespmem:s12+$0xF080] =	vst.msk vm11, v0  }
0x173: {  	v0 =	vld [tilespmem:s21+$0x2840];
	_ =	sdelay $0x1  }
0x174: {  	v1 =	vld [tilespmem:s21+$0x40];
	_ =	sdelay $0x1  }
0x175: {  	s25 =	spop (v2sf)  }
0x176: {  	s12 =	sadd.s32 s25, s12;
	v0 =	vadd.s32 $0xFFFFE0C0, v0  }
0x177: {  	s12 =	sadd.s32 $0x80000000, s12;
	vm12 =	vlt.u32 v0, $0x7D0  }
0x178: {  	[tilespmem:s12+$0xA000] =	vst.msk vm12, v1;
	v1 =	vmpcnt.ones.xlane vm12  }
0x179: {  	[tilespmem:s12+$0xF080] =	vst.msk vm12, v0  }
0x17a: {  	v0 =	vxor.u32 $0x80000000, v1;
	v1 =	vld [tilespmem:s21+$0x2850]  }
0x17b: {  	(xrf0) =	vmax.scan.msk.u32 $0xffff, v0;
	_ =	sdelay $0x3  }
0x17c: {  	v0 =	vadd.s32 $0xFFFFE0C0, v1  }
0x17d: {  	vm13 =	vlt.u32 v0, $0x7D0  }
0x17e: {  	v1 =	vmpcnt.ones.xlane vm13;
	v2, _, _ =	vpop (xrf0)  }
0x17f: {  	(v2sf) =	vpush v2, $0xF  }
0x180: {  	v1 =	vxor.u32 $0x80000000, v1  }
0x181: {  	(xrf0) =	vmax.scan.msk.u32 $0xffff, v1;
	_ =	sdelay $0x5  }
0x182: {  	v1, _, _ =	vpop (xrf0)  }
0x183: {  	(v2sf) =	vpush v1, $0xF;
	_ =	sdelay $0x3  }
0x184: {  	v1 =	vld [tilespmem:s21+$0x50];
	_ =	sdelay $0x1  }
0x185: {  	s26 =	spop (v2sf)  }
0x186: {  	s12 =	sadd.s32 s26, s12  }
0x187: {  	s12 =	sadd.s32 $0x80000000, s12  }
0x188: {  	[tilespmem:s12+$0xA000] =	vst.msk vm13, v1  }
0x189: {  	[tilespmem:s12+$0xF080] =	vst.msk vm13, v0  }
0x18a: {  	v0 =	vld [tilespmem:s21+$0x2860];
	_ =	sdelay $0x1  }
0x18b: {  	v1 =	vld [tilespmem:s21+$0x60];
	_ =	sdelay $0x1  }
0x18c: {  	s28 =	spop (v2sf)  }
0x18d: {  	s12 =	sadd.s32 s28, s12;
	v0 =	vadd.s32 $0xFFFFE0C0, v0  }
0x18e: {  	s12 =	sadd.s32 $0x80000000, s12;
	vm14 =	vlt.u32 v0, $0x7D0  }
0x18f: {  	[tilespmem:s12+$0xA000] =	vst.msk vm14, v1;
	v1 =	vmpcnt.ones.xlane vm14  }
0x190: {  	[tilespmem:s12+$0xF080] =	vst.msk vm14, v0  }
0x191: {  	v0 =	vxor.u32 $0x80000000, v1;
	v1 =	vld [tilespmem:s21+$0x2870]  }
0x192: {  	(xrf0) =	vmax.scan.msk.u32 $0xffff, v0;
	_ =	sdelay $0x3  }
0x193: {  	v0 =	vadd.s32 $0xFFFFE0C0, v1  }
0x194: {  	vm15 =	vlt.u32 v0, $0x7D0  }
0x195: {  	v1 =	vmpcnt.ones.xlane vm15;
	v2, _, _ =	vpop (xrf0)  }
0x196: {  	(v2sf) =	vpush v2, $0xF  }
0x197: {  	v1 =	vxor.u32 $0x80000000, v1  }
0x198: {  	(xrf0) =	vmax.scan.msk.u32 $0xffff, v1;
	_ =	sdelay $0x5  }
0x199: {  	v1, _, _ =	vpop (xrf0)  }
0x19a: {  	(v2sf) =	vpush v1, $0xF;
	_ =	sdelay $0x3  }
0x19b: {  	v1 =	vld [tilespmem:s21+$0x70];
	_ =	sdelay $0x1  }
0x19c: {  	s29 =	spop (v2sf)  }
0x19d: {  	s11 =	sadd.s32 s29, s12  }
0x19e: {  	s30 =	sadd.s32 $0x80000000, s11  }
0x19f: {  	[tilespmem:s30+$0xA000] =	vst.msk vm15, v1  }
0x1a0: {  	s11 =	simm.s32 $0x80;
	[tilespmem:s30+$0xF080] =	vst.msk vm15, v0  }
0x1a1: {  	v1 =	vld [tilespmem:s11+$0x2800];
	_ =	sdelay $0x2  }
0x1a2: {  	v0 =	vld [tilespmem:s11+$0x0]  }
0x1a3: {  	s31 =	spop (v2sf)  }
0x1a4: {  	s12 =	simm.s32 $0x400;
	v1 =	vadd.s32 $0xFFFFE0C0, v1;
	s13 =	sadd.s32 s31, s30  }
.LBB2_4:
0x1a5: {  	p0 =	sne.s32 s12, $0x9E00  }
0x1a6: {  	vm0 =	vlt.u32 v1, $0x7D0;
	s14 =	sadd.s32 $0x80000000, s13;
	s13 =	smov.u32 s12;
	s12 =	sadd.s32 $0x200, s12  }
0x1a7: {  	[tilespmem:s14+$0xA000] =	vst.msk vm0, v0;
	v0 =	vmpcnt.ones.xlane vm0  }
0x1a8: {  	[tilespmem:s14+$0xF080] =	vst.msk vm0, v1  }
0x1a9: {  	v0 =	vxor.u32 $0x80000000, v0;
	v1 =	vld [tilespmem:s11+$0x2810]  }
0x1aa: {  	(xrf0) =	vmax.scan.msk.u32 $0xffff, v0;
	_ =	sdelay $0x3  }
0x1ab: {  	v0 =	vadd.s32 $0xFFFFE0C0, v1  }
0x1ac: {  	vm0 =	vlt.u32 v0, $0x7D0  }
0x1ad: {  	v1 =	vmpcnt.ones.xlane vm0;
	v2, _, _ =	vpop (xrf0)  }
0x1ae: {  	(v2sf) =	vpush v2, $0xF  }
0x1af: {  	v1 =	vxor.u32 $0x80000000, v1  }
0x1b0: {  	(xrf0) =	vmax.scan.msk.u32 $0xffff, v1;
	_ =	sdelay $0x5  }
0x1b1: {  	v1, _, _ =	vpop (xrf0)  }
0x1b2: {  	(v2sf) =	vpush v1, $0xF;
	_ =	sdelay $0x3  }
0x1b3: {  	v1 =	vld [tilespmem:s11+$0x10];
	_ =	sdelay $0x1  }
0x1b4: {  	s15 =	spop (v2sf)  }
0x1b5: {  	s14 =	sadd.s32 s15, s14  }
0x1b6: {  	s14 =	sadd.s32 $0x80000000, s14  }
0x1b7: {  	[tilespmem:s14+$0xA000] =	vst.msk vm0, v1  }
0x1b8: {  	[tilespmem:s14+$0xF080] =	vst.msk vm0, v0  }
0x1b9: {  	v0 =	vld [tilespmem:s11+$0x2820];
	_ =	sdelay $0x1  }
0x1ba: {  	v1 =	vld [tilespmem:s11+$0x20];
	_ =	sdelay $0x1  }
0x1bb: {  	s15 =	spop (v2sf)  }
0x1bc: {  	s14 =	sadd.s32 s15, s14;
	v0 =	vadd.s32 $0xFFFFE0C0, v0  }
0x1bd: {  	s14 =	sadd.s32 $0x80000000, s14;
	vm0 =	vlt.u32 v0, $0x7D0  }
0x1be: {  	[tilespmem:s14+$0xA000] =	vst.msk vm0, v1;
	v1 =	vmpcnt.ones.xlane vm0  }
0x1bf: {  	[tilespmem:s14+$0xF080] =	vst.msk vm0, v0  }
0x1c0: {  	v0 =	vxor.u32 $0x80000000, v1;
	v1 =	vld [tilespmem:s11+$0x2830]  }
0x1c1: {  	(xrf0) =	vmax.scan.msk.u32 $0xffff, v0;
	_ =	sdelay $0x3  }
0x1c2: {  	v0 =	vadd.s32 $0xFFFFE0C0, v1  }
0x1c3: {  	vm0 =	vlt.u32 v0, $0x7D0  }
0x1c4: {  	v1 =	vmpcnt.ones.xlane vm0;
	v2, _, _ =	vpop (xrf0)  }
0x1c5: {  	(v2sf) =	vpush v2, $0xF  }
0x1c6: {  	v1 =	vxor.u32 $0x80000000, v1  }
0x1c7: {  	(xrf0) =	vmax.scan.msk.u32 $0xffff, v1;
	_ =	sdelay $0x5  }
0x1c8: {  	v1, _, _ =	vpop (xrf0)  }
0x1c9: {  	(v2sf) =	vpush v1, $0xF;
	_ =	sdelay $0x3  }
0x1ca: {  	v1 =	vld [tilespmem:s11+$0x30];
	_ =	sdelay $0x1  }
0x1cb: {  	s15 =	spop (v2sf)  }
0x1cc: {  	s14 =	sadd.s32 s15, s14  }
0x1cd: {  	s14 =	sadd.s32 $0x80000000, s14  }
0x1ce: {  	[tilespmem:s14+$0xA000] =	vst.msk vm0, v1  }
0x1cf: {  	[tilespmem:s14+$0xF080] =	vst.msk vm0, v0  }
0x1d0: {  	v0 =	vld [tilespmem:s11+$0x2840];
	_ =	sdelay $0x1  }
0x1d1: {  	v1 =	vld [tilespmem:s11+$0x40];
	_ =	sdelay $0x1  }
0x1d2: {  	s15 =	spop (v2sf)  }
0x1d3: {  	s14 =	sadd.s32 s15, s14;
	v0 =	vadd.s32 $0xFFFFE0C0, v0  }
0x1d4: {  	s14 =	sadd.s32 $0x80000000, s14;
	vm0 =	vlt.u32 v0, $0x7D0  }
0x1d5: {  	[tilespmem:s14+$0xA000] =	vst.msk vm0, v1;
	v1 =	vmpcnt.ones.xlane vm0  }
0x1d6: {  	[tilespmem:s14+$0xF080] =	vst.msk vm0, v0  }
0x1d7: {  	v0 =	vxor.u32 $0x80000000, v1;
	v1 =	vld [tilespmem:s11+$0x2850]  }
0x1d8: {  	v2 =	vld [tilespmem:s11+$0x50];
	(xrf0) =	vmax.scan.msk.u32 $0xffff, v0;
	_ =	sdelay $0x3  }
0x1d9: {  	v0 =	vadd.s32 $0xFFFFE0C0, v1  }
0x1da: {  	vm0 =	vlt.u32 v0, $0x7D0  }
0x1db: {  	v1 =	vmpcnt.ones.xlane vm0;
	v3, _, _ =	vpop (xrf0)  }
0x1dc: {  	(v2sf) =	vpush v3, $0xF  }
0x1dd: {  	v1 =	vxor.u32 $0x80000000, v1  }
0x1de: {  	(xrf0) =	vmax.scan.msk.u32 $0xffff, v1;
	_ =	sdelay $0x5  }
0x1df: {  	v1, _, _ =	vpop (xrf0)  }
0x1e0: {  	(v2sf) =	vpush v1, $0xF;
	_ =	sdelay $0x5  }
0x1e1: {  	s15 =	spop (v2sf)  }
0x1e2: {  	s14 =	sadd.s32 s15, s14  }
0x1e3: {  	s14 =	sadd.s32 $0x80000000, s14  }
0x1e4: {  	[tilespmem:s14+$0xA000] =	vst.msk vm0, v2  }
0x1e5: {  	[tilespmem:s14+$0xF080] =	vst.msk vm0, v0  }
0x1e6: {  	v0 =	vld [tilespmem:s11+$0x2860]  }
0x1e7: {  	v1 =	vld [tilespmem:s11+$0x60];
	_ =	sdelay $0x2  }
0x1e8: {  	s15 =	spop (v2sf)  }
0x1e9: {  	s14 =	sadd.s32 s15, s14;
	v0 =	vadd.s32 $0xFFFFE0C0, v0  }
0x1ea: {  	s14 =	sadd.s32 $0x80000000, s14;
	vm0 =	vlt.u32 v0, $0x7D0  }
0x1eb: {  	[tilespmem:s14+$0xA000] =	vst.msk vm0, v1;
	v1 =	vmpcnt.ones.xlane vm0  }
0x1ec: {  	[tilespmem:s14+$0xF080] =	vst.msk vm0, v0  }
0x1ed: {  	v0 =	vxor.u32 $0x80000000, v1;
	v1 =	vld [tilespmem:s11+$0x2870]  }
0x1ee: {  	v2 =	vld [tilespmem:s11+$0x70];
	(xrf0) =	vmax.scan.msk.u32 $0xffff, v0;
	_ =	sdelay $0x3  }
0x1ef: {  	v0 =	vadd.s32 $0xFFFFE0C0, v1  }
0x1f0: {  	vm0 =	vlt.u32 v0, $0x7D0  }
0x1f1: {  	v1 =	vmpcnt.ones.xlane vm0;
	v3, _, _ =	vpop (xrf0)  }
0x1f2: {  	(v2sf) =	vpush v3, $0xF  }
0x1f3: {  	v1 =	vxor.u32 $0x80000000, v1  }
0x1f4: {  	(xrf0) =	vmax.scan.msk.u32 $0xffff, v1;
	_ =	sdelay $0x5  }
0x1f5: {  	v1, _, _ =	vpop (xrf0)  }
0x1f6: {  	(v2sf) =	vpush v1, $0xF;
	_ =	sdelay $0x5  }
0x1f7: {  	s11 =	spop (v2sf)  }
0x1f8: {  	s11 =	sadd.s32 s11, s14  }
0x1f9: {  	s14 =	sadd.s32 $0x80000000, s11  }
0x1fa: {  	[tilespmem:s14+$0xA000] =	vst.msk vm0, v2  }
0x1fb: {  	s11 =	sshra.s32 s13, $0x2;
	[tilespmem:s14+$0xF080] =	vst.msk vm0, v0  }
0x1fc: {  	v1 =	vld [tilespmem:s11+$0x2800]  }
.Ltmp2:
0x1fd: {  	(pc) =	sbr.rel @p0 .LBB2_4-.Ltmp2, $3  }
0x1fe: {  	v0 =	vld [tilespmem:s11+$0x0];
	_ =	sdelay $0x1  }
0x1ff: {  	s13 =	spop (v2sf)  }
0x200: {  	v1 =	vadd.s32 $0xFFFFE0C0, v1;
	s13 =	sadd.s32 s13, s14  }
0x201: {  	vm0 =	vlt.u32 v1, $0x7D0;
	s12 =	sadd.s32 $0x80000000, s13  }
0x202: {  	[tilespmem:s12+$0xA000] =	vst.msk vm0, v0;
	v37 =	vmpcnt.ones.xlane vm0  }
0x203: {  	[tilespmem:s12+$0xF080] =	vst.msk vm0, v1  }
0x204: {  	v0 =	vxor.u32 $0x80000000, v37;
	v1 =	vld [tilespmem:s11+$0x2810]  }
0x205: {  	(xrf0) =	vmax.scan.msk.u32 $0xffff, v0;
	_ =	sdelay $0x3  }
0x206: {  	v38 =	vadd.s32 $0xFFFFE0C0, v1  }
0x207: {  	vm9 =	vlt.u32 v38, $0x7D0  }
0x208: {  	v39 =	vmpcnt.ones.xlane vm9;
	v2, _, _ =	vpop (xrf0)  }
0x209: {  	(v2sf) =	vpush v2, $0xF  }
0x20a: {  	v1 =	vxor.u32 $0x80000000, v39  }
0x20b: {  	(xrf0) =	vmax.scan.msk.u32 $0xffff, v1;
	_ =	sdelay $0x5  }
0x20c: {  	v1, _, _ =	vpop (xrf0)  }
0x20d: {  	(v2sf) =	vpush v1, $0xF;
	_ =	sdelay $0x3  }
0x20e: {  	v40 =	vld [tilespmem:s11+$0x10];
	_ =	sdelay $0x1  }
0x20f: {  	s20 =	spop (v2sf)  }
0x210: {  	s12 =	sadd.s32 s20, s12  }
0x211: {  	s12 =	sadd.s32 $0x80000000, s12  }
0x212: {  	[tilespmem:s12+$0xA000] =	vst.msk vm9, v40  }
0x213: {  	[tilespmem:s12+$0xF080] =	vst.msk vm9, v38  }
0x214: {  	v0 =	vld [tilespmem:s11+$0x2820];
	_ =	sdelay $0x1  }
0x215: {  	v1 =	vld [tilespmem:s11+$0x20];
	_ =	sdelay $0x1  }
0x216: {  	s21 =	spop (v2sf)  }
0x217: {  	s12 =	sadd.s32 s21, s12;
	v0 =	vadd.s32 $0xFFFFE0C0, v0  }
0x218: {  	s12 =	sadd.s32 $0x80000000, s12;
	vm10 =	vlt.u32 v0, $0x7D0  }
0x219: {  	[tilespmem:s12+$0xA000] =	vst.msk vm10, v1;
	v41 =	vmpcnt.ones.xlane vm10  }
0x21a: {  	[tilespmem:s12+$0xF080] =	vst.msk vm10, v0  }
0x21b: {  	v42 =	vxor.u32 $0x80000000, v41;
	v43 =	vld [tilespmem:s11+$0x2830]  }
0x21c: {  	(xrf0) =	vmax.scan.msk.u32 $0xffff, v42;
	_ =	sdelay $0x3  }
0x21d: {  	v44 =	vadd.s32 $0xFFFFE0C0, v43  }
0x21e: {  	vm11 =	vlt.u32 v44, $0x7D0  }
0x21f: {  	v45 =	vmpcnt.ones.xlane vm11;
	v46, _, _ =	vpop (xrf0)  }
0x220: {  	(v2sf) =	vpush v46, $0xF  }
0x221: {  	v1 =	vxor.u32 $0x80000000, v45  }
0x222: {  	(xrf0) =	vmax.scan.msk.u32 $0xffff, v1;
	_ =	sdelay $0x5  }
0x223: {  	v1, _, _ =	vpop (xrf0)  }
0x224: {  	(v2sf) =	vpush v1, $0xF;
	_ =	sdelay $0x3  }
0x225: {  	v47 =	vld [tilespmem:s11+$0x30];
	_ =	sdelay $0x1  }
0x226: {  	s22 =	spop (v2sf)  }
0x227: {  	s12 =	sadd.s32 s22, s12  }
0x228: {  	s12 =	sadd.s32 $0x80000000, s12  }
0x229: {  	[tilespmem:s12+$0xA000] =	vst.msk vm11, v47  }
0x22a: {  	[tilespmem:s12+$0xF080] =	vst.msk vm11, v44  }
0x22b: {  	v0 =	vld [tilespmem:s11+$0x2840];
	_ =	sdelay $0x1  }
0x22c: {  	v1 =	vld [tilespmem:s11+$0x40];
	_ =	sdelay $0x1  }
0x22d: {  	s23 =	spop (v2sf)  }
0x22e: {  	s12 =	sadd.s32 s23, s12;
	v0 =	vadd.s32 $0xFFFFE0C0, v0  }
0x22f: {  	s12 =	sadd.s32 $0x80000000, s12;
	vm12 =	vlt.u32 v0, $0x7D0  }
0x230: {  	[tilespmem:s12+$0xA000] =	vst.msk vm12, v1;
	v48 =	vmpcnt.ones.xlane vm12  }
0x231: {  	[tilespmem:s12+$0xF080] =	vst.msk vm12, v0  }
0x232: {  	v49 =	vxor.u32 $0x80000000, v48;
	v50 =	vld [tilespmem:s11+$0x2850]  }
0x233: {  	(xrf0) =	vmax.scan.msk.u32 $0xffff, v49;
	_ =	sdelay $0x3  }
0x234: {  	v51 =	vadd.s32 $0xFFFFE0C0, v50  }
0x235: {  	vm13 =	vlt.u32 v51, $0x7D0  }
0x236: {  	v52 =	vmpcnt.ones.xlane vm13;
	v53, _, _ =	vpop (xrf0)  }
0x237: {  	(v2sf) =	vpush v53, $0xF  }
0x238: {  	v1 =	vxor.u32 $0x80000000, v52  }
0x239: {  	(xrf0) =	vmax.scan.msk.u32 $0xffff, v1;
	_ =	sdelay $0x5  }
0x23a: {  	v1, _, _ =	vpop (xrf0)  }
0x23b: {  	(v2sf) =	vpush v1, $0xF;
	_ =	sdelay $0x3  }
0x23c: {  	v54 =	vld [tilespmem:s11+$0x50];
	_ =	sdelay $0x1  }
0x23d: {  	s24 =	spop (v2sf)  }
0x23e: {  	s12 =	sadd.s32 s24, s12  }
0x23f: {  	s12 =	sadd.s32 $0x80000000, s12  }
0x240: {  	[tilespmem:s12+$0xA000] =	vst.msk vm13, v54  }
0x241: {  	[tilespmem:s12+$0xF080] =	vst.msk vm13, v51  }
0x242: {  	v0 =	vld [tilespmem:s11+$0x2860];
	_ =	sdelay $0x1  }
0x243: {  	v1 =	vld [tilespmem:s11+$0x60];
	_ =	sdelay $0x1  }
0x244: {  	s25 =	spop (v2sf)  }
0x245: {  	s12 =	sadd.s32 s25, s12;
	v0 =	vadd.s32 $0xFFFFE0C0, v0  }
0x246: {  	s12 =	sadd.s32 $0x80000000, s12;
	vm14 =	vlt.u32 v0, $0x7D0  }
0x247: {  	[tilespmem:s12+$0xA000] =	vst.msk vm14, v1  }
0x248: {  	[tilespmem:s12+$0xF080] =	vst.msk vm14, v0  }
0x249: {  	v0 =	vld [tilespmem:s11+$0x2870];
	_ =	sdelay $0x4  }
0x24a: {  	v55 =	vmpcnt.ones.xlane vm14;
	v0 =	vadd.s32 $0xFFFFE0C0, v0  }
0x24b: {  	vm15 =	vlt.u32 v0, $0x7D0  }
0x24c: {  	v1 =	vxor.u32 $0x80000000, v55;
	v56 =	vmpcnt.ones.xlane vm15  }
0x24d: {  	(xrf0) =	vmax.scan.msk.u32 $0xffff, v1  }
0x24e: {  	v57 =	vxor.u32 $0x80000000, v56  }
0x24f: {  	(xrf0) =	vmax.scan.msk.u32 $0xffff, v57;
	_ =	sdelay $0x3  }
0x250: {  	v58, _, _ =	vpop (xrf0)  }
0x251: {  	(v2sf) =	vpush v58, $0xF  }
0x252: {  	v59, _, _ =	vpop (xrf0)  }
0x253: {  	(v2sf) =	vpush v59, $0xF;
	_ =	sdelay $0xa  }
0x254: {  	v60 =	vld [tilespmem:s11+$0x70];
	_ =	sdelay $0x1  }
0x255: {  	s26 =	spop (v2sf)  }
0x256: {  	s11 =	sadd.s32 s26, s12  }
0x257: {  	s11 =	sadd.s32 $0x80000000, s11;
	s28 =	spop (v2sf)  }
0x258: {  	[tilespmem:s11+$0xA000] =	vst.msk vm15, v60;
	s12 =	sadd.s32 s28, s11  }
0x259: {  	v61 =	vlaneseq.u32;
	[tilespmem:s11+$0xF080] =	vst.msk vm15, v0;
	s29 =	sadd.s32 $0x80000000, s12  }
0x25a: {  	v62 =	vor.u32 $0x7D0, v61;
	[tilespmem:s29+$0xA000] =	vst v61  }
0x25b: {  	[tilespmem:s29+$0xF080] =	vst v62  }
0x25c: {  	v63 =	vor.u32 $0x7E0, v61;
	[tilespmem:s29+$0xA010] =	vst v61  }
0x25d: {  	[tilespmem:s29+$0xF090] =	vst v63;
	s12 =	sadd.s32 $0x7F, s29  }
0x25e: {  	[tilespmem:s29+$0xA020] =	vst v61;
	s30 =	sand.u32 $0x7F, s12  }
0x25f: {  	[tilespmem:s29+$0xF0A0] =	vst v62;
	s31 =	sshra.s32 s12, $0x1F;
	p1 =	slt.s32 s12, $0x1;
	p0 =	sne.s32 s30, $0x0  }
0x260: {  	[tilespmem:s29+$0xA030] =	vst v61;
	s13 =	sshrl.u32 s31, $0x19;
	p0 =	por !p1, !p0  }
0x261: {  	[tilespmem:s29+$0xF0B0] =	vst v63;
	s12 =	sadd.s32 s13, s12;
	s13 =	simm.s32 $0x1;
	p0 =	por !p0, !p0  }
0x262: {  	[tilespmem:s29+$0xA040] =	vst v61;
	s12 =	sshra.s32 s12, $0x7;
	s13 =	simm.s32 @!p0 $0x0  }
0x263: {  	[tilespmem:s29+$0xF0C0] =	vst v62;
	s12 =	ssub.s32 s12, s13  }
0x264: {  	[tilespmem:s29+$0xA050] =	vst v61;
	p0 =	slt.s32 s12, $0x1  }
.Ltmp3:
0x265: {  	[tilespmem:s29+$0xF0D0] =	vst v63;
	(pc) =	sbr.rel @p0 .LBB2_13-.Ltmp3, $4  }
0x266: {  	[tilespmem:s29+$0xA060] =	vst v61  }
0x267: {  	[tilespmem:s29+$0xF0E0] =	vst v62  }
0x268: {  	[tilespmem:s29+$0xA070] =	vst v61  }
0x269: {  	s11 =	simm.s32 $0x1;
	[tilespmem:s29+$0xF0F0] =	vst v63  }
0x26a: {  	p1 =	sne.s32 s12, $0x1  }
.Ltmp4:
0x26b: {  	_ = 	snop;
	(pc) =	sbr.rel @!p1 .LBB2_7-.Ltmp4, $3  }
0x26c: {  	_ =	sdelay $0x1  }
0x26d: {  	s14 =	simm.s32 $0xF0C0  }
0x26e: {  	s13 =	simm.s32 $0x5040;
	s15 =	sadd.s32 $0xFFFFFFFF, s12;
	p0 =	por $0x0, $0x0;
	v0 =	vld [tilespmem:s14+$0xFFFFFFC0]  }
0x26f: {  	_ =	sdelay $0x3  }
0x270: {  	[tilespmem:s13+$0xFFFFFFC0] =	vst v0  }
0x271: {  	v0 =	vld [tilespmem:s14+$0xFFFFFFD0];
	_ =	sdelay $0x4  }
0x272: {  	[tilespmem:s13+$0xFFFFFFD0] =	vst v0  }
0x273: {  	v0 =	vld [tilespmem:s14+$0xFFFFFFE0];
	_ =	sdelay $0x4  }
0x274: {  	[tilespmem:s13+$0xFFFFFFE0] =	vst v0  }
0x275: {  	v0 =	vld [tilespmem:s14+$0xFFFFFFF0];
	_ =	sdelay $0x4  }
0x276: {  	[tilespmem:s13+$0xFFFFFFF0] =	vst v0  }
0x277: {  	v0 =	vld [tilespmem:s14+$0x0];
	_ =	sdelay $0x4  }
0x278: {  	[tilespmem:s13+$0x0] =	vst v0  }
0x279: {  	v0 =	vld [tilespmem:s14+$0x10];
	_ =	sdelay $0x4  }
0x27a: {  	[tilespmem:s13+$0x10] =	vst v0  }
0x27b: {  	v0 =	vld [tilespmem:s14+$0x20];
	_ =	sdelay $0x4  }
0x27c: {  	[tilespmem:s13+$0x20] =	vst v0  }
0x27d: {  	v0 =	vld [tilespmem:s14+$0x30]  }
0x27e: {  	p1 =	sne.s32 s15, $0x1  }
.Ltmp5:
0x27f: {  	_ = 	snop;
	(pc) =	sbr.rel @!p1 .LBB2_9-.Ltmp5, $3  }
0x280: {  	_ =	sdelay $0x1  }
0x281: {  	s14 =	simm.s32 $0xF140;
	[tilespmem:s13+$0x30] =	vst v0  }
0x282: {  	s16 =	sadd.s32 $0xFFFFFFFF, s15;
	p0 =	por $0x1, $0x1;
	s15 =	simm.s32 $0x5040;
	v0 =	vld [tilespmem:s14+$0xFFFFFFC0]  }
.LBB2_10:
0x283: {  	p1 =	sne.s32 s16, $0x1;
	_ =	sdelay $0x2  }
0x284: {  	s15 =	sadd.s32 $0x80, s15  }
0x285: {  	[tilespmem:s15+$0xFFFFFFC0] =	vst v0  }
0x286: {  	v0 =	vld [tilespmem:s14+$0xFFFFFFD0];
	_ =	sdelay $0x4  }
0x287: {  	[tilespmem:s15+$0xFFFFFFD0] =	vst v0  }
0x288: {  	v0 =	vld [tilespmem:s14+$0xFFFFFFE0];
	_ =	sdelay $0x4  }
0x289: {  	[tilespmem:s15+$0xFFFFFFE0] =	vst v0  }
0x28a: {  	v0 =	vld [tilespmem:s14+$0xFFFFFFF0];
	_ =	sdelay $0x4  }
0x28b: {  	[tilespmem:s15+$0xFFFFFFF0] =	vst v0  }
0x28c: {  	v0 =	vld [tilespmem:s14+$0x0];
	_ =	sdelay $0x4  }
0x28d: {  	[tilespmem:s15+$0x0] =	vst v0  }
0x28e: {  	v0 =	vld [tilespmem:s14+$0x10];
	_ =	sdelay $0x4  }
0x28f: {  	[tilespmem:s15+$0x10] =	vst v0  }
0x290: {  	v0 =	vld [tilespmem:s14+$0x20];
	_ =	sdelay $0x4  }
0x291: {  	[tilespmem:s15+$0x20] =	vst v0  }
0x292: {  	v0 =	vld [tilespmem:s14+$0x30];
	_ =	sdelay $0x1  }
.Ltmp6:
0x293: {  	(pc) =	sbr.rel @p1 .LBB2_10-.Ltmp6, $3  }
0x294: {  	_ =	sdelay $0x1  }
0x295: {  	s14 =	sadd.s32 $0x80, s14;
	[tilespmem:s15+$0x30] =	vst v0  }
0x296: {  	s16 =	sadd.s32 $0xFFFFFFFF, s16;
	v0 =	vld [tilespmem:s14+$0xFFFFFFC0]  }
.LBB2_11:
0x297: {  	_ =	sdelay $0x1  }
0x298: {  	s15 =	sadd.s32 @p0 $0x80, s15  }
0x299: {  	s13 =	smov.u32 @p0 s15  }
0x29a: {  	[tilespmem:s13+$0xFFFFFFC0] =	vst v0  }
0x29b: {  	v0 =	vld [tilespmem:s14+$0xFFFFFFD0];
	_ =	sdelay $0x4  }
0x29c: {  	[tilespmem:s13+$0xFFFFFFD0] =	vst v0  }
0x29d: {  	v0 =	vld [tilespmem:s14+$0xFFFFFFE0];
	_ =	sdelay $0x4  }
0x29e: {  	[tilespmem:s13+$0xFFFFFFE0] =	vst v0  }
0x29f: {  	v0 =	vld [tilespmem:s14+$0xFFFFFFF0];
	_ =	sdelay $0x4  }
0x2a0: {  	[tilespmem:s13+$0xFFFFFFF0] =	vst v0  }
0x2a1: {  	v0 =	vld [tilespmem:s14+$0x0];
	_ =	sdelay $0x4  }
0x2a2: {  	[tilespmem:s13+$0x0] =	vst v0  }
0x2a3: {  	v0 =	vld [tilespmem:s14+$0x10];
	_ =	sdelay $0x4  }
0x2a4: {  	[tilespmem:s13+$0x10] =	vst v0  }
0x2a5: {  	v0 =	vld [tilespmem:s14+$0x20];
	_ =	sdelay $0x4  }
0x2a6: {  	[tilespmem:s13+$0x20] =	vst v0  }
0x2a7: {  	v0 =	vld [tilespmem:s14+$0x30];
	_ =	sdelay $0x2  }
0x2a8: {  	s16 =	simm.s32 $0x14200;
	s17 =	simm.s32 $0x16A00  }
0x2a9: {  	s18 =	simm.s32 $0x80;
	s19 =	simm.s32 $0x1;
	s20 =	simm.s32 $0x14180  }
0x2aa: {  	s15 =	simm.s32 $0xA040;
	s14 =	simm.s32 $0x5000;
	[tilespmem:s13+$0x30] =	vst v0;
	s13 =	simm.s32 $0x14100  }
.LBB2_12:
0x2ab: {  	v0 =	vld [tilespmem:s15+$0xFFFFFFC0];
	_ =	sdelay $0x7  }
0x2ac: {  	v1 =	vld.idx.msk [tilespmem:v0+s16+$0x0], $0xffff;
	_ =	sdelay $0x4  }
0x2ad: {  	[tilespmem:$0x14100] =	vst v1  }
0x2ae: {  	v0 =	vld.idx.msk [tilespmem:v0+s17+$0x0], $0xffff;
	_ =	sdelay $0x4  }
0x2af: {  	[tilespmem:$0x14180] =	vst v0  }
0x2b0: {  	v0 =	vld [tilespmem:s15+$0xFFFFFFD0];
	_ =	sdelay $0x7  }
0x2b1: {  	v1 =	vld.idx.msk [tilespmem:v0+s16+$0x0], $0xffff;
	_ =	sdelay $0x4  }
0x2b2: {  	[tilespmem:$0x14110] =	vst v1  }
0x2b3: {  	v0 =	vld.idx.msk [tilespmem:v0+s17+$0x0], $0xffff;
	_ =	sdelay $0x4  }
0x2b4: {  	[tilespmem:$0x14190] =	vst v0  }
0x2b5: {  	v0 =	vld [tilespmem:s15+$0xFFFFFFE0];
	_ =	sdelay $0x7  }
0x2b6: {  	v1 =	vld.idx.msk [tilespmem:v0+s16+$0x0], $0xffff;
	_ =	sdelay $0x4  }
0x2b7: {  	[tilespmem:$0x14120] =	vst v1  }
0x2b8: {  	v0 =	vld.idx.msk [tilespmem:v0+s17+$0x0], $0xffff;
	_ =	sdelay $0x4  }
0x2b9: {  	[tilespmem:$0x141A0] =	vst v0  }
0x2ba: {  	v0 =	vld [tilespmem:s15+$0xFFFFFFF0];
	_ =	sdelay $0x7  }
0x2bb: {  	v1 =	vld.idx.msk [tilespmem:v0+s16+$0x0], $0xffff;
	_ =	sdelay $0x4  }
0x2bc: {  	[tilespmem:$0x14130] =	vst v1  }
0x2bd: {  	v0 =	vld.idx.msk [tilespmem:v0+s17+$0x0], $0xffff;
	_ =	sdelay $0x4  }
0x2be: {  	[tilespmem:$0x141B0] =	vst v0  }
0x2bf: {  	v0 =	vld [tilespmem:s15+$0x0];
	_ =	sdelay $0x7  }
0x2c0: {  	v1 =	vld.idx.msk [tilespmem:v0+s16+$0x0], $0xffff;
	_ =	sdelay $0x4  }
0x2c1: {  	[tilespmem:$0x14140] =	vst v1  }
0x2c2: {  	v0 =	vld.idx.msk [tilespmem:v0+s17+$0x0], $0xffff;
	_ =	sdelay $0x4  }
0x2c3: {  	[tilespmem:$0x141C0] =	vst v0  }
0x2c4: {  	v0 =	vld [tilespmem:s15+$0x10];
	_ =	sdelay $0x7  }
0x2c5: {  	v1 =	vld.idx.msk [tilespmem:v0+s16+$0x0], $0xffff;
	_ =	sdelay $0x4  }
0x2c6: {  	[tilespmem:$0x14150] =	vst v1  }
0x2c7: {  	v0 =	vld.idx.msk [tilespmem:v0+s17+$0x0], $0xffff;
	_ =	sdelay $0x4  }
0x2c8: {  	[tilespmem:$0x141D0] =	vst v0  }
0x2c9: {  	v0 =	vld [tilespmem:s15+$0x20];
	_ =	sdelay $0x7  }
0x2ca: {  	v1 =	vld.idx.msk [tilespmem:v0+s16+$0x0], $0xffff;
	_ =	sdelay $0x4  }
0x2cb: {  	[tilespmem:$0x14160] =	vst v1  }
0x2cc: {  	v0 =	vld.idx.msk [tilespmem:v0+s17+$0x0], $0xffff;
	_ =	sdelay $0x4  }
0x2cd: {  	[tilespmem:$0x141E0] =	vst v0  }
0x2ce: {  	v0 =	vld [tilespmem:s15+$0x30];
	_ =	sdelay $0x7  }
0x2cf: {  	v1 =	vld.idx.msk [tilespmem:v0+s16+$0x0], $0xffff;
	_ =	sdelay $0x4  }
0x2d0: {  	[tilespmem:$0x14170] =	vst v1  }
0x2d1: {  	v0 =	vld.idx.msk [tilespmem:v0+s17+$0x0], $0xffff;
	_ =	sdelay $0x4  }
0x2d2: {  	[tilespmem:$0x141F0] =	vst v0  }
0x2d3: {  	[spmem:s4] =	stream.indirect.scatter.add.f32 [tilespmem:s13], [sflag:$0x1], $0x1, s14, s18, $0xb8;
	[tilespmem:$0x19600] =	vst v63  }
0x2d4: {  	_ =	swait.ge [sflag:s19], $0x80  }
0x2d5: {  	p0 =	sne.s32 s12, $0x1;
	[sflag:s19] =	ssyncset.done $0x0  }
.Ltmp7:
0x2d6: {  	[sflag:s19] =	ssyncadd.s32 $0xFFFFFF80;
	(pc) =	sbr.rel @p0 .LBB2_12-.Ltmp7, $4  }
0x2d7: {  	[spmem:s5] =	stream.indirect.scatter.add.f32 [tilespmem:s20], [sflag:$0x1], $0x1, s14, s18, $0xb8;
	[tilespmem:$0x19600] =	vst v63  }
0x2d8: {  	_ =	swait.ge [sflag:s19], $0x80  }
0x2d9: {  	s12 =	sadd.s32 $0xFFFFFFFF, s12;
	[sflag:s19] =	ssyncset.done $0x0  }
0x2da: {  	s15 =	sadd.s32 $0x80, s15;
	s14 =	sadd.s32 $0x80, s14;
	[sflag:s19] =	ssyncadd.s32 $0xFFFFFF80  }
.LBB2_13:
0x2db: {  	[bflag:$0x0] =	sbarrier.arrive $0xFFFF;
	s4 =	simm.s32 $0x19200  }
0x2dc: {  	[tilespmem:s4], [sflag:$0x1] =	stream.linear.gather [spmem:s6], $0x80, $0x38;
	[tilespmem:$0x19600] =	vst v63  }
0x2dd: {  	_ =	swait.ge [sflag:s11], $0x80  }
0x2de: {  	[sflag:s11] =	ssyncset.done $0x0  }
0x2df: {  	s26 =	simm.s32 $0x19280;
	[sflag:s11] =	ssyncadd.s32 $0xFFFFFF80  }
0x2e0: {  	[tilespmem:s26], [sflag:$0x1] =	stream.linear.gather [spmem:s7], $0x80, $0x38;
	[tilespmem:$0x19600] =	vst v63  }
0x2e1: {  	_ =	swait.ge [sflag:s11], $0x80  }
0x2e2: {  	[sflag:s11] =	ssyncset.done $0x0  }
0x2e3: {  	s28 =	simm.s32 $0x0;
	s5 =	simm.s32 $0x19300;
	[sflag:s11] =	ssyncadd.s32 $0xFFFFFF80  }
0x2e4: {  	[tilespmem:s5], [sflag:$0x1] =	stream.linear.gather [hbm4b:s10+s28], $0x80, $0x38;
	[tilespmem:$0x19600] =	vst v63  }
0x2e5: {  	_ =	swait.ge [sflag:s11], $0x80  }
0x2e6: {  	[sflag:s11] =	ssyncset.done $0x0  }
0x2e7: {  	s29 =	simm.s32 $0x19480;
	s30 =	sadd.s32 $0x16140, s3;
	[sflag:s11] =	ssyncadd.s32 $0xFFFFFF80  }
0x2e8: {  	[tilespmem:s29], [sflag:$0x1] =	stream.linear.gather [hbm4b:s2+s28], $0x80, $0x38;
	[tilespmem:$0x19600] =	vst v63  }
0x2e9: {  	s31 =	sadd.s32 $0x18940, s3;
	v0 =	vmov s30;
	_ =	swait.ge [sflag:s11], $0x80  }
0x2ea: {  	v1 =	vmov s31;
	[sflag:s11] =	ssyncset.done $0x0  }
0x2eb: {  	s2 =	simm.s32 $0x0;
	[sflag:s11] =	ssyncadd.s32 $0xFFFFFF80  }
0x2ec: {  	v2 =	vld [tilespmem:s2+$0x19280]  }
0x2ed: {  	v3 =	vld [tilespmem:s2+$0x19200]  }
0x2ee: {  	v4 =	vld.idx.msk [tilespmem:v0+s2+$0x0 ss:$0x1], $0xffff  }
0x2ef: {  	v5 =	vld.idx.msk [tilespmem:v1+s2+$0x0 ss:$0x1], $0xffff  }
0x2f0: {  	v6 =	vld [tilespmem:s2+$0x19300];
	_ =	sdelay $0x1  }
0x2f1: {  	v7 =	vld [tilespmem:$0x19480]  }
0x2f2: {  	v8 =	vld [tilespmem:$0x19490];
	v3 =	vadd.f32 v3, v4  }
0x2f3: {  	v2 =	vadd.f32 v2, v5  }
0x2f4: {  	v3 =	vmul.f32 v3, v6  }
0x2f5: {  	v2 =	vmul.f32 v2, v6  }
0x2f6: {  	v3 =	vadd.f32 v3, v7  }
0x2f7: {  	v2 =	vadd.f32 v2, v8  }
0x2f8: {  	v3 =	vsub.f32 $0.0e+00, v3  }
0x2f9: {  	v2 =	vsub.f32 $0.0e+00, v2  }
0x2fa: {  	v3 =	vmul.f32 $1.442695020e+00, v3  }
0x2fb: {  	v2 =	vmul.f32 $1.442695020e+00, v2  }
0x2fc: {  	(erf) = vpow2.f32 v3  }
0x2fd: {  	(erf) = vpow2.f32 v2;
	_ =	sdelay $0x7  }
0x2fe: {  	v2 =	vpop (erf)  }
0x2ff: {  	v2 =	vadd.f32 $1.000000000e+00, v2;
	v3 =	vpop (erf)  }
0x300: {  	v3 =	vadd.f32 $1.000000000e+00, v3  }
0x301: {  	(erf) = vrcp.f32 v2  }
0x302: {  	s3 =	simm.s32 $0x40;
	(erf) = vrcp.f32 v3  }
.LBB2_14:
0x303: {  	_ =	sdelay $0x5  }
0x304: {  	p0 =	sne.s32 s3, $0x1C0;
	s4 =	smov.u32 s3;
	s3 =	sadd.s32 $0x40, s3  }
0x305: {  	s4 =	sshra.s32 s4, $0x2;
	v2 =	vpop (erf)  }
0x306: {  	v3 =	vld [tilespmem:s4+$0x19280];
	[tilespmem:s2+$0x19380] =	vst v2;
	v2 =	vpop (erf)  }
0x307: {  	v4 =	vld [tilespmem:s4+$0x19200];
	[tilespmem:s2+$0x19400] =	vst v2;
	s2 =	smov.u32 s4  }
0x308: {  	v2 =	vld.idx.msk [tilespmem:v0+s2+$0x0 ss:$0x1], $0xffff  }
0x309: {  	v5 =	vld.idx.msk [tilespmem:v1+s2+$0x0 ss:$0x1], $0xffff;
	_ =	sdelay $0x1  }
0x30a: {  	v6 =	vld [tilespmem:s2+$0x19300]  }
0x30b: {  	v7 =	vld [tilespmem:$0x19490]  }
0x30c: {  	v8 =	vld [tilespmem:$0x19480]  }
0x30d: {  	v2 =	vadd.f32 v4, v2  }
0x30e: {  	v3 =	vadd.f32 v3, v5  }
0x30f: {  	v2 =	vmul.f32 v2, v6  }
0x310: {  	v3 =	vmul.f32 v3, v6  }
0x311: {  	v2 =	vadd.f32 v2, v8  }
0x312: {  	v3 =	vadd.f32 v3, v7  }
0x313: {  	v2 =	vsub.f32 $0.0e+00, v2  }
0x314: {  	v3 =	vsub.f32 $0.0e+00, v3  }
0x315: {  	v2 =	vmul.f32 $1.442695020e+00, v2  }
0x316: {  	v3 =	vmul.f32 $1.442695020e+00, v3  }
0x317: {  	(erf) = vpow2.f32 v2  }
0x318: {  	(erf) = vpow2.f32 v3;
	_ =	sdelay $0x7  }
.Ltmp8:
0x319: {  	v2 =	vpop (erf);
	(pc) =	sbr.rel @p0 .LBB2_14-.Ltmp8, $4  }
0x31a: {  	v2 =	vadd.f32 $1.000000000e+00, v2;
	v3 =	vpop (erf)  }
0x31b: {  	v3 =	vadd.f32 $1.000000000e+00, v3  }
0x31c: {  	(erf) = vrcp.f32 v2  }
0x31d: {  	(erf) = vrcp.f32 v3  }
0x31e: {  	_ =	sdelay $0x6  }
0x31f: {  	v0 =	vpop (erf)  }
0x320: {  	[tilespmem:s2+$0x19380] =	vst v0;
	v63 =	vpop (erf)  }
0x321: {  	s30 =	simm.s32 $0x0;
	s3 =	simm.s32 $0x19380;
	s31 =	simm.s32 $0x1;
	[tilespmem:s2+$0x19400] =	vst v63  }
0x322: {  	[hbm4b:s9+s30] =	stream.linear.scatter [tilespmem:s3], [sflag:$0x1], $0x80, $0x38;
	[tilespmem:$0x19600] =	vst v63  }
0x323: {  	_ =	swait.ge [sflag:s31], $0x80  }
0x324: {  	[sflag:s31] =	ssyncset.done $0x0  }
0x325: {  	s4 =	simm.s32 $0x19400;
	[sflag:s31] =	ssyncadd.s32 $0xFFFFFF80  }
0x326: {  	[hbm4b:s8+s30] =	stream.linear.scatter [tilespmem:s4], [sflag:$0x1], $0x80, $0x38;
	[tilespmem:$0x19600] =	vst v63  }
0x327: {  	_ =	swait.ge [sflag:s31], $0x80  }
0x328: {  	[sflag:s31] =	ssyncset.done $0x0  }
0x329: {  	[sflag:s31] =	ssyncadd.s32 $0xFFFFFF80  }
.LBB2_16:
0x32a: {  	_ =	sfence.sel $0x180000  }
0x32b: {  	[bflag:$0x0] =	sbarrier.arrive $0xFFFF  }
0x32c: {  	p0 =	sne.s32 s1, $0x0;
	_ =	strace $0x90000050  }
0x32d: {  	s0 =	sadd.s32 @!p0 $0x100000, s0;
	[bflag:$0x2] =	sbarrier.arrive $0xFFFF  }
0x32e: {  	[sflag:s0] =	ssyncadd.tile.s32 @!p0 $0x1;
	_ =	shalt  }
.LBB2_7:
.Ltmp9:
0x32f: {  	(pc) =	sbr.rel .LBB2_11-.Ltmp9, $2  }
0x330: {  	_ =	sdelay $0x2  }
0x331: {  	s15 =	simm.s32 $0x5040  }
.LBB2_9:
.Ltmp10:
0x332: {  	(pc) =	sbr.rel .LBB2_11-.Ltmp10, $2  }
0x333: {  	_ =	sdelay $0x2  }
0x334: {  	s15 =	simm.s32 $0x5040  }
.Lfunc_end2:
_tile_overlayer_lowered:
.L_overlay_start_2:
0x335: {  	(tag) =	ssettag $0x2  }
0x336: {  	s0 =	rddreg [dreg:$0x0];
	s2 =	stileid.u32  }
0x337: {  	s1 =	rddreg [dreg:$0x1];
	p0 =	sne.s32 s2, $0x0  }
0x338: {  	s3 =	rddreg [dreg:$0x2];
	[bflag:$0x3] =	sbarrier.arrive $0xFFFF;
	s2 =	simm.s32 @!p0 $0x1C01  }
0x339: {  	[timem:s3], [sflag:s2] =	dma.local @!p0 [hbm:s0], s1  }
0x33a: {  	s0 =	simm.s32 @!p0 $0x1  }
0x33b: {  	_ =	swait.ge @!p0 [sflag:s0], s1  }
0x33c: {  	s1 =	ssub.s32 @!p0 $0x0, s1;
	[sflag:s0] =	ssyncset.done @!p0 $0x0  }
0x33d: {  	[sflag:s0] =	ssyncadd.s32 @!p0 s1  }
0x33e: {  	[bflag:$0x3] =	sbarrier.arrive $0xFFFF  }
0x33f: {  	_ =	shalt  }

// kernel: kernel.8.cloned.1.call-start
scs
__scs_entry_jumppad:
0x0: {  	(pc) =	sbr.rel $0x88, $3  }
0x1: {  	(tag) =	ssettag $0x0;
	lr =	simm.s32 $0x1  }
0x2: {  	[smem:$0x3F98] =	sst lr;
	_ =	strace $0xD0000000  }
0x3: {  	_ = 	snop  }
0x4: {  	_ = 	snop  }
0x5: {  	_ = 	snop  }
0x6: {  	_ = 	snop  }
0x7: {  	_ = 	snop  }
__scs_overlays_trampoline_lowered:
0x8: {  	[smem:$0x3FA7] =	sst s0  }
0x9: {  	[smem:$0x3FA8] =	sst s1  }
0xa: {  	[smem:$0x3FA9] =	sst s2  }
0xb: {  	[smem:$0x3FAA] =	sst s3  }
0xc: {  	[smem:$0x3FAB] =	sst s4  }
0xd: {  	[smem:$0x3FAC] =	sst s5  }
0xe: {  	[smem:$0x3FAD] =	sst s6  }
0xf: {  	[smem:$0x3FAE] =	sst s7  }
0x10: {  	[smem:$0x3FAF] =	sst s8  }
0x11: {  	[smem:$0x3FB0] =	sst s9;
	s0 =	simm.s32 @!p0 $0x0  }
0x12: {  	s1 =	sld [smem:$0x3F96];
	s0 =	simm.s32 @p0 $0x1  }
0x13: {  	[smem:$0x3FB1] =	sst s0;
	s0 =	simm.s32 @!p1 $0x0  }
0x14: {  	s2 =	sld [smem:$0x3F95];
	s0 =	simm.s32 @p1 $0x1  }
0x15: {  	[smem:$0x3FB2] =	sst s0;
	s0 =	simm.s32 @!p2 $0x0  }
0x16: {  	s3 =	sld [smem:$0x3FDB];
	s0 =	simm.s32 @p2 $0x1  }
0x17: {  	s4 =	simm.s32 $0x1BF5;
	[smem:$0x3FB4] =	sst s0  }
0x18: {  	s0 =	sld [smem:$0x3F97];
	_ =	swait.ge [sflag:s4], $0x0  }
0x19: {  	s7 =	sld [smem:$0x3F98]  }
0x1a: {  	s8 =	sadd.s32 $0xFFFFE003, lr  }
0x1b: {  	s9 =	sadd.s32 $0xFFFFFEF7, lr;
	s5 =	simm.s32 $0xFFFFFFFF;
	p2 =	slt.u32 s8, $0xFFFFF086  }
0x1c: {  	p1 =	slt.u32 s9, $0xF7A;
	s5 =	simm.s32 @!p2 $0x0  }
0x1d: {  	s5 =	simm.s32 @p1 $0x1;
	p0 =	seq.s32 s7, s2  }
0x1e: {  	s7 =	smul.u32 @!p0 $0xF7A, s2;
	p2 =	seq.s32 @!p0 s5, $0x0  }
0x1f: {  	s9 =	smul.u32 $0xF7A, s1;
	s8 =	simm.s32 @!p0 $0x1BF5;
	p2 =	por !p2, p0  }
0x20: {  	[sflag:s8] =	ssyncset.s32 @!p0 $0xFFFFF086;
	s6 =	sadd.s32 @!p0 s3, s7;
	s7 =	simm.s32 @!p0 $0x108  }
0x21: {  	s3 =	sadd.s32 s3, s9;
	s6 =	sadd.s32 @!p0 $0x88, s6;
	s7 =	simm.s32 @p2 $0x1082  }
0x22: {  	[simem:s7], [sflag:s8] =	dma.local @!p0 [hbm:s6], $0xF7A  }
0x23: {  	s9 =	sor.u32 $0xD0000000, s2;
	s6 =	simm.s32 $0x108;
	_ =	swait.ge @!p0 [sflag:s8], $0x0  }
0x24: {  	s3 =	sadd.s32 $0x88, s3;
	s6 =	simm.s32 @!p1 $0x1082;
	[sflag:s4] =	ssyncset.s32 $0xFFFFF086  }
0x25: {  	[simem:s6], [sflag:s4] =	dma.local [hbm:s3], $0xF7A  }
0x26: {  	[smem:$0x3F98] =	sst s1;
	(tag) =	ssettag s2;
	_ =	strace s9  }
0x27: {  	s1 =	sld [smem:$0x3FA8]  }
0x28: {  	s2 =	sld [smem:$0x3FA9]  }
0x29: {  	s4 =	sld [smem:$0x3FAB]  }
0x2a: {  	p0 =	seq.s32 s5, $0x0;
	s5 =	sld [smem:$0x3FAC]  }
0x2b: {  	s6 =	sld [smem:$0x3FAD]  }
0x2c: {  	s7 =	sld [smem:$0x3FAE]  }
0x2d: {  	s3 =	simm.s32 $0x108;
	s8 =	sld [smem:$0x3FAF]  }
0x2e: {  	s3 =	simm.s32 @!p0 $0x1082;
	s9 =	sld [smem:$0x3FB0]  }
0x2f: {  	lr =	sadd.s32 s0, s3;
	s0 =	sld [smem:$0x3FA7]  }
0x30: {  	s3 =	sld [smem:$0x3FAA]  }
0x31: {  	[smem:$0x3FB3] =	sst s10  }
0x32: {  	s10 =	sld [smem:$0x3FB1];
	_ =	sdelay $0x3  }
0x33: {  	p0 =	seq.s32 s10, $0x1;
	s10 =	sld [smem:$0x3FB3];
	_ =	sdelay $0x3  }
0x34: {  	[smem:$0x3FB3] =	sst s10  }
0x35: {  	s10 =	sld [smem:$0x3FB2];
	_ =	sdelay $0x3  }
0x36: {  	p1 =	seq.s32 s10, $0x1;
	s10 =	sld [smem:$0x3FB3];
	_ =	sdelay $0x3  }
0x37: {  	[smem:$0x3FB3] =	sst s10  }
0x38: {  	s10 =	sld [smem:$0x3FB4]  }
0x39: {  	_ = 	snop;
	(pc) =	sbr.ind lr, $3  }
0x3a: {  	_ = 	snop  }
0x3b: {  	_ = 	snop  }
0x3c: {  	p2 =	seq.s32 s10, $0x1;
	s10 =	sld [smem:$0x3FB3]  }
0x3d: {  	_ =	shalt  }
0x3e: {  	_ =	shalt  }
0x3f: {  	_ =	shalt  }
0x40: {  	_ =	shalt  }
0x41: {  	_ =	shalt  }
0x42: {  	_ =	shalt  }
0x43: {  	_ =	shalt  }
0x44: {  	_ =	shalt  }
0x45: {  	_ =	shalt  }
0x46: {  	_ =	shalt  }
0x47: {  	_ =	shalt  }
0x48: {  	_ =	shalt  }
0x49: {  	_ =	shalt  }
0x4a: {  	_ =	shalt  }
0x4b: {  	_ =	shalt  }
0x4c: {  	_ =	shalt  }
0x4d: {  	_ =	shalt  }
0x4e: {  	_ =	shalt  }
0x4f: {  	_ =	shalt  }
0x50: {  	_ =	shalt  }
0x51: {  	_ =	shalt  }
0x52: {  	_ =	shalt  }
0x53: {  	_ =	shalt  }
0x54: {  	_ =	shalt  }
0x55: {  	_ =	shalt  }
0x56: {  	_ =	shalt  }
0x57: {  	_ =	shalt  }
0x58: {  	_ =	shalt  }
0x59: {  	_ =	shalt  }
0x5a: {  	_ =	shalt  }
0x5b: {  	_ =	shalt  }
0x5c: {  	_ =	shalt  }
0x5d: {  	_ =	shalt  }
0x5e: {  	_ =	shalt  }
0x5f: {  	_ =	shalt  }
0x60: {  	_ =	shalt  }
0x61: {  	_ =	shalt  }
0x62: {  	_ =	shalt  }
0x63: {  	_ =	shalt  }
0x64: {  	_ =	shalt  }
0x65: {  	_ =	shalt  }
0x66: {  	_ =	shalt  }
0x67: {  	_ =	shalt  }
0x68: {  	_ =	shalt  }
0x69: {  	_ =	shalt  }
0x6a: {  	_ =	shalt  }
0x6b: {  	_ =	shalt  }
0x6c: {  	_ =	shalt  }
0x6d: {  	_ =	shalt  }
0x6e: {  	_ =	shalt  }
0x6f: {  	_ =	shalt  }
0x70: {  	_ =	shalt  }
0x71: {  	_ =	shalt  }
0x72: {  	_ =	shalt  }
0x73: {  	_ =	shalt  }
0x74: {  	_ =	shalt  }
0x75: {  	_ =	shalt  }
0x76: {  	_ =	shalt  }
0x77: {  	_ =	shalt  }
0x78: {  	_ =	shalt  }
0x79: {  	_ =	shalt  }
0x7a: {  	_ =	shalt  }
0x7b: {  	_ =	shalt  }
0x7c: {  	_ =	shalt  }
0x7d: {  	_ =	shalt  }
0x7e: {  	_ =	shalt  }
0x7f: {  	_ =	shalt  }
0x80: {  	_ =	shalt  }
0x81: {  	_ =	shalt  }
0x82: {  	_ =	shalt  }
0x83: {  	_ =	shalt  }
0x84: {  	_ =	shalt  }
0x85: {  	_ =	shalt  }
0x86: {  	_ =	shalt  }
0x87: {  	_ =	shalt  }
.Lfunc_end0:
.L_simem_size_0:
called_computation_lowered:
.L_overlay_start_0:
0x88: {  	s2 =	sld [smem:$0x3FD9]  }
0x89: {  	s3 =	sld [smem:$0x3FFE];
	_ =	sdelay $0x1  }
0x8a: {  	s1 =	srdreg.scid  }
0x8b: {  	s0 =	sand.u32 $0x1, s1  }
0x8c: {  	s17 =	sshll.u32 s0, $0xA;
	s2 =	sadd.s32 s3, s2  }
0x8d: {  	s2 =	sadd.s32 s2, s17  }
0x8e: {  	[smem:$0x3FBF] =	sst s2  }
0x8f: {  	_ = 	snop  }
0x90: {  	s2 =	sld [smem:$0x3FD0];
	(tm) =	ssettm $0x1  }
0x91: {  	s18 =	sld [smem:$0x3FFB];
	_ =	sdelay $0x3  }
0x92: {  	_ =	strace s18  }
0x93: {  	s3 =	sld [smem:$0x3FFC];
	_ =	sdelay $0x3  }
0x94: {  	_ =	strace s3  }
0x95: {  	s3 =	sld [smem:$0x3FFD];
	_ =	sdelay $0x3  }
0x96: {  	_ =	strace s3  }
0x97: {  	_ =	strace $0x8FFFFFFF  }
0x98: {  	s19 =	sld [smem:$0x3FDB];
	_ =	sdelay $0x1  }
0x99: {  	s4 =	simm.s32 $_scs_section_size  }
0x9a: {  	s5 =	simm.s32 $_size__tile_overlayer_lowered;
	s6 =	simm.s32 $_tile_overlayer_lowered  }
0x9b: {  	s22 =	simm.s32 $0x1BFF;
	s21 =	sshll.u32 s6, $0x1;
	s3 =	sadd.s32 s4, s19  }
0x9c: {  	s7 =	simm.s32 $0x0;
	s20 =	sshll.u32 s5, $0x1;
	s5 =	sadd.s32 s21, s3  }
0x9d: {  	[timem:s7], [sflag:s22] =	dma.local [hbm:s5], s20  }
0x9e: {  	_ =	swait.ge [sflag:s22], s20  }
0x9f: {  	s4 =	ssub.s32 $0x0, s20;
	[sflag:s22] =	ssyncset.done $0x0  }
0xa0: {  	[sflag:s22] =	ssyncadd.s32 s4;
	_ =	sdelay $0x1  }
0xa1: {  	s23 =	simm.s32 $0x1B8B  }
0xa2: {  	_ =	swait.ge [sflag:s23], $0x1  }
0xa3: {  	[sflag:s23] =	ssyncset.done $0x0  }
0xa4: {  	s25 =	simm.s32 $0x1B8E;
	s24 =	sld [smem:$0x3FFE];
	[sflag:s23] =	ssyncadd.s32 $0xFFFFFFFF  }
0xa5: {  	s26 =	simm.s32 $execute0_lowered;
	[smem:$0x3FD2] =	sst s25  }
0xa6: {  	s5 =	sshll.u32 s26, $0x1;
	_ =	strace $0x80000046;
	[dreg:$0x1] =	wrdreg $0xFFFFFFFF  }
0xa7: {  	s28 =	simm.s32 $_size_execute0_lowered;
	s3 =	sadd.s32 s3, s5;
	[dreg:$0x0] =	wrdreg $0x0  }
0xa8: {  	s5 =	sshll.u32 s28, $0x1;
	[dreg:$0x2] =	wrdreg s3  }
0xa9: {  	[dreg:$0x3] =	wrdreg s5  }
0xaa: {  	[dreg:$0x4] =	wrdreg $0xC0  }
0xab: {  	_ =	task [dreg:s7], $0x5FFFF  }
0xac: {  	[dreg:$0x1] =	wrdreg $0xFFFFFFFF  }
0xad: {  	[dreg:$0x0] =	wrdreg $0x60  }
0xae: {  	[dreg:$0x2] =	wrdreg s24  }
0xaf: {  	[dreg:$0x3] =	wrdreg s2  }
0xb0: {  	[dreg:$0x4] =	wrdreg $0x28800  }
0xb1: {  	[dreg:$0x5] =	wrdreg $0x2B000  }
0xb2: {  	[dreg:$0x6] =	wrdreg $0x9  }
0xb3: {  	_ =	task.clear_ibuf [dreg:s7], $0x7FFFF;
	_ =	strace $0x90000046  }
0xb4: {  	s29 =	simm.s32 $0x9;
	_ =	strace $0x80000048  }
0xb5: {  	_ =	swait.ge [sflag:s29], $0x1  }
0xb6: {  	[sflag:s29] =	ssyncadd.s32 $0xFFFFFFFF  }
0xb7: {  	_ =	strace $0x90000048  }
0xb8: {  	_ =	sfence  }
0xb9: {  	s30 =	sld [smem:$0x0];
	_ =	sdelay $0x2  }
0xba: {  	s31 =	sshll.u32 s1, $0xD;
	s1 =	sshrl.u32 s1, $0x2  }
0xbb: {  	s3 =	sand.u32 $0x4000, s31;
	s1 =	sadd.s32 s1, s30  }
0xbc: {  	s0 =	sor.u32 s3, s0;
	s1 =	sshll.u32 s1, $0x11  }
0xbd: {  	s0 =	sor.u32 s1, s0  }
0xbe: {  	s0 =	sadd.s32 $0x8F2B, s0  }
0xbf: {  	[sflag:s0] =	ssyncadd.remote.s32 $0x1  }
0xc0: {  	_ =	sfence.sel $0xFFFF  }
0xc1: {  	[dreg:$0x0] =	wrdreg $0xFFFFFFFF;
	(pc) =	sbr.abs _section_cstart, $3  }
0xc2: {  	[dreg:$0x1] =	wrdreg $0xFFFFFFFF  }
0xc3: {  	_ =	task.clear_ibuf [dreg:s7], $0x2FFFF;
	_ =	strace $0x9FFFFFFF  }
0xc4: {  	(tm) =	ssettm $0x7FFFFFFF  }
0xc5: {  	_ =	shalt  }
tec
execute0_lowered:
.L_overlay_start_1:
0x0: {  	(tag) =	ssettag $0x1  }
0x1: {  	s7 =	rddreg [dreg:$0x0]  }
0x2: {  	s2 =	rddreg [dreg:$0x1]  }
0x3: {  	s3 =	rddreg [dreg:$0x2]  }
0x4: {  	s4 =	rddreg [dreg:$0x3];
	s5 =	srdreg.scid  }
0x5: {  	s1 =	stileid.u32;
	s0 =	rddreg [dreg:$0x4];
	s13 =	simm.s32 $0x2  }
0x6: {  	s17 =	simm.s32 $0x80;
	s18 =	simm.s32 $0x1;
	s19 =	simm.s32 $0x0  }
0x7: {  	s8 =	sand.u32 $0x1, s5;
	s9 =	smul.u32 $0x280, s1;
	s5 =	simm.s32 $0x0  }
0x8: {  	s14 =	sshll.u32 s1, $0x6;
	s6 =	smul.u32 $0x2800, s8;
	s10 =	sshll.u32 s8, $0x4  }
0x9: {  	[smem:$0x7FF] =	sst s5;
	s8 =	ssub.s32 $0x2, s8;
	s14 =	sor.u32 $0x1C02, s14  }
0xa: {  	s10 =	sor.u32 s1, s10;
	_ =	strace $0x80000047;
	s12 =	sshrl.u32 s8, $0x1  }
0xb: {  	s15 =	sadd.s32 s9, s3;
	s16 =	sadd.s32 s9, s4;
	s10 =	smul.u32 $0x2800, s10  }
0xc: {  	s11 =	sadd.s32 s9, s6;
	s6 =	sadd.s32 $0x2C600, s7;
	s12 =	ssub.s32 s8, s12  }
0xd: {  	s15 =	sshrl.u32 s15, $0x3;
	s11 =	sshrl.u32 s11, $0x3;
	s10 =	sshrl.u32 s10, $0x3  }
0xe: {  	s16 =	sshrl.u32 s16, $0x3;
	s11 =	sadd.s32 s11, s7;
	s31 =	sadd.s32 s7, s10  }
0xf: {  	s9 =	sadd.s32 $0x2C800, s11;
	s10 =	sadd.s32 $0x2D200, s11;
	s11 =	smax.u32 s12, $0x1  }
0x10: {  	s12 =	simm.s32 $0x2800;
	s7 =	sadd.s32 $0x22600, s31;
	s8 =	sadd.s32 $0xE600, s31  }
.LBB2_1:
0x11: {  	[tilespmem:s12], [sflag:$0x2] =	stream.linear.gather [hbm4b:s6+s5], $0x80, $0x38;
	[tilespmem:$0x2D80] =	vst v63  }
0x12: {  	_ =	swait.ge [sflag:s13], $0x80  }
0x13: {  	[sflag:s13] =	ssyncset.done $0x0  }
0x14: {  	[sflag:s13] =	ssyncadd.s32 $0xFFFFFF80  }
0x15: {  	[spmem:s15], [sflag:s14] =	dma.local [hbm:s2], $0x50  }
0x16: {  	_ =	swait.ge [sflag:s13], $0x50  }
0x17: {  	[sflag:s13] =	ssyncset.done $0x0  }
0x18: {  	[sflag:s13] =	ssyncadd.s32 $0xFFFFFFB0  }
0x19: {  	[spmem:s16], [sflag:s14] =	dma.local [hbm:s2], $0x50  }
0x1a: {  	_ =	swait.ge [sflag:s13], $0x50  }
0x1b: {  	[sflag:s13] =	ssyncset.done $0x0  }
0x1c: {  	[sflag:s13] =	ssyncadd.s32 $0xFFFFFFB0  }
0x1d: {  	[bflag:$0x0] =	sbarrier.arrive $0xFFFF  }
0x1e: {  	[tilespmem:s5], [sflag:$0x2] =	stream.linear.gather [hbm4b:s7+s5], $0x2800, $0x38;
	[tilespmem:$0x2D80] =	vst v63  }
0x1f: {  	_ =	swait.ge [sflag:s13], $0x2800  }
0x20: {  	[sflag:s13] =	ssyncset.done $0x0  }
0x21: {  	s20 =	simm.s32 $0x200;
	s21 =	simm.s32 $0x0;
	[sflag:s13] =	ssyncadd.s32 $0xFFFFD800  }
.LBB2_2:
0x22: {  	[spmem:s3] =	stream.indirect.scatter.add.f32 [tilespmem:s12], [sflag:$0x1], $0x1, s21, s17, $0xb8;
	[tilespmem:$0x2D80] =	vst v63  }
0x23: {  	s21 =	smov.u32 s20;
	p0 =	sne.s32 s20, $0x9E00  }
.Ltmp0:
0x24: {  	s20 =	sadd.s32 $0x200, s20;
	(pc) =	sbr.rel @p0 .LBB2_2-.Ltmp0, $2  }
0x25: {  	_ =	sdelay $0x2  }
0x26: {  	s21 =	sshra.s32 s21, $0x2  }
0x27: {  	[spmem:s3] =	stream.indirect.scatter.add.f32 [tilespmem:s12], [sflag:$0x1], $0x1, s21, s17, $0xb8;
	[tilespmem:$0x2D80] =	vst v63  }
0x28: {  	_ =	swait.ge [sflag:s18], $0x2800  }
0x29: {  	[sflag:s18] =	ssyncset.done $0x0  }
0x2a: {  	s20 =	simm.s32 $0x0;
	[sflag:s18] =	ssyncadd.s32 $0xFFFFD800  }
0x2b: {  	[tilespmem:s20], [sflag:$0x2] =	stream.linear.gather [hbm4b:s8+s20], $0x2800, $0x38;
	[tilespmem:$0x2D80] =	vst v63  }
0x2c: {  	_ =	swait.ge [sflag:s13], $0x2800  }
0x2d: {  	[sflag:s13] =	ssyncset.done $0x0  }
0x2e: {  	s21 =	simm.s32 $0x0;
	s20 =	simm.s32 $0x200;
	[sflag:s13] =	ssyncadd.s32 $0xFFFFD800  }
.LBB2_4:
0x2f: {  	[spmem:s4] =	stream.indirect.scatter.add.f32 [tilespmem:s12], [sflag:$0x1], $0x1, s21, s17, $0xb8;
	[tilespmem:$0x2D80] =	vst v63  }
0x30: {  	s21 =	smov.u32 s20;
	p0 =	sne.s32 s20, $0x9E00  }
.Ltmp1:
0x31: {  	s20 =	sadd.s32 $0x200, s20;
	(pc) =	sbr.rel @p0 .LBB2_4-.Ltmp1, $2  }
0x32: {  	_ =	sdelay $0x2  }
0x33: {  	s21 =	sshra.s32 s21, $0x2  }
0x34: {  	[spmem:s4] =	stream.indirect.scatter.add.f32 [tilespmem:s12], [sflag:$0x1], $0x1, s21, s17, $0xb8;
	[tilespmem:$0x2D80] =	vst v63  }
0x35: {  	_ =	swait.ge [sflag:s18], $0x2800  }
0x36: {  	[sflag:s18] =	ssyncset.done $0x0  }
0x37: {  	[sflag:s18] =	ssyncadd.s32 $0xFFFFD800  }
0x38: {  	[bflag:$0x0] =	sbarrier.arrive $0xFFFF  }
0x39: {  	[hbm:s9], [sflag:s14] =	dma.local [spmem:s15], $0x50  }
0x3a: {  	s19 =	sadd.s32 $0x1, s19;
	_ =	swait.ge [sflag:s13], $0x50  }
0x3b: {  	p0 =	sne.s32 s19, s11;
	[sflag:s13] =	ssyncset.done $0x0  }
.Ltmp2:
0x3c: {  	[sflag:s13] =	ssyncadd.s32 $0xFFFFFFB0;
	(pc) =	sbr.rel @p0 .LBB2_1-.Ltmp2, $4  }
0x3d: {  	[hbm:s10], [sflag:s14] =	dma.local [spmem:s16], $0x50  }
0x3e: {  	_ =	swait.ge [sflag:s13], $0x50  }
0x3f: {  	[sflag:s13] =	ssyncset.done $0x0  }
0x40: {  	[sflag:s13] =	ssyncadd.s32 $0xFFFFFFB0  }
0x41: {  	_ =	sfence.sel $0x180000  }
0x42: {  	[bflag:$0x0] =	sbarrier.arrive $0xFFFF  }
0x43: {  	p0 =	sne.s32 s1, $0x0;
	_ =	strace $0x90000047  }
0x44: {  	s0 =	sadd.s32 @!p0 $0x100000, s0;
	[bflag:$0x2] =	sbarrier.arrive $0xFFFF  }
0x45: {  	[sflag:s0] =	ssyncadd.tile.s32 @!p0 $0x1;
	_ =	shalt  }
.Lfunc_end2:
_tile_overlayer_lowered:
.L_overlay_start_2:
0x46: {  	(tag) =	ssettag $0x2  }
0x47: {  	s0 =	rddreg [dreg:$0x0];
	s2 =	stileid.u32  }
0x48: {  	s1 =	rddreg [dreg:$0x1];
	p0 =	sne.s32 s2, $0x0  }
0x49: {  	s3 =	rddreg [dreg:$0x2];
	[bflag:$0x3] =	sbarrier.arrive $0xFFFF;
	s2 =	simm.s32 @!p0 $0x1C02  }
0x4a: {  	[timem:s3], [sflag:s2] =	dma.local @!p0 [hbm:s0], s1  }
0x4b: {  	s0 =	simm.s32 @!p0 $0x2  }
0x4c: {  	_ =	swait.ge @!p0 [sflag:s0], s1  }
0x4d: {  	s1 =	ssub.s32 @!p0 $0x0, s1;
	[sflag:s0] =	ssyncset.done @!p0 $0x0  }
0x4e: {  	[sflag:s0] =	ssyncadd.s32 @!p0 s1  }
0x4f: {  	[bflag:$0x3] =	sbarrier.arrive $0xFFFF  }
0x50: {  	_ =	shalt  }

</sc_bundles>
